<compile_context>
chip_gen: v7x
topology: tpu7x:2x2x1
jax: 0.10.2.dev20260603
libtpu: 0.0.44.dev20260713+nightly
codegen_flags: <defaults>
</compile_context>

<pallas_src>
import functools

import jax
import jax.numpy as jnp
from jax.experimental import pallas as pl
from jax.experimental.pallas import tpu as pltpu
from jax.experimental.pallas import tpu_sc as plsc

N = 10000
C = 256
K = 32
NS1 = 2500
NS2 = 625


def _fps_body(nreal, ns, px_ref, py_ref, pz_ref, psm_ref, out_ref, mind_ref):
    rows = px_ref.shape[0]
    flat = (jax.lax.broadcasted_iota(jnp.int32, (rows, 128), 0) * 128
            + jax.lax.broadcasted_iota(jnp.int32, (rows, 128), 1))
    mind_ref[...] = jnp.where(flat < nreal, jnp.inf, -jnp.inf)
    out_ref[0] = 0
    px = px_ref[...]
    py = py_ref[...]
    pz = pz_ref[...]

    def body(i, last):
        px0 = psm_ref[last * 3]
        py0 = psm_ref[last * 3 + 1]
        pz0 = psm_ref[last * 3 + 2]
        dx = px - px0
        dy = py - py0
        dz = pz - pz0
        d = (dx * dx + dy * dy) + dz * dz
        md = jnp.minimum(mind_ref[...], d)
        mind_ref[...] = md
        m = jnp.max(md)
        cand = jnp.where(md == m, flat, jnp.int32(2147483647))
        nxt = jnp.min(cand)
        out_ref[i + 1] = nxt
        return nxt

    jax.lax.fori_loop(0, ns - 1, body, jnp.int32(0))


def _fps(pos, n_samples):
    n = pos.shape[0]
    npad = -(-n // 128) * 128
    rows = npad // 128
    posp = jnp.pad(pos, ((0, npad - n), (0, 0)))
    pt = posp.T.reshape(3, rows, 128)
    return pl.pallas_call(
        functools.partial(_fps_body, n, n_samples),
        out_shape=jax.ShapeDtypeStruct((n_samples,), jnp.int32),
        in_specs=[pl.BlockSpec(memory_space=pltpu.VMEM)] * 3
        + [pl.BlockSpec(memory_space=pltpu.SMEM)],
        out_specs=pl.BlockSpec(memory_space=pltpu.SMEM),
        scratch_shapes=[pltpu.VMEM((rows, 128), jnp.float32)],
    )(pt[0], pt[1], pt[2], posp.reshape(-1))


def _sc_topk_body(spad, qpad, nq, r2,
                  sxh, syh, szh, qxh, qyh, qzh, nbr_hbm,
                  sx, sy, sz, qx, qy, qz, d2s, cvals, cidx, outb):
    nch = spad // 16
    chsz = spad // 32
    inner = chsz // 16
    wid = jax.lax.axis_index("s") * 2 + jax.lax.axis_index("c")
    q0 = wid * nq
    pltpu.sync_copy(sxh, sx)
    pltpu.sync_copy(syh, sy)
    pltpu.sync_copy(szh, sz)
    pltpu.sync_copy(qxh.at[pl.ds(q0, nq)], qx.at[pl.ds(0, nq)])
    pltpu.sync_copy(qyh.at[pl.ds(q0, nq)], qy.at[pl.ds(0, nq)])
    pltpu.sync_copy(qzh.at[pl.ds(q0, nq)], qz.at[pl.ds(0, nq)])
    lane = jax.lax.iota(jnp.int32, 16)

    def vmin(v):
        for s in (8, 4, 2, 1):
            v = jnp.minimum(v, v.at[lane ^ s].get(mode="promise_in_bounds"))
        return v
    inf16 = jnp.full((16,), jnp.inf, dtype=jnp.float32)
    imax = jnp.int32(2147483647)
    imax16 = jnp.full((16,), imax, dtype=jnp.int32)

    def per_query(i, carry):
        qxs = qx[pl.ds(i, 16)][0]
        qys = qy[pl.ds(i, 16)][0]
        qzs = qz[pl.ds(i, 16)][0]

        def chunk_body(c, tau):
            def in_body(j, acc):
                b = c * chsz + j * 16
                dx = sx[pl.ds(b, 16)] - qxs
                dy = sy[pl.ds(b, 16)] - qys
                dz = sz[pl.ds(b, 16)] - qzs
                d2v = (dx * dx + dy * dy) + dz * dz
                d2s[pl.ds(b, 16)] = d2v
                return jnp.minimum(acc, d2v)

            acc = jax.lax.fori_loop(0, inner, in_body, inf16, unroll=inner)
            return jnp.maximum(tau, vmin(acc)[0])

        tau = jax.lax.fori_loop(0, 32, chunk_body, -jnp.inf)
        thr = jnp.minimum(tau, r2)

        def comp_body(j, off):
            v = d2s[pl.ds(j * 16, 16)]
            msk = v <= thr
            posv = off + plsc.cumsum(msk.astype(jnp.int32)) - 1
            plsc.store_scatter(cvals, [posv], v, mask=msk)
            plsc.store_scatter(cidx, [posv], j * 16 + lane, mask=msk)
            cnt = plsc.all_reduce_population_count(msk)[0]
            return off + cnt

        off = jax.lax.fori_loop(0, nch, comp_body, jnp.int32(0), unroll=4)
        cvals[pl.ds(off, 16)] = inf16
        cidx[pl.ds(off, 16)] = jnp.zeros((16,), jnp.int32)
        nsc = off // 16 + 1

        def sel_body(t, carry2):
            def scan_body(j, st):
                macc, iacc, pacc = st
                v = cvals[pl.ds(j * 16, 16)]
                ci = cidx[pl.ds(j * 16, 16)]
                pv = j * 16 + lane
                cond = (v < macc) | ((v == macc) & (ci < iacc))
                return (jnp.where(cond, v, macc),
                        jnp.where(cond, ci, iacc),
                        jnp.where(cond, pv, pacc))

            macc, iacc, pacc = jax.lax.fori_loop(
                0, nsc, scan_body, (inf16, imax16, imax16))
            m = vmin(macc)[0]
            bi = vmin(jnp.where(macc == m, iacc, imax))[0]
            p = vmin(jnp.where((macc == m) & (iacc == bi), pacc, imax))[0]
            lane0 = lane == 0
            plsc.store_scatter(outb, [jnp.full((16,), i * K + t, jnp.int32)],
                               jnp.full((16,), bi, jnp.int32), mask=lane0)
            plsc.store_scatter(cvals, [jnp.full((16,), p, jnp.int32)],
                               inf16, mask=lane0)
            return carry2

        jax.lax.fori_loop(0, K, sel_body, 0)
        return carry

    jax.lax.fori_loop(0, nq, per_query, 0)
    pltpu.sync_copy(outb, nbr_hbm.at[pl.ds(q0 * K, nq * K)])


def _sc_gather_body(rows_per_tec, table_hbm, nbr_hbm, out_hbm, idxv, rowsv, sem):
    wid = jax.lax.axis_index("s") * 2 + jax.lax.axis_index("c")
    base = wid * rows_per_tec

    def loop(j, c):
        b = base + j * 128
        pltpu.sync_copy(nbr_hbm.at[pl.ds(b, 128)], idxv)
        pltpu.async_copy(table_hbm.at[idxv], rowsv, sem).wait()
        pltpu.sync_copy(rowsv, out_hbm.at[pl.ds(b, 128)])
        return c

    jax.lax.fori_loop(0, rows_per_tec // 128, loop, 0)


def _sc_gather(table, nbr_flat):
    epad = nbr_flat.shape[0]
    d = table.shape[1]
    rows_per_tec = epad // 32
    mesh = plsc.VectorSubcoreMesh(core_axis_name="c", subcore_axis_name="s")
    f = functools.partial(
        pl.kernel,
        mesh=mesh,
        compiler_params=pltpu.CompilerParams(needs_layout_passes=False),
        out_type=jax.ShapeDtypeStruct((epad, d), jnp.float32),
        scratch_types=[
            pltpu.VMEM((128,), jnp.int32),
            pltpu.VMEM((128, d), jnp.float32),
            pltpu.SemaphoreType.DMA,
        ],
    )(functools.partial(_sc_gather_body, rows_per_tec))
    return f(table, nbr_flat)


def _table_body(x_ref, pos_ref, w_ref, b_ref, out_ref):
    y = jnp.dot(x_ref[...], w_ref[...], preferred_element_type=jnp.float32) + b_ref[...]
    rows = y.shape[0]
    pad = out_ref.shape[1] - y.shape[1] - 3
    out_ref[...] = jnp.concatenate(
        [y, pos_ref[...], jnp.zeros((rows, pad), jnp.float32)], axis=1)


def _table(x, posp, w, b, d):
    n = x.shape[0]
    blk = 512
    return pl.pallas_call(
        _table_body,
        grid=(n // blk,),
        in_specs=[
            pl.BlockSpec((blk, x.shape[1]), lambda i: (i, 0)),
            pl.BlockSpec((blk, 3), lambda i: (i, 0)),
            pl.BlockSpec(w.shape, lambda i: (0, 0)),
            pl.BlockSpec((1, w.shape[1]), lambda i: (0, 0)),
        ],
        out_specs=pl.BlockSpec((blk, d), lambda i: (i, 0)),
        out_shape=jax.ShapeDtypeStruct((n, d), jnp.float32),
    )(x, posp, w, b.reshape(1, -1))


def _conv_body(r2, qblk, ydim, edges_ref, qrep_ref, wp_ref, w2_ref, b2_ref, out_ref):
    blk = edges_ref[...]
    ye = blk[:, :ydim]
    posj = blk[:, ydim:ydim + 3]
    rel = posj - qrep_ref[...]
    d2 = jnp.sum(rel * rel, axis=1, keepdims=True)
    pterm = jnp.dot(rel, wp_ref[...], preferred_element_type=jnp.float32)
    h = jax.nn.sigmoid(ye + pterm)
    h = jnp.dot(h, w2_ref[...], preferred_element_type=jnp.float32) + b2_ref[...]
    od = h.shape[1]
    hm = jnp.where(d2 <= r2, h, -1e30)
    red = jnp.max(hm.reshape(qblk, K, od), axis=1)
    anyv = jnp.min(d2.reshape(qblk, K, 1), axis=1) <= r2
    out_ref[...] = jax.nn.relu(jnp.where(anyv, red, 0.0))


def _conv(edges, qrep, wp, w2, b2, r2, qpad, ydim):
    epad, d = edges.shape
    od = w2.shape[1]
    qblk = 128
    return pl.pallas_call(
        functools.partial(_conv_body, r2, qblk, ydim),
        grid=(qpad // qblk,),
        in_specs=[
            pl.BlockSpec((qblk * K, d), lambda i: (i, 0)),
            pl.BlockSpec((qblk * K, 3), lambda i: (i, 0)),
            pl.BlockSpec(wp.shape, lambda i: (0, 0)),
            pl.BlockSpec(w2.shape, lambda i: (0, 0)),
            pl.BlockSpec((1, od), lambda i: (0, 0)),
        ],
        out_specs=pl.BlockSpec((qblk, od), lambda i: (i, 0)),
        out_shape=jax.ShapeDtypeStruct((qpad, od), jnp.float32),
    )(edges, qrep, wp, w2, b2.reshape(1, -1))


def _radius_sc(src_pos, q_pos, r):
    ns = src_pos.shape[0]
    nq = q_pos.shape[0]
    spad = -(-ns // 512) * 512
    qpad = -(-nq // 256) * 256
    nq_tec = qpad // 32
    sposT = jnp.pad(src_pos, ((0, spad - ns), (0, 0)), constant_values=1e9).T
    qposT = jnp.pad(q_pos, ((0, qpad - nq), (0, 0)), constant_values=1e9).T
    mesh = plsc.VectorSubcoreMesh(core_axis_name="c", subcore_axis_name="s")
    f = functools.partial(
        pl.kernel,
        mesh=mesh,
        compiler_params=pltpu.CompilerParams(needs_layout_passes=False),
        out_type=jax.ShapeDtypeStruct((qpad * K,), jnp.int32),
        scratch_types=[
            pltpu.VMEM((spad,), jnp.float32),
            pltpu.VMEM((spad,), jnp.float32),
            pltpu.VMEM((spad,), jnp.float32),
            pltpu.VMEM((nq_tec + 16,), jnp.float32),
            pltpu.VMEM((nq_tec + 16,), jnp.float32),
            pltpu.VMEM((nq_tec + 16,), jnp.float32),
            pltpu.VMEM((spad,), jnp.float32),
            pltpu.VMEM((spad + 16,), jnp.float32),
            pltpu.VMEM((spad + 16,), jnp.int32),
            pltpu.VMEM((nq_tec * K,), jnp.int32),
        ],
    )(functools.partial(_sc_topk_body, spad, qpad, nq_tec, jnp.float32(r * r)))
    return f(sposT[0], sposT[1], sposT[2],
             qposT[0], qposT[1], qposT[2]), qpad


def _tail_body(nrows, x2p_ref, pos2p_ref, wga_ref, bga_ref, wgb_ref, bgb_ref,
               wfa_ref, bfa_ref, wfb_ref, bfb_ref, out_ref):
    g = jnp.concatenate([x2p_ref[...], pos2p_ref[...]], axis=-1)
    h = jax.nn.sigmoid(
        jnp.dot(g, wga_ref[...], preferred_element_type=jnp.float32) + bga_ref[...])
    h = jnp.dot(h, wgb_ref[...], preferred_element_type=jnp.float32) + bgb_ref[...]
    h = jax.nn.relu(h)
    rows = jax.lax.broadcasted_iota(jnp.int32, h.shape, 0)
    h = jnp.where(rows < nrows, h, -jnp.inf)
    pooled = jnp.max(h, axis=0, keepdims=True)
    o = jax.nn.sigmoid(
        jnp.dot(pooled, wfa_ref[...], preferred_element_type=jnp.float32) + bfa_ref[...])
    o = jnp.dot(o, wfb_ref[...], preferred_element_type=jnp.float32) + bfb_ref[...]
    out_ref[...] = jax.nn.relu(o)


def _tail(x2, pos2, wga, bga, wgb, bgb, wfa, bfa, wfb, bfb):
    n = x2.shape[0]
    npad = (n + 7) // 8 * 8
    x2p = jnp.pad(x2, ((0, npad - n), (0, 0)))
    pos2p = jnp.pad(pos2, ((0, npad - n), (0, 0)))
    return pl.pallas_call(
        functools.partial(_tail_body, n),
        out_shape=jax.ShapeDtypeStruct((1, 128), jnp.float32),
    )(x2p, pos2p, wga, bga.reshape(1, -1), wgb, bgb.reshape(1, -1),
      wfa, bfa.reshape(1, -1), wfb, bfb.reshape(1, -1))


def kernel(x, pos, batch, w1a, b1a, w1b, b1b, w2a, b2a, w2b, b2b,
           wga, bga, wgb, bgb, wfa, bfa, wfb, bfb):
    idx1 = _fps(pos, NS1)
    pos1 = pos[idx1]
    idx2 = _fps(pos1, NS2)
    pos2 = pos1[idx2]
    nbrf1, qpad1 = _radius_sc(pos, pos1, 2.0)
    nbrf2, qpad2 = _radius_sc(pos1, pos2, 4.0)

    posp = jnp.pad(pos, ((0, 10240 - N), (0, 0)))
    xp = jnp.pad(x, ((0, 10240 - N), (0, 0)))
    table1 = _table(xp, posp, w1a[:C], b1a, 128)
    edges1 = _sc_gather(table1, nbrf1)
    pos1p = jnp.pad(pos1, ((0, qpad1 - NS1), (0, 0)))
    qrep1 = jnp.broadcast_to(pos1p[:, None, :], (qpad1, K, 3)).reshape(qpad1 * K, 3)
    x1 = _conv(edges1, qrep1, w1a[C:], w1b, b1b, 4.0, qpad1, 64)

    table2 = _table(x1, pos1p, w2a[:128], b2a, 256)
    edges2 = _sc_gather(table2, nbrf2)
    pos2p = jnp.pad(pos2, ((0, qpad2 - NS2), (0, 0)))
    qrep2 = jnp.broadcast_to(pos2p[:, None, :], (qpad2, K, 3)).reshape(qpad2 * K, 3)
    x2 = _conv(edges2, qrep2, w2a[128:], w2b, b2b, 16.0, qpad2, 128)

    return _tail(x2[:NS2], pos2, wga, bga, wgb, bgb, wfa, bfa, wfb, bfb)

# --- scband reference (transcript-rebuilt; emitter-appended) ---
"""Pipeline reference for scband-feature-model-v2-58600533786801 (READ-ONLY COPY).

The authoritative reference and input builder live on the scoring server;
editing this copy changes nothing except your own understanding.
"""

import jax, jax.numpy as jnp
import numpy as np

N = 10000
C = 256
K = 32
RATIO = 0.25

def _xavier(key, fi, fo):
    l = float(np.sqrt(6.0 / (fi + fo)))
    return jax.random.uniform(key, (fi, fo), minval=-l, maxval=l, dtype=jnp.float32)

def setup_inputs(seed: int = 0):
    key = jax.random.key(seed)
    ks = jax.random.split(key, 12)
    inp = {}
    inp["x"] = jax.random.normal(ks[0], (N, C), dtype=jnp.float32)
    inp["pos"] = jax.random.normal(ks[1], (N, 3), dtype=jnp.float32)
    inp["batch"] = jnp.zeros((N,), dtype=jnp.int32)
    # SA module 1 local nn: Linear(C+3, 64) -> Sigmoid -> Linear(64, 128)
    inp["w1a"] = _xavier(ks[2], C + 3, 64); inp["b1a"] = jnp.zeros((64,), jnp.float32)
    inp["w1b"] = _xavier(ks[3], 64, 128); inp["b1b"] = jnp.zeros((128,), jnp.float32)
    # SA module 2 local nn: Linear(128+3, 128) -> Sigmoid -> Linear(128, 256)
    inp["w2a"] = _xavier(ks[4], 131, 128); inp["b2a"] = jnp.zeros((128,), jnp.float32)
    inp["w2b"] = _xavier(ks[5], 128, 256); inp["b2b"] = jnp.zeros((256,), jnp.float32)
    # Global SA nn: Linear(256+3, 256) -> Sigmoid -> Linear(256, 512)
    inp["wga"] = _xavier(ks[6], 259, 256); inp["bga"] = jnp.zeros((256,), jnp.float32)
    inp["wgb"] = _xavier(ks[7], 256, 512); inp["bgb"] = jnp.zeros((512,), jnp.float32)
    # fc: Linear(512, 256) -> Sigmoid -> Linear(256, 128)
    inp["wfa"] = _xavier(ks[8], 512, 256); inp["bfa"] = jnp.zeros((256,), jnp.float32)
    inp["wfb"] = _xavier(ks[9], 256, 128); inp["bfb"] = jnp.zeros((128,), jnp.float32)
    return inp

def fps_indices(pos, n_samples):
    # farthest point sampling, deterministic start at index 0 (single graph)
    n = pos.shape[0]
    def body(carry, _):
        min_d, last = carry
        d = jnp.sum((pos - pos[last]) ** 2, axis=1)
        min_d = jnp.minimum(min_d, d)
        nxt = jnp.argmax(min_d).astype(jnp.int32)
        return (min_d, nxt), nxt
    init = (jnp.full((n,), jnp.inf, dtype=pos.dtype), jnp.int32(0))
    (_, _), rest = jax.lax.scan(body, init, None, length=n_samples - 1)
    return jnp.concatenate([jnp.zeros((1,), dtype=jnp.int32), rest])

def radius_edges(src_pos, q_pos, r, k):
    # up to k neighbors within radius r (nearest-first); query is always its own neighbor
    d2 = jnp.sum((q_pos[:, None, :] - src_pos[None, :, :]) ** 2, axis=-1)
    neg, nbr = jax.lax.top_k(-d2, k)
    valid = (-neg) <= r * r
    return nbr, valid

def pn_conv(x_src, src_pos, q_pos, nbr, valid, w1, b1, w2, b2):
    # PointNetConv: msg = local_nn(cat([x_j, pos_j - pos_i])), max-aggregate, then ReLU (in SAModule)
    x_j = x_src[nbr]
    rel = src_pos[nbr] - q_pos[:, None, :]
    h = jnp.concatenate([x_j, rel], axis=-1)
    h = jax.nn.sigmoid(h @ w1 + b1) @ w2 + b2
    h = jnp.where(valid[:, :, None], h, -1e30)
    out = jnp.max(h, axis=1)
    out = jnp.where(jnp.any(valid, axis=1, keepdims=True), out, 0.0)
    return jax.nn.relu(out)

def reference(x, pos, batch, w1a, b1a, w1b, b1b, w2a, b2a, w2b, b2b, wga, bga, wgb, bgb, wfa, bfa, wfb, bfb):
    # scaler buffers: mean=0, std=1
    x = (x - jnp.zeros((1, C), x.dtype)) / jnp.ones((1, C), x.dtype)
    # SA module 1 (ratio=0.25, r=2.0)
    idx1 = fps_indices(pos, int(N * RATIO))
    pos1 = pos[idx1]
    nbr1, val1 = radius_edges(pos, pos1, 2.0, K)
    x1 = pn_conv(x, pos, pos1, nbr1, val1, w1a, b1a, w1b, b1b)
    # SA module 2 (ratio=0.25, r=4.0)
    idx2 = fps_indices(pos1, int(pos1.shape[0] * RATIO))
    pos2 = pos1[idx2]
    nbr2, val2 = radius_edges(pos1, pos2, 4.0, K)
    x2 = pn_conv(x1, pos1, pos2, nbr2, val2, w2a, b2a, w2b, b2b)
    # GlobalSAModule: relu(nn(cat([x, pos]))) then global_max_pool (batch is all zeros -> 1 graph)
    g = jnp.concatenate([x2, pos2], axis=-1)
    g = jax.nn.relu(jax.nn.sigmoid(g @ wga + bga) @ wgb + bgb)
    out = jnp.max(g, axis=0, keepdims=True)
    # fc head + last_act relu
    out = jax.nn.sigmoid(out @ wfa + bfa) @ wfb + bfb
    return jax.nn.relu(out)

if __name__ == "__main__":
    import jax
    _d = setup_inputs()
    print(jax.jit(kernel)(*tuple(_d.values())))

</pallas_src>

<mosaic_0001>
#map = affine_map<(d0, d1) -> (0)>
module attributes {stable_mosaic.version = 14 : i64} {
  func.func @_rewritten_body(%arg0: i32, %arg1: i32, %arg2: memref<10240xf32, #tpu.memory_space<hbm>>, %arg3: memref<10240xf32, #tpu.memory_space<hbm>>, %arg4: memref<10240xf32, #tpu.memory_space<hbm>>, %arg5: memref<2560xf32, #tpu.memory_space<hbm>>, %arg6: memref<2560xf32, #tpu.memory_space<hbm>>, %arg7: memref<2560xf32, #tpu.memory_space<hbm>>, %arg8: memref<1xf32, #tpu.memory_space<hbm>>, %arg9: memref<81920xi32, #tpu.memory_space<hbm>>, %arg10: memref<10240xf32, #tpu.memory_space<vmem>>, %arg11: memref<10240xf32, #tpu.memory_space<vmem>>, %arg12: memref<10240xf32, #tpu.memory_space<vmem>>, %arg13: memref<96xf32, #tpu.memory_space<vmem>>, %arg14: memref<96xf32, #tpu.memory_space<vmem>>, %arg15: memref<96xf32, #tpu.memory_space<vmem>>, %arg16: memref<10240xf32, #tpu.memory_space<vmem>>, %arg17: memref<10256xf32, #tpu.memory_space<vmem>>, %arg18: memref<10256xi32, #tpu.memory_space<vmem>>, %arg19: memref<2560xi32, #tpu.memory_space<vmem>>) attributes {dimension_semantics = [#tpu.dimension_semantics<core_parallel>, #tpu.dimension_semantics<subcore_parallel>], iteration_bounds = array<i64: 2, 16>, scalar_prefetch = 0 : i64, scratch_operands = 10 : i64, tpu.core_type = #tpu.core_type<sc_vector_subcore>, window_params = [{transform_indices = #map}, {transform_indices = #map}, {transform_indices = #map}, {transform_indices = #map}, {transform_indices = #map}, {transform_indices = #map}, {transform_indices = #map}, {transform_indices = #map}]} {
    %empty_ref3A = memref.alloca() : memref<16xf32, #tpu.memory_space<vmem>>
    "tpu.region"() ({
      %run_scoped3A = tpu.sem_alloc : memref<!tpu.dma_semaphore, #tpu.memory_space<semaphore_mem>>
      %dma_start3A = arith.constant 0 : i32
      %dma_start3A_15 = tpu.memref_slice %empty_ref3A[%dma_start3A] : memref<16xf32, #tpu.memory_space<vmem>> -> memref<1xf32, #tpu.memory_space<vmem>>
      %dma_start3A_16 = arith.constant 0 : i32
      %dma_start3A_17 = tpu.memref_slice %empty_ref3A[%dma_start3A_16] : memref<16xf32, #tpu.memory_space<vmem>> -> memref<1xf32, #tpu.memory_space<vmem>>
      tpu.enqueue_dma source(%arg8 : memref<1xf32, #tpu.memory_space<hbm>>) target(%dma_start3A_17 : memref<1xf32, #tpu.memory_space<vmem>>) target_semaphore(%run_scoped3A : memref<!tpu.dma_semaphore, #tpu.memory_space<semaphore_mem>>)
      %dma_wait3A = arith.constant 0 : i32
      %dma_wait3A_18 = tpu.memref_slice %empty_ref3A[%dma_wait3A] : memref<16xf32, #tpu.memory_space<vmem>> -> memref<1xf32, #tpu.memory_space<vmem>>
      %dma_wait3A_19 = arith.constant 0 : i32
      %dma_wait3A_20 = tpu.memref_slice %empty_ref3A[%dma_wait3A_19] : memref<16xf32, #tpu.memory_space<vmem>> -> memref<1xf32, #tpu.memory_space<vmem>>
      tpu.wait_dma2 semaphore(%run_scoped3A : memref<!tpu.dma_semaphore, #tpu.memory_space<semaphore_mem>>) src(%arg8 : memref<1xf32, #tpu.memory_space<hbm>>) dst(%dma_wait3A_20 : memref<1xf32, #tpu.memory_space<vmem>>)
      tpu.yield
    }) : () -> ()
    %get3A = arith.constant 0 : index
    %get3A_0 = tpu.vector_load %empty_ref3A[%get3A] {strides = array<i32>} : memref<16xf32, #tpu.memory_space<vmem>>, vector<16xf32>,
    %slice3A = vector.extract_strided_slice %get3A_0 {offsets = [0], sizes = [1], strides = [1]} : vector<16xf32> to vector<1xf32>
    %squeeze3A = vector.extract %slice3A[0] : f32 from vector<1xf32>
    %mul3A = arith.constant 2 : i32
    %mul3A_1 = arith.muli %arg1, %mul3A : i32
    %add3A = arith.addi %mul3A_1, %arg0 : i32
    %mul3A_2 = arith.constant 80 : i32
    %mul3A_3 = arith.muli %add3A, %mul3A_2 : i32
    "tpu.region"() ({
      %run_scoped3A = tpu.sem_alloc : memref<!tpu.dma_semaphore, #tpu.memory_space<semaphore_mem>>
      tpu.enqueue_dma source(%arg2 : memref<10240xf32, #tpu.memory_space<hbm>>) target(%arg10 : memref<10240xf32, #tpu.memory_space<vmem>>) target_semaphore(%run_scoped3A : memref<!tpu.dma_semaphore, #tpu.memory_space<semaphore_mem>>)
      tpu.wait_dma2 semaphore(%run_scoped3A : memref<!tpu.dma_semaphore, #tpu.memory_space<semaphore_mem>>) src(%arg2 : memref<10240xf32, #tpu.memory_space<hbm>>) dst(%arg10 : memref<10240xf32, #tpu.memory_space<vmem>>)
      tpu.yield
    }) : () -> ()
    "tpu.region"() ({
      %run_scoped3A = tpu.sem_alloc : memref<!tpu.dma_semaphore, #tpu.memory_space<semaphore_mem>>
      tpu.enqueue_dma source(%arg3 : memref<10240xf32, #tpu.memory_space<hbm>>) target(%arg11 : memref<10240xf32, #tpu.memory_space<vmem>>) target_semaphore(%run_scoped3A : memref<!tpu.dma_semaphore, #tpu.memory_space<semaphore_mem>>)
      tpu.wait_dma2 semaphore(%run_scoped3A : memref<!tpu.dma_semaphore, #tpu.memory_space<semaphore_mem>>) src(%arg3 : memref<10240xf32, #tpu.memory_space<hbm>>) dst(%arg11 : memref<10240xf32, #tpu.memory_space<vmem>>)
      tpu.yield
    }) : () -> ()
    "tpu.region"() ({
      %run_scoped3A = tpu.sem_alloc : memref<!tpu.dma_semaphore, #tpu.memory_space<semaphore_mem>>
      tpu.enqueue_dma source(%arg4 : memref<10240xf32, #tpu.memory_space<hbm>>) target(%arg12 : memref<10240xf32, #tpu.memory_space<vmem>>) target_semaphore(%run_scoped3A : memref<!tpu.dma_semaphore, #tpu.memory_space<semaphore_mem>>)
      tpu.wait_dma2 semaphore(%run_scoped3A : memref<!tpu.dma_semaphore, #tpu.memory_space<semaphore_mem>>) src(%arg4 : memref<10240xf32, #tpu.memory_space<hbm>>) dst(%arg12 : memref<10240xf32, #tpu.memory_space<vmem>>)
      tpu.yield
    }) : () -> ()
    "tpu.region"() ({
      %run_scoped3A = tpu.sem_alloc : memref<!tpu.dma_semaphore, #tpu.memory_space<semaphore_mem>>
      %dma_start3A = arith.constant 0 : i32
      %dma_start3A_15 = tpu.memref_slice %arg13[%dma_start3A] : memref<96xf32, #tpu.memory_space<vmem>> -> memref<80xf32, #tpu.memory_space<vmem>>
      %dma_start3A_16 = tpu.memref_slice %arg5[%mul3A_3] : memref<2560xf32, #tpu.memory_space<hbm>> -> memref<80xf32, #tpu.memory_space<hbm>>
      %dma_start3A_17 = arith.constant 0 : i32
      %dma_start3A_18 = tpu.memref_slice %arg13[%dma_start3A_17] : memref<96xf32, #tpu.memory_space<vmem>> -> memref<80xf32, #tpu.memory_space<vmem>>
      %dma_start3A_19 = tpu.memref_slice %arg5[%mul3A_3] : memref<2560xf32, #tpu.memory_space<hbm>> -> memref<80xf32, #tpu.memory_space<hbm>>
      tpu.enqueue_dma source(%dma_start3A_19 : memref<80xf32, #tpu.memory_space<hbm>>) target(%dma_start3A_18 : memref<80xf32, #tpu.memory_space<vmem>>) target_semaphore(%run_scoped3A : memref<!tpu.dma_semaphore, #tpu.memory_space<semaphore_mem>>)
      %dma_wait3A = arith.constant 0 : i32
      %dma_wait3A_20 = tpu.memref_slice %arg13[%dma_wait3A] : memref<96xf32, #tpu.memory_space<vmem>> -> memref<80xf32, #tpu.memory_space<vmem>>
      %dma_wait3A_21 = tpu.memref_slice %arg5[%mul3A_3] : memref<2560xf32, #tpu.memory_space<hbm>> -> memref<80xf32, #tpu.memory_space<hbm>>
      %dma_wait3A_22 = arith.constant 0 : i32
      %dma_wait3A_23 = tpu.memref_slice %arg13[%dma_wait3A_22] : memref<96xf32, #tpu.memory_space<vmem>> -> memref<80xf32, #tpu.memory_space<vmem>>
      %dma_wait3A_24 = tpu.memref_slice %arg5[%mul3A_3] : memref<2560xf32, #tpu.memory_space<hbm>> -> memref<80xf32, #tpu.memory_space<hbm>>
      tpu.wait_dma2 semaphore(%run_scoped3A : memref<!tpu.dma_semaphore, #tpu.memory_space<semaphore_mem>>) src(%dma_wait3A_24 : memref<80xf32, #tpu.memory_space<hbm>>) dst(%dma_wait3A_23 : memref<80xf32, #tpu.memory_space<vmem>>)
      tpu.yield
    }) : () -> ()
    "tpu.region"() ({
      %run_scoped3A = tpu.sem_alloc : memref<!tpu.dma_semaphore, #tpu.memory_space<semaphore_mem>>
      %dma_start3A = arith.constant 0 : i32
      %dma_start3A_15 = tpu.memref_slice %arg14[%dma_start3A] : memref<96xf32, #tpu.memory_space<vmem>> -> memref<80xf32, #tpu.memory_space<vmem>>
      %dma_start3A_16 = tpu.memref_slice %arg6[%mul3A_3] : memref<2560xf32, #tpu.memory_space<hbm>> -> memref<80xf32, #tpu.memory_space<hbm>>
      %dma_start3A_17 = arith.constant 0 : i32
      %dma_start3A_18 = tpu.memref_slice %arg14[%dma_start3A_17] : memref<96xf32, #tpu.memory_space<vmem>> -> memref<80xf32, #tpu.memory_space<vmem>>
      %dma_start3A_19 = tpu.memref_slice %arg6[%mul3A_3] : memref<2560xf32, #tpu.memory_space<hbm>> -> memref<80xf32, #tpu.memory_space<hbm>>
      tpu.enqueue_dma source(%dma_start3A_19 : memref<80xf32, #tpu.memory_space<hbm>>) target(%dma_start3A_18 : memref<80xf32, #tpu.memory_space<vmem>>) target_semaphore(%run_scoped3A : memref<!tpu.dma_semaphore, #tpu.memory_space<semaphore_mem>>)
      %dma_wait3A = arith.constant 0 : i32
      %dma_wait3A_20 = tpu.memref_slice %arg14[%dma_wait3A] : memref<96xf32, #tpu.memory_space<vmem>> -> memref<80xf32, #tpu.memory_space<vmem>>
      %dma_wait3A_21 = tpu.memref_slice %arg6[%mul3A_3] : memref<2560xf32, #tpu.memory_space<hbm>> -> memref<80xf32, #tpu.memory_space<hbm>>
      %dma_wait3A_22 = arith.constant 0 : i32
      %dma_wait3A_23 = tpu.memref_slice %arg14[%dma_wait3A_22] : memref<96xf32, #tpu.memory_space<vmem>> -> memref<80xf32, #tpu.memory_space<vmem>>
      %dma_wait3A_24 = tpu.memref_slice %arg6[%mul3A_3] : memref<2560xf32, #tpu.memory_space<hbm>> -> memref<80xf32, #tpu.memory_space<hbm>>
      tpu.wait_dma2 semaphore(%run_scoped3A : memref<!tpu.dma_semaphore, #tpu.memory_space<semaphore_mem>>) src(%dma_wait3A_24 : memref<80xf32, #tpu.memory_space<hbm>>) dst(%dma_wait3A_23 : memref<80xf32, #tpu.memory_space<vmem>>)
      tpu.yield
    }) : () -> ()
    "tpu.region"() ({
      %run_scoped3A = tpu.sem_alloc : memref<!tpu.dma_semaphore, #tpu.memory_space<semaphore_mem>>
      %dma_start3A = arith.constant 0 : i32
      %dma_start3A_15 = tpu.memref_slice %arg15[%dma_start3A] : memref<96xf32, #tpu.memory_space<vmem>> -> memref<80xf32, #tpu.memory_space<vmem>>
      %dma_start3A_16 = tpu.memref_slice %arg7[%mul3A_3] : memref<2560xf32, #tpu.memory_space<hbm>> -> memref<80xf32, #tpu.memory_space<hbm>>
      %dma_start3A_17 = arith.constant 0 : i32
      %dma_start3A_18 = tpu.memref_slice %arg15[%dma_start3A_17] : memref<96xf32, #tpu.memory_space<vmem>> -> memref<80xf32, #tpu.memory_space<vmem>>
      %dma_start3A_19 = tpu.memref_slice %arg7[%mul3A_3] : memref<2560xf32, #tpu.memory_space<hbm>> -> memref<80xf32, #tpu.memory_space<hbm>>
      tpu.enqueue_dma source(%dma_start3A_19 : memref<80xf32, #tpu.memory_space<hbm>>) target(%dma_start3A_18 : memref<80xf32, #tpu.memory_space<vmem>>) target_semaphore(%run_scoped3A : memref<!tpu.dma_semaphore, #tpu.memory_space<semaphore_mem>>)
      %dma_wait3A = arith.constant 0 : i32
      %dma_wait3A_20 = tpu.memref_slice %arg15[%dma_wait3A] : memref<96xf32, #tpu.memory_space<vmem>> -> memref<80xf32, #tpu.memory_space<vmem>>
      %dma_wait3A_21 = tpu.memref_slice %arg7[%mul3A_3] : memref<2560xf32, #tpu.memory_space<hbm>> -> memref<80xf32, #tpu.memory_space<hbm>>
      %dma_wait3A_22 = arith.constant 0 : i32
      %dma_wait3A_23 = tpu.memref_slice %arg15[%dma_wait3A_22] : memref<96xf32, #tpu.memory_space<vmem>> -> memref<80xf32, #tpu.memory_space<vmem>>
      %dma_wait3A_24 = tpu.memref_slice %arg7[%mul3A_3] : memref<2560xf32, #tpu.memory_space<hbm>> -> memref<80xf32, #tpu.memory_space<hbm>>
      tpu.wait_dma2 semaphore(%run_scoped3A : memref<!tpu.dma_semaphore, #tpu.memory_space<semaphore_mem>>) src(%dma_wait3A_24 : memref<80xf32, #tpu.memory_space<hbm>>) dst(%dma_wait3A_23 : memref<80xf32, #tpu.memory_space<vmem>>)
      tpu.yield
    }) : () -> ()
    %iota3A = tpu.iota {dimensions = array<i32: 0>} : vector<16xi32>
    %broadcast_in_dim3A = arith.constant 0x7F800000 : f32
    %broadcast_in_dim3A_4 = vector.broadcast %broadcast_in_dim3A : f32 to vector<16xf32>
    %broadcast_in_dim3A_5 = arith.constant 2147483647 : i32
    %broadcast_in_dim3A_6 = vector.broadcast %broadcast_in_dim3A_5 : i32 to vector<16xi32>
    %scan3A = arith.constant 0 : i32
    %scan3A_7 = arith.constant 2147483647 : i32
    %scan3A_8 = arith.constant 0 : i32
    %scan3A_9 = arith.constant 80 : i32
    %scan3A_10 = arith.addi %scan3A_8, %scan3A_9 : i32
    %scan3A_11 = arith.constant 1 : i32
    scf.for %scan3A_15 = %scan3A_8 to %scan3A_10 step %scan3A_11  : i32 {
      %get3A_16 = arith.index_cast %scan3A_15 : i32 to index
      %get3A_17 = tpu.vector_load %arg13[%get3A_16] {strides = array<i32>} : memref<96xf32, #tpu.memory_space<vmem>>, vector<16xf32>,
      %slice3A_18 = vector.extract_strided_slice %get3A_17 {offsets = [0], sizes = [1], strides = [1]} : vector<16xf32> to vector<1xf32>
      %squeeze3A_19 = vector.extract %slice3A_18[0] : f32 from vector<1xf32>
      %get3A_20 = arith.index_cast %scan3A_15 : i32 to index
      %get3A_21 = tpu.vector_load %arg14[%get3A_20] {strides = array<i32>} : memref<96xf32, #tpu.memory_space<vmem>>, vector<16xf32>,
      %slice3A_22 = vector.extract_strided_slice %get3A_21 {offsets = [0], sizes = [1], strides = [1]} : vector<16xf32> to vector<1xf32>
      %squeeze3A_23 = vector.extract %slice3A_22[0] : f32 from vector<1xf32>
      %get3A_24 = arith.index_cast %scan3A_15 : i32 to index
      %get3A_25 = tpu.vector_load %arg15[%get3A_24] {strides = array<i32>} : memref<96xf32, #tpu.memory_space<vmem>>, vector<16xf32>,
      %slice3A_26 = vector.extract_strided_slice %get3A_25 {offsets = [0], sizes = [1], strides = [1]} : vector<16xf32> to vector<1xf32>
      %squeeze3A_27 = vector.extract %slice3A_26[0] : f32 from vector<1xf32>
      %scan3A_28 = arith.constant 0xFF800000 : f32
      %scan3A_29 = arith.constant 0 : i32
      %scan3A_30 = arith.constant 32 : i32
      %scan3A_31 = arith.addi %scan3A_29, %scan3A_30 : i32
      %scan3A_32 = arith.constant 1 : i32
      %scan3A_33 = scf.for %scan3A_71 = %scan3A_29 to %scan3A_31 step %scan3A_32 iter_args(%scan3A_72 = %scan3A_28) -> (f32)  : i32 {
        %scan3A_73 = arith.constant 0 : i32
        %mul3A_74 = arith.constant 320 : i32
        %mul3A_75 = arith.muli %scan3A_71, %mul3A_74 : i32
        %mul3A_76 = arith.constant 16 : i32
        %mul3A_77 = arith.muli %scan3A_73, %mul3A_76 : i32
        %add3A_78 = arith.addi %mul3A_75, %mul3A_77 : i32
        %get3A_79 = arith.index_cast %add3A_78 : i32 to index
        %get3A_80 = tpu.vector_load %arg10[%get3A_79] {strides = array<i32>} : memref<10240xf32, #tpu.memory_space<vmem>>, vector<16xf32>,
        %sub3A_81 = vector.broadcast %squeeze3A_19 : f32 to vector<16xf32>
        %sub3A_82 = arith.subf %get3A_80, %sub3A_81 : vector<16xf32>
        %get3A_83 = arith.index_cast %add3A_78 : i32 to index
        %get3A_84 = tpu.vector_load %arg11[%get3A_83] {strides = array<i32>} : memref<10240xf32, #tpu.memory_space<vmem>>, vector<16xf32>,
        %sub3A_85 = vector.broadcast %squeeze3A_23 : f32 to vector<16xf32>
        %sub3A_86 = arith.subf %get3A_84, %sub3A_85 : vector<16xf32>
        %get3A_87 = arith.index_cast %add3A_78 : i32 to index
        %get3A_88 = tpu.vector_load %arg12[%get3A_87] {strides = array<i32>} : memref<10240xf32, #tpu.memory_space<vmem>>, vector<16xf32>,
        %sub3A_89 = vector.broadcast %squeeze3A_27 : f32 to vector<16xf32>
        %sub3A_90 = arith.subf %get3A_88, %sub3A_89 : vector<16xf32>
        %mul3A_91 = arith.mulf %sub3A_82, %sub3A_82 : vector<16xf32>
        %mul3A_92 = arith.mulf %sub3A_86, %sub3A_86 : vector<16xf32>
        %add3A_93 = arith.addf %mul3A_91, %mul3A_92 : vector<16xf32>
        %mul3A_94 = arith.mulf %sub3A_90, %sub3A_90 : vector<16xf32>
        %add3A_95 = arith.addf %add3A_93, %mul3A_94 : vector<16xf32>
        %swap3A_96 = arith.index_cast %add3A_78 : i32 to index
        %swap3A_97 = tpu.vector_load %arg16[%swap3A_96] {strides = array<i32>} : memref<10240xf32, #tpu.memory_space<vmem>>, vector<16xf32>,
        tpu.vector_store %arg16[%swap3A_96], %add3A_95 {strides = array<i32>} : memref<10240xf32, #tpu.memory_space<vmem>>, vector<16xf32>,
        %min3A_98 = arith.minimumf %broadcast_in_dim3A_4, %add3A_95 : vector<16xf32>
        %scan3A_99 = arith.constant 1 : i32
        %mul3A_100 = arith.constant 320 : i32
        %mul3A_101 = arith.muli %scan3A_71, %mul3A_100 : i32
        %mul3A_102 = arith.constant 16 : i32
        %mul3A_103 = arith.muli %scan3A_99, %mul3A_102 : i32
        %add3A_104 = arith.addi %mul3A_101, %mul3A_103 : i32
        %get3A_105 = arith.index_cast %add3A_104 : i32 to index
        %get3A_106 = tpu.vector_load %arg10[%get3A_105] {strides = array<i32>} : memref<10240xf32, #tpu.memory_space<vmem>>, vector<16xf32>,
        %sub3A_107 = vector.broadcast %squeeze3A_19 : f32 to vector<16xf32>
        %sub3A_108 = arith.subf %get3A_106, %sub3A_107 : vector<16xf32>
        %get3A_109 = arith.index_cast %add3A_104 : i32 to index
        %get3A_110 = tpu.vector_load %arg11[%get3A_109] {strides = array<i32>} : memref<10240xf32, #tpu.memory_space<vmem>>, vector<16xf32>,
        %sub3A_111 = vector.broadcast %squeeze3A_23 : f32 to vector<16xf32>
        %sub3A_112 = arith.subf %get3A_110, %sub3A_111 : vector<16xf32>
        %get3A_113 = arith.index_cast %add3A_104 : i32 to index
        %get3A_114 = tpu.vector_load %arg12[%get3A_113] {strides = array<i32>} : memref<10240xf32, #tpu.memory_space<vmem>>, vector<16xf32>,
        %sub3A_115 = vector.broadcast %squeeze3A_27 : f32 to vector<16xf32>
        %sub3A_116 = arith.subf %get3A_114, %sub3A_115 : vector<16xf32>
        %mul3A_117 = arith.mulf %sub3A_108, %sub3A_108 : vector<16xf32>
        %mul3A_118 = arith.mulf %sub3A_112, %sub3A_112 : vector<16xf32>
        %add3A_119 = arith.addf %mul3A_117, %mul3A_118 : vector<16xf32>
        %mul3A_120 = arith.mulf %sub3A_116, %sub3A_116 : vector<16xf32>
        %add3A_121 = arith.addf %add3A_119, %mul3A_120 : vector<16xf32>
        %swap3A_122 = arith.index_cast %add3A_104 : i32 to index
        %swap3A_123 = tpu.vector_load %arg16[%swap3A_122] {strides = array<i32>} : memref<10240xf32, #tpu.memory_space<vmem>>, vector<16xf32>,
        tpu.vector_store %arg16[%swap3A_122], %add3A_121 {strides = array<i32>} : memref<10240xf32, #tpu.memory_space<vmem>>, vector<16xf32>,
        %min3A_124 = arith.minimumf %min3A_98, %add3A_121 : vector<16xf32>
        %scan3A_125 = arith.constant 2 : i32
        %mul3A_126 = arith.constant 320 : i32
        %mul3A_127 = arith.muli %scan3A_71, %mul3A_126 : i32
        %mul3A_128 = arith.constant 16 : i32
        %mul3A_129 = arith.muli %scan3A_125, %mul3A_128 : i32
        %add3A_130 = arith.addi %mul3A_127, %mul3A_129 : i32
        %get3A_131 = arith.index_cast %add3A_130 : i32 to index
        %get3A_132 = tpu.vector_load %arg10[%get3A_131] {strides = array<i32>} : memref<10240xf32, #tpu.memory_space<vmem>>, vector<16xf32>,
        %sub3A_133 = vector.broadcast %squeeze3A_19 : f32 to vector<16xf32>
        %sub3A_134 = arith.subf %get3A_132, %sub3A_133 : vector<16xf32>
        %get3A_135 = arith.index_cast %add3A_130 : i32 to index
        %get3A_136 = tpu.vector_load %arg11[%get3A_135] {strides = array<i32>} : memref<10240xf32, #tpu.memory_space<vmem>>, vector<16xf32>,
        %sub3A_137 = vector.broadcast %squeeze3A_23 : f32 to vector<16xf32>
        %sub3A_138 = arith.subf %get3A_136, %sub3A_137 : vector<16xf32>
        %get3A_139 = arith.index_cast %add3A_130 : i32 to index
        %get3A_140 = tpu.vector_load %arg12[%get3A_139] {strides = array<i32>} : memref<10240xf32, #tpu.memory_space<vmem>>, vector<16xf32>,
        %sub3A_141 = vector.broadcast %squeeze3A_27 : f32 to vector<16xf32>
        %sub3A_142 = arith.subf %get3A_140, %sub3A_141 : vector<16xf32>
        %mul3A_143 = arith.mulf %sub3A_134, %sub3A_134 : vector<16xf32>
        %mul3A_144 = arith.mulf %sub3A_138, %sub3A_138 : vector<16xf32>
        %add3A_145 = arith.addf %mul3A_143, %mul3A_144 : vector<16xf32>
        %mul3A_146 = arith.mulf %sub3A_142, %sub3A_142 : vector<16xf32>
        %add3A_147 = arith.addf %add3A_145, %mul3A_146 : vector<16xf32>
        %swap3A_148 = arith.index_cast %add3A_130 : i32 to index
        %swap3A_149 = tpu.vector_load %arg16[%swap3A_148] {strides = array<i32>} : memref<10240xf32, #tpu.memory_space<vmem>>, vector<16xf32>,
        tpu.vector_store %arg16[%swap3A_148], %add3A_147 {strides = array<i32>} : memref<10240xf32, #tpu.memory_space<vmem>>, vector<16xf32>,
        %min3A_150 = arith.minimumf %min3A_124, %add3A_147 : vector<16xf32>
        %scan3A_151 = arith.constant 3 : i32
        %mul3A_152 = arith.constant 320 : i32
        %mul3A_153 = arith.muli %scan3A_71, %mul3A_152 : i32
        %mul3A_154 = arith.constant 16 : i32
        %mul3A_155 = arith.muli %scan3A_151, %mul3A_154 : i32
        %add3A_156 = arith.addi %mul3A_153, %mul3A_155 : i32
        %get3A_157 = arith.index_cast %add3A_156 : i32 to index
        %get3A_158 = tpu.vector_load %arg10[%get3A_157] {strides = array<i32>} : memref<10240xf32, #tpu.memory_space<vmem>>, vector<16xf32>,
        %sub3A_159 = vector.broadcast %squeeze3A_19 : f32 to vector<16xf32>
        %sub3A_160 = arith.subf %get3A_158, %sub3A_159 : vector<16xf32>
        %get3A_161 = arith.index_cast %add3A_156 : i32 to index
        %get3A_162 = tpu.vector_load %arg11[%get3A_161] {strides = array<i32>} : memref<10240xf32, #tpu.memory_space<vmem>>, vector<16xf32>,
        %sub3A_163 = vector.broadcast %squeeze3A_23 : f32 to vector<16xf32>
        %sub3A_164 = arith.subf %get3A_162, %sub3A_163 : vector<16xf32>
        %get3A_165 = arith.index_cast %add3A_156 : i32 to index
        %get3A_166 = tpu.vector_load %arg12[%get3A_165] {strides = array<i32>} : memref<10240xf32, #tpu.memory_space<vmem>>, vector<16xf32>,
        %sub3A_167 = vector.broadcast %squeeze3A_27 : f32 to vector<16xf32>
        %sub3A_168 = arith.subf %get3A_166, %sub3A_167 : vector<16xf32>
        %mul3A_169 = arith.mulf %sub3A_160, %sub3A_160 : vector<16xf32>
        %mul3A_170 = arith.mulf %sub3A_164, %sub3A_164 : vector<16xf32>
        %add3A_171 = arith.addf %mul3A_169, %mul3A_170 : vector<16xf32>
        %mul3A_172 = arith.mulf %sub3A_168, %sub3A_168 : vector<16xf32>
        %add3A_173 = arith.addf %add3A_171, %mul3A_172 : vector<16xf32>
        %swap3A_174 = arith.index_cast %add3A_156 : i32 to index
        %swap3A_175 = tpu.vector_load %arg16[%swap3A_174] {strides = array<i32>} : memref<10240xf32, #tpu.memory_space<vmem>>, vector<16xf32>,
        tpu.vector_store %arg16[%swap3A_174], %add3A_173 {strides = array<i32>} : memref<10240xf32, #tpu.memory_space<vmem>>, vector<16xf32>,
        %min3A_176 = arith.minimumf %min3A_150, %add3A_173 : vector<16xf32>
        %scan3A_177 = arith.constant 4 : i32
        %mul3A_178 = arith.constant 320 : i32
        %mul3A_179 = arith.muli %scan3A_71, %mul3A_178 : i32
        %mul3A_180 = arith.constant 16 : i32
        %mul3A_181 = arith.muli %scan3A_177, %mul3A_180 : i32
        %add3A_182 = arith.addi %mul3A_179, %mul3A_181 : i32
        %get3A_183 = arith.index_cast %add3A_182 : i32 to index
        %get3A_184 = tpu.vector_load %arg10[%get3A_183] {strides = array<i32>} : memref<10240xf32, #tpu.memory_space<vmem>>, vector<16xf32>,
        %sub3A_185 = vector.broadcast %squeeze3A_19 : f32 to vector<16xf32>
        %sub3A_186 = arith.subf %get3A_184, %sub3A_185 : vector<16xf32>
        %get3A_187 = arith.index_cast %add3A_182 : i32 to index
        %get3A_188 = tpu.vector_load %arg11[%get3A_187] {strides = array<i32>} : memref<10240xf32, #tpu.memory_space<vmem>>, vector<16xf32>,
        %sub3A_189 = vector.broadcast %squeeze3A_23 : f32 to vector<16xf32>
        %sub3A_190 = arith.subf %get3A_188, %sub3A_189 : vector<16xf32>
        %get3A_191 = arith.index_cast %add3A_182 : i32 to index
        %get3A_192 = tpu.vector_load %arg12[%get3A_191] {strides = array<i32>} : memref<10240xf32, #tpu.memory_space<vmem>>, vector<16xf32>,
        %sub3A_193 = vector.broadcast %squeeze3A_27 : f32 to vector<16xf32>
        %sub3A_194 = arith.subf %get3A_192, %sub3A_193 : vector<16xf32>
        %mul3A_195 = arith.mulf %sub3A_186, %sub3A_186 : vector<16xf32>
        %mul3A_196 = arith.mulf %sub3A_190, %sub3A_190 : vector<16xf32>
        %add3A_197 = arith.addf %mul3A_195, %mul3A_196 : vector<16xf32>
        %mul3A_198 = arith.mulf %sub3A_194, %sub3A_194 : vector<16xf32>
        %add3A_199 = arith.addf %add3A_197, %mul3A_198 : vector<16xf32>
        %swap3A_200 = arith.index_cast %add3A_182 : i32 to index
        %swap3A_201 = tpu.vector_load %arg16[%swap3A_200] {strides = array<i32>} : memref<10240xf32, #tpu.memory_space<vmem>>, vector<16xf32>,
        tpu.vector_store %arg16[%swap3A_200], %add3A_199 {strides = array<i32>} : memref<10240xf32, #tpu.memory_space<vmem>>, vector<16xf32>,
        %min3A_202 = arith.minimumf %min3A_176, %add3A_199 : vector<16xf32>
        %scan3A_203 = arith.constant 5 : i32
        %mul3A_204 = arith.constant 320 : i32
        %mul3A_205 = arith.muli %scan3A_71, %mul3A_204 : i32
        %mul3A_206 = arith.constant 16 : i32
        %mul3A_207 = arith.muli %scan3A_203, %mul3A_206 : i32
        %add3A_208 = arith.addi %mul3A_205, %mul3A_207 : i32
        %get3A_209 = arith.index_cast %add3A_208 : i32 to index
        %get3A_210 = tpu.vector_load %arg10[%get3A_209] {strides = array<i32>} : memref<10240xf32, #tpu.memory_space<vmem>>, vector<16xf32>,
        %sub3A_211 = vector.broadcast %squeeze3A_19 : f32 to vector<16xf32>
        %sub3A_212 = arith.subf %get3A_210, %sub3A_211 : vector<16xf32>
        %get3A_213 = arith.index_cast %add3A_208 : i32 to index
        %get3A_214 = tpu.vector_load %arg11[%get3A_213] {strides = array<i32>} : memref<10240xf32, #tpu.memory_space<vmem>>, vector<16xf32>,
        %sub3A_215 = vector.broadcast %squeeze3A_23 : f32 to vector<16xf32>
        %sub3A_216 = arith.subf %get3A_214, %sub3A_215 : vector<16xf32>
        %get3A_217 = arith.index_cast %add3A_208 : i32 to index
        %get3A_218 = tpu.vector_load %arg12[%get3A_217] {strides = array<i32>} : memref<10240xf32, #tpu.memory_space<vmem>>, vector<16xf32>,
        %sub3A_219 = vector.broadcast %squeeze3A_27 : f32 to vector<16xf32>
        %sub3A_220 = arith.subf %get3A_218, %sub3A_219 : vector<16xf32>
        %mul3A_221 = arith.mulf %sub3A_212, %sub3A_212 : vector<16xf32>
        %mul3A_222 = arith.mulf %sub3A_216, %sub3A_216 : vector<16xf32>
        %add3A_223 = arith.addf %mul3A_221, %mul3A_222 : vector<16xf32>
        %mul3A_224 = arith.mulf %sub3A_220, %sub3A_220 : vector<16xf32>
        %add3A_225 = arith.addf %add3A_223, %mul3A_224 : vector<16xf32>
        %swap3A_226 = arith.index_cast %add3A_208 : i32 to index
        %swap3A_227 = tpu.vector_load %arg16[%swap3A_226] {strides = array<i32>} : memref<10240xf32, #tpu.memory_space<vmem>>, vector<16xf32>,
        tpu.vector_store %arg16[%swap3A_226], %add3A_225 {strides = array<i32>} : memref<10240xf32, #tpu.memory_space<vmem>>, vector<16xf32>,
        %min3A_228 = arith.minimumf %min3A_202, %add3A_225 : vector<16xf32>
        %scan3A_229 = arith.constant 6 : i32
        %mul3A_230 = arith.constant 320 : i32
        %mul3A_231 = arith.muli %scan3A_71, %mul3A_230 : i32
        %mul3A_232 = arith.constant 16 : i32
        %mul3A_233 = arith.muli %scan3A_229, %mul3A_232 : i32
        %add3A_234 = arith.addi %mul3A_231, %mul3A_233 : i32
        %get3A_235 = arith.index_cast %add3A_234 : i32 to index
        %get3A_236 = tpu.vector_load %arg10[%get3A_235] {strides = array<i32>} : memref<10240xf32, #tpu.memory_space<vmem>>, vector<16xf32>,
        %sub3A_237 = vector.broadcast %squeeze3A_19 : f32 to vector<16xf32>
        %sub3A_238 = arith.subf %get3A_236, %sub3A_237 : vector<16xf32>
        %get3A_239 = arith.index_cast %add3A_234 : i32 to index
        %get3A_240 = tpu.vector_load %arg11[%get3A_239] {strides = array<i32>} : memref<10240xf32, #tpu.memory_space<vmem>>, vector<16xf32>,
        %sub3A_241 = vector.broadcast %squeeze3A_23 : f32 to vector<16xf32>
        %sub3A_242 = arith.subf %get3A_240, %sub3A_241 : vector<16xf32>
        %get3A_243 = arith.index_cast %add3A_234 : i32 to index
        %get3A_244 = tpu.vector_load %arg12[%get3A_243] {strides = array<i32>} : memref<10240xf32, #tpu.memory_space<vmem>>, vector<16xf32>,
        %sub3A_245 = vector.broadcast %squeeze3A_27 : f32 to vector<16xf32>
        %sub3A_246 = arith.subf %get3A_244, %sub3A_245 : vector<16xf32>
        %mul3A_247 = arith.mulf %sub3A_238, %sub3A_238 : vector<16xf32>
        %mul3A_248 = arith.mulf %sub3A_242, %sub3A_242 : vector<16xf32>
        %add3A_249 = arith.addf %mul3A_247, %mul3A_248 : vector<16xf32>
        %mul3A_250 = arith.mulf %sub3A_246, %sub3A_246 : vector<16xf32>
        %add3A_251 = arith.addf %add3A_249, %mul3A_250 : vector<16xf32>
        %swap3A_252 = arith.index_cast %add3A_234 : i32 to index
        %swap3A_253 = tpu.vector_load %arg16[%swap3A_252] {strides = array<i32>} : memref<10240xf32, #tpu.memory_space<vmem>>, vector<16xf32>,
        tpu.vector_store %arg16[%swap3A_252], %add3A_251 {strides = array<i32>} : memref<10240xf32, #tpu.memory_space<vmem>>, vector<16xf32>,
        %min3A_254 = arith.minimumf %min3A_228, %add3A_251 : vector<16xf32>
        %scan3A_255 = arith.constant 7 : i32
        %mul3A_256 = arith.constant 320 : i32
        %mul3A_257 = arith.muli %scan3A_71, %mul3A_256 : i32
        %mul3A_258 = arith.constant 16 : i32
        %mul3A_259 = arith.muli %scan3A_255, %mul3A_258 : i32
        %add3A_260 = arith.addi %mul3A_257, %mul3A_259 : i32
        %get3A_261 = arith.index_cast %add3A_260 : i32 to index
        %get3A_262 = tpu.vector_load %arg10[%get3A_261] {strides = array<i32>} : memref<10240xf32, #tpu.memory_space<vmem>>, vector<16xf32>,
        %sub3A_263 = vector.broadcast %squeeze3A_19 : f32 to vector<16xf32>
        %sub3A_264 = arith.subf %get3A_262, %sub3A_263 : vector<16xf32>
        %get3A_265 = arith.index_cast %add3A_260 : i32 to index
        %get3A_266 = tpu.vector_load %arg11[%get3A_265] {strides = array<i32>} : memref<10240xf32, #tpu.memory_space<vmem>>, vector<16xf32>,
        %sub3A_267 = vector.broadcast %squeeze3A_23 : f32 to vector<16xf32>
        %sub3A_268 = arith.subf %get3A_266, %sub3A_267 : vector<16xf32>
        %get3A_269 = arith.index_cast %add3A_260 : i32 to index
        %get3A_270 = tpu.vector_load %arg12[%get3A_269] {strides = array<i32>} : memref<10240xf32, #tpu.memory_space<vmem>>, vector<16xf32>,
        %sub3A_271 = vector.broadcast %squeeze3A_27 : f32 to vector<16xf32>
        %sub3A_272 = arith.subf %get3A_270, %sub3A_271 : vector<16xf32>
        %mul3A_273 = arith.mulf %sub3A_264, %sub3A_264 : vector<16xf32>
        %mul3A_274 = arith.mulf %sub3A_268, %sub3A_268 : vector<16xf32>
        %add3A_275 = arith.addf %mul3A_273, %mul3A_274 : vector<16xf32>
        %mul3A_276 = arith.mulf %sub3A_272, %sub3A_272 : vector<16xf32>
        %add3A_277 = arith.addf %add3A_275, %mul3A_276 : vector<16xf32>
        %swap3A_278 = arith.index_cast %add3A_260 : i32 to index
        %swap3A_279 = tpu.vector_load %arg16[%swap3A_278] {strides = array<i32>} : memref<10240xf32, #tpu.memory_space<vmem>>, vector<16xf32>,
        tpu.vector_store %arg16[%swap3A_278], %add3A_277 {strides = array<i32>} : memref<10240xf32, #tpu.memory_space<vmem>>, vector<16xf32>,
        %min3A_280 = arith.minimumf %min3A_254, %add3A_277 : vector<16xf32>
        %scan3A_281 = arith.constant 8 : i32
        %mul3A_282 = arith.constant 320 : i32
        %mul3A_283 = arith.muli %scan3A_71, %mul3A_282 : i32
        %mul3A_284 = arith.constant 16 : i32
        %mul3A_285 = arith.muli %scan3A_281, %mul3A_284 : i32
        %add3A_286 = arith.addi %mul3A_283, %mul3A_285 : i32
        %get3A_287 = arith.index_cast %add3A_286 : i32 to index
        %get3A_288 = tpu.vector_load %arg10[%get3A_287] {strides = array<i32>} : memref<10240xf32, #tpu.memory_space<vmem>>, vector<16xf32>,
        %sub3A_289 = vector.broadcast %squeeze3A_19 : f32 to vector<16xf32>
        %sub3A_290 = arith.subf %get3A_288, %sub3A_289 : vector<16xf32>
        %get3A_291 = arith.index_cast %add3A_286 : i32 to index
        %get3A_292 = tpu.vector_load %arg11[%get3A_291] {strides = array<i32>} : memref<10240xf32, #tpu.memory_space<vmem>>, vector<16xf32>,
        %sub3A_293 = vector.broadcast %squeeze3A_23 : f32 to vector<16xf32>
        %sub3A_294 = arith.subf %get3A_292, %sub3A_293 : vector<16xf32>
        %get3A_295 = arith.index_cast %add3A_286 : i32 to index
        %get3A_296 = tpu.vector_load %arg12[%get3A_295] {strides = array<i32>} : memref<10240xf32, #tpu.memory_space<vmem>>, vector<16xf32>,
        %sub3A_297 = vector.broadcast %squeeze3A_27 : f32 to vector<16xf32>
        %sub3A_298 = arith.subf %get3A_296, %sub3A_297 : vector<16xf32>
        %mul3A_299 = arith.mulf %sub3A_290, %sub3A_290 : vector<16xf32>
        %mul3A_300 = arith.mulf %sub3A_294, %sub3A_294 : vector<16xf32>
        %add3A_301 = arith.addf %mul3A_299, %mul3A_300 : vector<16xf32>
        %mul3A_302 = arith.mulf %sub3A_298, %sub3A_298 : vector<16xf32>
        %add3A_303 = arith.addf %add3A_301, %mul3A_302 : vector<16xf32>
        %swap3A_304 = arith.index_cast %add3A_286 : i32 to index
        %swap3A_305 = tpu.vector_load %arg16[%swap3A_304] {strides = array<i32>} : memref<10240xf32, #tpu.memory_space<vmem>>, vector<16xf32>,
        tpu.vector_store %arg16[%swap3A_304], %add3A_303 {strides = array<i32>} : memref<10240xf32, #tpu.memory_space<vmem>>, vector<16xf32>,
        %min3A_306 = arith.minimumf %min3A_280, %add3A_303 : vector<16xf32>
        %scan3A_307 = arith.constant 9 : i32
        %mul3A_308 = arith.constant 320 : i32
        %mul3A_309 = arith.muli %scan3A_71, %mul3A_308 : i32
        %mul3A_310 = arith.constant 16 : i32
        %mul3A_311 = arith.muli %scan3A_307, %mul3A_310 : i32
        %add3A_312 = arith.addi %mul3A_309, %mul3A_311 : i32
        %get3A_313 = arith.index_cast %add3A_312 : i32 to index
        %get3A_314 = tpu.vector_load %arg10[%get3A_313] {strides = array<i32>} : memref<10240xf32, #tpu.memory_space<vmem>>, vector<16xf32>,
        %sub3A_315 = vector.broadcast %squeeze3A_19 : f32 to vector<16xf32>
        %sub3A_316 = arith.subf %get3A_314, %sub3A_315 : vector<16xf32>
        %get3A_317 = arith.index_cast %add3A_312 : i32 to index
        %get3A_318 = tpu.vector_load %arg11[%get3A_317] {strides = array<i32>} : memref<10240xf32, #tpu.memory_space<vmem>>, vector<16xf32>,
        %sub3A_319 = vector.broadcast %squeeze3A_23 : f32 to vector<16xf32>
        %sub3A_320 = arith.subf %get3A_318, %sub3A_319 : vector<16xf32>
        %get3A_321 = arith.index_cast %add3A_312 : i32 to index
        %get3A_322 = tpu.vector_load %arg12[%get3A_321] {strides = array<i32>} : memref<10240xf32, #tpu.memory_space<vmem>>, vector<16xf32>,
        %sub3A_323 = vector.broadcast %squeeze3A_27 : f32 to vector<16xf32>
        %sub3A_324 = arith.subf %get3A_322, %sub3A_323 : vector<16xf32>
        %mul3A_325 = arith.mulf %sub3A_316, %sub3A_316 : vector<16xf32>
        %mul3A_326 = arith.mulf %sub3A_320, %sub3A_320 : vector<16xf32>
        %add3A_327 = arith.addf %mul3A_325, %mul3A_326 : vector<16xf32>
        %mul3A_328 = arith.mulf %sub3A_324, %sub3A_324 : vector<16xf32>
        %add3A_329 = arith.addf %add3A_327, %mul3A_328 : vector<16xf32>
        %swap3A_330 = arith.index_cast %add3A_312 : i32 to index
        %swap3A_331 = tpu.vector_load %arg16[%swap3A_330] {strides = array<i32>} : memref<10240xf32, #tpu.memory_space<vmem>>, vector<16xf32>,
        tpu.vector_store %arg16[%swap3A_330], %add3A_329 {strides = array<i32>} : memref<10240xf32, #tpu.memory_space<vmem>>, vector<16xf32>,
        %min3A_332 = arith.minimumf %min3A_306, %add3A_329 : vector<16xf32>
        %scan3A_333 = arith.constant 10 : i32
        %mul3A_334 = arith.constant 320 : i32
        %mul3A_335 = arith.muli %scan3A_71, %mul3A_334 : i32
        %mul3A_336 = arith.constant 16 : i32
        %mul3A_337 = arith.muli %scan3A_333, %mul3A_336 : i32
        %add3A_338 = arith.addi %mul3A_335, %mul3A_337 : i32
        %get3A_339 = arith.index_cast %add3A_338 : i32 to index
        %get3A_340 = tpu.vector_load %arg10[%get3A_339] {strides = array<i32>} : memref<10240xf32, #tpu.memory_space<vmem>>, vector<16xf32>,
        %sub3A_341 = vector.broadcast %squeeze3A_19 : f32 to vector<16xf32>
        %sub3A_342 = arith.subf %get3A_340, %sub3A_341 : vector<16xf32>
        %get3A_343 = arith.index_cast %add3A_338 : i32 to index
        %get3A_344 = tpu.vector_load %arg11[%get3A_343] {strides = array<i32>} : memref<10240xf32, #tpu.memory_space<vmem>>, vector<16xf32>,
        %sub3A_345 = vector.broadcast %squeeze3A_23 : f32 to vector<16xf32>
        %sub3A_346 = arith.subf %get3A_344, %sub3A_345 : vector<16xf32>
        %get3A_347 = arith.index_cast %add3A_338 : i32 to index
        %get3A_348 = tpu.vector_load %arg12[%get3A_347] {strides = array<i32>} : memref<10240xf32, #tpu.memory_space<vmem>>, vector<16xf32>,
        %sub3A_349 = vector.broadcast %squeeze3A_27 : f32 to vector<16xf32>
        %sub3A_350 = arith.subf %get3A_348, %sub3A_349 : vector<16xf32>
        %mul3A_351 = arith.mulf %sub3A_342, %sub3A_342 : vector<16xf32>
        %mul3A_352 = arith.mulf %sub3A_346, %sub3A_346 : vector<16xf32>
        %add3A_353 = arith.addf %mul3A_351, %mul3A_352 : vector<16xf32>
        %mul3A_354 = arith.mulf %sub3A_350, %sub3A_350 : vector<16xf32>
        %add3A_355 = arith.addf %add3A_353, %mul3A_354 : vector<16xf32>
        %swap3A_356 = arith.index_cast %add3A_338 : i32 to index
        %swap3A_357 = tpu.vector_load %arg16[%swap3A_356] {strides = array<i32>} : memref<10240xf32, #tpu.memory_space<vmem>>, vector<16xf32>,
        tpu.vector_store %arg16[%swap3A_356], %add3A_355 {strides = array<i32>} : memref<10240xf32, #tpu.memory_space<vmem>>, vector<16xf32>,
        %min3A_358 = arith.minimumf %min3A_332, %add3A_355 : vector<16xf32>
        %scan3A_359 = arith.constant 11 : i32
        %mul3A_360 = arith.constant 320 : i32
        %mul3A_361 = arith.muli %scan3A_71, %mul3A_360 : i32
        %mul3A_362 = arith.constant 16 : i32
        %mul3A_363 = arith.muli %scan3A_359, %mul3A_362 : i32
        %add3A_364 = arith.addi %mul3A_361, %mul3A_363 : i32
        %get3A_365 = arith.index_cast %add3A_364 : i32 to index
        %get3A_366 = tpu.vector_load %arg10[%get3A_365] {strides = array<i32>} : memref<10240xf32, #tpu.memory_space<vmem>>, vector<16xf32>,
        %sub3A_367 = vector.broadcast %squeeze3A_19 : f32 to vector<16xf32>
        %sub3A_368 = arith.subf %get3A_366, %sub3A_367 : vector<16xf32>
        %get3A_369 = arith.index_cast %add3A_364 : i32 to index
        %get3A_370 = tpu.vector_load %arg11[%get3A_369] {strides = array<i32>} : memref<10240xf32, #tpu.memory_space<vmem>>, vector<16xf32>,
        %sub3A_371 = vector.broadcast %squeeze3A_23 : f32 to vector<16xf32>
        %sub3A_372 = arith.subf %get3A_370, %sub3A_371 : vector<16xf32>
        %get3A_373 = arith.index_cast %add3A_364 : i32 to index
        %get3A_374 = tpu.vector_load %arg12[%get3A_373] {strides = array<i32>} : memref<10240xf32, #tpu.memory_space<vmem>>, vector<16xf32>,
        %sub3A_375 = vector.broadcast %squeeze3A_27 : f32 to vector<16xf32>
        %sub3A_376 = arith.subf %get3A_374, %sub3A_375 : vector<16xf32>
        %mul3A_377 = arith.mulf %sub3A_368, %sub3A_368 : vector<16xf32>
        %mul3A_378 = arith.mulf %sub3A_372, %sub3A_372 : vector<16xf32>
        %add3A_379 = arith.addf %mul3A_377, %mul3A_378 : vector<16xf32>
        %mul3A_380 = arith.mulf %sub3A_376, %sub3A_376 : vector<16xf32>
        %add3A_381 = arith.addf %add3A_379, %mul3A_380 : vector<16xf32>
        %swap3A_382 = arith.index_cast %add3A_364 : i32 to index
        %swap3A_383 = tpu.vector_load %arg16[%swap3A_382] {strides = array<i32>} : memref<10240xf32, #tpu.memory_space<vmem>>, vector<16xf32>,
        tpu.vector_store %arg16[%swap3A_382], %add3A_381 {strides = array<i32>} : memref<10240xf32, #tpu.memory_space<vmem>>, vector<16xf32>,
        %min3A_384 = arith.minimumf %min3A_358, %add3A_381 : vector<16xf32>
        %scan3A_385 = arith.constant 12 : i32
        %mul3A_386 = arith.constant 320 : i32
        %mul3A_387 = arith.muli %scan3A_71, %mul3A_386 : i32
        %mul3A_388 = arith.constant 16 : i32
        %mul3A_389 = arith.muli %scan3A_385, %mul3A_388 : i32
        %add3A_390 = arith.addi %mul3A_387, %mul3A_389 : i32
        %get3A_391 = arith.index_cast %add3A_390 : i32 to index
        %get3A_392 = tpu.vector_load %arg10[%get3A_391] {strides = array<i32>} : memref<10240xf32, #tpu.memory_space<vmem>>, vector<16xf32>,
        %sub3A_393 = vector.broadcast %squeeze3A_19 : f32 to vector<16xf32>
        %sub3A_394 = arith.subf %get3A_392, %sub3A_393 : vector<16xf32>
        %get3A_395 = arith.index_cast %add3A_390 : i32 to index
        %get3A_396 = tpu.vector_load %arg11[%get3A_395] {strides = array<i32>} : memref<10240xf32, #tpu.memory_space<vmem>>, vector<16xf32>,
        %sub3A_397 = vector.broadcast %squeeze3A_23 : f32 to vector<16xf32>
        %sub3A_398 = arith.subf %get3A_396, %sub3A_397 : vector<16xf32>
        %get3A_399 = arith.index_cast %add3A_390 : i32 to index
        %get3A_400 = tpu.vector_load %arg12[%get3A_399] {strides = array<i32>} : memref<10240xf32, #tpu.memory_space<vmem>>, vector<16xf32>,
        %sub3A_401 = vector.broadcast %squeeze3A_27 : f32 to vector<16xf32>
        %sub3A_402 = arith.subf %get3A_400, %sub3A_401 : vector<16xf32>
        %mul3A_403 = arith.mulf %sub3A_394, %sub3A_394 : vector<16xf32>
        %mul3A_404 = arith.mulf %sub3A_398, %sub3A_398 : vector<16xf32>
        %add3A_405 = arith.addf %mul3A_403, %mul3A_404 : vector<16xf32>
        %mul3A_406 = arith.mulf %sub3A_402, %sub3A_402 : vector<16xf32>
        %add3A_407 = arith.addf %add3A_405, %mul3A_406 : vector<16xf32>
        %swap3A_408 = arith.index_cast %add3A_390 : i32 to index
        %swap3A_409 = tpu.vector_load %arg16[%swap3A_408] {strides = array<i32>} : memref<10240xf32, #tpu.memory_space<vmem>>, vector<16xf32>,
        tpu.vector_store %arg16[%swap3A_408], %add3A_407 {strides = array<i32>} : memref<10240xf32, #tpu.memory_space<vmem>>, vector<16xf32>,
        %min3A_410 = arith.minimumf %min3A_384, %add3A_407 : vector<16xf32>
        %scan3A_411 = arith.constant 13 : i32
        %mul3A_412 = arith.constant 320 : i32
        %mul3A_413 = arith.muli %scan3A_71, %mul3A_412 : i32
        %mul3A_414 = arith.constant 16 : i32
        %mul3A_415 = arith.muli %scan3A_411, %mul3A_414 : i32
        %add3A_416 = arith.addi %mul3A_413, %mul3A_415 : i32
        %get3A_417 = arith.index_cast %add3A_416 : i32 to index
        %get3A_418 = tpu.vector_load %arg10[%get3A_417] {strides = array<i32>} : memref<10240xf32, #tpu.memory_space<vmem>>, vector<16xf32>,
        %sub3A_419 = vector.broadcast %squeeze3A_19 : f32 to vector<16xf32>
        %sub3A_420 = arith.subf %get3A_418, %sub3A_419 : vector<16xf32>
        %get3A_421 = arith.index_cast %add3A_416 : i32 to index
        %get3A_422 = tpu.vector_load %arg11[%get3A_421] {strides = array<i32>} : memref<10240xf32, #tpu.memory_space<vmem>>, vector<16xf32>,
        %sub3A_423 = vector.broadcast %squeeze3A_23 : f32 to vector<16xf32>
        %sub3A_424 = arith.subf %get3A_422, %sub3A_423 : vector<16xf32>
        %get3A_425 = arith.index_cast %add3A_416 : i32 to index
        %get3A_426 = tpu.vector_load %arg12[%get3A_425] {strides = array<i32>} : memref<10240xf32, #tpu.memory_space<vmem>>, vector<16xf32>,
        %sub3A_427 = vector.broadcast %squeeze3A_27 : f32 to vector<16xf32>
        %sub3A_428 = arith.subf %get3A_426, %sub3A_427 : vector<16xf32>
        %mul3A_429 = arith.mulf %sub3A_420, %sub3A_420 : vector<16xf32>
        %mul3A_430 = arith.mulf %sub3A_424, %sub3A_424 : vector<16xf32>
        %add3A_431 = arith.addf %mul3A_429, %mul3A_430 : vector<16xf32>
        %mul3A_432 = arith.mulf %sub3A_428, %sub3A_428 : vector<16xf32>
        %add3A_433 = arith.addf %add3A_431, %mul3A_432 : vector<16xf32>
        %swap3A_434 = arith.index_cast %add3A_416 : i32 to index
        %swap3A_435 = tpu.vector_load %arg16[%swap3A_434] {strides = array<i32>} : memref<10240xf32, #tpu.memory_space<vmem>>, vector<16xf32>,
        tpu.vector_store %arg16[%swap3A_434], %add3A_433 {strides = array<i32>} : memref<10240xf32, #tpu.memory_space<vmem>>, vector<16xf32>,
        %min3A_436 = arith.minimumf %min3A_410, %add3A_433 : vector<16xf32>
        %scan3A_437 = arith.constant 14 : i32
        %mul3A_438 = arith.constant 320 : i32
        %mul3A_439 = arith.muli %scan3A_71, %mul3A_438 : i32
        %mul3A_440 = arith.constant 16 : i32
        %mul3A_441 = arith.muli %scan3A_437, %mul3A_440 : i32
        %add3A_442 = arith.addi %mul3A_439, %mul3A_441 : i32
        %get3A_443 = arith.index_cast %add3A_442 : i32 to index
        %get3A_444 = tpu.vector_load %arg10[%get3A_443] {strides = array<i32>} : memref<10240xf32, #tpu.memory_space<vmem>>, vector<16xf32>,
        %sub3A_445 = vector.broadcast %squeeze3A_19 : f32 to vector<16xf32>
        %sub3A_446 = arith.subf %get3A_444, %sub3A_445 : vector<16xf32>
        %get3A_447 = arith.index_cast %add3A_442 : i32 to index
        %get3A_448 = tpu.vector_load %arg11[%get3A_447] {strides = array<i32>} : memref<10240xf32, #tpu.memory_space<vmem>>, vector<16xf32>,
        %sub3A_449 = vector.broadcast %squeeze3A_23 : f32 to vector<16xf32>
        %sub3A_450 = arith.subf %get3A_448, %sub3A_449 : vector<16xf32>
        %get3A_451 = arith.index_cast %add3A_442 : i32 to index
        %get3A_452 = tpu.vector_load %arg12[%get3A_451] {strides = array<i32>} : memref<10240xf32, #tpu.memory_space<vmem>>, vector<16xf32>,
        %sub3A_453 = vector.broadcast %squeeze3A_27 : f32 to vector<16xf32>
        %sub3A_454 = arith.subf %get3A_452, %sub3A_453 : vector<16xf32>
        %mul3A_455 = arith.mulf %sub3A_446, %sub3A_446 : vector<16xf32>
        %mul3A_456 = arith.mulf %sub3A_450, %sub3A_450 : vector<16xf32>
        %add3A_457 = arith.addf %mul3A_455, %mul3A_456 : vector<16xf32>
        %mul3A_458 = arith.mulf %sub3A_454, %sub3A_454 : vector<16xf32>
        %add3A_459 = arith.addf %add3A_457, %mul3A_458 : vector<16xf32>
        %swap3A_460 = arith.index_cast %add3A_442 : i32 to index
        %swap3A_461 = tpu.vector_load %arg16[%swap3A_460] {strides = array<i32>} : memref<10240xf32, #tpu.memory_space<vmem>>, vector<16xf32>,
        tpu.vector_store %arg16[%swap3A_460], %add3A_459 {strides = array<i32>} : memref<10240xf32, #tpu.memory_space<vmem>>, vector<16xf32>,
        %min3A_462 = arith.minimumf %min3A_436, %add3A_459 : vector<16xf32>
        %scan3A_463 = arith.constant 15 : i32
        %mul3A_464 = arith.constant 320 : i32
        %mul3A_465 = arith.muli %scan3A_71, %mul3A_464 : i32
        %mul3A_466 = arith.constant 16 : i32
        %mul3A_467 = arith.muli %scan3A_463, %mul3A_466 : i32
        %add3A_468 = arith.addi %mul3A_465, %mul3A_467 : i32
        %get3A_469 = arith.index_cast %add3A_468 : i32 to index
        %get3A_470 = tpu.vector_load %arg10[%get3A_469] {strides = array<i32>} : memref<10240xf32, #tpu.memory_space<vmem>>, vector<16xf32>,
        %sub3A_471 = vector.broadcast %squeeze3A_19 : f32 to vector<16xf32>
        %sub3A_472 = arith.subf %get3A_470, %sub3A_471 : vector<16xf32>
        %get3A_473 = arith.index_cast %add3A_468 : i32 to index
        %get3A_474 = tpu.vector_load %arg11[%get3A_473] {strides = array<i32>} : memref<10240xf32, #tpu.memory_space<vmem>>, vector<16xf32>,
        %sub3A_475 = vector.broadcast %squeeze3A_23 : f32 to vector<16xf32>
        %sub3A_476 = arith.subf %get3A_474, %sub3A_475 : vector<16xf32>
        %get3A_477 = arith.index_cast %add3A_468 : i32 to index
        %get3A_478 = tpu.vector_load %arg12[%get3A_477] {strides = array<i32>} : memref<10240xf32, #tpu.memory_space<vmem>>, vector<16xf32>,
        %sub3A_479 = vector.broadcast %squeeze3A_27 : f32 to vector<16xf32>
        %sub3A_480 = arith.subf %get3A_478, %sub3A_479 : vector<16xf32>
        %mul3A_481 = arith.mulf %sub3A_472, %sub3A_472 : vector<16xf32>
        %mul3A_482 = arith.mulf %sub3A_476, %sub3A_476 : vector<16xf32>
        %add3A_483 = arith.addf %mul3A_481, %mul3A_482 : vector<16xf32>
        %mul3A_484 = arith.mulf %sub3A_480, %sub3A_480 : vector<16xf32>
        %add3A_485 = arith.addf %add3A_483, %mul3A_484 : vector<16xf32>
        %swap3A_486 = arith.index_cast %add3A_468 : i32 to index
        %swap3A_487 = tpu.vector_load %arg16[%swap3A_486] {strides = array<i32>} : memref<10240xf32, #tpu.memory_space<vmem>>, vector<16xf32>,
        tpu.vector_store %arg16[%swap3A_486], %add3A_485 {strides = array<i32>} : memref<10240xf32, #tpu.memory_space<vmem>>, vector<16xf32>,
        %min3A_488 = arith.minimumf %min3A_462, %add3A_485 : vector<16xf32>
        %scan3A_489 = arith.constant 16 : i32
        %mul3A_490 = arith.constant 320 : i32
        %mul3A_491 = arith.muli %scan3A_71, %mul3A_490 : i32
        %mul3A_492 = arith.constant 16 : i32
        %mul3A_493 = arith.muli %scan3A_489, %mul3A_492 : i32
        %add3A_494 = arith.addi %mul3A_491, %mul3A_493 : i32
        %get3A_495 = arith.index_cast %add3A_494 : i32 to index
        %get3A_496 = tpu.vector_load %arg10[%get3A_495] {strides = array<i32>} : memref<10240xf32, #tpu.memory_space<vmem>>, vector<16xf32>,
        %sub3A_497 = vector.broadcast %squeeze3A_19 : f32 to vector<16xf32>
        %sub3A_498 = arith.subf %get3A_496, %sub3A_497 : vector<16xf32>
        %get3A_499 = arith.index_cast %add3A_494 : i32 to index
        %get3A_500 = tpu.vector_load %arg11[%get3A_499] {strides = array<i32>} : memref<10240xf32, #tpu.memory_space<vmem>>, vector<16xf32>,
        %sub3A_501 = vector.broadcast %squeeze3A_23 : f32 to vector<16xf32>
        %sub3A_502 = arith.subf %get3A_500, %sub3A_501 : vector<16xf32>
        %get3A_503 = arith.index_cast %add3A_494 : i32 to index
        %get3A_504 = tpu.vector_load %arg12[%get3A_503] {strides = array<i32>} : memref<10240xf32, #tpu.memory_space<vmem>>, vector<16xf32>,
        %sub3A_505 = vector.broadcast %squeeze3A_27 : f32 to vector<16xf32>
        %sub3A_506 = arith.subf %get3A_504, %sub3A_505 : vector<16xf32>
        %mul3A_507 = arith.mulf %sub3A_498, %sub3A_498 : vector<16xf32>
        %mul3A_508 = arith.mulf %sub3A_502, %sub3A_502 : vector<16xf32>
        %add3A_509 = arith.addf %mul3A_507, %mul3A_508 : vector<16xf32>
        %mul3A_510 = arith.mulf %sub3A_506, %sub3A_506 : vector<16xf32>
        %add3A_511 = arith.addf %add3A_509, %mul3A_510 : vector<16xf32>
        %swap3A_512 = arith.index_cast %add3A_494 : i32 to index
        %swap3A_513 = tpu.vector_load %arg16[%swap3A_512] {strides = array<i32>} : memref<10240xf32, #tpu.memory_space<vmem>>, vector<16xf32>,
        tpu.vector_store %arg16[%swap3A_512], %add3A_511 {strides = array<i32>} : memref<10240xf32, #tpu.memory_space<vmem>>, vector<16xf32>,
        %min3A_514 = arith.minimumf %min3A_488, %add3A_511 : vector<16xf32>
        %scan3A_515 = arith.constant 17 : i32
        %mul3A_516 = arith.constant 320 : i32
        %mul3A_517 = arith.muli %scan3A_71, %mul3A_516 : i32
        %mul3A_518 = arith.constant 16 : i32
        %mul3A_519 = arith.muli %scan3A_515, %mul3A_518 : i32
        %add3A_520 = arith.addi %mul3A_517, %mul3A_519 : i32
        %get3A_521 = arith.index_cast %add3A_520 : i32 to index
        %get3A_522 = tpu.vector_load %arg10[%get3A_521] {strides = array<i32>} : memref<10240xf32, #tpu.memory_space<vmem>>, vector<16xf32>,
        %sub3A_523 = vector.broadcast %squeeze3A_19 : f32 to vector<16xf32>
        %sub3A_524 = arith.subf %get3A_522, %sub3A_523 : vector<16xf32>
        %get3A_525 = arith.index_cast %add3A_520 : i32 to index
        %get3A_526 = tpu.vector_load %arg11[%get3A_525] {strides = array<i32>} : memref<10240xf32, #tpu.memory_space<vmem>>, vector<16xf32>,
        %sub3A_527 = vector.broadcast %squeeze3A_23 : f32 to vector<16xf32>
        %sub3A_528 = arith.subf %get3A_526, %sub3A_527 : vector<16xf32>
        %get3A_529 = arith.index_cast %add3A_520 : i32 to index
        %get3A_530 = tpu.vector_load %arg12[%get3A_529] {strides = array<i32>} : memref<10240xf32, #tpu.memory_space<vmem>>, vector<16xf32>,
        %sub3A_531 = vector.broadcast %squeeze3A_27 : f32 to vector<16xf32>
        %sub3A_532 = arith.subf %get3A_530, %sub3A_531 : vector<16xf32>
        %mul3A_533 = arith.mulf %sub3A_524, %sub3A_524 : vector<16xf32>
        %mul3A_534 = arith.mulf %sub3A_528, %sub3A_528 : vector<16xf32>
        %add3A_535 = arith.addf %mul3A_533, %mul3A_534 : vector<16xf32>
        %mul3A_536 = arith.mulf %sub3A_532, %sub3A_532 : vector<16xf32>
        %add3A_537 = arith.addf %add3A_535, %mul3A_536 : vector<16xf32>
        %swap3A_538 = arith.index_cast %add3A_520 : i32 to index
        %swap3A_539 = tpu.vector_load %arg16[%swap3A_538] {strides = array<i32>} : memref<10240xf32, #tpu.memory_space<vmem>>, vector<16xf32>,
        tpu.vector_store %arg16[%swap3A_538], %add3A_537 {strides = array<i32>} : memref<10240xf32, #tpu.memory_space<vmem>>, vector<16xf32>,
        %min3A_540 = arith.minimumf %min3A_514, %add3A_537 : vector<16xf32>
        %scan3A_541 = arith.constant 18 : i32
        %mul3A_542 = arith.constant 320 : i32
        %mul3A_543 = arith.muli %scan3A_71, %mul3A_542 : i32
        %mul3A_544 = arith.constant 16 : i32
        %mul3A_545 = arith.muli %scan3A_541, %mul3A_544 : i32
        %add3A_546 = arith.addi %mul3A_543, %mul3A_545 : i32
        %get3A_547 = arith.index_cast %add3A_546 : i32 to index
        %get3A_548 = tpu.vector_load %arg10[%get3A_547] {strides = array<i32>} : memref<10240xf32, #tpu.memory_space<vmem>>, vector<16xf32>,
        %sub3A_549 = vector.broadcast %squeeze3A_19 : f32 to vector<16xf32>
        %sub3A_550 = arith.subf %get3A_548, %sub3A_549 : vector<16xf32>
        %get3A_551 = arith.index_cast %add3A_546 : i32 to index
        %get3A_552 = tpu.vector_load %arg11[%get3A_551] {strides = array<i32>} : memref<10240xf32, #tpu.memory_space<vmem>>, vector<16xf32>,
        %sub3A_553 = vector.broadcast %squeeze3A_23 : f32 to vector<16xf32>
        %sub3A_554 = arith.subf %get3A_552, %sub3A_553 : vector<16xf32>
        %get3A_555 = arith.index_cast %add3A_546 : i32 to index
        %get3A_556 = tpu.vector_load %arg12[%get3A_555] {strides = array<i32>} : memref<10240xf32, #tpu.memory_space<vmem>>, vector<16xf32>,
        %sub3A_557 = vector.broadcast %squeeze3A_27 : f32 to vector<16xf32>
        %sub3A_558 = arith.subf %get3A_556, %sub3A_557 : vector<16xf32>
        %mul3A_559 = arith.mulf %sub3A_550, %sub3A_550 : vector<16xf32>
        %mul3A_560 = arith.mulf %sub3A_554, %sub3A_554 : vector<16xf32>
        %add3A_561 = arith.addf %mul3A_559, %mul3A_560 : vector<16xf32>
        %mul3A_562 = arith.mulf %sub3A_558, %sub3A_558 : vector<16xf32>
        %add3A_563 = arith.addf %add3A_561, %mul3A_562 : vector<16xf32>
        %swap3A_564 = arith.index_cast %add3A_546 : i32 to index
        %swap3A_565 = tpu.vector_load %arg16[%swap3A_564] {strides = array<i32>} : memref<10240xf32, #tpu.memory_space<vmem>>, vector<16xf32>,
        tpu.vector_store %arg16[%swap3A_564], %add3A_563 {strides = array<i32>} : memref<10240xf32, #tpu.memory_space<vmem>>, vector<16xf32>,
        %min3A_566 = arith.minimumf %min3A_540, %add3A_563 : vector<16xf32>
        %scan3A_567 = arith.constant 19 : i32
        %mul3A_568 = arith.constant 320 : i32
        %mul3A_569 = arith.muli %scan3A_71, %mul3A_568 : i32
        %mul3A_570 = arith.constant 16 : i32
        %mul3A_571 = arith.muli %scan3A_567, %mul3A_570 : i32
        %add3A_572 = arith.addi %mul3A_569, %mul3A_571 : i32
        %get3A_573 = arith.index_cast %add3A_572 : i32 to index
        %get3A_574 = tpu.vector_load %arg10[%get3A_573] {strides = array<i32>} : memref<10240xf32, #tpu.memory_space<vmem>>, vector<16xf32>,
        %sub3A_575 = vector.broadcast %squeeze3A_19 : f32 to vector<16xf32>
        %sub3A_576 = arith.subf %get3A_574, %sub3A_575 : vector<16xf32>
        %get3A_577 = arith.index_cast %add3A_572 : i32 to index
        %get3A_578 = tpu.vector_load %arg11[%get3A_577] {strides = array<i32>} : memref<10240xf32, #tpu.memory_space<vmem>>, vector<16xf32>,
        %sub3A_579 = vector.broadcast %squeeze3A_23 : f32 to vector<16xf32>
        %sub3A_580 = arith.subf %get3A_578, %sub3A_579 : vector<16xf32>
        %get3A_581 = arith.index_cast %add3A_572 : i32 to index
        %get3A_582 = tpu.vector_load %arg12[%get3A_581] {strides = array<i32>} : memref<10240xf32, #tpu.memory_space<vmem>>, vector<16xf32>,
        %sub3A_583 = vector.broadcast %squeeze3A_27 : f32 to vector<16xf32>
        %sub3A_584 = arith.subf %get3A_582, %sub3A_583 : vector<16xf32>
        %mul3A_585 = arith.mulf %sub3A_576, %sub3A_576 : vector<16xf32>
        %mul3A_586 = arith.mulf %sub3A_580, %sub3A_580 : vector<16xf32>
        %add3A_587 = arith.addf %mul3A_585, %mul3A_586 : vector<16xf32>
        %mul3A_588 = arith.mulf %sub3A_584, %sub3A_584 : vector<16xf32>
        %add3A_589 = arith.addf %add3A_587, %mul3A_588 : vector<16xf32>
        %swap3A_590 = arith.index_cast %add3A_572 : i32 to index
        %swap3A_591 = tpu.vector_load %arg16[%swap3A_590] {strides = array<i32>} : memref<10240xf32, #tpu.memory_space<vmem>>, vector<16xf32>,
        tpu.vector_store %arg16[%swap3A_590], %add3A_589 {strides = array<i32>} : memref<10240xf32, #tpu.memory_space<vmem>>, vector<16xf32>,
        %min3A_592 = arith.minimumf %min3A_566, %add3A_589 : vector<16xf32>
        %scan3A_593 = arith.constant 20 : i32
        %xor3A = arith.constant 8 : i32
        %xor3A_594 = vector.broadcast %xor3A : i32 to vector<16xi32>
        %xor3A_595 = arith.xori %iota3A, %xor3A_594 : vector<16xi32>
        %lt3A = arith.constant 0 : i32
        %lt3A_596 = vector.broadcast %lt3A : i32 to vector<16xi32>
        %lt3A_597 = arith.cmpi slt, %xor3A_595, %lt3A_596 : vector<16xi32>
        %add3A_598 = arith.constant 16 : i32
        %add3A_599 = vector.broadcast %add3A_598 : i32 to vector<16xi32>
        %add3A_600 = arith.addi %xor3A_595, %add3A_599 : vector<16xi32>
        %select_n3A_601 = arith.select %lt3A_597, %add3A_600, %xor3A_595 : vector<16xi1>, vector<16xi32>
        %broadcast_in_dim3A_602 = vector.shape_cast %select_n3A_601 : vector<16xi32> to vector<16x1xi32>
        %gather3A = vector.shape_cast %broadcast_in_dim3A_602 : vector<16x1xi32> to vector<16xi32>
        %gather3A_603 = tpu.dynamic_gather %min3A_592[%gather3A] in [0] : vector<16xf32>, vector<16xi32> -> vector<16xf32>
        %min3A_604 = arith.minimumf %min3A_592, %gather3A_603 : vector<16xf32>
        %xor3A_605 = arith.constant 4 : i32
        %xor3A_606 = vector.broadcast %xor3A_605 : i32 to vector<16xi32>
        %xor3A_607 = arith.xori %iota3A, %xor3A_606 : vector<16xi32>
        %lt3A_608 = arith.constant 0 : i32
        %lt3A_609 = vector.broadcast %lt3A_608 : i32 to vector<16xi32>
        %lt3A_610 = arith.cmpi slt, %xor3A_607, %lt3A_609 : vector<16xi32>
        %add3A_611 = arith.constant 16 : i32
        %add3A_612 = vector.broadcast %add3A_611 : i32 to vector<16xi32>
        %add3A_613 = arith.addi %xor3A_607, %add3A_612 : vector<16xi32>
        %select_n3A_614 = arith.select %lt3A_610, %add3A_613, %xor3A_607 : vector<16xi1>, vector<16xi32>
        %broadcast_in_dim3A_615 = vector.shape_cast %select_n3A_614 : vector<16xi32> to vector<16x1xi32>
        %gather3A_616 = vector.shape_cast %broadcast_in_dim3A_615 : vector<16x1xi32> to vector<16xi32>
        %gather3A_617 = tpu.dynamic_gather %min3A_604[%gather3A_616] in [0] : vector<16xf32>, vector<16xi32> -> vector<16xf32>
        %min3A_618 = arith.minimumf %min3A_604, %gather3A_617 : vector<16xf32>
        %xor3A_619 = arith.constant 2 : i32
        %xor3A_620 = vector.broadcast %xor3A_619 : i32 to vector<16xi32>
        %xor3A_621 = arith.xori %iota3A, %xor3A_620 : vector<16xi32>
        %lt3A_622 = arith.constant 0 : i32
        %lt3A_623 = vector.broadcast %lt3A_622 : i32 to vector<16xi32>
        %lt3A_624 = arith.cmpi slt, %xor3A_621, %lt3A_623 : vector<16xi32>
        %add3A_625 = arith.constant 16 : i32
        %add3A_626 = vector.broadcast %add3A_625 : i32 to vector<16xi32>
        %add3A_627 = arith.addi %xor3A_621, %add3A_626 : vector<16xi32>
        %select_n3A_628 = arith.select %lt3A_624, %add3A_627, %xor3A_621 : vector<16xi1>, vector<16xi32>
        %broadcast_in_dim3A_629 = vector.shape_cast %select_n3A_628 : vector<16xi32> to vector<16x1xi32>
        %gather3A_630 = vector.shape_cast %broadcast_in_dim3A_629 : vector<16x1xi32> to vector<16xi32>
        %gather3A_631 = tpu.dynamic_gather %min3A_618[%gather3A_630] in [0] : vector<16xf32>, vector<16xi32> -> vector<16xf32>
        %min3A_632 = arith.minimumf %min3A_618, %gather3A_631 : vector<16xf32>
        %xor3A_633 = arith.constant 1 : i32
        %xor3A_634 = vector.broadcast %xor3A_633 : i32 to vector<16xi32>
        %xor3A_635 = arith.xori %iota3A, %xor3A_634 : vector<16xi32>
        %lt3A_636 = arith.constant 0 : i32
        %lt3A_637 = vector.broadcast %lt3A_636 : i32 to vector<16xi32>
        %lt3A_638 = arith.cmpi slt, %xor3A_635, %lt3A_637 : vector<16xi32>
        %add3A_639 = arith.constant 16 : i32
        %add3A_640 = vector.broadcast %add3A_639 : i32 to vector<16xi32>
        %add3A_641 = arith.addi %xor3A_635, %add3A_640 : vector<16xi32>
        %select_n3A_642 = arith.select %lt3A_638, %add3A_641, %xor3A_635 : vector<16xi1>, vector<16xi32>
        %broadcast_in_dim3A_643 = vector.shape_cast %select_n3A_642 : vector<16xi32> to vector<16x1xi32>
        %gather3A_644 = vector.shape_cast %broadcast_in_dim3A_643 : vector<16x1xi32> to vector<16xi32>
        %gather3A_645 = tpu.dynamic_gather %min3A_632[%gather3A_644] in [0] : vector<16xf32>, vector<16xi32> -> vector<16xf32>
        %min3A_646 = arith.minimumf %min3A_632, %gather3A_645 : vector<16xf32>
        %slice3A_647 = vector.extract_strided_slice %min3A_646 {offsets = [0], sizes = [1], strides = [1]} : vector<16xf32> to vector<1xf32>
        %squeeze3A_648 = vector.extract %slice3A_647[0] : f32 from vector<1xf32>
        %max3A = arith.maximumf %scan3A_72, %squeeze3A_648 : f32
        scf.yield %max3A : f32
      }
      %scan3A_34 = arith.constant 32 : i32
      %min3A = arith.minimumf %scan3A_33, %squeeze3A : f32
      %scan3A_35 = arith.constant 0 : i32
      %scan3A_36 = arith.constant 0 : i32
      %scan3A_37 = arith.constant 640 : i32
      %scan3A_38 = arith.addi %scan3A_36, %scan3A_37 : i32
      %scan3A_39 = arith.constant 4 : i32
      %scan3A_40 = scf.for %scan3A_71 = %scan3A_36 to %scan3A_38 step %scan3A_39 iter_args(%scan3A_72 = %scan3A_35) -> (i32)  : i32 {
        %mul3A_73 = arith.constant 16 : i32
        %mul3A_74 = arith.muli %scan3A_71, %mul3A_73 : i32
        %get3A_75 = arith.index_cast %mul3A_74 : i32 to index
        %get3A_76 = tpu.vector_load %arg16[%get3A_75] {strides = array<i32>} : memref<10240xf32, #tpu.memory_space<vmem>>, vector<16xf32>,
        %le3A = vector.broadcast %min3A : f32 to vector<16xf32>
        %le3A_77 = arith.cmpf ole, %get3A_76, %le3A : vector<16xf32>
        %convert_element_type3A = arith.extui %le3A_77 : vector<16xi1> to vector<16xi32>
        %broadcast_in_dim3A_78 = arith.constant true
        %broadcast_in_dim3A_79 = vector.broadcast %broadcast_in_dim3A_78 : i1 to vector<16xi1>
        %masked_cumsum3A = tpu.scan <sum>, %convert_element_type3A masked %broadcast_in_dim3A_79 : vector<16xi32>, vector<16xi1> -> vector<16xi32>
        %add3A_80 = vector.broadcast %scan3A_72 : i32 to vector<16xi32>
        %add3A_81 = arith.addi %add3A_80, %masked_cumsum3A : vector<16xi32>
        %sub3A_82 = arith.constant 1 : i32
        %sub3A_83 = vector.broadcast %sub3A_82 : i32 to vector<16xi32>
        %sub3A_84 = arith.subi %add3A_81, %sub3A_83 : vector<16xi32>
        tpu.vector_store_idx %arg17[%sub3A_84], %get3A_76 masked %le3A_77 : memref<10256xf32, #tpu.memory_space<vmem>>[vector<16xi32>], vector<16xf32>, vector<16xi1>
        %mul3A_85 = arith.constant 16 : i32
        %mul3A_86 = arith.muli %scan3A_71, %mul3A_85 : i32
        %add3A_87 = vector.broadcast %mul3A_86 : i32 to vector<16xi32>
        %add3A_88 = arith.addi %add3A_87, %iota3A : vector<16xi32>
        tpu.vector_store_idx %arg18[%sub3A_84], %add3A_88 masked %le3A_77 : memref<10256xi32, #tpu.memory_space<vmem>>[vector<16xi32>], vector<16xi32>, vector<16xi1>
        %all_reduce_population_count3A = tpu.all_reduce %le3A_77 {dim = 0 : i64, kind = #tpu.reduction_kind<sum>} : vector<16xi1> -> vector<16xi32>
        %slice3A_89 = vector.extract_strided_slice %all_reduce_population_count3A {offsets = [0], sizes = [1], strides = [1]} : vector<16xi32> to vector<1xi32>
        %squeeze3A_90 = vector.extract %slice3A_89[0] : i32 from vector<1xi32>
        %add3A_91 = arith.addi %scan3A_72, %squeeze3A_90 : i32
        %scan3A_92 = arith.constant 1 : i32
        %scan3A_93 = arith.addi %scan3A_71, %scan3A_92 : i32
        %mul3A_94 = arith.constant 16 : i32
        %mul3A_95 = arith.muli %scan3A_93, %mul3A_94 : i32
        %get3A_96 = arith.index_cast %mul3A_95 : i32 to index
        %get3A_97 = tpu.vector_load %arg16[%get3A_96] {strides = array<i32>} : memref<10240xf32, #tpu.memory_space<vmem>>, vector<16xf32>,
        %le3A_98 = vector.broadcast %min3A : f32 to vector<16xf32>
        %le3A_99 = arith.cmpf ole, %get3A_97, %le3A_98 : vector<16xf32>
        %convert_element_type3A_100 = arith.extui %le3A_99 : vector<16xi1> to vector<16xi32>
        %broadcast_in_dim3A_101 = arith.constant true
        %broadcast_in_dim3A_102 = vector.broadcast %broadcast_in_dim3A_101 : i1 to vector<16xi1>
        %masked_cumsum3A_103 = tpu.scan <sum>, %convert_element_type3A_100 masked %broadcast_in_dim3A_102 : vector<16xi32>, vector<16xi1> -> vector<16xi32>
        %add3A_104 = vector.broadcast %add3A_91 : i32 to vector<16xi32>
        %add3A_105 = arith.addi %add3A_104, %masked_cumsum3A_103 : vector<16xi32>
        %sub3A_106 = arith.constant 1 : i32
        %sub3A_107 = vector.broadcast %sub3A_106 : i32 to vector<16xi32>
        %sub3A_108 = arith.subi %add3A_105, %sub3A_107 : vector<16xi32>
        tpu.vector_store_idx %arg17[%sub3A_108], %get3A_97 masked %le3A_99 : memref<10256xf32, #tpu.memory_space<vmem>>[vector<16xi32>], vector<16xf32>, vector<16xi1>
        %mul3A_109 = arith.constant 16 : i32
        %mul3A_110 = arith.muli %scan3A_93, %mul3A_109 : i32
        %add3A_111 = vector.broadcast %mul3A_110 : i32 to vector<16xi32>
        %add3A_112 = arith.addi %add3A_111, %iota3A : vector<16xi32>
        tpu.vector_store_idx %arg18[%sub3A_108], %add3A_112 masked %le3A_99 : memref<10256xi32, #tpu.memory_space<vmem>>[vector<16xi32>], vector<16xi32>, vector<16xi1>
        %all_reduce_population_count3A_113 = tpu.all_reduce %le3A_99 {dim = 0 : i64, kind = #tpu.reduction_kind<sum>} : vector<16xi1> -> vector<16xi32>
        %slice3A_114 = vector.extract_strided_slice %all_reduce_population_count3A_113 {offsets = [0], sizes = [1], strides = [1]} : vector<16xi32> to vector<1xi32>
        %squeeze3A_115 = vector.extract %slice3A_114[0] : i32 from vector<1xi32>
        %add3A_116 = arith.addi %add3A_91, %squeeze3A_115 : i32
        %scan3A_117 = arith.constant 2 : i32
        %scan3A_118 = arith.addi %scan3A_71, %scan3A_117 : i32
        %mul3A_119 = arith.constant 16 : i32
        %mul3A_120 = arith.muli %scan3A_118, %mul3A_119 : i32
        %get3A_121 = arith.index_cast %mul3A_120 : i32 to index
        %get3A_122 = tpu.vector_load %arg16[%get3A_121] {strides = array<i32>} : memref<10240xf32, #tpu.memory_space<vmem>>, vector<16xf32>,
        %le3A_123 = vector.broadcast %min3A : f32 to vector<16xf32>
        %le3A_124 = arith.cmpf ole, %get3A_122, %le3A_123 : vector<16xf32>
        %convert_element_type3A_125 = arith.extui %le3A_124 : vector<16xi1> to vector<16xi32>
        %broadcast_in_dim3A_126 = arith.constant true
        %broadcast_in_dim3A_127 = vector.broadcast %broadcast_in_dim3A_126 : i1 to vector<16xi1>
        %masked_cumsum3A_128 = tpu.scan <sum>, %convert_element_type3A_125 masked %broadcast_in_dim3A_127 : vector<16xi32>, vector<16xi1> -> vector<16xi32>
        %add3A_129 = vector.broadcast %add3A_116 : i32 to vector<16xi32>
        %add3A_130 = arith.addi %add3A_129, %masked_cumsum3A_128 : vector<16xi32>
        %sub3A_131 = arith.constant 1 : i32
        %sub3A_132 = vector.broadcast %sub3A_131 : i32 to vector<16xi32>
        %sub3A_133 = arith.subi %add3A_130, %sub3A_132 : vector<16xi32>
        tpu.vector_store_idx %arg17[%sub3A_133], %get3A_122 masked %le3A_124 : memref<10256xf32, #tpu.memory_space<vmem>>[vector<16xi32>], vector<16xf32>, vector<16xi1>
        %mul3A_134 = arith.constant 16 : i32
        %mul3A_135 = arith.muli %scan3A_118, %mul3A_134 : i32
        %add3A_136 = vector.broadcast %mul3A_135 : i32 to vector<16xi32>
        %add3A_137 = arith.addi %add3A_136, %iota3A : vector<16xi32>
        tpu.vector_store_idx %arg18[%sub3A_133], %add3A_137 masked %le3A_124 : memref<10256xi32, #tpu.memory_space<vmem>>[vector<16xi32>], vector<16xi32>, vector<16xi1>
        %all_reduce_population_count3A_138 = tpu.all_reduce %le3A_124 {dim = 0 : i64, kind = #tpu.reduction_kind<sum>} : vector<16xi1> -> vector<16xi32>
        %slice3A_139 = vector.extract_strided_slice %all_reduce_population_count3A_138 {offsets = [0], sizes = [1], strides = [1]} : vector<16xi32> to vector<1xi32>
        %squeeze3A_140 = vector.extract %slice3A_139[0] : i32 from vector<1xi32>
        %add3A_141 = arith.addi %add3A_116, %squeeze3A_140 : i32
        %scan3A_142 = arith.constant 3 : i32
        %scan3A_143 = arith.addi %scan3A_71, %scan3A_142 : i32
        %mul3A_144 = arith.constant 16 : i32
        %mul3A_145 = arith.muli %scan3A_143, %mul3A_144 : i32
        %get3A_146 = arith.index_cast %mul3A_145 : i32 to index
        %get3A_147 = tpu.vector_load %arg16[%get3A_146] {strides = array<i32>} : memref<10240xf32, #tpu.memory_space<vmem>>, vector<16xf32>,
        %le3A_148 = vector.broadcast %min3A : f32 to vector<16xf32>
        %le3A_149 = arith.cmpf ole, %get3A_147, %le3A_148 : vector<16xf32>
        %convert_element_type3A_150 = arith.extui %le3A_149 : vector<16xi1> to vector<16xi32>
        %broadcast_in_dim3A_151 = arith.constant true
        %broadcast_in_dim3A_152 = vector.broadcast %broadcast_in_dim3A_151 : i1 to vector<16xi1>
        %masked_cumsum3A_153 = tpu.scan <sum>, %convert_element_type3A_150 masked %broadcast_in_dim3A_152 : vector<16xi32>, vector<16xi1> -> vector<16xi32>
        %add3A_154 = vector.broadcast %add3A_141 : i32 to vector<16xi32>
        %add3A_155 = arith.addi %add3A_154, %masked_cumsum3A_153 : vector<16xi32>
        %sub3A_156 = arith.constant 1 : i32
        %sub3A_157 = vector.broadcast %sub3A_156 : i32 to vector<16xi32>
        %sub3A_158 = arith.subi %add3A_155, %sub3A_157 : vector<16xi32>
        tpu.vector_store_idx %arg17[%sub3A_158], %get3A_147 masked %le3A_149 : memref<10256xf32, #tpu.memory_space<vmem>>[vector<16xi32>], vector<16xf32>, vector<16xi1>
        %mul3A_159 = arith.constant 16 : i32
        %mul3A_160 = arith.muli %scan3A_143, %mul3A_159 : i32
        %add3A_161 = vector.broadcast %mul3A_160 : i32 to vector<16xi32>
        %add3A_162 = arith.addi %add3A_161, %iota3A : vector<16xi32>
        tpu.vector_store_idx %arg18[%sub3A_158], %add3A_162 masked %le3A_149 : memref<10256xi32, #tpu.memory_space<vmem>>[vector<16xi32>], vector<16xi32>, vector<16xi1>
        %all_reduce_population_count3A_163 = tpu.all_reduce %le3A_149 {dim = 0 : i64, kind = #tpu.reduction_kind<sum>} : vector<16xi1> -> vector<16xi32>
        %slice3A_164 = vector.extract_strided_slice %all_reduce_population_count3A_163 {offsets = [0], sizes = [1], strides = [1]} : vector<16xi32> to vector<1xi32>
        %squeeze3A_165 = vector.extract %slice3A_164[0] : i32 from vector<1xi32>
        %add3A_166 = arith.addi %add3A_141, %squeeze3A_165 : i32
        scf.yield %add3A_166 : i32
      }
      %scan3A_41 = arith.constant 640 : i32
      %swap3A = arith.index_cast %scan3A_40 : i32 to index
      %swap3A_42 = tpu.vector_load %arg17[%swap3A] {strides = array<i32>} : memref<10256xf32, #tpu.memory_space<vmem>>, vector<16xf32>,
      tpu.vector_store %arg17[%swap3A], %broadcast_in_dim3A_4 {strides = array<i32>} : memref<10256xf32, #tpu.memory_space<vmem>>, vector<16xf32>,
      %broadcast_in_dim3A_43 = arith.constant 0 : i32
      %broadcast_in_dim3A_44 = vector.broadcast %broadcast_in_dim3A_43 : i32 to vector<16xi32>
      %swap3A_45 = arith.index_cast %scan3A_40 : i32 to index
      %swap3A_46 = tpu.vector_load %arg18[%swap3A_45] {strides = array<i32>} : memref<10256xi32, #tpu.memory_space<vmem>>, vector<16xi32>,
      tpu.vector_store %arg18[%swap3A_45], %broadcast_in_dim3A_44 {strides = array<i32>} : memref<10256xi32, #tpu.memory_space<vmem>>, vector<16xi32>,
      %jit3A = arith.constant 16 : i32
      %div3A = arith.divsi %scan3A_40, %jit3A : i32
      %sign3A = arith.constant 0 : i32
      %sign3A_47 = arith.cmpi sgt, %scan3A_40, %sign3A : i32
      %sign3A_48 = arith.extui %sign3A_47 : i1 to i32
      %sign3A_49 = arith.constant 0 : i32
      %sign3A_50 = arith.cmpi slt, %scan3A_40, %sign3A_49 : i32
      %sign3A_51 = arith.extui %sign3A_50 : i1 to i32
      %sign3A_52 = arith.subi %sign3A_48, %sign3A_51 : i32
      %sign3A_53 = arith.constant 0 : i32
      %sign3A_54 = arith.cmpi sgt, %jit3A, %sign3A_53 : i32
      %sign3A_55 = arith.extui %sign3A_54 : i1 to i32
      %sign3A_56 = arith.constant 0 : i32
      %sign3A_57 = arith.cmpi slt, %jit3A, %sign3A_56 : i32
      %sign3A_58 = arith.extui %sign3A_57 : i1 to i32
      %sign3A_59 = arith.subi %sign3A_55, %sign3A_58 : i32
      %ne3A = arith.cmpi ne, %sign3A_52, %sign3A_59 : i32
      %rem3A = arith.remsi %scan3A_40, %jit3A : i32
      %ne3A_60 = arith.constant 0 : i32
      %ne3A_61 = arith.cmpi ne, %rem3A, %ne3A_60 : i32
      %and3A = arith.andi %ne3A, %ne3A_61 : i1
      %sub3A = arith.constant 1 : i32
      %sub3A_62 = arith.subi %div3A, %sub3A : i32
      %select_n3A = arith.select %and3A, %sub3A_62, %div3A : i32
      %add3A_63 = arith.constant 1 : i32
      %add3A_64 = arith.addi %select_n3A, %add3A_63 : i32
      %scan3A_65 = arith.constant 0 : i32
      %scan3A_66 = arith.constant 0 : i32
      %scan3A_67 = arith.constant 32 : i32
      %scan3A_68 = arith.addi %scan3A_66, %scan3A_67 : i32
      %scan3A_69 = arith.constant 1 : i32
      scf.for %scan3A_71 = %scan3A_66 to %scan3A_68 step %scan3A_69  : i32 {
        %while3A = arith.constant 0 : i32
        %while3A_72 = arith.subi %add3A_64, %while3A : i32
        %while3A_73 = arith.addi %while3A, %while3A_72 : i32
        %while3A_74 = arith.constant 1 : i32
        %while3A_75 = arith.divsi %while3A_72, %while3A_74 : i32
        %while3A_76 = arith.muli %while3A_75, %while3A_74 : i32
        %while3A_77 = arith.addi %while3A, %while3A_76 : i32
        %while3A_78 = arith.constant 1 : i32
        %while3A_79:3 = scf.for %while3A_272 = %while3A to %while3A_77 step %while3A_78 iter_args(%while3A_273 = %broadcast_in_dim3A_4, %while3A_274 = %broadcast_in_dim3A_6, %while3A_275 = %broadcast_in_dim3A_6) -> (vector<16xf32>, vector<16xi32>, vector<16xi32>)  : i32 {
          %mul3A_276 = arith.constant 16 : i32
          %mul3A_277 = arith.muli %while3A_272, %mul3A_276 : i32
          %get3A_278 = arith.index_cast %mul3A_277 : i32 to index
          %get3A_279 = tpu.vector_load %arg17[%get3A_278] {strides = array<i32>} : memref<10256xf32, #tpu.memory_space<vmem>>, vector<16xf32>,
          %mul3A_280 = arith.constant 16 : i32
          %mul3A_281 = arith.muli %while3A_272, %mul3A_280 : i32
          %get3A_282 = arith.index_cast %mul3A_281 : i32 to index
          %get3A_283 = tpu.vector_load %arg18[%get3A_282] {strides = array<i32>} : memref<10256xi32, #tpu.memory_space<vmem>>, vector<16xi32>,
          %mul3A_284 = arith.constant 16 : i32
          %mul3A_285 = arith.muli %while3A_272, %mul3A_284 : i32
          %add3A_286 = vector.broadcast %mul3A_285 : i32 to vector<16xi32>
          %add3A_287 = arith.addi %add3A_286, %iota3A : vector<16xi32>
          %lt3A_288 = arith.cmpf olt, %get3A_279, %while3A_273 : vector<16xf32>
          %eq3A_289 = arith.cmpf oeq, %get3A_279, %while3A_273 : vector<16xf32>
          %lt3A_290 = arith.cmpi slt, %get3A_283, %while3A_274 : vector<16xi32>
          %and3A_291 = arith.andi %eq3A_289, %lt3A_290 : vector<16xi1>
          %or3A = arith.ori %lt3A_288, %and3A_291 : vector<16xi1>
          %select_n3A_292 = arith.select %or3A, %get3A_279, %while3A_273 : vector<16xi1>, vector<16xf32>
          %select_n3A_293 = arith.select %or3A, %get3A_283, %while3A_274 : vector<16xi1>, vector<16xi32>
          %select_n3A_294 = arith.select %or3A, %add3A_287, %while3A_275 : vector<16xi1>, vector<16xi32>
          scf.yield %select_n3A_292, %select_n3A_293, %select_n3A_294 : vector<16xf32>, vector<16xi32>, vector<16xi32>
        }
        %while3A_80 = arith.constant 1 : i32
        %while3A_81:3 = scf.for %while3A_272 = %while3A_77 to %while3A_73 step %while3A_80 iter_args(%while3A_273 = %while3A_79#0, %while3A_274 = %while3A_79#1, %while3A_275 = %while3A_79#2) -> (vector<16xf32>, vector<16xi32>, vector<16xi32>)  : i32 {
          %mul3A_276 = arith.constant 16 : i32
          %mul3A_277 = arith.muli %while3A_272, %mul3A_276 : i32
          %get3A_278 = arith.index_cast %mul3A_277 : i32 to index
          %get3A_279 = tpu.vector_load %arg17[%get3A_278] {strides = array<i32>} : memref<10256xf32, #tpu.memory_space<vmem>>, vector<16xf32>,
          %mul3A_280 = arith.constant 16 : i32
          %mul3A_281 = arith.muli %while3A_272, %mul3A_280 : i32
          %get3A_282 = arith.index_cast %mul3A_281 : i32 to index
          %get3A_283 = tpu.vector_load %arg18[%get3A_282] {strides = array<i32>} : memref<10256xi32, #tpu.memory_space<vmem>>, vector<16xi32>,
          %mul3A_284 = arith.constant 16 : i32
          %mul3A_285 = arith.muli %while3A_272, %mul3A_284 : i32
          %add3A_286 = vector.broadcast %mul3A_285 : i32 to vector<16xi32>
          %add3A_287 = arith.addi %add3A_286, %iota3A : vector<16xi32>
          %lt3A_288 = arith.cmpf olt, %get3A_279, %while3A_273 : vector<16xf32>
          %eq3A_289 = arith.cmpf oeq, %get3A_279, %while3A_273 : vector<16xf32>
          %lt3A_290 = arith.cmpi slt, %get3A_283, %while3A_274 : vector<16xi32>
          %and3A_291 = arith.andi %eq3A_289, %lt3A_290 : vector<16xi1>
          %or3A = arith.ori %lt3A_288, %and3A_291 : vector<16xi1>
          %select_n3A_292 = arith.select %or3A, %get3A_279, %while3A_273 : vector<16xi1>, vector<16xf32>
          %select_n3A_293 = arith.select %or3A, %get3A_283, %while3A_274 : vector<16xi1>, vector<16xi32>
          %select_n3A_294 = arith.select %or3A, %add3A_287, %while3A_275 : vector<16xi1>, vector<16xi32>
          scf.yield %select_n3A_292, %select_n3A_293, %select_n3A_294 : vector<16xf32>, vector<16xi32>, vector<16xi32>
        }
        %xor3A = arith.constant 8 : i32
        %xor3A_82 = vector.broadcast %xor3A : i32 to vector<16xi32>
        %xor3A_83 = arith.xori %iota3A, %xor3A_82 : vector<16xi32>
        %lt3A = arith.constant 0 : i32
        %lt3A_84 = vector.broadcast %lt3A : i32 to vector<16xi32>
        %lt3A_85 = arith.cmpi slt, %xor3A_83, %lt3A_84 : vector<16xi32>
        %add3A_86 = arith.constant 16 : i32
        %add3A_87 = vector.broadcast %add3A_86 : i32 to vector<16xi32>
        %add3A_88 = arith.addi %xor3A_83, %add3A_87 : vector<16xi32>
        %select_n3A_89 = arith.select %lt3A_85, %add3A_88, %xor3A_83 : vector<16xi1>, vector<16xi32>
        %broadcast_in_dim3A_90 = vector.shape_cast %select_n3A_89 : vector<16xi32> to vector<16x1xi32>
        %gather3A = vector.shape_cast %broadcast_in_dim3A_90 : vector<16x1xi32> to vector<16xi32>
        %gather3A_91 = tpu.dynamic_gather %while3A_81#0[%gather3A] in [0] : vector<16xf32>, vector<16xi32> -> vector<16xf32>
        %min3A_92 = arith.minimumf %while3A_81#0, %gather3A_91 : vector<16xf32>
        %xor3A_93 = arith.constant 4 : i32
        %xor3A_94 = vector.broadcast %xor3A_93 : i32 to vector<16xi32>
        %xor3A_95 = arith.xori %iota3A, %xor3A_94 : vector<16xi32>
        %lt3A_96 = arith.constant 0 : i32
        %lt3A_97 = vector.broadcast %lt3A_96 : i32 to vector<16xi32>
        %lt3A_98 = arith.cmpi slt, %xor3A_95, %lt3A_97 : vector<16xi32>
        %add3A_99 = arith.constant 16 : i32
        %add3A_100 = vector.broadcast %add3A_99 : i32 to vector<16xi32>
        %add3A_101 = arith.addi %xor3A_95, %add3A_100 : vector<16xi32>
        %select_n3A_102 = arith.select %lt3A_98, %add3A_101, %xor3A_95 : vector<16xi1>, vector<16xi32>
        %broadcast_in_dim3A_103 = vector.shape_cast %select_n3A_102 : vector<16xi32> to vector<16x1xi32>
        %gather3A_104 = vector.shape_cast %broadcast_in_dim3A_103 : vector<16x1xi32> to vector<16xi32>
        %gather3A_105 = tpu.dynamic_gather %min3A_92[%gather3A_104] in [0] : vector<16xf32>, vector<16xi32> -> vector<16xf32>
        %min3A_106 = arith.minimumf %min3A_92, %gather3A_105 : vector<16xf32>
        %xor3A_107 = arith.constant 2 : i32
        %xor3A_108 = vector.broadcast %xor3A_107 : i32 to vector<16xi32>
        %xor3A_109 = arith.xori %iota3A, %xor3A_108 : vector<16xi32>
        %lt3A_110 = arith.constant 0 : i32
        %lt3A_111 = vector.broadcast %lt3A_110 : i32 to vector<16xi32>
        %lt3A_112 = arith.cmpi slt, %xor3A_109, %lt3A_111 : vector<16xi32>
        %add3A_113 = arith.constant 16 : i32
        %add3A_114 = vector.broadcast %add3A_113 : i32 to vector<16xi32>
        %add3A_115 = arith.addi %xor3A_109, %add3A_114 : vector<16xi32>
        %select_n3A_116 = arith.select %lt3A_112, %add3A_115, %xor3A_109 : vector<16xi1>, vector<16xi32>
        %broadcast_in_dim3A_117 = vector.shape_cast %select_n3A_116 : vector<16xi32> to vector<16x1xi32>
        %gather3A_118 = vector.shape_cast %broadcast_in_dim3A_117 : vector<16x1xi32> to vector<16xi32>
        %gather3A_119 = tpu.dynamic_gather %min3A_106[%gather3A_118] in [0] : vector<16xf32>, vector<16xi32> -> vector<16xf32>
        %min3A_120 = arith.minimumf %min3A_106, %gather3A_119 : vector<16xf32>
        %xor3A_121 = arith.constant 1 : i32
        %xor3A_122 = vector.broadcast %xor3A_121 : i32 to vector<16xi32>
        %xor3A_123 = arith.xori %iota3A, %xor3A_122 : vector<16xi32>
        %lt3A_124 = arith.constant 0 : i32
        %lt3A_125 = vector.broadcast %lt3A_124 : i32 to vector<16xi32>
        %lt3A_126 = arith.cmpi slt, %xor3A_123, %lt3A_125 : vector<16xi32>
        %add3A_127 = arith.constant 16 : i32
        %add3A_128 = vector.broadcast %add3A_127 : i32 to vector<16xi32>
        %add3A_129 = arith.addi %xor3A_123, %add3A_128 : vector<16xi32>
        %select_n3A_130 = arith.select %lt3A_126, %add3A_129, %xor3A_123 : vector<16xi1>, vector<16xi32>
        %broadcast_in_dim3A_131 = vector.shape_cast %select_n3A_130 : vector<16xi32> to vector<16x1xi32>
        %gather3A_132 = vector.shape_cast %broadcast_in_dim3A_131 : vector<16x1xi32> to vector<16xi32>
        %gather3A_133 = tpu.dynamic_gather %min3A_120[%gather3A_132] in [0] : vector<16xf32>, vector<16xi32> -> vector<16xf32>
        %min3A_134 = arith.minimumf %min3A_120, %gather3A_133 : vector<16xf32>
        %slice3A_135 = vector.extract_strided_slice %min3A_134 {offsets = [0], sizes = [1], strides = [1]} : vector<16xf32> to vector<1xf32>
        %squeeze3A_136 = vector.extract %slice3A_135[0] : f32 from vector<1xf32>
        %eq3A = vector.broadcast %squeeze3A_136 : f32 to vector<16xf32>
        %eq3A_137 = arith.cmpf oeq, %while3A_81#0, %eq3A : vector<16xf32>
        %broadcast_in_dim3A_138 = vector.broadcast %scan3A_7 : i32 to vector<16xi32>
        %select_n3A_139 = arith.select %eq3A_137, %while3A_81#1, %broadcast_in_dim3A_138 : vector<16xi1>, vector<16xi32>
        %xor3A_140 = arith.constant 8 : i32
        %xor3A_141 = vector.broadcast %xor3A_140 : i32 to vector<16xi32>
        %xor3A_142 = arith.xori %iota3A, %xor3A_141 : vector<16xi32>
        %lt3A_143 = arith.constant 0 : i32
        %lt3A_144 = vector.broadcast %lt3A_143 : i32 to vector<16xi32>
        %lt3A_145 = arith.cmpi slt, %xor3A_142, %lt3A_144 : vector<16xi32>
        %add3A_146 = arith.constant 16 : i32
        %add3A_147 = vector.broadcast %add3A_146 : i32 to vector<16xi32>
        %add3A_148 = arith.addi %xor3A_142, %add3A_147 : vector<16xi32>
        %select_n3A_149 = arith.select %lt3A_145, %add3A_148, %xor3A_142 : vector<16xi1>, vector<16xi32>
        %broadcast_in_dim3A_150 = vector.shape_cast %select_n3A_149 : vector<16xi32> to vector<16x1xi32>
        %gather3A_151 = vector.shape_cast %broadcast_in_dim3A_150 : vector<16x1xi32> to vector<16xi32>
        %gather3A_152 = tpu.dynamic_gather %select_n3A_139[%gather3A_151] in [0] : vector<16xi32>, vector<16xi32> -> vector<16xi32>
        %min3A_153 = arith.minsi %select_n3A_139, %gather3A_152 : vector<16xi32>
        %xor3A_154 = arith.constant 4 : i32
        %xor3A_155 = vector.broadcast %xor3A_154 : i32 to vector<16xi32>
        %xor3A_156 = arith.xori %iota3A, %xor3A_155 : vector<16xi32>
        %lt3A_157 = arith.constant 0 : i32
        %lt3A_158 = vector.broadcast %lt3A_157 : i32 to vector<16xi32>
        %lt3A_159 = arith.cmpi slt, %xor3A_156, %lt3A_158 : vector<16xi32>
        %add3A_160 = arith.constant 16 : i32
        %add3A_161 = vector.broadcast %add3A_160 : i32 to vector<16xi32>
        %add3A_162 = arith.addi %xor3A_156, %add3A_161 : vector<16xi32>
        %select_n3A_163 = arith.select %lt3A_159, %add3A_162, %xor3A_156 : vector<16xi1>, vector<16xi32>
        %broadcast_in_dim3A_164 = vector.shape_cast %select_n3A_163 : vector<16xi32> to vector<16x1xi32>
        %gather3A_165 = vector.shape_cast %broadcast_in_dim3A_164 : vector<16x1xi32> to vector<16xi32>
        %gather3A_166 = tpu.dynamic_gather %min3A_153[%gather3A_165] in [0] : vector<16xi32>, vector<16xi32> -> vector<16xi32>
        %min3A_167 = arith.minsi %min3A_153, %gather3A_166 : vector<16xi32>
        %xor3A_168 = arith.constant 2 : i32
        %xor3A_169 = vector.broadcast %xor3A_168 : i32 to vector<16xi32>
        %xor3A_170 = arith.xori %iota3A, %xor3A_169 : vector<16xi32>
        %lt3A_171 = arith.constant 0 : i32
        %lt3A_172 = vector.broadcast %lt3A_171 : i32 to vector<16xi32>
        %lt3A_173 = arith.cmpi slt, %xor3A_170, %lt3A_172 : vector<16xi32>
        %add3A_174 = arith.constant 16 : i32
        %add3A_175 = vector.broadcast %add3A_174 : i32 to vector<16xi32>
        %add3A_176 = arith.addi %xor3A_170, %add3A_175 : vector<16xi32>
        %select_n3A_177 = arith.select %lt3A_173, %add3A_176, %xor3A_170 : vector<16xi1>, vector<16xi32>
        %broadcast_in_dim3A_178 = vector.shape_cast %select_n3A_177 : vector<16xi32> to vector<16x1xi32>
        %gather3A_179 = vector.shape_cast %broadcast_in_dim3A_178 : vector<16x1xi32> to vector<16xi32>
        %gather3A_180 = tpu.dynamic_gather %min3A_167[%gather3A_179] in [0] : vector<16xi32>, vector<16xi32> -> vector<16xi32>
        %min3A_181 = arith.minsi %min3A_167, %gather3A_180 : vector<16xi32>
        %xor3A_182 = arith.constant 1 : i32
        %xor3A_183 = vector.broadcast %xor3A_182 : i32 to vector<16xi32>
        %xor3A_184 = arith.xori %iota3A, %xor3A_183 : vector<16xi32>
        %lt3A_185 = arith.constant 0 : i32
        %lt3A_186 = vector.broadcast %lt3A_185 : i32 to vector<16xi32>
        %lt3A_187 = arith.cmpi slt, %xor3A_184, %lt3A_186 : vector<16xi32>
        %add3A_188 = arith.constant 16 : i32
        %add3A_189 = vector.broadcast %add3A_188 : i32 to vector<16xi32>
        %add3A_190 = arith.addi %xor3A_184, %add3A_189 : vector<16xi32>
        %select_n3A_191 = arith.select %lt3A_187, %add3A_190, %xor3A_184 : vector<16xi1>, vector<16xi32>
        %broadcast_in_dim3A_192 = vector.shape_cast %select_n3A_191 : vector<16xi32> to vector<16x1xi32>
        %gather3A_193 = vector.shape_cast %broadcast_in_dim3A_192 : vector<16x1xi32> to vector<16xi32>
        %gather3A_194 = tpu.dynamic_gather %min3A_181[%gather3A_193] in [0] : vector<16xi32>, vector<16xi32> -> vector<16xi32>
        %min3A_195 = arith.minsi %min3A_181, %gather3A_194 : vector<16xi32>
        %slice3A_196 = vector.extract_strided_slice %min3A_195 {offsets = [0], sizes = [1], strides = [1]} : vector<16xi32> to vector<1xi32>
        %squeeze3A_197 = vector.extract %slice3A_196[0] : i32 from vector<1xi32>
        %eq3A_198 = vector.broadcast %squeeze3A_136 : f32 to vector<16xf32>
        %eq3A_199 = arith.cmpf oeq, %while3A_81#0, %eq3A_198 : vector<16xf32>
        %eq3A_200 = vector.broadcast %squeeze3A_197 : i32 to vector<16xi32>
        %eq3A_201 = arith.cmpi eq, %while3A_81#1, %eq3A_200 : vector<16xi32>
        %and3A_202 = arith.andi %eq3A_199, %eq3A_201 : vector<16xi1>
        %broadcast_in_dim3A_203 = vector.broadcast %scan3A_7 : i32 to vector<16xi32>
        %select_n3A_204 = arith.select %and3A_202, %while3A_81#2, %broadcast_in_dim3A_203 : vector<16xi1>, vector<16xi32>
        %xor3A_205 = arith.constant 8 : i32
        %xor3A_206 = vector.broadcast %xor3A_205 : i32 to vector<16xi32>
        %xor3A_207 = arith.xori %iota3A, %xor3A_206 : vector<16xi32>
        %lt3A_208 = arith.constant 0 : i32
        %lt3A_209 = vector.broadcast %lt3A_208 : i32 to vector<16xi32>
        %lt3A_210 = arith.cmpi slt, %xor3A_207, %lt3A_209 : vector<16xi32>
        %add3A_211 = arith.constant 16 : i32
        %add3A_212 = vector.broadcast %add3A_211 : i32 to vector<16xi32>
        %add3A_213 = arith.addi %xor3A_207, %add3A_212 : vector<16xi32>
        %select_n3A_214 = arith.select %lt3A_210, %add3A_213, %xor3A_207 : vector<16xi1>, vector<16xi32>
        %broadcast_in_dim3A_215 = vector.shape_cast %select_n3A_214 : vector<16xi32> to vector<16x1xi32>
        %gather3A_216 = vector.shape_cast %broadcast_in_dim3A_215 : vector<16x1xi32> to vector<16xi32>
        %gather3A_217 = tpu.dynamic_gather %select_n3A_204[%gather3A_216] in [0] : vector<16xi32>, vector<16xi32> -> vector<16xi32>
        %min3A_218 = arith.minsi %select_n3A_204, %gather3A_217 : vector<16xi32>
        %xor3A_219 = arith.constant 4 : i32
        %xor3A_220 = vector.broadcast %xor3A_219 : i32 to vector<16xi32>
        %xor3A_221 = arith.xori %iota3A, %xor3A_220 : vector<16xi32>
        %lt3A_222 = arith.constant 0 : i32
        %lt3A_223 = vector.broadcast %lt3A_222 : i32 to vector<16xi32>
        %lt3A_224 = arith.cmpi slt, %xor3A_221, %lt3A_223 : vector<16xi32>
        %add3A_225 = arith.constant 16 : i32
        %add3A_226 = vector.broadcast %add3A_225 : i32 to vector<16xi32>
        %add3A_227 = arith.addi %xor3A_221, %add3A_226 : vector<16xi32>
        %select_n3A_228 = arith.select %lt3A_224, %add3A_227, %xor3A_221 : vector<16xi1>, vector<16xi32>
        %broadcast_in_dim3A_229 = vector.shape_cast %select_n3A_228 : vector<16xi32> to vector<16x1xi32>
        %gather3A_230 = vector.shape_cast %broadcast_in_dim3A_229 : vector<16x1xi32> to vector<16xi32>
        %gather3A_231 = tpu.dynamic_gather %min3A_218[%gather3A_230] in [0] : vector<16xi32>, vector<16xi32> -> vector<16xi32>
        %min3A_232 = arith.minsi %min3A_218, %gather3A_231 : vector<16xi32>
        %xor3A_233 = arith.constant 2 : i32
        %xor3A_234 = vector.broadcast %xor3A_233 : i32 to vector<16xi32>
        %xor3A_235 = arith.xori %iota3A, %xor3A_234 : vector<16xi32>
        %lt3A_236 = arith.constant 0 : i32
        %lt3A_237 = vector.broadcast %lt3A_236 : i32 to vector<16xi32>
        %lt3A_238 = arith.cmpi slt, %xor3A_235, %lt3A_237 : vector<16xi32>
        %add3A_239 = arith.constant 16 : i32
        %add3A_240 = vector.broadcast %add3A_239 : i32 to vector<16xi32>
        %add3A_241 = arith.addi %xor3A_235, %add3A_240 : vector<16xi32>
        %select_n3A_242 = arith.select %lt3A_238, %add3A_241, %xor3A_235 : vector<16xi1>, vector<16xi32>
        %broadcast_in_dim3A_243 = vector.shape_cast %select_n3A_242 : vector<16xi32> to vector<16x1xi32>
        %gather3A_244 = vector.shape_cast %broadcast_in_dim3A_243 : vector<16x1xi32> to vector<16xi32>
        %gather3A_245 = tpu.dynamic_gather %min3A_232[%gather3A_244] in [0] : vector<16xi32>, vector<16xi32> -> vector<16xi32>
        %min3A_246 = arith.minsi %min3A_232, %gather3A_245 : vector<16xi32>
        %xor3A_247 = arith.constant 1 : i32
        %xor3A_248 = vector.broadcast %xor3A_247 : i32 to vector<16xi32>
        %xor3A_249 = arith.xori %iota3A, %xor3A_248 : vector<16xi32>
        %lt3A_250 = arith.constant 0 : i32
        %lt3A_251 = vector.broadcast %lt3A_250 : i32 to vector<16xi32>
        %lt3A_252 = arith.cmpi slt, %xor3A_249, %lt3A_251 : vector<16xi32>
        %add3A_253 = arith.constant 16 : i32
        %add3A_254 = vector.broadcast %add3A_253 : i32 to vector<16xi32>
        %add3A_255 = arith.addi %xor3A_249, %add3A_254 : vector<16xi32>
        %select_n3A_256 = arith.select %lt3A_252, %add3A_255, %xor3A_249 : vector<16xi1>, vector<16xi32>
        %broadcast_in_dim3A_257 = vector.shape_cast %select_n3A_256 : vector<16xi32> to vector<16x1xi32>
        %gather3A_258 = vector.shape_cast %broadcast_in_dim3A_257 : vector<16x1xi32> to vector<16xi32>
        %gather3A_259 = tpu.dynamic_gather %min3A_246[%gather3A_258] in [0] : vector<16xi32>, vector<16xi32> -> vector<16xi32>
        %min3A_260 = arith.minsi %min3A_246, %gather3A_259 : vector<16xi32>
        %slice3A_261 = vector.extract_strided_slice %min3A_260 {offsets = [0], sizes = [1], strides = [1]} : vector<16xi32> to vector<1xi32>
        %squeeze3A_262 = vector.extract %slice3A_261[0] : i32 from vector<1xi32>
        %eq3A_263 = arith.constant 0 : i32
        %eq3A_264 = vector.broadcast %eq3A_263 : i32 to vector<16xi32>
        %eq3A_265 = arith.cmpi eq, %iota3A, %eq3A_264 : vector<16xi32>
        %mul3A_266 = arith.constant 32 : i32
        %mul3A_267 = arith.muli %scan3A_15, %mul3A_266 : i32
        %add3A_268 = arith.addi %mul3A_267, %scan3A_71 : i32
        %broadcast_in_dim3A_269 = vector.broadcast %add3A_268 : i32 to vector<16xi32>
        %broadcast_in_dim3A_270 = vector.broadcast %squeeze3A_197 : i32 to vector<16xi32>
        tpu.vector_store_idx %arg19[%broadcast_in_dim3A_269], %broadcast_in_dim3A_270 masked %eq3A_265 : memref<2560xi32, #tpu.memory_space<vmem>>[vector<16xi32>], vector<16xi32>, vector<16xi1>
        %broadcast_in_dim3A_271 = vector.broadcast %squeeze3A_262 : i32 to vector<16xi32>
        tpu.vector_store_idx %arg17[%broadcast_in_dim3A_271], %broadcast_in_dim3A_4 masked %eq3A_265 : memref<10256xf32, #tpu.memory_space<vmem>>[vector<16xi32>], vector<16xf32>, vector<16xi1>
      }
      %scan3A_70 = arith.constant 32 : i32
    }
    %scan3A_12 = arith.constant 80 : i32
    %mul3A_13 = arith.constant 32 : i32
    %mul3A_14 = arith.muli %mul3A_3, %mul3A_13 : i32
    "tpu.region"() ({
      %run_scoped3A = tpu.sem_alloc : memref<!tpu.dma_semaphore, #tpu.memory_space<semaphore_mem>>
      %dma_start3A = tpu.memref_slice %arg9[%mul3A_14] : memref<81920xi32, #tpu.memory_space<hbm>> -> memref<2560xi32, #tpu.memory_space<hbm>>
      %dma_start3A_15 = tpu.memref_slice %arg9[%mul3A_14] : memref<81920xi32, #tpu.memory_space<hbm>> -> memref<2560xi32, #tpu.memory_space<hbm>>
      tpu.enqueue_dma source(%arg19 : memref<2560xi32, #tpu.memory_space<vmem>>) target(%dma_start3A_15 : memref<2560xi32, #tpu.memory_space<hbm>>) target_semaphore(%run_scoped3A : memref<!tpu.dma_semaphore, #tpu.memory_space<semaphore_mem>>)
      %dma_wait3A = tpu.memref_slice %arg9[%mul3A_14] : memref<81920xi32, #tpu.memory_space<hbm>> -> memref<2560xi32, #tpu.memory_space<hbm>>
      %dma_wait3A_16 = tpu.memref_slice %arg9[%mul3A_14] : memref<81920xi32, #tpu.memory_space<hbm>> -> memref<2560xi32, #tpu.memory_space<hbm>>
      tpu.wait_dma2 semaphore(%run_scoped3A : memref<!tpu.dma_semaphore, #tpu.memory_space<semaphore_mem>>) src(%arg19 : memref<2560xi32, #tpu.memory_space<vmem>>) dst(%dma_wait3A_16 : memref<2560xi32, #tpu.memory_space<hbm>>)
      tpu.yield
    }) : () -> ()
    return
  }
}

#map = affine_map<(d0, d1) -> (0)>
module attributes {stable_mosaic.version = 14 : i64} {
  func.func @_rewritten_body(%arg0: i32, %arg1: i32, %arg2: memref<2560xf32, #tpu.memory_space<hbm>>, %arg3: memref<2560xf32, #tpu.memory_space<hbm>>, %arg4: memref<2560xf32, #tpu.memory_space<hbm>>, %arg5: memref<768xf32, #tpu.memory_space<hbm>>, %arg6: memref<768xf32, #tpu.memory_space<hbm>>, %arg7: memref<768xf32, #tpu.memory_space<hbm>>, %arg8: memref<1xf32, #tpu.memory_space<hbm>>, %arg9: memref<24576xi32, #tpu.memory_space<hbm>>, %arg10: memref<2560xf32, #tpu.memory_space<vmem>>, %arg11: memref<2560xf32, #tpu.memory_space<vmem>>, %arg12: memref<2560xf32, #tpu.memory_space<vmem>>, %arg13: memref<40xf32, #tpu.memory_space<vmem>>, %arg14: memref<40xf32, #tpu.memory_space<vmem>>, %arg15: memref<40xf32, #tpu.memory_space<vmem>>, %arg16: memref<2560xf32, #tpu.memory_space<vmem>>, %arg17: memref<2576xf32, #tpu.memory_space<vmem>>, %arg18: memref<2576xi32, #tpu.memory_space<vmem>>, %arg19: memref<768xi32, #tpu.memory_space<vmem>>) attributes {dimension_semantics = [#tpu.dimension_semantics<core_parallel>, #tpu.dimension_semantics<subcore_parallel>], iteration_bounds = array<i64: 2, 16>, scalar_prefetch = 0 : i64, scratch_operands = 10 : i64, tpu.core_type = #tpu.core_type<sc_vector_subcore>, window_params = [{transform_indices = #map}, {transform_indices = #map}, {transform_indices = #map}, {transform_indices = #map}, {transform_indices = #map}, {transform_indices = #map}, {transform_indices = #map}, {transform_indices = #map}]} {
    %empty_ref3A = memref.alloca() : memref<16xf32, #tpu.memory_space<vmem>>
    "tpu.region"() ({
      %run_scoped3A = tpu.sem_alloc : memref<!tpu.dma_semaphore, #tpu.memory_space<semaphore_mem>>
      %dma_start3A = arith.constant 0 : i32
      %dma_start3A_15 = tpu.memref_slice %empty_ref3A[%dma_start3A] : memref<16xf32, #tpu.memory_space<vmem>> -> memref<1xf32, #tpu.memory_space<vmem>>
      %dma_start3A_16 = arith.constant 0 : i32
      %dma_start3A_17 = tpu.memref_slice %empty_ref3A[%dma_start3A_16] : memref<16xf32, #tpu.memory_space<vmem>> -> memref<1xf32, #tpu.memory_space<vmem>>
      tpu.enqueue_dma source(%arg8 : memref<1xf32, #tpu.memory_space<hbm>>) target(%dma_start3A_17 : memref<1xf32, #tpu.memory_space<vmem>>) target_semaphore(%run_scoped3A : memref<!tpu.dma_semaphore, #tpu.memory_space<semaphore_mem>>)
      %dma_wait3A = arith.constant 0 : i32
      %dma_wait3A_18 = tpu.memref_slice %empty_ref3A[%dma_wait3A] : memref<16xf32, #tpu.memory_space<vmem>> -> memref<1xf32, #tpu.memory_space<vmem>>
      %dma_wait3A_19 = arith.constant 0 : i32
      %dma_wait3A_20 = tpu.memref_slice %empty_ref3A[%dma_wait3A_19] : memref<16xf32, #tpu.memory_space<vmem>> -> memref<1xf32, #tpu.memory_space<vmem>>
      tpu.wait_dma2 semaphore(%run_scoped3A : memref<!tpu.dma_semaphore, #tpu.memory_space<semaphore_mem>>) src(%arg8 : memref<1xf32, #tpu.memory_space<hbm>>) dst(%dma_wait3A_20 : memref<1xf32, #tpu.memory_space<vmem>>)
      tpu.yield
    }) : () -> ()
    %get3A = arith.constant 0 : index
    %get3A_0 = tpu.vector_load %empty_ref3A[%get3A] {strides = array<i32>} : memref<16xf32, #tpu.memory_space<vmem>>, vector<16xf32>,
    %slice3A = vector.extract_strided_slice %get3A_0 {offsets = [0], sizes = [1], strides = [1]} : vector<16xf32> to vector<1xf32>
    %squeeze3A = vector.extract %slice3A[0] : f32 from vector<1xf32>
    %mul3A = arith.constant 2 : i32
    %mul3A_1 = arith.muli %arg1, %mul3A : i32
    %add3A = arith.addi %mul3A_1, %arg0 : i32
    %mul3A_2 = arith.constant 24 : i32
    %mul3A_3 = arith.muli %add3A, %mul3A_2 : i32
    "tpu.region"() ({
      %run_scoped3A = tpu.sem_alloc : memref<!tpu.dma_semaphore, #tpu.memory_space<semaphore_mem>>
      tpu.enqueue_dma source(%arg2 : memref<2560xf32, #tpu.memory_space<hbm>>) target(%arg10 : memref<2560xf32, #tpu.memory_space<vmem>>) target_semaphore(%run_scoped3A : memref<!tpu.dma_semaphore, #tpu.memory_space<semaphore_mem>>)
      tpu.wait_dma2 semaphore(%run_scoped3A : memref<!tpu.dma_semaphore, #tpu.memory_space<semaphore_mem>>) src(%arg2 : memref<2560xf32, #tpu.memory_space<hbm>>) dst(%arg10 : memref<2560xf32, #tpu.memory_space<vmem>>)
      tpu.yield
    }) : () -> ()
    "tpu.region"() ({
      %run_scoped3A = tpu.sem_alloc : memref<!tpu.dma_semaphore, #tpu.memory_space<semaphore_mem>>
      tpu.enqueue_dma source(%arg3 : memref<2560xf32, #tpu.memory_space<hbm>>) target(%arg11 : memref<2560xf32, #tpu.memory_space<vmem>>) target_semaphore(%run_scoped3A : memref<!tpu.dma_semaphore, #tpu.memory_space<semaphore_mem>>)
      tpu.wait_dma2 semaphore(%run_scoped3A : memref<!tpu.dma_semaphore, #tpu.memory_space<semaphore_mem>>) src(%arg3 : memref<2560xf32, #tpu.memory_space<hbm>>) dst(%arg11 : memref<2560xf32, #tpu.memory_space<vmem>>)
      tpu.yield
    }) : () -> ()
    "tpu.region"() ({
      %run_scoped3A = tpu.sem_alloc : memref<!tpu.dma_semaphore, #tpu.memory_space<semaphore_mem>>
      tpu.enqueue_dma source(%arg4 : memref<2560xf32, #tpu.memory_space<hbm>>) target(%arg12 : memref<2560xf32, #tpu.memory_space<vmem>>) target_semaphore(%run_scoped3A : memref<!tpu.dma_semaphore, #tpu.memory_space<semaphore_mem>>)
      tpu.wait_dma2 semaphore(%run_scoped3A : memref<!tpu.dma_semaphore, #tpu.memory_space<semaphore_mem>>) src(%arg4 : memref<2560xf32, #tpu.memory_space<hbm>>) dst(%arg12 : memref<2560xf32, #tpu.memory_space<vmem>>)
      tpu.yield
    }) : () -> ()
    "tpu.region"() ({
      %run_scoped3A = tpu.sem_alloc : memref<!tpu.dma_semaphore, #tpu.memory_space<semaphore_mem>>
      %dma_start3A = arith.constant 0 : i32
      %dma_start3A_15 = tpu.memref_slice %arg13[%dma_start3A] : memref<40xf32, #tpu.memory_space<vmem>> -> memref<24xf32, #tpu.memory_space<vmem>>
      %dma_start3A_16 = tpu.memref_slice %arg5[%mul3A_3] : memref<768xf32, #tpu.memory_space<hbm>> -> memref<24xf32, #tpu.memory_space<hbm>>
      %dma_start3A_17 = arith.constant 0 : i32
      %dma_start3A_18 = tpu.memref_slice %arg13[%dma_start3A_17] : memref<40xf32, #tpu.memory_space<vmem>> -> memref<24xf32, #tpu.memory_space<vmem>>
      %dma_start3A_19 = tpu.memref_slice %arg5[%mul3A_3] : memref<768xf32, #tpu.memory_space<hbm>> -> memref<24xf32, #tpu.memory_space<hbm>>
      tpu.enqueue_dma source(%dma_start3A_19 : memref<24xf32, #tpu.memory_space<hbm>>) target(%dma_start3A_18 : memref<24xf32, #tpu.memory_space<vmem>>) target_semaphore(%run_scoped3A : memref<!tpu.dma_semaphore, #tpu.memory_space<semaphore_mem>>)
      %dma_wait3A = arith.constant 0 : i32
      %dma_wait3A_20 = tpu.memref_slice %arg13[%dma_wait3A] : memref<40xf32, #tpu.memory_space<vmem>> -> memref<24xf32, #tpu.memory_space<vmem>>
      %dma_wait3A_21 = tpu.memref_slice %arg5[%mul3A_3] : memref<768xf32, #tpu.memory_space<hbm>> -> memref<24xf32, #tpu.memory_space<hbm>>
      %dma_wait3A_22 = arith.constant 0 : i32
      %dma_wait3A_23 = tpu.memref_slice %arg13[%dma_wait3A_22] : memref<40xf32, #tpu.memory_space<vmem>> -> memref<24xf32, #tpu.memory_space<vmem>>
      %dma_wait3A_24 = tpu.memref_slice %arg5[%mul3A_3] : memref<768xf32, #tpu.memory_space<hbm>> -> memref<24xf32, #tpu.memory_space<hbm>>
      tpu.wait_dma2 semaphore(%run_scoped3A : memref<!tpu.dma_semaphore, #tpu.memory_space<semaphore_mem>>) src(%dma_wait3A_24 : memref<24xf32, #tpu.memory_space<hbm>>) dst(%dma_wait3A_23 : memref<24xf32, #tpu.memory_space<vmem>>)
      tpu.yield
    }) : () -> ()
    "tpu.region"() ({
      %run_scoped3A = tpu.sem_alloc : memref<!tpu.dma_semaphore, #tpu.memory_space<semaphore_mem>>
      %dma_start3A = arith.constant 0 : i32
      %dma_start3A_15 = tpu.memref_slice %arg14[%dma_start3A] : memref<40xf32, #tpu.memory_space<vmem>> -> memref<24xf32, #tpu.memory_space<vmem>>
      %dma_start3A_16 = tpu.memref_slice %arg6[%mul3A_3] : memref<768xf32, #tpu.memory_space<hbm>> -> memref<24xf32, #tpu.memory_space<hbm>>
      %dma_start3A_17 = arith.constant 0 : i32
      %dma_start3A_18 = tpu.memref_slice %arg14[%dma_start3A_17] : memref<40xf32, #tpu.memory_space<vmem>> -> memref<24xf32, #tpu.memory_space<vmem>>
      %dma_start3A_19 = tpu.memref_slice %arg6[%mul3A_3] : memref<768xf32, #tpu.memory_space<hbm>> -> memref<24xf32, #tpu.memory_space<hbm>>
      tpu.enqueue_dma source(%dma_start3A_19 : memref<24xf32, #tpu.memory_space<hbm>>) target(%dma_start3A_18 : memref<24xf32, #tpu.memory_space<vmem>>) target_semaphore(%run_scoped3A : memref<!tpu.dma_semaphore, #tpu.memory_space<semaphore_mem>>)
      %dma_wait3A = arith.constant 0 : i32
      %dma_wait3A_20 = tpu.memref_slice %arg14[%dma_wait3A] : memref<40xf32, #tpu.memory_space<vmem>> -> memref<24xf32, #tpu.memory_space<vmem>>
      %dma_wait3A_21 = tpu.memref_slice %arg6[%mul3A_3] : memref<768xf32, #tpu.memory_space<hbm>> -> memref<24xf32, #tpu.memory_space<hbm>>
      %dma_wait3A_22 = arith.constant 0 : i32
      %dma_wait3A_23 = tpu.memref_slice %arg14[%dma_wait3A_22] : memref<40xf32, #tpu.memory_space<vmem>> -> memref<24xf32, #tpu.memory_space<vmem>>
      %dma_wait3A_24 = tpu.memref_slice %arg6[%mul3A_3] : memref<768xf32, #tpu.memory_space<hbm>> -> memref<24xf32, #tpu.memory_space<hbm>>
      tpu.wait_dma2 semaphore(%run_scoped3A : memref<!tpu.dma_semaphore, #tpu.memory_space<semaphore_mem>>) src(%dma_wait3A_24 : memref<24xf32, #tpu.memory_space<hbm>>) dst(%dma_wait3A_23 : memref<24xf32, #tpu.memory_space<vmem>>)
      tpu.yield
    }) : () -> ()
    "tpu.region"() ({
      %run_scoped3A = tpu.sem_alloc : memref<!tpu.dma_semaphore, #tpu.memory_space<semaphore_mem>>
      %dma_start3A = arith.constant 0 : i32
      %dma_start3A_15 = tpu.memref_slice %arg15[%dma_start3A] : memref<40xf32, #tpu.memory_space<vmem>> -> memref<24xf32, #tpu.memory_space<vmem>>
      %dma_start3A_16 = tpu.memref_slice %arg7[%mul3A_3] : memref<768xf32, #tpu.memory_space<hbm>> -> memref<24xf32, #tpu.memory_space<hbm>>
      %dma_start3A_17 = arith.constant 0 : i32
      %dma_start3A_18 = tpu.memref_slice %arg15[%dma_start3A_17] : memref<40xf32, #tpu.memory_space<vmem>> -> memref<24xf32, #tpu.memory_space<vmem>>
      %dma_start3A_19 = tpu.memref_slice %arg7[%mul3A_3] : memref<768xf32, #tpu.memory_space<hbm>> -> memref<24xf32, #tpu.memory_space<hbm>>
      tpu.enqueue_dma source(%dma_start3A_19 : memref<24xf32, #tpu.memory_space<hbm>>) target(%dma_start3A_18 : memref<24xf32, #tpu.memory_space<vmem>>) target_semaphore(%run_scoped3A : memref<!tpu.dma_semaphore, #tpu.memory_space<semaphore_mem>>)
      %dma_wait3A = arith.constant 0 : i32
      %dma_wait3A_20 = tpu.memref_slice %arg15[%dma_wait3A] : memref<40xf32, #tpu.memory_space<vmem>> -> memref<24xf32, #tpu.memory_space<vmem>>
      %dma_wait3A_21 = tpu.memref_slice %arg7[%mul3A_3] : memref<768xf32, #tpu.memory_space<hbm>> -> memref<24xf32, #tpu.memory_space<hbm>>
      %dma_wait3A_22 = arith.constant 0 : i32
      %dma_wait3A_23 = tpu.memref_slice %arg15[%dma_wait3A_22] : memref<40xf32, #tpu.memory_space<vmem>> -> memref<24xf32, #tpu.memory_space<vmem>>
      %dma_wait3A_24 = tpu.memref_slice %arg7[%mul3A_3] : memref<768xf32, #tpu.memory_space<hbm>> -> memref<24xf32, #tpu.memory_space<hbm>>
      tpu.wait_dma2 semaphore(%run_scoped3A : memref<!tpu.dma_semaphore, #tpu.memory_space<semaphore_mem>>) src(%dma_wait3A_24 : memref<24xf32, #tpu.memory_space<hbm>>) dst(%dma_wait3A_23 : memref<24xf32, #tpu.memory_space<vmem>>)
      tpu.yield
    }) : () -> ()
    %iota3A = tpu.iota {dimensions = array<i32: 0>} : vector<16xi32>
    %broadcast_in_dim3A = arith.constant 0x7F800000 : f32
    %broadcast_in_dim3A_4 = vector.broadcast %broadcast_in_dim3A : f32 to vector<16xf32>
    %broadcast_in_dim3A_5 = arith.constant 2147483647 : i32
    %broadcast_in_dim3A_6 = vector.broadcast %broadcast_in_dim3A_5 : i32 to vector<16xi32>
    %scan3A = arith.constant 0 : i32
    %scan3A_7 = arith.constant 2147483647 : i32
    %scan3A_8 = arith.constant 0 : i32
    %scan3A_9 = arith.constant 24 : i32
    %scan3A_10 = arith.addi %scan3A_8, %scan3A_9 : i32
    %scan3A_11 = arith.constant 1 : i32
    scf.for %scan3A_15 = %scan3A_8 to %scan3A_10 step %scan3A_11  : i32 {
      %get3A_16 = arith.index_cast %scan3A_15 : i32 to index
      %get3A_17 = tpu.vector_load %arg13[%get3A_16] {strides = array<i32>} : memref<40xf32, #tpu.memory_space<vmem>>, vector<16xf32>,
      %slice3A_18 = vector.extract_strided_slice %get3A_17 {offsets = [0], sizes = [1], strides = [1]} : vector<16xf32> to vector<1xf32>
      %squeeze3A_19 = vector.extract %slice3A_18[0] : f32 from vector<1xf32>
      %get3A_20 = arith.index_cast %scan3A_15 : i32 to index
      %get3A_21 = tpu.vector_load %arg14[%get3A_20] {strides = array<i32>} : memref<40xf32, #tpu.memory_space<vmem>>, vector<16xf32>,
      %slice3A_22 = vector.extract_strided_slice %get3A_21 {offsets = [0], sizes = [1], strides = [1]} : vector<16xf32> to vector<1xf32>
      %squeeze3A_23 = vector.extract %slice3A_22[0] : f32 from vector<1xf32>
      %get3A_24 = arith.index_cast %scan3A_15 : i32 to index
      %get3A_25 = tpu.vector_load %arg15[%get3A_24] {strides = array<i32>} : memref<40xf32, #tpu.memory_space<vmem>>, vector<16xf32>,
      %slice3A_26 = vector.extract_strided_slice %get3A_25 {offsets = [0], sizes = [1], strides = [1]} : vector<16xf32> to vector<1xf32>
      %squeeze3A_27 = vector.extract %slice3A_26[0] : f32 from vector<1xf32>
      %scan3A_28 = arith.constant 0xFF800000 : f32
      %scan3A_29 = arith.constant 0 : i32
      %scan3A_30 = arith.constant 32 : i32
      %scan3A_31 = arith.addi %scan3A_29, %scan3A_30 : i32
      %scan3A_32 = arith.constant 1 : i32
      %scan3A_33 = scf.for %scan3A_71 = %scan3A_29 to %scan3A_31 step %scan3A_32 iter_args(%scan3A_72 = %scan3A_28) -> (f32)  : i32 {
        %scan3A_73 = arith.constant 0 : i32
        %mul3A_74 = arith.constant 80 : i32
        %mul3A_75 = arith.muli %scan3A_71, %mul3A_74 : i32
        %mul3A_76 = arith.constant 16 : i32
        %mul3A_77 = arith.muli %scan3A_73, %mul3A_76 : i32
        %add3A_78 = arith.addi %mul3A_75, %mul3A_77 : i32
        %get3A_79 = arith.index_cast %add3A_78 : i32 to index
        %get3A_80 = tpu.vector_load %arg10[%get3A_79] {strides = array<i32>} : memref<2560xf32, #tpu.memory_space<vmem>>, vector<16xf32>,
        %sub3A_81 = vector.broadcast %squeeze3A_19 : f32 to vector<16xf32>
        %sub3A_82 = arith.subf %get3A_80, %sub3A_81 : vector<16xf32>
        %get3A_83 = arith.index_cast %add3A_78 : i32 to index
        %get3A_84 = tpu.vector_load %arg11[%get3A_83] {strides = array<i32>} : memref<2560xf32, #tpu.memory_space<vmem>>, vector<16xf32>,
        %sub3A_85 = vector.broadcast %squeeze3A_23 : f32 to vector<16xf32>
        %sub3A_86 = arith.subf %get3A_84, %sub3A_85 : vector<16xf32>
        %get3A_87 = arith.index_cast %add3A_78 : i32 to index
        %get3A_88 = tpu.vector_load %arg12[%get3A_87] {strides = array<i32>} : memref<2560xf32, #tpu.memory_space<vmem>>, vector<16xf32>,
        %sub3A_89 = vector.broadcast %squeeze3A_27 : f32 to vector<16xf32>
        %sub3A_90 = arith.subf %get3A_88, %sub3A_89 : vector<16xf32>
        %mul3A_91 = arith.mulf %sub3A_82, %sub3A_82 : vector<16xf32>
        %mul3A_92 = arith.mulf %sub3A_86, %sub3A_86 : vector<16xf32>
        %add3A_93 = arith.addf %mul3A_91, %mul3A_92 : vector<16xf32>
        %mul3A_94 = arith.mulf %sub3A_90, %sub3A_90 : vector<16xf32>
        %add3A_95 = arith.addf %add3A_93, %mul3A_94 : vector<16xf32>
        %swap3A_96 = arith.index_cast %add3A_78 : i32 to index
        %swap3A_97 = tpu.vector_load %arg16[%swap3A_96] {strides = array<i32>} : memref<2560xf32, #tpu.memory_space<vmem>>, vector<16xf32>,
        tpu.vector_store %arg16[%swap3A_96], %add3A_95 {strides = array<i32>} : memref<2560xf32, #tpu.memory_space<vmem>>, vector<16xf32>,
        %min3A_98 = arith.minimumf %broadcast_in_dim3A_4, %add3A_95 : vector<16xf32>
        %scan3A_99 = arith.constant 1 : i32
        %mul3A_100 = arith.constant 80 : i32
        %mul3A_101 = arith.muli %scan3A_71, %mul3A_100 : i32
        %mul3A_102 = arith.constant 16 : i32
        %mul3A_103 = arith.muli %scan3A_99, %mul3A_102 : i32
        %add3A_104 = arith.addi %mul3A_101, %mul3A_103 : i32
        %get3A_105 = arith.index_cast %add3A_104 : i32 to index
        %get3A_106 = tpu.vector_load %arg10[%get3A_105] {strides = array<i32>} : memref<2560xf32, #tpu.memory_space<vmem>>, vector<16xf32>,
        %sub3A_107 = vector.broadcast %squeeze3A_19 : f32 to vector<16xf32>
        %sub3A_108 = arith.subf %get3A_106, %sub3A_107 : vector<16xf32>
        %get3A_109 = arith.index_cast %add3A_104 : i32 to index
        %get3A_110 = tpu.vector_load %arg11[%get3A_109] {strides = array<i32>} : memref<2560xf32, #tpu.memory_space<vmem>>, vector<16xf32>,
        %sub3A_111 = vector.broadcast %squeeze3A_23 : f32 to vector<16xf32>
        %sub3A_112 = arith.subf %get3A_110, %sub3A_111 : vector<16xf32>
        %get3A_113 = arith.index_cast %add3A_104 : i32 to index
        %get3A_114 = tpu.vector_load %arg12[%get3A_113] {strides = array<i32>} : memref<2560xf32, #tpu.memory_space<vmem>>, vector<16xf32>,
        %sub3A_115 = vector.broadcast %squeeze3A_27 : f32 to vector<16xf32>
        %sub3A_116 = arith.subf %get3A_114, %sub3A_115 : vector<16xf32>
        %mul3A_117 = arith.mulf %sub3A_108, %sub3A_108 : vector<16xf32>
        %mul3A_118 = arith.mulf %sub3A_112, %sub3A_112 : vector<16xf32>
        %add3A_119 = arith.addf %mul3A_117, %mul3A_118 : vector<16xf32>
        %mul3A_120 = arith.mulf %sub3A_116, %sub3A_116 : vector<16xf32>
        %add3A_121 = arith.addf %add3A_119, %mul3A_120 : vector<16xf32>
        %swap3A_122 = arith.index_cast %add3A_104 : i32 to index
        %swap3A_123 = tpu.vector_load %arg16[%swap3A_122] {strides = array<i32>} : memref<2560xf32, #tpu.memory_space<vmem>>, vector<16xf32>,
        tpu.vector_store %arg16[%swap3A_122], %add3A_121 {strides = array<i32>} : memref<2560xf32, #tpu.memory_space<vmem>>, vector<16xf32>,
        %min3A_124 = arith.minimumf %min3A_98, %add3A_121 : vector<16xf32>
        %scan3A_125 = arith.constant 2 : i32
        %mul3A_126 = arith.constant 80 : i32
        %mul3A_127 = arith.muli %scan3A_71, %mul3A_126 : i32
        %mul3A_128 = arith.constant 16 : i32
        %mul3A_129 = arith.muli %scan3A_125, %mul3A_128 : i32
        %add3A_130 = arith.addi %mul3A_127, %mul3A_129 : i32
        %get3A_131 = arith.index_cast %add3A_130 : i32 to index
        %get3A_132 = tpu.vector_load %arg10[%get3A_131] {strides = array<i32>} : memref<2560xf32, #tpu.memory_space<vmem>>, vector<16xf32>,
        %sub3A_133 = vector.broadcast %squeeze3A_19 : f32 to vector<16xf32>
        %sub3A_134 = arith.subf %get3A_132, %sub3A_133 : vector<16xf32>
        %get3A_135 = arith.index_cast %add3A_130 : i32 to index
        %get3A_136 = tpu.vector_load %arg11[%get3A_135] {strides = array<i32>} : memref<2560xf32, #tpu.memory_space<vmem>>, vector<16xf32>,
        %sub3A_137 = vector.broadcast %squeeze3A_23 : f32 to vector<16xf32>
        %sub3A_138 = arith.subf %get3A_136, %sub3A_137 : vector<16xf32>
        %get3A_139 = arith.index_cast %add3A_130 : i32 to index
        %get3A_140 = tpu.vector_load %arg12[%get3A_139] {strides = array<i32>} : memref<2560xf32, #tpu.memory_space<vmem>>, vector<16xf32>,
        %sub3A_141 = vector.broadcast %squeeze3A_27 : f32 to vector<16xf32>
        %sub3A_142 = arith.subf %get3A_140, %sub3A_141 : vector<16xf32>
        %mul3A_143 = arith.mulf %sub3A_134, %sub3A_134 : vector<16xf32>
        %mul3A_144 = arith.mulf %sub3A_138, %sub3A_138 : vector<16xf32>
        %add3A_145 = arith.addf %mul3A_143, %mul3A_144 : vector<16xf32>
        %mul3A_146 = arith.mulf %sub3A_142, %sub3A_142 : vector<16xf32>
        %add3A_147 = arith.addf %add3A_145, %mul3A_146 : vector<16xf32>
        %swap3A_148 = arith.index_cast %add3A_130 : i32 to index
        %swap3A_149 = tpu.vector_load %arg16[%swap3A_148] {strides = array<i32>} : memref<2560xf32, #tpu.memory_space<vmem>>, vector<16xf32>,
        tpu.vector_store %arg16[%swap3A_148], %add3A_147 {strides = array<i32>} : memref<2560xf32, #tpu.memory_space<vmem>>, vector<16xf32>,
        %min3A_150 = arith.minimumf %min3A_124, %add3A_147 : vector<16xf32>
        %scan3A_151 = arith.constant 3 : i32
        %mul3A_152 = arith.constant 80 : i32
        %mul3A_153 = arith.muli %scan3A_71, %mul3A_152 : i32
        %mul3A_154 = arith.constant 16 : i32
        %mul3A_155 = arith.muli %scan3A_151, %mul3A_154 : i32
        %add3A_156 = arith.addi %mul3A_153, %mul3A_155 : i32
        %get3A_157 = arith.index_cast %add3A_156 : i32 to index
        %get3A_158 = tpu.vector_load %arg10[%get3A_157] {strides = array<i32>} : memref<2560xf32, #tpu.memory_space<vmem>>, vector<16xf32>,
        %sub3A_159 = vector.broadcast %squeeze3A_19 : f32 to vector<16xf32>
        %sub3A_160 = arith.subf %get3A_158, %sub3A_159 : vector<16xf32>
        %get3A_161 = arith.index_cast %add3A_156 : i32 to index
        %get3A_162 = tpu.vector_load %arg11[%get3A_161] {strides = array<i32>} : memref<2560xf32, #tpu.memory_space<vmem>>, vector<16xf32>,
        %sub3A_163 = vector.broadcast %squeeze3A_23 : f32 to vector<16xf32>
        %sub3A_164 = arith.subf %get3A_162, %sub3A_163 : vector<16xf32>
        %get3A_165 = arith.index_cast %add3A_156 : i32 to index
        %get3A_166 = tpu.vector_load %arg12[%get3A_165] {strides = array<i32>} : memref<2560xf32, #tpu.memory_space<vmem>>, vector<16xf32>,
        %sub3A_167 = vector.broadcast %squeeze3A_27 : f32 to vector<16xf32>
        %sub3A_168 = arith.subf %get3A_166, %sub3A_167 : vector<16xf32>
        %mul3A_169 = arith.mulf %sub3A_160, %sub3A_160 : vector<16xf32>
        %mul3A_170 = arith.mulf %sub3A_164, %sub3A_164 : vector<16xf32>
        %add3A_171 = arith.addf %mul3A_169, %mul3A_170 : vector<16xf32>
        %mul3A_172 = arith.mulf %sub3A_168, %sub3A_168 : vector<16xf32>
        %add3A_173 = arith.addf %add3A_171, %mul3A_172 : vector<16xf32>
        %swap3A_174 = arith.index_cast %add3A_156 : i32 to index
        %swap3A_175 = tpu.vector_load %arg16[%swap3A_174] {strides = array<i32>} : memref<2560xf32, #tpu.memory_space<vmem>>, vector<16xf32>,
        tpu.vector_store %arg16[%swap3A_174], %add3A_173 {strides = array<i32>} : memref<2560xf32, #tpu.memory_space<vmem>>, vector<16xf32>,
        %min3A_176 = arith.minimumf %min3A_150, %add3A_173 : vector<16xf32>
        %scan3A_177 = arith.constant 4 : i32
        %mul3A_178 = arith.constant 80 : i32
        %mul3A_179 = arith.muli %scan3A_71, %mul3A_178 : i32
        %mul3A_180 = arith.constant 16 : i32
        %mul3A_181 = arith.muli %scan3A_177, %mul3A_180 : i32
        %add3A_182 = arith.addi %mul3A_179, %mul3A_181 : i32
        %get3A_183 = arith.index_cast %add3A_182 : i32 to index
        %get3A_184 = tpu.vector_load %arg10[%get3A_183] {strides = array<i32>} : memref<2560xf32, #tpu.memory_space<vmem>>, vector<16xf32>,
        %sub3A_185 = vector.broadcast %squeeze3A_19 : f32 to vector<16xf32>
        %sub3A_186 = arith.subf %get3A_184, %sub3A_185 : vector<16xf32>
        %get3A_187 = arith.index_cast %add3A_182 : i32 to index
        %get3A_188 = tpu.vector_load %arg11[%get3A_187] {strides = array<i32>} : memref<2560xf32, #tpu.memory_space<vmem>>, vector<16xf32>,
        %sub3A_189 = vector.broadcast %squeeze3A_23 : f32 to vector<16xf32>
        %sub3A_190 = arith.subf %get3A_188, %sub3A_189 : vector<16xf32>
        %get3A_191 = arith.index_cast %add3A_182 : i32 to index
        %get3A_192 = tpu.vector_load %arg12[%get3A_191] {strides = array<i32>} : memref<2560xf32, #tpu.memory_space<vmem>>, vector<16xf32>,
        %sub3A_193 = vector.broadcast %squeeze3A_27 : f32 to vector<16xf32>
        %sub3A_194 = arith.subf %get3A_192, %sub3A_193 : vector<16xf32>
        %mul3A_195 = arith.mulf %sub3A_186, %sub3A_186 : vector<16xf32>
        %mul3A_196 = arith.mulf %sub3A_190, %sub3A_190 : vector<16xf32>
        %add3A_197 = arith.addf %mul3A_195, %mul3A_196 : vector<16xf32>
        %mul3A_198 = arith.mulf %sub3A_194, %sub3A_194 : vector<16xf32>
        %add3A_199 = arith.addf %add3A_197, %mul3A_198 : vector<16xf32>
        %swap3A_200 = arith.index_cast %add3A_182 : i32 to index
        %swap3A_201 = tpu.vector_load %arg16[%swap3A_200] {strides = array<i32>} : memref<2560xf32, #tpu.memory_space<vmem>>, vector<16xf32>,
        tpu.vector_store %arg16[%swap3A_200], %add3A_199 {strides = array<i32>} : memref<2560xf32, #tpu.memory_space<vmem>>, vector<16xf32>,
        %min3A_202 = arith.minimumf %min3A_176, %add3A_199 : vector<16xf32>
        %scan3A_203 = arith.constant 5 : i32
        %xor3A = arith.constant 8 : i32
        %xor3A_204 = vector.broadcast %xor3A : i32 to vector<16xi32>
        %xor3A_205 = arith.xori %iota3A, %xor3A_204 : vector<16xi32>
        %lt3A = arith.constant 0 : i32
        %lt3A_206 = vector.broadcast %lt3A : i32 to vector<16xi32>
        %lt3A_207 = arith.cmpi slt, %xor3A_205, %lt3A_206 : vector<16xi32>
        %add3A_208 = arith.constant 16 : i32
        %add3A_209 = vector.broadcast %add3A_208 : i32 to vector<16xi32>
        %add3A_210 = arith.addi %xor3A_205, %add3A_209 : vector<16xi32>
        %select_n3A_211 = arith.select %lt3A_207, %add3A_210, %xor3A_205 : vector<16xi1>, vector<16xi32>
        %broadcast_in_dim3A_212 = vector.shape_cast %select_n3A_211 : vector<16xi32> to vector<16x1xi32>
        %gather3A = vector.shape_cast %broadcast_in_dim3A_212 : vector<16x1xi32> to vector<16xi32>
        %gather3A_213 = tpu.dynamic_gather %min3A_202[%gather3A] in [0] : vector<16xf32>, vector<16xi32> -> vector<16xf32>
        %min3A_214 = arith.minimumf %min3A_202, %gather3A_213 : vector<16xf32>
        %xor3A_215 = arith.constant 4 : i32
        %xor3A_216 = vector.broadcast %xor3A_215 : i32 to vector<16xi32>
        %xor3A_217 = arith.xori %iota3A, %xor3A_216 : vector<16xi32>
        %lt3A_218 = arith.constant 0 : i32
        %lt3A_219 = vector.broadcast %lt3A_218 : i32 to vector<16xi32>
        %lt3A_220 = arith.cmpi slt, %xor3A_217, %lt3A_219 : vector<16xi32>
        %add3A_221 = arith.constant 16 : i32
        %add3A_222 = vector.broadcast %add3A_221 : i32 to vector<16xi32>
        %add3A_223 = arith.addi %xor3A_217, %add3A_222 : vector<16xi32>
        %select_n3A_224 = arith.select %lt3A_220, %add3A_223, %xor3A_217 : vector<16xi1>, vector<16xi32>
        %broadcast_in_dim3A_225 = vector.shape_cast %select_n3A_224 : vector<16xi32> to vector<16x1xi32>
        %gather3A_226 = vector.shape_cast %broadcast_in_dim3A_225 : vector<16x1xi32> to vector<16xi32>
        %gather3A_227 = tpu.dynamic_gather %min3A_214[%gather3A_226] in [0] : vector<16xf32>, vector<16xi32> -> vector<16xf32>
        %min3A_228 = arith.minimumf %min3A_214, %gather3A_227 : vector<16xf32>
        %xor3A_229 = arith.constant 2 : i32
        %xor3A_230 = vector.broadcast %xor3A_229 : i32 to vector<16xi32>
        %xor3A_231 = arith.xori %iota3A, %xor3A_230 : vector<16xi32>
        %lt3A_232 = arith.constant 0 : i32
        %lt3A_233 = vector.broadcast %lt3A_232 : i32 to vector<16xi32>
        %lt3A_234 = arith.cmpi slt, %xor3A_231, %lt3A_233 : vector<16xi32>
        %add3A_235 = arith.constant 16 : i32
        %add3A_236 = vector.broadcast %add3A_235 : i32 to vector<16xi32>
        %add3A_237 = arith.addi %xor3A_231, %add3A_236 : vector<16xi32>
        %select_n3A_238 = arith.select %lt3A_234, %add3A_237, %xor3A_231 : vector<16xi1>, vector<16xi32>
        %broadcast_in_dim3A_239 = vector.shape_cast %select_n3A_238 : vector<16xi32> to vector<16x1xi32>
        %gather3A_240 = vector.shape_cast %broadcast_in_dim3A_239 : vector<16x1xi32> to vector<16xi32>
        %gather3A_241 = tpu.dynamic_gather %min3A_228[%gather3A_240] in [0] : vector<16xf32>, vector<16xi32> -> vector<16xf32>
        %min3A_242 = arith.minimumf %min3A_228, %gather3A_241 : vector<16xf32>
        %xor3A_243 = arith.constant 1 : i32
        %xor3A_244 = vector.broadcast %xor3A_243 : i32 to vector<16xi32>
        %xor3A_245 = arith.xori %iota3A, %xor3A_244 : vector<16xi32>
        %lt3A_246 = arith.constant 0 : i32
        %lt3A_247 = vector.broadcast %lt3A_246 : i32 to vector<16xi32>
        %lt3A_248 = arith.cmpi slt, %xor3A_245, %lt3A_247 : vector<16xi32>
        %add3A_249 = arith.constant 16 : i32
        %add3A_250 = vector.broadcast %add3A_249 : i32 to vector<16xi32>
        %add3A_251 = arith.addi %xor3A_245, %add3A_250 : vector<16xi32>
        %select_n3A_252 = arith.select %lt3A_248, %add3A_251, %xor3A_245 : vector<16xi1>, vector<16xi32>
        %broadcast_in_dim3A_253 = vector.shape_cast %select_n3A_252 : vector<16xi32> to vector<16x1xi32>
        %gather3A_254 = vector.shape_cast %broadcast_in_dim3A_253 : vector<16x1xi32> to vector<16xi32>
        %gather3A_255 = tpu.dynamic_gather %min3A_242[%gather3A_254] in [0] : vector<16xf32>, vector<16xi32> -> vector<16xf32>
        %min3A_256 = arith.minimumf %min3A_242, %gather3A_255 : vector<16xf32>
        %slice3A_257 = vector.extract_strided_slice %min3A_256 {offsets = [0], sizes = [1], strides = [1]} : vector<16xf32> to vector<1xf32>
        %squeeze3A_258 = vector.extract %slice3A_257[0] : f32 from vector<1xf32>
        %max3A = arith.maximumf %scan3A_72, %squeeze3A_258 : f32
        scf.yield %max3A : f32
      }
      %scan3A_34 = arith.constant 32 : i32
      %min3A = arith.minimumf %scan3A_33, %squeeze3A : f32
      %scan3A_35 = arith.constant 0 : i32
      %scan3A_36 = arith.constant 0 : i32
      %scan3A_37 = arith.constant 160 : i32
      %scan3A_38 = arith.addi %scan3A_36, %scan3A_37 : i32
      %scan3A_39 = arith.constant 4 : i32
      %scan3A_40 = scf.for %scan3A_71 = %scan3A_36 to %scan3A_38 step %scan3A_39 iter_args(%scan3A_72 = %scan3A_35) -> (i32)  : i32 {
        %mul3A_73 = arith.constant 16 : i32
        %mul3A_74 = arith.muli %scan3A_71, %mul3A_73 : i32
        %get3A_75 = arith.index_cast %mul3A_74 : i32 to index
        %get3A_76 = tpu.vector_load %arg16[%get3A_75] {strides = array<i32>} : memref<2560xf32, #tpu.memory_space<vmem>>, vector<16xf32>,
        %le3A = vector.broadcast %min3A : f32 to vector<16xf32>
        %le3A_77 = arith.cmpf ole, %get3A_76, %le3A : vector<16xf32>
        %convert_element_type3A = arith.extui %le3A_77 : vector<16xi1> to vector<16xi32>
        %broadcast_in_dim3A_78 = arith.constant true
        %broadcast_in_dim3A_79 = vector.broadcast %broadcast_in_dim3A_78 : i1 to vector<16xi1>
        %masked_cumsum3A = tpu.scan <sum>, %convert_element_type3A masked %broadcast_in_dim3A_79 : vector<16xi32>, vector<16xi1> -> vector<16xi32>
        %add3A_80 = vector.broadcast %scan3A_72 : i32 to vector<16xi32>
        %add3A_81 = arith.addi %add3A_80, %masked_cumsum3A : vector<16xi32>
        %sub3A_82 = arith.constant 1 : i32
        %sub3A_83 = vector.broadcast %sub3A_82 : i32 to vector<16xi32>
        %sub3A_84 = arith.subi %add3A_81, %sub3A_83 : vector<16xi32>
        tpu.vector_store_idx %arg17[%sub3A_84], %get3A_76 masked %le3A_77 : memref<2576xf32, #tpu.memory_space<vmem>>[vector<16xi32>], vector<16xf32>, vector<16xi1>
        %mul3A_85 = arith.constant 16 : i32
        %mul3A_86 = arith.muli %scan3A_71, %mul3A_85 : i32
        %add3A_87 = vector.broadcast %mul3A_86 : i32 to vector<16xi32>
        %add3A_88 = arith.addi %add3A_87, %iota3A : vector<16xi32>
        tpu.vector_store_idx %arg18[%sub3A_84], %add3A_88 masked %le3A_77 : memref<2576xi32, #tpu.memory_space<vmem>>[vector<16xi32>], vector<16xi32>, vector<16xi1>
        %all_reduce_population_count3A = tpu.all_reduce %le3A_77 {dim = 0 : i64, kind = #tpu.reduction_kind<sum>} : vector<16xi1> -> vector<16xi32>
        %slice3A_89 = vector.extract_strided_slice %all_reduce_population_count3A {offsets = [0], sizes = [1], strides = [1]} : vector<16xi32> to vector<1xi32>
        %squeeze3A_90 = vector.extract %slice3A_89[0] : i32 from vector<1xi32>
        %add3A_91 = arith.addi %scan3A_72, %squeeze3A_90 : i32
        %scan3A_92 = arith.constant 1 : i32
        %scan3A_93 = arith.addi %scan3A_71, %scan3A_92 : i32
        %mul3A_94 = arith.constant 16 : i32
        %mul3A_95 = arith.muli %scan3A_93, %mul3A_94 : i32
        %get3A_96 = arith.index_cast %mul3A_95 : i32 to index
        %get3A_97 = tpu.vector_load %arg16[%get3A_96] {strides = array<i32>} : memref<2560xf32, #tpu.memory_space<vmem>>, vector<16xf32>,
        %le3A_98 = vector.broadcast %min3A : f32 to vector<16xf32>
        %le3A_99 = arith.cmpf ole, %get3A_97, %le3A_98 : vector<16xf32>
        %convert_element_type3A_100 = arith.extui %le3A_99 : vector<16xi1> to vector<16xi32>
        %broadcast_in_dim3A_101 = arith.constant true
        %broadcast_in_dim3A_102 = vector.broadcast %broadcast_in_dim3A_101 : i1 to vector<16xi1>
        %masked_cumsum3A_103 = tpu.scan <sum>, %convert_element_type3A_100 masked %broadcast_in_dim3A_102 : vector<16xi32>, vector<16xi1> -> vector<16xi32>
        %add3A_104 = vector.broadcast %add3A_91 : i32 to vector<16xi32>
        %add3A_105 = arith.addi %add3A_104, %masked_cumsum3A_103 : vector<16xi32>
        %sub3A_106 = arith.constant 1 : i32
        %sub3A_107 = vector.broadcast %sub3A_106 : i32 to vector<16xi32>
        %sub3A_108 = arith.subi %add3A_105, %sub3A_107 : vector<16xi32>
        tpu.vector_store_idx %arg17[%sub3A_108], %get3A_97 masked %le3A_99 : memref<2576xf32, #tpu.memory_space<vmem>>[vector<16xi32>], vector<16xf32>, vector<16xi1>
        %mul3A_109 = arith.constant 16 : i32
        %mul3A_110 = arith.muli %scan3A_93, %mul3A_109 : i32
        %add3A_111 = vector.broadcast %mul3A_110 : i32 to vector<16xi32>
        %add3A_112 = arith.addi %add3A_111, %iota3A : vector<16xi32>
        tpu.vector_store_idx %arg18[%sub3A_108], %add3A_112 masked %le3A_99 : memref<2576xi32, #tpu.memory_space<vmem>>[vector<16xi32>], vector<16xi32>, vector<16xi1>
        %all_reduce_population_count3A_113 = tpu.all_reduce %le3A_99 {dim = 0 : i64, kind = #tpu.reduction_kind<sum>} : vector<16xi1> -> vector<16xi32>
        %slice3A_114 = vector.extract_strided_slice %all_reduce_population_count3A_113 {offsets = [0], sizes = [1], strides = [1]} : vector<16xi32> to vector<1xi32>
        %squeeze3A_115 = vector.extract %slice3A_114[0] : i32 from vector<1xi32>
        %add3A_116 = arith.addi %add3A_91, %squeeze3A_115 : i32
        %scan3A_117 = arith.constant 2 : i32
        %scan3A_118 = arith.addi %scan3A_71, %scan3A_117 : i32
        %mul3A_119 = arith.constant 16 : i32
        %mul3A_120 = arith.muli %scan3A_118, %mul3A_119 : i32
        %get3A_121 = arith.index_cast %mul3A_120 : i32 to index
        %get3A_122 = tpu.vector_load %arg16[%get3A_121] {strides = array<i32>} : memref<2560xf32, #tpu.memory_space<vmem>>, vector<16xf32>,
        %le3A_123 = vector.broadcast %min3A : f32 to vector<16xf32>
        %le3A_124 = arith.cmpf ole, %get3A_122, %le3A_123 : vector<16xf32>
        %convert_element_type3A_125 = arith.extui %le3A_124 : vector<16xi1> to vector<16xi32>
        %broadcast_in_dim3A_126 = arith.constant true
        %broadcast_in_dim3A_127 = vector.broadcast %broadcast_in_dim3A_126 : i1 to vector<16xi1>
        %masked_cumsum3A_128 = tpu.scan <sum>, %convert_element_type3A_125 masked %broadcast_in_dim3A_127 : vector<16xi32>, vector<16xi1> -> vector<16xi32>
        %add3A_129 = vector.broadcast %add3A_116 : i32 to vector<16xi32>
        %add3A_130 = arith.addi %add3A_129, %masked_cumsum3A_128 : vector<16xi32>
        %sub3A_131 = arith.constant 1 : i32
        %sub3A_132 = vector.broadcast %sub3A_131 : i32 to vector<16xi32>
        %sub3A_133 = arith.subi %add3A_130, %sub3A_132 : vector<16xi32>
        tpu.vector_store_idx %arg17[%sub3A_133], %get3A_122 masked %le3A_124 : memref<2576xf32, #tpu.memory_space<vmem>>[vector<16xi32>], vector<16xf32>, vector<16xi1>
        %mul3A_134 = arith.constant 16 : i32
        %mul3A_135 = arith.muli %scan3A_118, %mul3A_134 : i32
        %add3A_136 = vector.broadcast %mul3A_135 : i32 to vector<16xi32>
        %add3A_137 = arith.addi %add3A_136, %iota3A : vector<16xi32>
        tpu.vector_store_idx %arg18[%sub3A_133], %add3A_137 masked %le3A_124 : memref<2576xi32, #tpu.memory_space<vmem>>[vector<16xi32>], vector<16xi32>, vector<16xi1>
        %all_reduce_population_count3A_138 = tpu.all_reduce %le3A_124 {dim = 0 : i64, kind = #tpu.reduction_kind<sum>} : vector<16xi1> -> vector<16xi32>
        %slice3A_139 = vector.extract_strided_slice %all_reduce_population_count3A_138 {offsets = [0], sizes = [1], strides = [1]} : vector<16xi32> to vector<1xi32>
        %squeeze3A_140 = vector.extract %slice3A_139[0] : i32 from vector<1xi32>
        %add3A_141 = arith.addi %add3A_116, %squeeze3A_140 : i32
        %scan3A_142 = arith.constant 3 : i32
        %scan3A_143 = arith.addi %scan3A_71, %scan3A_142 : i32
        %mul3A_144 = arith.constant 16 : i32
        %mul3A_145 = arith.muli %scan3A_143, %mul3A_144 : i32
        %get3A_146 = arith.index_cast %mul3A_145 : i32 to index
        %get3A_147 = tpu.vector_load %arg16[%get3A_146] {strides = array<i32>} : memref<2560xf32, #tpu.memory_space<vmem>>, vector<16xf32>,
        %le3A_148 = vector.broadcast %min3A : f32 to vector<16xf32>
        %le3A_149 = arith.cmpf ole, %get3A_147, %le3A_148 : vector<16xf32>
        %convert_element_type3A_150 = arith.extui %le3A_149 : vector<16xi1> to vector<16xi32>
        %broadcast_in_dim3A_151 = arith.constant true
        %broadcast_in_dim3A_152 = vector.broadcast %broadcast_in_dim3A_151 : i1 to vector<16xi1>
        %masked_cumsum3A_153 = tpu.scan <sum>, %convert_element_type3A_150 masked %broadcast_in_dim3A_152 : vector<16xi32>, vector<16xi1> -> vector<16xi32>
        %add3A_154 = vector.broadcast %add3A_141 : i32 to vector<16xi32>
        %add3A_155 = arith.addi %add3A_154, %masked_cumsum3A_153 : vector<16xi32>
        %sub3A_156 = arith.constant 1 : i32
        %sub3A_157 = vector.broadcast %sub3A_156 : i32 to vector<16xi32>
        %sub3A_158 = arith.subi %add3A_155, %sub3A_157 : vector<16xi32>
        tpu.vector_store_idx %arg17[%sub3A_158], %get3A_147 masked %le3A_149 : memref<2576xf32, #tpu.memory_space<vmem>>[vector<16xi32>], vector<16xf32>, vector<16xi1>
        %mul3A_159 = arith.constant 16 : i32
        %mul3A_160 = arith.muli %scan3A_143, %mul3A_159 : i32
        %add3A_161 = vector.broadcast %mul3A_160 : i32 to vector<16xi32>
        %add3A_162 = arith.addi %add3A_161, %iota3A : vector<16xi32>
        tpu.vector_store_idx %arg18[%sub3A_158], %add3A_162 masked %le3A_149 : memref<2576xi32, #tpu.memory_space<vmem>>[vector<16xi32>], vector<16xi32>, vector<16xi1>
        %all_reduce_population_count3A_163 = tpu.all_reduce %le3A_149 {dim = 0 : i64, kind = #tpu.reduction_kind<sum>} : vector<16xi1> -> vector<16xi32>
        %slice3A_164 = vector.extract_strided_slice %all_reduce_population_count3A_163 {offsets = [0], sizes = [1], strides = [1]} : vector<16xi32> to vector<1xi32>
        %squeeze3A_165 = vector.extract %slice3A_164[0] : i32 from vector<1xi32>
        %add3A_166 = arith.addi %add3A_141, %squeeze3A_165 : i32
        scf.yield %add3A_166 : i32
      }
      %scan3A_41 = arith.constant 160 : i32
      %swap3A = arith.index_cast %scan3A_40 : i32 to index
      %swap3A_42 = tpu.vector_load %arg17[%swap3A] {strides = array<i32>} : memref<2576xf32, #tpu.memory_space<vmem>>, vector<16xf32>,
      tpu.vector_store %arg17[%swap3A], %broadcast_in_dim3A_4 {strides = array<i32>} : memref<2576xf32, #tpu.memory_space<vmem>>, vector<16xf32>,
      %broadcast_in_dim3A_43 = arith.constant 0 : i32
      %broadcast_in_dim3A_44 = vector.broadcast %broadcast_in_dim3A_43 : i32 to vector<16xi32>
      %swap3A_45 = arith.index_cast %scan3A_40 : i32 to index
      %swap3A_46 = tpu.vector_load %arg18[%swap3A_45] {strides = array<i32>} : memref<2576xi32, #tpu.memory_space<vmem>>, vector<16xi32>,
      tpu.vector_store %arg18[%swap3A_45], %broadcast_in_dim3A_44 {strides = array<i32>} : memref<2576xi32, #tpu.memory_space<vmem>>, vector<16xi32>,
      %jit3A = arith.constant 16 : i32
      %div3A = arith.divsi %scan3A_40, %jit3A : i32
      %sign3A = arith.constant 0 : i32
      %sign3A_47 = arith.cmpi sgt, %scan3A_40, %sign3A : i32
      %sign3A_48 = arith.extui %sign3A_47 : i1 to i32
      %sign3A_49 = arith.constant 0 : i32
      %sign3A_50 = arith.cmpi slt, %scan3A_40, %sign3A_49 : i32
      %sign3A_51 = arith.extui %sign3A_50 : i1 to i32
      %sign3A_52 = arith.subi %sign3A_48, %sign3A_51 : i32
      %sign3A_53 = arith.constant 0 : i32
      %sign3A_54 = arith.cmpi sgt, %jit3A, %sign3A_53 : i32
      %sign3A_55 = arith.extui %sign3A_54 : i1 to i32
      %sign3A_56 = arith.constant 0 : i32
      %sign3A_57 = arith.cmpi slt, %jit3A, %sign3A_56 : i32
      %sign3A_58 = arith.extui %sign3A_57 : i1 to i32
      %sign3A_59 = arith.subi %sign3A_55, %sign3A_58 : i32
      %ne3A = arith.cmpi ne, %sign3A_52, %sign3A_59 : i32
      %rem3A = arith.remsi %scan3A_40, %jit3A : i32
      %ne3A_60 = arith.constant 0 : i32
      %ne3A_61 = arith.cmpi ne, %rem3A, %ne3A_60 : i32
      %and3A = arith.andi %ne3A, %ne3A_61 : i1
      %sub3A = arith.constant 1 : i32
      %sub3A_62 = arith.subi %div3A, %sub3A : i32
      %select_n3A = arith.select %and3A, %sub3A_62, %div3A : i32
      %add3A_63 = arith.constant 1 : i32
      %add3A_64 = arith.addi %select_n3A, %add3A_63 : i32
      %scan3A_65 = arith.constant 0 : i32
      %scan3A_66 = arith.constant 0 : i32
      %scan3A_67 = arith.constant 32 : i32
      %scan3A_68 = arith.addi %scan3A_66, %scan3A_67 : i32
      %scan3A_69 = arith.constant 1 : i32
      scf.for %scan3A_71 = %scan3A_66 to %scan3A_68 step %scan3A_69  : i32 {
        %while3A = arith.constant 0 : i32
        %while3A_72 = arith.subi %add3A_64, %while3A : i32
        %while3A_73 = arith.addi %while3A, %while3A_72 : i32
        %while3A_74 = arith.constant 1 : i32
        %while3A_75 = arith.divsi %while3A_72, %while3A_74 : i32
        %while3A_76 = arith.muli %while3A_75, %while3A_74 : i32
        %while3A_77 = arith.addi %while3A, %while3A_76 : i32
        %while3A_78 = arith.constant 1 : i32
        %while3A_79:3 = scf.for %while3A_272 = %while3A to %while3A_77 step %while3A_78 iter_args(%while3A_273 = %broadcast_in_dim3A_4, %while3A_274 = %broadcast_in_dim3A_6, %while3A_275 = %broadcast_in_dim3A_6) -> (vector<16xf32>, vector<16xi32>, vector<16xi32>)  : i32 {
          %mul3A_276 = arith.constant 16 : i32
          %mul3A_277 = arith.muli %while3A_272, %mul3A_276 : i32
          %get3A_278 = arith.index_cast %mul3A_277 : i32 to index
          %get3A_279 = tpu.vector_load %arg17[%get3A_278] {strides = array<i32>} : memref<2576xf32, #tpu.memory_space<vmem>>, vector<16xf32>,
          %mul3A_280 = arith.constant 16 : i32
          %mul3A_281 = arith.muli %while3A_272, %mul3A_280 : i32
          %get3A_282 = arith.index_cast %mul3A_281 : i32 to index
          %get3A_283 = tpu.vector_load %arg18[%get3A_282] {strides = array<i32>} : memref<2576xi32, #tpu.memory_space<vmem>>, vector<16xi32>,
          %mul3A_284 = arith.constant 16 : i32
          %mul3A_285 = arith.muli %while3A_272, %mul3A_284 : i32
          %add3A_286 = vector.broadcast %mul3A_285 : i32 to vector<16xi32>
          %add3A_287 = arith.addi %add3A_286, %iota3A : vector<16xi32>
          %lt3A_288 = arith.cmpf olt, %get3A_279, %while3A_273 : vector<16xf32>
          %eq3A_289 = arith.cmpf oeq, %get3A_279, %while3A_273 : vector<16xf32>
          %lt3A_290 = arith.cmpi slt, %get3A_283, %while3A_274 : vector<16xi32>
          %and3A_291 = arith.andi %eq3A_289, %lt3A_290 : vector<16xi1>
          %or3A = arith.ori %lt3A_288, %and3A_291 : vector<16xi1>
          %select_n3A_292 = arith.select %or3A, %get3A_279, %while3A_273 : vector<16xi1>, vector<16xf32>
          %select_n3A_293 = arith.select %or3A, %get3A_283, %while3A_274 : vector<16xi1>, vector<16xi32>
          %select_n3A_294 = arith.select %or3A, %add3A_287, %while3A_275 : vector<16xi1>, vector<16xi32>
          scf.yield %select_n3A_292, %select_n3A_293, %select_n3A_294 : vector<16xf32>, vector<16xi32>, vector<16xi32>
        }
        %while3A_80 = arith.constant 1 : i32
        %while3A_81:3 = scf.for %while3A_272 = %while3A_77 to %while3A_73 step %while3A_80 iter_args(%while3A_273 = %while3A_79#0, %while3A_274 = %while3A_79#1, %while3A_275 = %while3A_79#2) -> (vector<16xf32>, vector<16xi32>, vector<16xi32>)  : i32 {
          %mul3A_276 = arith.constant 16 : i32
          %mul3A_277 = arith.muli %while3A_272, %mul3A_276 : i32
          %get3A_278 = arith.index_cast %mul3A_277 : i32 to index
          %get3A_279 = tpu.vector_load %arg17[%get3A_278] {strides = array<i32>} : memref<2576xf32, #tpu.memory_space<vmem>>, vector<16xf32>,
          %mul3A_280 = arith.constant 16 : i32
          %mul3A_281 = arith.muli %while3A_272, %mul3A_280 : i32
          %get3A_282 = arith.index_cast %mul3A_281 : i32 to index
          %get3A_283 = tpu.vector_load %arg18[%get3A_282] {strides = array<i32>} : memref<2576xi32, #tpu.memory_space<vmem>>, vector<16xi32>,
          %mul3A_284 = arith.constant 16 : i32
          %mul3A_285 = arith.muli %while3A_272, %mul3A_284 : i32
          %add3A_286 = vector.broadcast %mul3A_285 : i32 to vector<16xi32>
          %add3A_287 = arith.addi %add3A_286, %iota3A : vector<16xi32>
          %lt3A_288 = arith.cmpf olt, %get3A_279, %while3A_273 : vector<16xf32>
          %eq3A_289 = arith.cmpf oeq, %get3A_279, %while3A_273 : vector<16xf32>
          %lt3A_290 = arith.cmpi slt, %get3A_283, %while3A_274 : vector<16xi32>
          %and3A_291 = arith.andi %eq3A_289, %lt3A_290 : vector<16xi1>
          %or3A = arith.ori %lt3A_288, %and3A_291 : vector<16xi1>
          %select_n3A_292 = arith.select %or3A, %get3A_279, %while3A_273 : vector<16xi1>, vector<16xf32>
          %select_n3A_293 = arith.select %or3A, %get3A_283, %while3A_274 : vector<16xi1>, vector<16xi32>
          %select_n3A_294 = arith.select %or3A, %add3A_287, %while3A_275 : vector<16xi1>, vector<16xi32>
          scf.yield %select_n3A_292, %select_n3A_293, %select_n3A_294 : vector<16xf32>, vector<16xi32>, vector<16xi32>
        }
        %xor3A = arith.constant 8 : i32
        %xor3A_82 = vector.broadcast %xor3A : i32 to vector<16xi32>
        %xor3A_83 = arith.xori %iota3A, %xor3A_82 : vector<16xi32>
        %lt3A = arith.constant 0 : i32
        %lt3A_84 = vector.broadcast %lt3A : i32 to vector<16xi32>
        %lt3A_85 = arith.cmpi slt, %xor3A_83, %lt3A_84 : vector<16xi32>
        %add3A_86 = arith.constant 16 : i32
        %add3A_87 = vector.broadcast %add3A_86 : i32 to vector<16xi32>
        %add3A_88 = arith.addi %xor3A_83, %add3A_87 : vector<16xi32>
        %select_n3A_89 = arith.select %lt3A_85, %add3A_88, %xor3A_83 : vector<16xi1>, vector<16xi32>
        %broadcast_in_dim3A_90 = vector.shape_cast %select_n3A_89 : vector<16xi32> to vector<16x1xi32>
        %gather3A = vector.shape_cast %broadcast_in_dim3A_90 : vector<16x1xi32> to vector<16xi32>
        %gather3A_91 = tpu.dynamic_gather %while3A_81#0[%gather3A] in [0] : vector<16xf32>, vector<16xi32> -> vector<16xf32>
        %min3A_92 = arith.minimumf %while3A_81#0, %gather3A_91 : vector<16xf32>
        %xor3A_93 = arith.constant 4 : i32
        %xor3A_94 = vector.broadcast %xor3A_93 : i32 to vector<16xi32>
        %xor3A_95 = arith.xori %iota3A, %xor3A_94 : vector<16xi32>
        %lt3A_96 = arith.constant 0 : i32
        %lt3A_97 = vector.broadcast %lt3A_96 : i32 to vector<16xi32>
        %lt3A_98 = arith.cmpi slt, %xor3A_95, %lt3A_97 : vector<16xi32>
        %add3A_99 = arith.constant 16 : i32
        %add3A_100 = vector.broadcast %add3A_99 : i32 to vector<16xi32>
        %add3A_101 = arith.addi %xor3A_95, %add3A_100 : vector<16xi32>
        %select_n3A_102 = arith.select %lt3A_98, %add3A_101, %xor3A_95 : vector<16xi1>, vector<16xi32>
        %broadcast_in_dim3A_103 = vector.shape_cast %select_n3A_102 : vector<16xi32> to vector<16x1xi32>
        %gather3A_104 = vector.shape_cast %broadcast_in_dim3A_103 : vector<16x1xi32> to vector<16xi32>
        %gather3A_105 = tpu.dynamic_gather %min3A_92[%gather3A_104] in [0] : vector<16xf32>, vector<16xi32> -> vector<16xf32>
        %min3A_106 = arith.minimumf %min3A_92, %gather3A_105 : vector<16xf32>
        %xor3A_107 = arith.constant 2 : i32
        %xor3A_108 = vector.broadcast %xor3A_107 : i32 to vector<16xi32>
        %xor3A_109 = arith.xori %iota3A, %xor3A_108 : vector<16xi32>
        %lt3A_110 = arith.constant 0 : i32
        %lt3A_111 = vector.broadcast %lt3A_110 : i32 to vector<16xi32>
        %lt3A_112 = arith.cmpi slt, %xor3A_109, %lt3A_111 : vector<16xi32>
        %add3A_113 = arith.constant 16 : i32
        %add3A_114 = vector.broadcast %add3A_113 : i32 to vector<16xi32>
        %add3A_115 = arith.addi %xor3A_109, %add3A_114 : vector<16xi32>
        %select_n3A_116 = arith.select %lt3A_112, %add3A_115, %xor3A_109 : vector<16xi1>, vector<16xi32>
        %broadcast_in_dim3A_117 = vector.shape_cast %select_n3A_116 : vector<16xi32> to vector<16x1xi32>
        %gather3A_118 = vector.shape_cast %broadcast_in_dim3A_117 : vector<16x1xi32> to vector<16xi32>
        %gather3A_119 = tpu.dynamic_gather %min3A_106[%gather3A_118] in [0] : vector<16xf32>, vector<16xi32> -> vector<16xf32>
        %min3A_120 = arith.minimumf %min3A_106, %gather3A_119 : vector<16xf32>
        %xor3A_121 = arith.constant 1 : i32
        %xor3A_122 = vector.broadcast %xor3A_121 : i32 to vector<16xi32>
        %xor3A_123 = arith.xori %iota3A, %xor3A_122 : vector<16xi32>
        %lt3A_124 = arith.constant 0 : i32
        %lt3A_125 = vector.broadcast %lt3A_124 : i32 to vector<16xi32>
        %lt3A_126 = arith.cmpi slt, %xor3A_123, %lt3A_125 : vector<16xi32>
        %add3A_127 = arith.constant 16 : i32
        %add3A_128 = vector.broadcast %add3A_127 : i32 to vector<16xi32>
        %add3A_129 = arith.addi %xor3A_123, %add3A_128 : vector<16xi32>
        %select_n3A_130 = arith.select %lt3A_126, %add3A_129, %xor3A_123 : vector<16xi1>, vector<16xi32>
        %broadcast_in_dim3A_131 = vector.shape_cast %select_n3A_130 : vector<16xi32> to vector<16x1xi32>
        %gather3A_132 = vector.shape_cast %broadcast_in_dim3A_131 : vector<16x1xi32> to vector<16xi32>
        %gather3A_133 = tpu.dynamic_gather %min3A_120[%gather3A_132] in [0] : vector<16xf32>, vector<16xi32> -> vector<16xf32>
        %min3A_134 = arith.minimumf %min3A_120, %gather3A_133 : vector<16xf32>
        %slice3A_135 = vector.extract_strided_slice %min3A_134 {offsets = [0], sizes = [1], strides = [1]} : vector<16xf32> to vector<1xf32>
        %squeeze3A_136 = vector.extract %slice3A_135[0] : f32 from vector<1xf32>
        %eq3A = vector.broadcast %squeeze3A_136 : f32 to vector<16xf32>
        %eq3A_137 = arith.cmpf oeq, %while3A_81#0, %eq3A : vector<16xf32>
        %broadcast_in_dim3A_138 = vector.broadcast %scan3A_7 : i32 to vector<16xi32>
        %select_n3A_139 = arith.select %eq3A_137, %while3A_81#1, %broadcast_in_dim3A_138 : vector<16xi1>, vector<16xi32>
        %xor3A_140 = arith.constant 8 : i32
        %xor3A_141 = vector.broadcast %xor3A_140 : i32 to vector<16xi32>
        %xor3A_142 = arith.xori %iota3A, %xor3A_141 : vector<16xi32>
        %lt3A_143 = arith.constant 0 : i32
        %lt3A_144 = vector.broadcast %lt3A_143 : i32 to vector<16xi32>
        %lt3A_145 = arith.cmpi slt, %xor3A_142, %lt3A_144 : vector<16xi32>
        %add3A_146 = arith.constant 16 : i32
        %add3A_147 = vector.broadcast %add3A_146 : i32 to vector<16xi32>
        %add3A_148 = arith.addi %xor3A_142, %add3A_147 : vector<16xi32>
        %select_n3A_149 = arith.select %lt3A_145, %add3A_148, %xor3A_142 : vector<16xi1>, vector<16xi32>
        %broadcast_in_dim3A_150 = vector.shape_cast %select_n3A_149 : vector<16xi32> to vector<16x1xi32>
        %gather3A_151 = vector.shape_cast %broadcast_in_dim3A_150 : vector<16x1xi32> to vector<16xi32>
        %gather3A_152 = tpu.dynamic_gather %select_n3A_139[%gather3A_151] in [0] : vector<16xi32>, vector<16xi32> -> vector<16xi32>
        %min3A_153 = arith.minsi %select_n3A_139, %gather3A_152 : vector<16xi32>
        %xor3A_154 = arith.constant 4 : i32
        %xor3A_155 = vector.broadcast %xor3A_154 : i32 to vector<16xi32>
        %xor3A_156 = arith.xori %iota3A, %xor3A_155 : vector<16xi32>
        %lt3A_157 = arith.constant 0 : i32
        %lt3A_158 = vector.broadcast %lt3A_157 : i32 to vector<16xi32>
        %lt3A_159 = arith.cmpi slt, %xor3A_156, %lt3A_158 : vector<16xi32>
        %add3A_160 = arith.constant 16 : i32
        %add3A_161 = vector.broadcast %add3A_160 : i32 to vector<16xi32>
        %add3A_162 = arith.addi %xor3A_156, %add3A_161 : vector<16xi32>
        %select_n3A_163 = arith.select %lt3A_159, %add3A_162, %xor3A_156 : vector<16xi1>, vector<16xi32>
        %broadcast_in_dim3A_164 = vector.shape_cast %select_n3A_163 : vector<16xi32> to vector<16x1xi32>
        %gather3A_165 = vector.shape_cast %broadcast_in_dim3A_164 : vector<16x1xi32> to vector<16xi32>
        %gather3A_166 = tpu.dynamic_gather %min3A_153[%gather3A_165] in [0] : vector<16xi32>, vector<16xi32> -> vector<16xi32>
        %min3A_167 = arith.minsi %min3A_153, %gather3A_166 : vector<16xi32>
        %xor3A_168 = arith.constant 2 : i32
        %xor3A_169 = vector.broadcast %xor3A_168 : i32 to vector<16xi32>
        %xor3A_170 = arith.xori %iota3A, %xor3A_169 : vector<16xi32>
        %lt3A_171 = arith.constant 0 : i32
        %lt3A_172 = vector.broadcast %lt3A_171 : i32 to vector<16xi32>
        %lt3A_173 = arith.cmpi slt, %xor3A_170, %lt3A_172 : vector<16xi32>
        %add3A_174 = arith.constant 16 : i32
        %add3A_175 = vector.broadcast %add3A_174 : i32 to vector<16xi32>
        %add3A_176 = arith.addi %xor3A_170, %add3A_175 : vector<16xi32>
        %select_n3A_177 = arith.select %lt3A_173, %add3A_176, %xor3A_170 : vector<16xi1>, vector<16xi32>
        %broadcast_in_dim3A_178 = vector.shape_cast %select_n3A_177 : vector<16xi32> to vector<16x1xi32>
        %gather3A_179 = vector.shape_cast %broadcast_in_dim3A_178 : vector<16x1xi32> to vector<16xi32>
        %gather3A_180 = tpu.dynamic_gather %min3A_167[%gather3A_179] in [0] : vector<16xi32>, vector<16xi32> -> vector<16xi32>
        %min3A_181 = arith.minsi %min3A_167, %gather3A_180 : vector<16xi32>
        %xor3A_182 = arith.constant 1 : i32
        %xor3A_183 = vector.broadcast %xor3A_182 : i32 to vector<16xi32>
        %xor3A_184 = arith.xori %iota3A, %xor3A_183 : vector<16xi32>
        %lt3A_185 = arith.constant 0 : i32
        %lt3A_186 = vector.broadcast %lt3A_185 : i32 to vector<16xi32>
        %lt3A_187 = arith.cmpi slt, %xor3A_184, %lt3A_186 : vector<16xi32>
        %add3A_188 = arith.constant 16 : i32
        %add3A_189 = vector.broadcast %add3A_188 : i32 to vector<16xi32>
        %add3A_190 = arith.addi %xor3A_184, %add3A_189 : vector<16xi32>
        %select_n3A_191 = arith.select %lt3A_187, %add3A_190, %xor3A_184 : vector<16xi1>, vector<16xi32>
        %broadcast_in_dim3A_192 = vector.shape_cast %select_n3A_191 : vector<16xi32> to vector<16x1xi32>
        %gather3A_193 = vector.shape_cast %broadcast_in_dim3A_192 : vector<16x1xi32> to vector<16xi32>
        %gather3A_194 = tpu.dynamic_gather %min3A_181[%gather3A_193] in [0] : vector<16xi32>, vector<16xi32> -> vector<16xi32>
        %min3A_195 = arith.minsi %min3A_181, %gather3A_194 : vector<16xi32>
        %slice3A_196 = vector.extract_strided_slice %min3A_195 {offsets = [0], sizes = [1], strides = [1]} : vector<16xi32> to vector<1xi32>
        %squeeze3A_197 = vector.extract %slice3A_196[0] : i32 from vector<1xi32>
        %eq3A_198 = vector.broadcast %squeeze3A_136 : f32 to vector<16xf32>
        %eq3A_199 = arith.cmpf oeq, %while3A_81#0, %eq3A_198 : vector<16xf32>
        %eq3A_200 = vector.broadcast %squeeze3A_197 : i32 to vector<16xi32>
        %eq3A_201 = arith.cmpi eq, %while3A_81#1, %eq3A_200 : vector<16xi32>
        %and3A_202 = arith.andi %eq3A_199, %eq3A_201 : vector<16xi1>
        %broadcast_in_dim3A_203 = vector.broadcast %scan3A_7 : i32 to vector<16xi32>
        %select_n3A_204 = arith.select %and3A_202, %while3A_81#2, %broadcast_in_dim3A_203 : vector<16xi1>, vector<16xi32>
        %xor3A_205 = arith.constant 8 : i32
        %xor3A_206 = vector.broadcast %xor3A_205 : i32 to vector<16xi32>
        %xor3A_207 = arith.xori %iota3A, %xor3A_206 : vector<16xi32>
        %lt3A_208 = arith.constant 0 : i32
        %lt3A_209 = vector.broadcast %lt3A_208 : i32 to vector<16xi32>
        %lt3A_210 = arith.cmpi slt, %xor3A_207, %lt3A_209 : vector<16xi32>
        %add3A_211 = arith.constant 16 : i32
        %add3A_212 = vector.broadcast %add3A_211 : i32 to vector<16xi32>
        %add3A_213 = arith.addi %xor3A_207, %add3A_212 : vector<16xi32>
        %select_n3A_214 = arith.select %lt3A_210, %add3A_213, %xor3A_207 : vector<16xi1>, vector<16xi32>
        %broadcast_in_dim3A_215 = vector.shape_cast %select_n3A_214 : vector<16xi32> to vector<16x1xi32>
        %gather3A_216 = vector.shape_cast %broadcast_in_dim3A_215 : vector<16x1xi32> to vector<16xi32>
        %gather3A_217 = tpu.dynamic_gather %select_n3A_204[%gather3A_216] in [0] : vector<16xi32>, vector<16xi32> -> vector<16xi32>
        %min3A_218 = arith.minsi %select_n3A_204, %gather3A_217 : vector<16xi32>
        %xor3A_219 = arith.constant 4 : i32
        %xor3A_220 = vector.broadcast %xor3A_219 : i32 to vector<16xi32>
        %xor3A_221 = arith.xori %iota3A, %xor3A_220 : vector<16xi32>
        %lt3A_222 = arith.constant 0 : i32
        %lt3A_223 = vector.broadcast %lt3A_222 : i32 to vector<16xi32>
        %lt3A_224 = arith.cmpi slt, %xor3A_221, %lt3A_223 : vector<16xi32>
        %add3A_225 = arith.constant 16 : i32
        %add3A_226 = vector.broadcast %add3A_225 : i32 to vector<16xi32>
        %add3A_227 = arith.addi %xor3A_221, %add3A_226 : vector<16xi32>
        %select_n3A_228 = arith.select %lt3A_224, %add3A_227, %xor3A_221 : vector<16xi1>, vector<16xi32>
        %broadcast_in_dim3A_229 = vector.shape_cast %select_n3A_228 : vector<16xi32> to vector<16x1xi32>
        %gather3A_230 = vector.shape_cast %broadcast_in_dim3A_229 : vector<16x1xi32> to vector<16xi32>
        %gather3A_231 = tpu.dynamic_gather %min3A_218[%gather3A_230] in [0] : vector<16xi32>, vector<16xi32> -> vector<16xi32>
        %min3A_232 = arith.minsi %min3A_218, %gather3A_231 : vector<16xi32>
        %xor3A_233 = arith.constant 2 : i32
        %xor3A_234 = vector.broadcast %xor3A_233 : i32 to vector<16xi32>
        %xor3A_235 = arith.xori %iota3A, %xor3A_234 : vector<16xi32>
        %lt3A_236 = arith.constant 0 : i32
        %lt3A_237 = vector.broadcast %lt3A_236 : i32 to vector<16xi32>
        %lt3A_238 = arith.cmpi slt, %xor3A_235, %lt3A_237 : vector<16xi32>
        %add3A_239 = arith.constant 16 : i32
        %add3A_240 = vector.broadcast %add3A_239 : i32 to vector<16xi32>
        %add3A_241 = arith.addi %xor3A_235, %add3A_240 : vector<16xi32>
        %select_n3A_242 = arith.select %lt3A_238, %add3A_241, %xor3A_235 : vector<16xi1>, vector<16xi32>
        %broadcast_in_dim3A_243 = vector.shape_cast %select_n3A_242 : vector<16xi32> to vector<16x1xi32>
        %gather3A_244 = vector.shape_cast %broadcast_in_dim3A_243 : vector<16x1xi32> to vector<16xi32>
        %gather3A_245 = tpu.dynamic_gather %min3A_232[%gather3A_244] in [0] : vector<16xi32>, vector<16xi32> -> vector<16xi32>
        %min3A_246 = arith.minsi %min3A_232, %gather3A_245 : vector<16xi32>
        %xor3A_247 = arith.constant 1 : i32
        %xor3A_248 = vector.broadcast %xor3A_247 : i32 to vector<16xi32>
        %xor3A_249 = arith.xori %iota3A, %xor3A_248 : vector<16xi32>
        %lt3A_250 = arith.constant 0 : i32
        %lt3A_251 = vector.broadcast %lt3A_250 : i32 to vector<16xi32>
        %lt3A_252 = arith.cmpi slt, %xor3A_249, %lt3A_251 : vector<16xi32>
        %add3A_253 = arith.constant 16 : i32
        %add3A_254 = vector.broadcast %add3A_253 : i32 to vector<16xi32>
        %add3A_255 = arith.addi %xor3A_249, %add3A_254 : vector<16xi32>
        %select_n3A_256 = arith.select %lt3A_252, %add3A_255, %xor3A_249 : vector<16xi1>, vector<16xi32>
        %broadcast_in_dim3A_257 = vector.shape_cast %select_n3A_256 : vector<16xi32> to vector<16x1xi32>
        %gather3A_258 = vector.shape_cast %broadcast_in_dim3A_257 : vector<16x1xi32> to vector<16xi32>
        %gather3A_259 = tpu.dynamic_gather %min3A_246[%gather3A_258] in [0] : vector<16xi32>, vector<16xi32> -> vector<16xi32>
        %min3A_260 = arith.minsi %min3A_246, %gather3A_259 : vector<16xi32>
        %slice3A_261 = vector.extract_strided_slice %min3A_260 {offsets = [0], sizes = [1], strides = [1]} : vector<16xi32> to vector<1xi32>
        %squeeze3A_262 = vector.extract %slice3A_261[0] : i32 from vector<1xi32>
        %eq3A_263 = arith.constant 0 : i32
        %eq3A_264 = vector.broadcast %eq3A_263 : i32 to vector<16xi32>
        %eq3A_265 = arith.cmpi eq, %iota3A, %eq3A_264 : vector<16xi32>
        %mul3A_266 = arith.constant 32 : i32
        %mul3A_267 = arith.muli %scan3A_15, %mul3A_266 : i32
        %add3A_268 = arith.addi %mul3A_267, %scan3A_71 : i32
        %broadcast_in_dim3A_269 = vector.broadcast %add3A_268 : i32 to vector<16xi32>
        %broadcast_in_dim3A_270 = vector.broadcast %squeeze3A_197 : i32 to vector<16xi32>
        tpu.vector_store_idx %arg19[%broadcast_in_dim3A_269], %broadcast_in_dim3A_270 masked %eq3A_265 : memref<768xi32, #tpu.memory_space<vmem>>[vector<16xi32>], vector<16xi32>, vector<16xi1>
        %broadcast_in_dim3A_271 = vector.broadcast %squeeze3A_262 : i32 to vector<16xi32>
        tpu.vector_store_idx %arg17[%broadcast_in_dim3A_271], %broadcast_in_dim3A_4 masked %eq3A_265 : memref<2576xf32, #tpu.memory_space<vmem>>[vector<16xi32>], vector<16xf32>, vector<16xi1>
      }
      %scan3A_70 = arith.constant 32 : i32
    }
    %scan3A_12 = arith.constant 24 : i32
    %mul3A_13 = arith.constant 32 : i32
    %mul3A_14 = arith.muli %mul3A_3, %mul3A_13 : i32
    "tpu.region"() ({
      %run_scoped3A = tpu.sem_alloc : memref<!tpu.dma_semaphore, #tpu.memory_space<semaphore_mem>>
      %dma_start3A = tpu.memref_slice %arg9[%mul3A_14] : memref<24576xi32, #tpu.memory_space<hbm>> -> memref<768xi32, #tpu.memory_space<hbm>>
      %dma_start3A_15 = tpu.memref_slice %arg9[%mul3A_14] : memref<24576xi32, #tpu.memory_space<hbm>> -> memref<768xi32, #tpu.memory_space<hbm>>
      tpu.enqueue_dma source(%arg19 : memref<768xi32, #tpu.memory_space<vmem>>) target(%dma_start3A_15 : memref<768xi32, #tpu.memory_space<hbm>>) target_semaphore(%run_scoped3A : memref<!tpu.dma_semaphore, #tpu.memory_space<semaphore_mem>>)
      %dma_wait3A = tpu.memref_slice %arg9[%mul3A_14] : memref<24576xi32, #tpu.memory_space<hbm>> -> memref<768xi32, #tpu.memory_space<hbm>>
      %dma_wait3A_16 = tpu.memref_slice %arg9[%mul3A_14] : memref<24576xi32, #tpu.memory_space<hbm>> -> memref<768xi32, #tpu.memory_space<hbm>>
      tpu.wait_dma2 semaphore(%run_scoped3A : memref<!tpu.dma_semaphore, #tpu.memory_space<semaphore_mem>>) src(%arg19 : memref<768xi32, #tpu.memory_space<vmem>>) dst(%dma_wait3A_16 : memref<768xi32, #tpu.memory_space<hbm>>)
      tpu.yield
    }) : () -> ()
    return
  }
}

#map = affine_map<(d0, d1) -> (0, 0)>
#map1 = affine_map<(d0, d1) -> (0)>
module attributes {stable_mosaic.version = 14 : i64} {
  func.func @_sc_gather_body(%arg0: i32, %arg1: i32, %arg2: memref<10240x128xf32, #tpu.memory_space<hbm>>, %arg3: memref<81920xi32, #tpu.memory_space<hbm>>, %arg4: memref<81920x128xf32, #tpu.memory_space<hbm>>, %arg5: memref<128xi32, #tpu.memory_space<vmem>>, %arg6: memref<128x128xf32, #tpu.memory_space<vmem>>, %arg7: memref<!tpu.dma_semaphore, #tpu.memory_space<semaphore_mem>>) attributes {dimension_semantics = [#tpu.dimension_semantics<core_parallel>, #tpu.dimension_semantics<subcore_parallel>], iteration_bounds = array<i64: 2, 16>, scalar_prefetch = 0 : i64, scratch_operands = 3 : i64, tpu.core_type = #tpu.core_type<sc_vector_subcore>, window_params = [{transform_indices = #map}, {transform_indices = #map1}, {transform_indices = #map}]} {
    %mul3A = arith.constant 2 : i32
    %mul3A_0 = arith.muli %arg1, %mul3A : i32
    %add3A = arith.addi %mul3A_0, %arg0 : i32
    %mul3A_1 = arith.constant 2560 : i32
    %mul3A_2 = arith.muli %add3A, %mul3A_1 : i32
    %scan3A = arith.constant 0 : i32
    %scan3A_3 = arith.constant 0 : i32
    %scan3A_4 = arith.constant 20 : i32
    %scan3A_5 = arith.addi %scan3A_3, %scan3A_4 : i32
    %scan3A_6 = arith.constant 1 : i32
    scf.for %scan3A_8 = %scan3A_3 to %scan3A_5 step %scan3A_6  : i32 {
      %mul3A_9 = arith.constant 128 : i32
      %mul3A_10 = arith.muli %scan3A_8, %mul3A_9 : i32
      %add3A_11 = arith.addi %mul3A_2, %mul3A_10 : i32
      "tpu.region"() ({
        %run_scoped3A = tpu.sem_alloc : memref<!tpu.dma_semaphore, #tpu.memory_space<semaphore_mem>>
        %dma_start3A_16 = tpu.memref_slice %arg3[%add3A_11] : memref<81920xi32, #tpu.memory_space<hbm>> -> memref<128xi32, #tpu.memory_space<hbm>>
        %dma_start3A_17 = tpu.memref_slice %arg3[%add3A_11] : memref<81920xi32, #tpu.memory_space<hbm>> -> memref<128xi32, #tpu.memory_space<hbm>>
        tpu.enqueue_dma source(%dma_start3A_17 : memref<128xi32, #tpu.memory_space<hbm>>) target(%arg5 : memref<128xi32, #tpu.memory_space<vmem>>) target_semaphore(%run_scoped3A : memref<!tpu.dma_semaphore, #tpu.memory_space<semaphore_mem>>)
        %dma_wait3A_18 = tpu.memref_slice %arg3[%add3A_11] : memref<81920xi32, #tpu.memory_space<hbm>> -> memref<128xi32, #tpu.memory_space<hbm>>
        %dma_wait3A_19 = tpu.memref_slice %arg3[%add3A_11] : memref<81920xi32, #tpu.memory_space<hbm>> -> memref<128xi32, #tpu.memory_space<hbm>>
        tpu.wait_dma2 semaphore(%run_scoped3A : memref<!tpu.dma_semaphore, #tpu.memory_space<semaphore_mem>>) src(%dma_wait3A_19 : memref<128xi32, #tpu.memory_space<hbm>>) dst(%arg5 : memref<128xi32, #tpu.memory_space<vmem>>)
        tpu.yield
      }) : () -> ()
      %dma_start3A = arith.constant 0 : i32
      %dma_start3A_12 = arith.constant 0 : i32
      %dma_start3A_13 = tpu.memref_slice %arg2[%dma_start3A, %dma_start3A_12] : memref<10240x128xf32, #tpu.memory_space<hbm>> -> memref<10240x128xf32, #tpu.memory_space<hbm>>
      tpu.enqueue_indirect_dma source(%dma_start3A_13 : memref<10240x128xf32, #tpu.memory_space<hbm>>) target(%arg6 : memref<128x128xf32, #tpu.memory_space<vmem>>) offsets(%arg5 : memref<128xi32, #tpu.memory_space<vmem>>) semaphore(%arg7 : memref<!tpu.dma_semaphore, #tpu.memory_space<semaphore_mem>>)
      %dma_wait3A = arith.constant 0 : i32
      %dma_wait3A_14 = arith.constant 0 : i32
      %dma_wait3A_15 = tpu.memref_slice %arg2[%dma_wait3A, %dma_wait3A_14] : memref<10240x128xf32, #tpu.memory_space<hbm>> -> memref<10240x128xf32, #tpu.memory_space<hbm>>
      tpu.wait_indirect_dma semaphore(%arg7 : memref<!tpu.dma_semaphore, #tpu.memory_space<semaphore_mem>>) src(%dma_wait3A_15 : memref<10240x128xf32, #tpu.memory_space<hbm>>) dst(%arg6 : memref<128x128xf32, #tpu.memory_space<vmem>>)
      "tpu.region"() ({
        %run_scoped3A = tpu.sem_alloc : memref<!tpu.dma_semaphore, #tpu.memory_space<semaphore_mem>>
        %dma_start3A_16 = arith.constant 0 : i32
        %dma_start3A_17 = tpu.memref_slice %arg4[%add3A_11, %dma_start3A_16] : memref<81920x128xf32, #tpu.memory_space<hbm>> -> memref<128x128xf32, #tpu.memory_space<hbm>>
        %dma_start3A_18 = arith.constant 0 : i32
        %dma_start3A_19 = tpu.memref_slice %arg4[%add3A_11, %dma_start3A_18] : memref<81920x128xf32, #tpu.memory_space<hbm>> -> memref<128x128xf32, #tpu.memory_space<hbm>>
        tpu.enqueue_dma source(%arg6 : memref<128x128xf32, #tpu.memory_space<vmem>>) target(%dma_start3A_19 : memref<128x128xf32, #tpu.memory_space<hbm>>) target_semaphore(%run_scoped3A : memref<!tpu.dma_semaphore, #tpu.memory_space<semaphore_mem>>)
        %dma_wait3A_20 = arith.constant 0 : i32
        %dma_wait3A_21 = tpu.memref_slice %arg4[%add3A_11, %dma_wait3A_20] : memref<81920x128xf32, #tpu.memory_space<hbm>> -> memref<128x128xf32, #tpu.memory_space<hbm>>
        %dma_wait3A_22 = arith.constant 0 : i32
        %dma_wait3A_23 = tpu.memref_slice %arg4[%add3A_11, %dma_wait3A_22] : memref<81920x128xf32, #tpu.memory_space<hbm>> -> memref<128x128xf32, #tpu.memory_space<hbm>>
        tpu.wait_dma2 semaphore(%run_scoped3A : memref<!tpu.dma_semaphore, #tpu.memory_space<semaphore_mem>>) src(%arg6 : memref<128x128xf32, #tpu.memory_space<vmem>>) dst(%dma_wait3A_23 : memref<128x128xf32, #tpu.memory_space<hbm>>)
        tpu.yield
      }) : () -> ()
    }
    %scan3A_7 = arith.constant 20 : i32
    return
  }
}

#map = affine_map<(d0, d1) -> (0, 0)>
#map1 = affine_map<(d0, d1) -> (0)>
module attributes {stable_mosaic.version = 14 : i64} {
  func.func @_sc_gather_body(%arg0: i32, %arg1: i32, %arg2: memref<2560x256xf32, #tpu.memory_space<hbm>>, %arg3: memref<24576xi32, #tpu.memory_space<hbm>>, %arg4: memref<24576x256xf32, #tpu.memory_space<hbm>>, %arg5: memref<128xi32, #tpu.memory_space<vmem>>, %arg6: memref<128x256xf32, #tpu.memory_space<vmem>>, %arg7: memref<!tpu.dma_semaphore, #tpu.memory_space<semaphore_mem>>) attributes {dimension_semantics = [#tpu.dimension_semantics<core_parallel>, #tpu.dimension_semantics<subcore_parallel>], iteration_bounds = array<i64: 2, 16>, scalar_prefetch = 0 : i64, scratch_operands = 3 : i64, tpu.core_type = #tpu.core_type<sc_vector_subcore>, window_params = [{transform_indices = #map}, {transform_indices = #map1}, {transform_indices = #map}]} {
    %mul3A = arith.constant 2 : i32
    %mul3A_0 = arith.muli %arg1, %mul3A : i32
    %add3A = arith.addi %mul3A_0, %arg0 : i32
    %mul3A_1 = arith.constant 768 : i32
    %mul3A_2 = arith.muli %add3A, %mul3A_1 : i32
    %scan3A = arith.constant 0 : i32
    %scan3A_3 = arith.constant 0 : i32
    %scan3A_4 = arith.constant 6 : i32
    %scan3A_5 = arith.addi %scan3A_3, %scan3A_4 : i32
    %scan3A_6 = arith.constant 1 : i32
    scf.for %scan3A_8 = %scan3A_3 to %scan3A_5 step %scan3A_6  : i32 {
      %mul3A_9 = arith.constant 128 : i32
      %mul3A_10 = arith.muli %scan3A_8, %mul3A_9 : i32
      %add3A_11 = arith.addi %mul3A_2, %mul3A_10 : i32
      "tpu.region"() ({
        %run_scoped3A = tpu.sem_alloc : memref<!tpu.dma_semaphore, #tpu.memory_space<semaphore_mem>>
        %dma_start3A_16 = tpu.memref_slice %arg3[%add3A_11] : memref<24576xi32, #tpu.memory_space<hbm>> -> memref<128xi32, #tpu.memory_space<hbm>>
        %dma_start3A_17 = tpu.memref_slice %arg3[%add3A_11] : memref<24576xi32, #tpu.memory_space<hbm>> -> memref<128xi32, #tpu.memory_space<hbm>>
        tpu.enqueue_dma source(%dma_start3A_17 : memref<128xi32, #tpu.memory_space<hbm>>) target(%arg5 : memref<128xi32, #tpu.memory_space<vmem>>) target_semaphore(%run_scoped3A : memref<!tpu.dma_semaphore, #tpu.memory_space<semaphore_mem>>)
        %dma_wait3A_18 = tpu.memref_slice %arg3[%add3A_11] : memref<24576xi32, #tpu.memory_space<hbm>> -> memref<128xi32, #tpu.memory_space<hbm>>
        %dma_wait3A_19 = tpu.memref_slice %arg3[%add3A_11] : memref<24576xi32, #tpu.memory_space<hbm>> -> memref<128xi32, #tpu.memory_space<hbm>>
        tpu.wait_dma2 semaphore(%run_scoped3A : memref<!tpu.dma_semaphore, #tpu.memory_space<semaphore_mem>>) src(%dma_wait3A_19 : memref<128xi32, #tpu.memory_space<hbm>>) dst(%arg5 : memref<128xi32, #tpu.memory_space<vmem>>)
        tpu.yield
      }) : () -> ()
      %dma_start3A = arith.constant 0 : i32
      %dma_start3A_12 = arith.constant 0 : i32
      %dma_start3A_13 = tpu.memref_slice %arg2[%dma_start3A, %dma_start3A_12] : memref<2560x256xf32, #tpu.memory_space<hbm>> -> memref<2560x256xf32, #tpu.memory_space<hbm>>
      tpu.enqueue_indirect_dma source(%dma_start3A_13 : memref<2560x256xf32, #tpu.memory_space<hbm>>) target(%arg6 : memref<128x256xf32, #tpu.memory_space<vmem>>) offsets(%arg5 : memref<128xi32, #tpu.memory_space<vmem>>) semaphore(%arg7 : memref<!tpu.dma_semaphore, #tpu.memory_space<semaphore_mem>>)
      %dma_wait3A = arith.constant 0 : i32
      %dma_wait3A_14 = arith.constant 0 : i32
      %dma_wait3A_15 = tpu.memref_slice %arg2[%dma_wait3A, %dma_wait3A_14] : memref<2560x256xf32, #tpu.memory_space<hbm>> -> memref<2560x256xf32, #tpu.memory_space<hbm>>
      tpu.wait_indirect_dma semaphore(%arg7 : memref<!tpu.dma_semaphore, #tpu.memory_space<semaphore_mem>>) src(%dma_wait3A_15 : memref<2560x256xf32, #tpu.memory_space<hbm>>) dst(%arg6 : memref<128x256xf32, #tpu.memory_space<vmem>>)
      "tpu.region"() ({
        %run_scoped3A = tpu.sem_alloc : memref<!tpu.dma_semaphore, #tpu.memory_space<semaphore_mem>>
        %dma_start3A_16 = arith.constant 0 : i32
        %dma_start3A_17 = tpu.memref_slice %arg4[%add3A_11, %dma_start3A_16] : memref<24576x256xf32, #tpu.memory_space<hbm>> -> memref<128x256xf32, #tpu.memory_space<hbm>>
        %dma_start3A_18 = arith.constant 0 : i32
        %dma_start3A_19 = tpu.memref_slice %arg4[%add3A_11, %dma_start3A_18] : memref<24576x256xf32, #tpu.memory_space<hbm>> -> memref<128x256xf32, #tpu.memory_space<hbm>>
        tpu.enqueue_dma source(%arg6 : memref<128x256xf32, #tpu.memory_space<vmem>>) target(%dma_start3A_19 : memref<128x256xf32, #tpu.memory_space<hbm>>) target_semaphore(%run_scoped3A : memref<!tpu.dma_semaphore, #tpu.memory_space<semaphore_mem>>)
        %dma_wait3A_20 = arith.constant 0 : i32
        %dma_wait3A_21 = tpu.memref_slice %arg4[%add3A_11, %dma_wait3A_20] : memref<24576x256xf32, #tpu.memory_space<hbm>> -> memref<128x256xf32, #tpu.memory_space<hbm>>
        %dma_wait3A_22 = arith.constant 0 : i32
        %dma_wait3A_23 = tpu.memref_slice %arg4[%add3A_11, %dma_wait3A_22] : memref<24576x256xf32, #tpu.memory_space<hbm>> -> memref<128x256xf32, #tpu.memory_space<hbm>>
        tpu.wait_dma2 semaphore(%run_scoped3A : memref<!tpu.dma_semaphore, #tpu.memory_space<semaphore_mem>>) src(%arg6 : memref<128x256xf32, #tpu.memory_space<vmem>>) dst(%dma_wait3A_23 : memref<128x256xf32, #tpu.memory_space<hbm>>)
        tpu.yield
      }) : () -> ()
    }
    %scan3A_7 = arith.constant 6 : i32
    return
  }
}

module attributes {stable_mosaic.version = 14 : i64} {
  func.func @_fps_body(%arg0: memref<79x128xf32, #tpu.memory_space<vmem>>, %arg1: memref<79x128xf32, #tpu.memory_space<vmem>>, %arg2: memref<79x128xf32, #tpu.memory_space<vmem>>, %arg3: memref<30336xf32, #tpu.memory_space<smem>>, %arg4: memref<2500xi32, #tpu.memory_space<smem>>, %arg5: memref<79x128xf32, #tpu.memory_space<vmem>>) attributes {dimension_semantics = [], scalar_prefetch = 0 : i64, scratch_operands = 1 : i64, tpu.core_type = #tpu.core_type<tc>} {
    %iota3A = tpu.iota {dimensions = array<i32: 0>} : vector<79x128xi32>
    %mul3A = arith.constant 128 : i32
    %mul3A_0 = vector.broadcast %mul3A : i32 to vector<79x128xi32>
    %mul3A_1 = arith.muli %iota3A, %mul3A_0 : vector<79x128xi32>
    %iota3A_2 = tpu.iota {dimensions = array<i32: 1>} : vector<79x128xi32>
    %add3A = arith.addi %mul3A_1, %iota3A_2 : vector<79x128xi32>
    %lt3A = arith.constant 10000 : i32
    %lt3A_3 = vector.broadcast %lt3A : i32 to vector<79x128xi32>
    %lt3A_4 = arith.cmpi slt, %add3A, %lt3A_3 : vector<79x128xi32>
    %jit3A = arith.constant 0x7F800000 : f32
    %jit3A_5 = arith.constant 0xFF800000 : f32
    %broadcast_in_dim3A = vector.broadcast %jit3A : f32 to vector<79x128xf32>
    %broadcast_in_dim3A_6 = vector.broadcast %jit3A_5 : f32 to vector<79x128xf32>
    %select_n3A = arith.select %lt3A_4, %broadcast_in_dim3A, %broadcast_in_dim3A_6 : vector<79x128xi1>, vector<79x128xf32>
    %swap3A = arith.constant 0 : index
    %swap3A_7 = arith.constant 0 : index
    %swap3A_8 = vector.load %arg5[%swap3A, %swap3A_7] : memref<79x128xf32, #tpu.memory_space<vmem>>, vector<79x128xf32>
    tpu.vector_store %arg5[%swap3A, %swap3A_7], %select_n3A {strides = array<i32>} : memref<79x128xf32, #tpu.memory_space<vmem>>, vector<79x128xf32>,
    %swap3A_9 = arith.constant 0 : i32
    %swap3A_10 = arith.constant 0 : index
    %swap3A_11 = memref.load %arg4[%swap3A_10] : memref<2500xi32, #tpu.memory_space<smem>>
    memref.store %swap3A_9, %arg4[%swap3A_10] : memref<2500xi32, #tpu.memory_space<smem>>
    %get3A = arith.constant 0 : index
    %get3A_12 = arith.constant 0 : index
    %get3A_13 = vector.load %arg0[%get3A, %get3A_12] : memref<79x128xf32, #tpu.memory_space<vmem>>, vector<79x128xf32>
    %get3A_14 = arith.constant 0 : index
    %get3A_15 = arith.constant 0 : index
    %get3A_16 = vector.load %arg1[%get3A_14, %get3A_15] : memref<79x128xf32, #tpu.memory_space<vmem>>, vector<79x128xf32>
    %get3A_17 = arith.constant 0 : index
    %get3A_18 = arith.constant 0 : index
    %get3A_19 = vector.load %arg2[%get3A_17, %get3A_18] : memref<79x128xf32, #tpu.memory_space<vmem>>, vector<79x128xf32>
    %scan3A = arith.constant 0 : i32
    %scan3A_20 = arith.constant 0 : i32
    %scan3A_21 = arith.constant 2499 : i32
    %scan3A_22 = arith.addi %scan3A_20, %scan3A_21 : i32
    %scan3A_23 = arith.constant 1 : i32
    %scan3A_24 = scf.for %scan3A_26 = %scan3A_20 to %scan3A_22 step %scan3A_23 iter_args(%scan3A_27 = %scan3A) -> (i32)  : i32 {
      %mul3A_28 = arith.constant 3 : i32
      %mul3A_29 = arith.muli %scan3A_27, %mul3A_28 : i32
      %get3A_30 = arith.index_cast %mul3A_29 : i32 to index
      %get3A_31 = memref.load %arg3[%get3A_30] : memref<30336xf32, #tpu.memory_space<smem>>
      %mul3A_32 = arith.constant 3 : i32
      %mul3A_33 = arith.muli %scan3A_27, %mul3A_32 : i32
      %add3A_34 = arith.constant 1 : i32
      %add3A_35 = arith.addi %mul3A_33, %add3A_34 : i32
      %get3A_36 = arith.index_cast %add3A_35 : i32 to index
      %get3A_37 = memref.load %arg3[%get3A_36] : memref<30336xf32, #tpu.memory_space<smem>>
      %mul3A_38 = arith.constant 3 : i32
      %mul3A_39 = arith.muli %scan3A_27, %mul3A_38 : i32
      %add3A_40 = arith.constant 2 : i32
      %add3A_41 = arith.addi %mul3A_39, %add3A_40 : i32
      %get3A_42 = arith.index_cast %add3A_41 : i32 to index
      %get3A_43 = memref.load %arg3[%get3A_42] : memref<30336xf32, #tpu.memory_space<smem>>
      %sub3A = vector.broadcast %get3A_31 : f32 to vector<79x128xf32>
      %sub3A_44 = arith.subf %get3A_13, %sub3A : vector<79x128xf32>
      %sub3A_45 = vector.broadcast %get3A_37 : f32 to vector<79x128xf32>
      %sub3A_46 = arith.subf %get3A_16, %sub3A_45 : vector<79x128xf32>
      %sub3A_47 = vector.broadcast %get3A_43 : f32 to vector<79x128xf32>
      %sub3A_48 = arith.subf %get3A_19, %sub3A_47 : vector<79x128xf32>
      %mul3A_49 = arith.mulf %sub3A_44, %sub3A_44 : vector<79x128xf32>
      %mul3A_50 = arith.mulf %sub3A_46, %sub3A_46 : vector<79x128xf32>
      %add3A_51 = arith.addf %mul3A_49, %mul3A_50 : vector<79x128xf32>
      %mul3A_52 = arith.mulf %sub3A_48, %sub3A_48 : vector<79x128xf32>
      %add3A_53 = arith.addf %add3A_51, %mul3A_52 : vector<79x128xf32>
      %get3A_54 = arith.constant 0 : index
      %get3A_55 = arith.constant 0 : index
      %get3A_56 = vector.load %arg5[%get3A_54, %get3A_55] : memref<79x128xf32, #tpu.memory_space<vmem>>, vector<79x128xf32>
      %min3A = arith.minimumf %get3A_56, %add3A_53 : vector<79x128xf32>
      %swap3A_57 = arith.constant 0 : index
      %swap3A_58 = arith.constant 0 : index
      %swap3A_59 = vector.load %arg5[%swap3A_57, %swap3A_58] : memref<79x128xf32, #tpu.memory_space<vmem>>, vector<79x128xf32>
      tpu.vector_store %arg5[%swap3A_57, %swap3A_58], %min3A {strides = array<i32>} : memref<79x128xf32, #tpu.memory_space<vmem>>, vector<79x128xf32>,
      %reduce_max3A = vector.shape_cast %min3A : vector<79x128xf32> to vector<1x79x128xf32>
      %reduce_max3A_60 = arith.constant dense<0xFF800000> : vector<1xf32>
      %reduce_max3A_61 = vector.multi_reduction <maximumf>, %reduce_max3A, %reduce_max3A_60 [1, 2] : vector<1x79x128xf32> to vector<1xf32>
      %reduce_max3A_62 = vector.shape_cast %reduce_max3A_61 : vector<1xf32> to vector<1x1x1xf32>
      %reduce_max3A_63 = vector.extract %reduce_max3A_62[0, 0, 0] : f32 from vector<1x1x1xf32>
      %eq3A = vector.broadcast %reduce_max3A_63 : f32 to vector<79x128xf32>
      %eq3A_64 = arith.cmpf oeq, %min3A, %eq3A : vector<79x128xf32>
      %jit3A_65 = arith.constant 2147483647 : i32
      %broadcast_in_dim3A_66 = vector.broadcast %jit3A_65 : i32 to vector<79x128xi32>
      %select_n3A_67 = arith.select %eq3A_64, %add3A, %broadcast_in_dim3A_66 : vector<79x128xi1>, vector<79x128xi32>
      %reduce_min3A = vector.shape_cast %select_n3A_67 : vector<79x128xi32> to vector<1x79x128xi32>
      %reduce_min3A_68 = arith.constant dense<2147483647> : vector<1xi32>
      %reduce_min3A_69 = vector.multi_reduction <minsi>, %reduce_min3A, %reduce_min3A_68 [1, 2] : vector<1x79x128xi32> to vector<1xi32>
      %reduce_min3A_70 = vector.shape_cast %reduce_min3A_69 : vector<1xi32> to vector<1x1x1xi32>
      %reduce_min3A_71 = vector.extract %reduce_min3A_70[0, 0, 0] : i32 from vector<1x1x1xi32>
      %add3A_72 = arith.constant 1 : i32
      %add3A_73 = arith.addi %scan3A_26, %add3A_72 : i32
      %swap3A_74 = arith.index_cast %add3A_73 : i32 to index
      %swap3A_75 = memref.load %arg4[%swap3A_74] : memref<2500xi32, #tpu.memory_space<smem>>
      memref.store %reduce_min3A_71, %arg4[%swap3A_74] : memref<2500xi32, #tpu.memory_space<smem>>
      scf.yield %reduce_min3A_71 : i32
    }
    %scan3A_25 = arith.constant 2499 : i32
    return
  }
}

module attributes {stable_mosaic.version = 14 : i64} {
  func.func @_table_body(%arg0: i32, %arg1: memref<512x256xf32, #tpu.memory_space<vmem>>, %arg2: memref<512x3xf32, #tpu.memory_space<vmem>>, %arg3: memref<256x64xf32, #tpu.memory_space<vmem>>, %arg4: memref<1x64xf32, #tpu.memory_space<vmem>>, %arg5: memref<512x128xf32, #tpu.memory_space<vmem>>) attributes {dimension_semantics = [#tpu.dimension_semantics<arbitrary>], iteration_bounds = array<i64: 20>, scalar_prefetch = 0 : i64, scratch_operands = 0 : i64, tpu.core_type = #tpu.core_type<tc>, window_params = [{transform_indices = @transform_0, window_bounds = array<i64: 512, 256>}, {transform_indices = @transform_1, window_bounds = array<i64: 512, 3>}, {pipeline_mode = #tpu.pipeline_mode<synchronous>, transform_indices = @transform_2, window_bounds = array<i64: 256, 64>}, {pipeline_mode = #tpu.pipeline_mode<synchronous>, transform_indices = @transform_3, window_bounds = array<i64: 1, 64>}, {transform_indices = @transform_4, window_bounds = array<i64: 512, 128>}]} {
    %get3A = arith.constant 0 : index
    %get3A_0 = arith.constant 0 : index
    %get3A_1 = vector.load %arg1[%get3A, %get3A_0] : memref<512x256xf32, #tpu.memory_space<vmem>>, vector<512x256xf32>
    %get3A_2 = arith.constant 0 : index
    %get3A_3 = arith.constant 0 : index
    %get3A_4 = vector.load %arg3[%get3A_2, %get3A_3] : memref<256x64xf32, #tpu.memory_space<vmem>>, vector<256x64xf32>
    %dot_general3A = arith.constant dense<0.000000e+00> : vector<512x64xf32>
    %dot_general3A_5 = tpu.matmul %get3A_1, %get3A_4, %dot_general3A {dimension_numbers = #tpu.dot_dimension_numbers<[1], [0], [0], [1], [0, 0, 1, 1], [], []>, transpose_lhs_hint = false} : vector<512x256xf32>, vector<256x64xf32>, vector<512x64xf32> -> vector<512x64xf32>
    %get3A_6 = arith.constant 0 : index
    %get3A_7 = arith.constant 0 : index
    %get3A_8 = vector.load %arg4[%get3A_6, %get3A_7] : memref<1x64xf32, #tpu.memory_space<vmem>>, vector<1x64xf32>
    %add3A = vector.broadcast %get3A_8 : vector<1x64xf32> to vector<512x64xf32>
    %add3A_9 = arith.addf %dot_general3A_5, %add3A : vector<512x64xf32>
    %get3A_10 = arith.constant 0 : index
    %get3A_11 = arith.constant 0 : index
    %get3A_12 = vector.load %arg2[%get3A_10, %get3A_11] : memref<512x3xf32, #tpu.memory_space<vmem>>, vector<512x3xf32>
    %broadcast_in_dim3A = arith.constant 0.000000e+00 : f32
    %broadcast_in_dim3A_13 = vector.broadcast %broadcast_in_dim3A : f32 to vector<512x61xf32>
    %concatenate3A = tpu.concatenate %add3A_9, %get3A_12, %broadcast_in_dim3A_13 in 1 : vector<512x64xf32>, vector<512x3xf32>, vector<512x61xf32> -> vector<512x128xf32>
    %swap3A = arith.constant 0 : index
    %swap3A_14 = arith.constant 0 : index
    %swap3A_15 = vector.load %arg5[%swap3A, %swap3A_14] : memref<512x128xf32, #tpu.memory_space<vmem>>, vector<512x128xf32>
    tpu.vector_store %arg5[%swap3A, %swap3A_14], %concatenate3A {strides = array<i32>} : memref<512x128xf32, #tpu.memory_space<vmem>>, vector<512x128xf32>,
    return
  }
  func.func @transform_0(%arg0: i32) -> (i32, i32) {
    %c0_i32 = arith.constant 0 : i32
    %c0_i32_0 = arith.constant 0 : i32
    return %arg0, %c0_i32 : i32, i32
  }
  func.func @transform_1(%arg0: i32) -> (i32, i32) {
    %c0_i32 = arith.constant 0 : i32
    %c0_i32_0 = arith.constant 0 : i32
    return %arg0, %c0_i32 : i32, i32
  }
  func.func @transform_2(%arg0: i32) -> (i32, i32) {
    %c0_i32 = arith.constant 0 : i32
    %c0_i32_0 = arith.constant 0 : i32
    %c0_i32_1 = arith.constant 0 : i32
    return %c0_i32, %c0_i32_0 : i32, i32
  }
  func.func @transform_3(%arg0: i32) -> (i32, i32) {
    %c0_i32 = arith.constant 0 : i32
    %c0_i32_0 = arith.constant 0 : i32
    %c0_i32_1 = arith.constant 0 : i32
    return %c0_i32, %c0_i32_0 : i32, i32
  }
  func.func @transform_4(%arg0: i32) -> (i32, i32) {
    %c0_i32 = arith.constant 0 : i32
    %c0_i32_0 = arith.constant 0 : i32
    return %arg0, %c0_i32 : i32, i32
  }
}

module attributes {stable_mosaic.version = 14 : i64} {
  func.func @_fps_body(%arg0: memref<20x128xf32, #tpu.memory_space<vmem>>, %arg1: memref<20x128xf32, #tpu.memory_space<vmem>>, %arg2: memref<20x128xf32, #tpu.memory_space<vmem>>, %arg3: memref<7680xf32, #tpu.memory_space<smem>>, %arg4: memref<625xi32, #tpu.memory_space<smem>>, %arg5: memref<20x128xf32, #tpu.memory_space<vmem>>) attributes {dimension_semantics = [], scalar_prefetch = 0 : i64, scratch_operands = 1 : i64, tpu.core_type = #tpu.core_type<tc>} {
    %iota3A = tpu.iota {dimensions = array<i32: 0>} : vector<20x128xi32>
    %mul3A = arith.constant 128 : i32
    %mul3A_0 = vector.broadcast %mul3A : i32 to vector<20x128xi32>
    %mul3A_1 = arith.muli %iota3A, %mul3A_0 : vector<20x128xi32>
    %iota3A_2 = tpu.iota {dimensions = array<i32: 1>} : vector<20x128xi32>
    %add3A = arith.addi %mul3A_1, %iota3A_2 : vector<20x128xi32>
    %lt3A = arith.constant 2500 : i32
    %lt3A_3 = vector.broadcast %lt3A : i32 to vector<20x128xi32>
    %lt3A_4 = arith.cmpi slt, %add3A, %lt3A_3 : vector<20x128xi32>
    %jit3A = arith.constant 0x7F800000 : f32
    %jit3A_5 = arith.constant 0xFF800000 : f32
    %broadcast_in_dim3A = vector.broadcast %jit3A : f32 to vector<20x128xf32>
    %broadcast_in_dim3A_6 = vector.broadcast %jit3A_5 : f32 to vector<20x128xf32>
    %select_n3A = arith.select %lt3A_4, %broadcast_in_dim3A, %broadcast_in_dim3A_6 : vector<20x128xi1>, vector<20x128xf32>
    %swap3A = arith.constant 0 : index
    %swap3A_7 = arith.constant 0 : index
    %swap3A_8 = vector.load %arg5[%swap3A, %swap3A_7] : memref<20x128xf32, #tpu.memory_space<vmem>>, vector<20x128xf32>
    tpu.vector_store %arg5[%swap3A, %swap3A_7], %select_n3A {strides = array<i32>} : memref<20x128xf32, #tpu.memory_space<vmem>>, vector<20x128xf32>,
    %swap3A_9 = arith.constant 0 : i32
    %swap3A_10 = arith.constant 0 : index
    %swap3A_11 = memref.load %arg4[%swap3A_10] : memref<625xi32, #tpu.memory_space<smem>>
    memref.store %swap3A_9, %arg4[%swap3A_10] : memref<625xi32, #tpu.memory_space<smem>>
    %get3A = arith.constant 0 : index
    %get3A_12 = arith.constant 0 : index
    %get3A_13 = vector.load %arg0[%get3A, %get3A_12] : memref<20x128xf32, #tpu.memory_space<vmem>>, vector<20x128xf32>
    %get3A_14 = arith.constant 0 : index
    %get3A_15 = arith.constant 0 : index
    %get3A_16 = vector.load %arg1[%get3A_14, %get3A_15] : memref<20x128xf32, #tpu.memory_space<vmem>>, vector<20x128xf32>
    %get3A_17 = arith.constant 0 : index
    %get3A_18 = arith.constant 0 : index
    %get3A_19 = vector.load %arg2[%get3A_17, %get3A_18] : memref<20x128xf32, #tpu.memory_space<vmem>>, vector<20x128xf32>
    %scan3A = arith.constant 0 : i32
    %scan3A_20 = arith.constant 0 : i32
    %scan3A_21 = arith.constant 624 : i32
    %scan3A_22 = arith.addi %scan3A_20, %scan3A_21 : i32
    %scan3A_23 = arith.constant 1 : i32
    %scan3A_24 = scf.for %scan3A_26 = %scan3A_20 to %scan3A_22 step %scan3A_23 iter_args(%scan3A_27 = %scan3A) -> (i32)  : i32 {
      %mul3A_28 = arith.constant 3 : i32
      %mul3A_29 = arith.muli %scan3A_27, %mul3A_28 : i32
      %get3A_30 = arith.index_cast %mul3A_29 : i32 to index
      %get3A_31 = memref.load %arg3[%get3A_30] : memref<7680xf32, #tpu.memory_space<smem>>
      %mul3A_32 = arith.constant 3 : i32
      %mul3A_33 = arith.muli %scan3A_27, %mul3A_32 : i32
      %add3A_34 = arith.constant 1 : i32
      %add3A_35 = arith.addi %mul3A_33, %add3A_34 : i32
      %get3A_36 = arith.index_cast %add3A_35 : i32 to index
      %get3A_37 = memref.load %arg3[%get3A_36] : memref<7680xf32, #tpu.memory_space<smem>>
      %mul3A_38 = arith.constant 3 : i32
      %mul3A_39 = arith.muli %scan3A_27, %mul3A_38 : i32
      %add3A_40 = arith.constant 2 : i32
      %add3A_41 = arith.addi %mul3A_39, %add3A_40 : i32
      %get3A_42 = arith.index_cast %add3A_41 : i32 to index
      %get3A_43 = memref.load %arg3[%get3A_42] : memref<7680xf32, #tpu.memory_space<smem>>
      %sub3A = vector.broadcast %get3A_31 : f32 to vector<20x128xf32>
      %sub3A_44 = arith.subf %get3A_13, %sub3A : vector<20x128xf32>
      %sub3A_45 = vector.broadcast %get3A_37 : f32 to vector<20x128xf32>
      %sub3A_46 = arith.subf %get3A_16, %sub3A_45 : vector<20x128xf32>
      %sub3A_47 = vector.broadcast %get3A_43 : f32 to vector<20x128xf32>
      %sub3A_48 = arith.subf %get3A_19, %sub3A_47 : vector<20x128xf32>
      %mul3A_49 = arith.mulf %sub3A_44, %sub3A_44 : vector<20x128xf32>
      %mul3A_50 = arith.mulf %sub3A_46, %sub3A_46 : vector<20x128xf32>
      %add3A_51 = arith.addf %mul3A_49, %mul3A_50 : vector<20x128xf32>
      %mul3A_52 = arith.mulf %sub3A_48, %sub3A_48 : vector<20x128xf32>
      %add3A_53 = arith.addf %add3A_51, %mul3A_52 : vector<20x128xf32>
      %get3A_54 = arith.constant 0 : index
      %get3A_55 = arith.constant 0 : index
      %get3A_56 = vector.load %arg5[%get3A_54, %get3A_55] : memref<20x128xf32, #tpu.memory_space<vmem>>, vector<20x128xf32>
      %min3A = arith.minimumf %get3A_56, %add3A_53 : vector<20x128xf32>
      %swap3A_57 = arith.constant 0 : index
      %swap3A_58 = arith.constant 0 : index
      %swap3A_59 = vector.load %arg5[%swap3A_57, %swap3A_58] : memref<20x128xf32, #tpu.memory_space<vmem>>, vector<20x128xf32>
      tpu.vector_store %arg5[%swap3A_57, %swap3A_58], %min3A {strides = array<i32>} : memref<20x128xf32, #tpu.memory_space<vmem>>, vector<20x128xf32>,
      %reduce_max3A = vector.shape_cast %min3A : vector<20x128xf32> to vector<1x20x128xf32>
      %reduce_max3A_60 = arith.constant dense<0xFF800000> : vector<1xf32>
      %reduce_max3A_61 = vector.multi_reduction <maximumf>, %reduce_max3A, %reduce_max3A_60 [1, 2] : vector<1x20x128xf32> to vector<1xf32>
      %reduce_max3A_62 = vector.shape_cast %reduce_max3A_61 : vector<1xf32> to vector<1x1x1xf32>
      %reduce_max3A_63 = vector.extract %reduce_max3A_62[0, 0, 0] : f32 from vector<1x1x1xf32>
      %eq3A = vector.broadcast %reduce_max3A_63 : f32 to vector<20x128xf32>
      %eq3A_64 = arith.cmpf oeq, %min3A, %eq3A : vector<20x128xf32>
      %jit3A_65 = arith.constant 2147483647 : i32
      %broadcast_in_dim3A_66 = vector.broadcast %jit3A_65 : i32 to vector<20x128xi32>
      %select_n3A_67 = arith.select %eq3A_64, %add3A, %broadcast_in_dim3A_66 : vector<20x128xi1>, vector<20x128xi32>
      %reduce_min3A = vector.shape_cast %select_n3A_67 : vector<20x128xi32> to vector<1x20x128xi32>
      %reduce_min3A_68 = arith.constant dense<2147483647> : vector<1xi32>
      %reduce_min3A_69 = vector.multi_reduction <minsi>, %reduce_min3A, %reduce_min3A_68 [1, 2] : vector<1x20x128xi32> to vector<1xi32>
      %reduce_min3A_70 = vector.shape_cast %reduce_min3A_69 : vector<1xi32> to vector<1x1x1xi32>
      %reduce_min3A_71 = vector.extract %reduce_min3A_70[0, 0, 0] : i32 from vector<1x1x1xi32>
      %add3A_72 = arith.constant 1 : i32
      %add3A_73 = arith.addi %scan3A_26, %add3A_72 : i32
      %swap3A_74 = arith.index_cast %add3A_73 : i32 to index
      %swap3A_75 = memref.load %arg4[%swap3A_74] : memref<625xi32, #tpu.memory_space<smem>>
      memref.store %reduce_min3A_71, %arg4[%swap3A_74] : memref<625xi32, #tpu.memory_space<smem>>
      scf.yield %reduce_min3A_71 : i32
    }
    %scan3A_25 = arith.constant 624 : i32
    return
  }
}

module attributes {stable_mosaic.version = 14 : i64} {
  func.func @_conv_body(%arg0: i32, %arg1: memref<4096x128xf32, #tpu.memory_space<vmem>>, %arg2: memref<4096x3xf32, #tpu.memory_space<vmem>>, %arg3: memref<3x64xf32, #tpu.memory_space<vmem>>, %arg4: memref<64x128xf32, #tpu.memory_space<vmem>>, %arg5: memref<1x128xf32, #tpu.memory_space<vmem>>, %arg6: memref<128x128xf32, #tpu.memory_space<vmem>>) attributes {dimension_semantics = [#tpu.dimension_semantics<arbitrary>], iteration_bounds = array<i64: 20>, scalar_prefetch = 0 : i64, scratch_operands = 0 : i64, tpu.core_type = #tpu.core_type<tc>, window_params = [{transform_indices = @transform_0, window_bounds = array<i64: 4096, 128>}, {transform_indices = @transform_1, window_bounds = array<i64: 4096, 3>}, {pipeline_mode = #tpu.pipeline_mode<synchronous>, transform_indices = @transform_2, window_bounds = array<i64: 3, 64>}, {pipeline_mode = #tpu.pipeline_mode<synchronous>, transform_indices = @transform_3, window_bounds = array<i64: 64, 128>}, {pipeline_mode = #tpu.pipeline_mode<synchronous>, transform_indices = @transform_4, window_bounds = array<i64: 1, 128>}, {transform_indices = @transform_5, window_bounds = array<i64: 128, 128>}]} {
    %get3A = arith.constant 0 : index
    %get3A_0 = arith.constant 0 : index
    %get3A_1 = vector.load %arg1[%get3A, %get3A_0] : memref<4096x128xf32, #tpu.memory_space<vmem>>, vector<4096x128xf32>
    %slice3A = vector.extract_strided_slice %get3A_1 {offsets = [0, 0], sizes = [4096, 64], strides = [1, 1]} : vector<4096x128xf32> to vector<4096x64xf32>
    %slice3A_2 = vector.extract_strided_slice %get3A_1 {offsets = [0, 64], sizes = [4096, 3], strides = [1, 1]} : vector<4096x128xf32> to vector<4096x3xf32>
    %get3A_3 = arith.constant 0 : index
    %get3A_4 = arith.constant 0 : index
    %get3A_5 = vector.load %arg2[%get3A_3, %get3A_4] : memref<4096x3xf32, #tpu.memory_space<vmem>>, vector<4096x3xf32>
    %sub3A = arith.subf %slice3A_2, %get3A_5 : vector<4096x3xf32>
    %mul3A = arith.mulf %sub3A, %sub3A : vector<4096x3xf32>
    %reduce_sum3A = arith.constant dense<0.000000e+00> : vector<4096xf32>
    %reduce_sum3A_6 = vector.multi_reduction <add>, %mul3A, %reduce_sum3A [1] : vector<4096x3xf32> to vector<4096xf32>
    %broadcast_in_dim3A = vector.shape_cast %reduce_sum3A_6 : vector<4096xf32> to vector<4096x1xf32>
    %get3A_7 = arith.constant 0 : index
    %get3A_8 = arith.constant 0 : index
    %get3A_9 = vector.load %arg3[%get3A_7, %get3A_8] : memref<3x64xf32, #tpu.memory_space<vmem>>, vector<3x64xf32>
    %dot_general3A = arith.constant dense<0.000000e+00> : vector<4096x64xf32>
    %dot_general3A_10 = tpu.matmul %sub3A, %get3A_9, %dot_general3A {dimension_numbers = #tpu.dot_dimension_numbers<[1], [0], [0], [1], [0, 0, 1, 1], [], []>, transpose_lhs_hint = false} : vector<4096x3xf32>, vector<3x64xf32>, vector<4096x64xf32> -> vector<4096x64xf32>
    %add3A = arith.addf %slice3A, %dot_general3A_10 : vector<4096x64xf32>
    %logistic3A = arith.negf %add3A : vector<4096x64xf32>
    %logistic3A_11 = math.exp %logistic3A : vector<4096x64xf32>
    %logistic3A_12 = arith.constant 1.000000e+00 : f32
    %logistic3A_13 = vector.broadcast %logistic3A_12 : f32 to vector<4096x64xf32>
    %logistic3A_14 = arith.addf %logistic3A_13, %logistic3A_11 : vector<4096x64xf32>
    %logistic3A_15 = arith.divf %logistic3A_13, %logistic3A_14 : vector<4096x64xf32>
    %get3A_16 = arith.constant 0 : index
    %get3A_17 = arith.constant 0 : index
    %get3A_18 = vector.load %arg4[%get3A_16, %get3A_17] : memref<64x128xf32, #tpu.memory_space<vmem>>, vector<64x128xf32>
    %dot_general3A_19 = arith.constant dense<0.000000e+00> : vector<4096x128xf32>
    %dot_general3A_20 = tpu.matmul %logistic3A_15, %get3A_18, %dot_general3A_19 {dimension_numbers = #tpu.dot_dimension_numbers<[1], [0], [0], [1], [0, 0, 1, 1], [], []>, transpose_lhs_hint = false} : vector<4096x64xf32>, vector<64x128xf32>, vector<4096x128xf32> -> vector<4096x128xf32>
    %get3A_21 = arith.constant 0 : index
    %get3A_22 = arith.constant 0 : index
    %get3A_23 = vector.load %arg5[%get3A_21, %get3A_22] : memref<1x128xf32, #tpu.memory_space<vmem>>, vector<1x128xf32>
    %add3A_24 = vector.broadcast %get3A_23 : vector<1x128xf32> to vector<4096x128xf32>
    %add3A_25 = arith.addf %dot_general3A_20, %add3A_24 : vector<4096x128xf32>
    %le3A = arith.constant 4.000000e+00 : f32
    %le3A_26 = vector.broadcast %le3A : f32 to vector<4096x1xf32>
    %le3A_27 = arith.cmpf ole, %broadcast_in_dim3A, %le3A_26 : vector<4096x1xf32>
    %jit3A = arith.constant -1.000000e+30 : f32
    %broadcast_in_dim3A_28 = vector.shape_cast %le3A_27 : vector<4096x1xi1> to vector<4096x1xi1>
    %broadcast_in_dim3A_29 = vector.broadcast %broadcast_in_dim3A_28 : vector<4096x1xi1> to vector<4096x128xi1>
    %broadcast_in_dim3A_30 = vector.broadcast %jit3A : f32 to vector<4096x128xf32>
    %select_n3A = arith.select %broadcast_in_dim3A_29, %add3A_25, %broadcast_in_dim3A_30 : vector<4096x128xi1>, vector<4096x128xf32>
    %reshape3A = vector.shape_cast %select_n3A : vector<4096x128xf32> to vector<128x32x128xf32>
    %reduce_max3A = arith.constant dense<0xFF800000> : vector<128x128xf32>
    %reduce_max3A_31 = vector.multi_reduction <maximumf>, %reshape3A, %reduce_max3A [1] : vector<128x32x128xf32> to vector<128x128xf32>
    %reshape3A_32 = vector.shape_cast %broadcast_in_dim3A : vector<4096x1xf32> to vector<128x32x1xf32>
    %reduce_min3A = arith.constant dense<0x7F800000> : vector<128x1xf32>
    %reduce_min3A_33 = vector.multi_reduction <minimumf>, %reshape3A_32, %reduce_min3A [1] : vector<128x32x1xf32> to vector<128x1xf32>
    %le3A_34 = arith.constant 4.000000e+00 : f32
    %le3A_35 = vector.broadcast %le3A_34 : f32 to vector<128x1xf32>
    %le3A_36 = arith.cmpf ole, %reduce_min3A_33, %le3A_35 : vector<128x1xf32>
    %jit3A_37 = arith.constant 0.000000e+00 : f32
    %broadcast_in_dim3A_38 = vector.shape_cast %le3A_36 : vector<128x1xi1> to vector<128x1xi1>
    %broadcast_in_dim3A_39 = vector.broadcast %broadcast_in_dim3A_38 : vector<128x1xi1> to vector<128x128xi1>
    %broadcast_in_dim3A_40 = vector.broadcast %jit3A_37 : f32 to vector<128x128xf32>
    %select_n3A_41 = arith.select %broadcast_in_dim3A_39, %reduce_max3A_31, %broadcast_in_dim3A_40 : vector<128x128xi1>, vector<128x128xf32>
    %max3A = arith.constant 0.000000e+00 : f32
    %max3A_42 = vector.broadcast %max3A : f32 to vector<128x128xf32>
    %max3A_43 = arith.maximumf %select_n3A_41, %max3A_42 : vector<128x128xf32>
    %swap3A = arith.constant 0 : index
    %swap3A_44 = arith.constant 0 : index
    %swap3A_45 = vector.load %arg6[%swap3A, %swap3A_44] : memref<128x128xf32, #tpu.memory_space<vmem>>, vector<128x128xf32>
    tpu.vector_store %arg6[%swap3A, %swap3A_44], %max3A_43 {strides = array<i32>} : memref<128x128xf32, #tpu.memory_space<vmem>>, vector<128x128xf32>,
    return
  }
  func.func @transform_0(%arg0: i32) -> (i32, i32) {
    %c0_i32 = arith.constant 0 : i32
    %c0_i32_0 = arith.constant 0 : i32
    return %arg0, %c0_i32 : i32, i32
  }
  func.func @transform_1(%arg0: i32) -> (i32, i32) {
    %c0_i32 = arith.constant 0 : i32
    %c0_i32_0 = arith.constant 0 : i32
    return %arg0, %c0_i32 : i32, i32
  }
  func.func @transform_2(%arg0: i32) -> (i32, i32) {
    %c0_i32 = arith.constant 0 : i32
    %c0_i32_0 = arith.constant 0 : i32
    %c0_i32_1 = arith.constant 0 : i32
    return %c0_i32, %c0_i32_0 : i32, i32
  }
  func.func @transform_3(%arg0: i32) -> (i32, i32) {
    %c0_i32 = arith.constant 0 : i32
    %c0_i32_0 = arith.constant 0 : i32
    %c0_i32_1 = arith.constant 0 : i32
    return %c0_i32, %c0_i32_0 : i32, i32
  }
  func.func @transform_4(%arg0: i32) -> (i32, i32) {
    %c0_i32 = arith.constant 0 : i32
    %c0_i32_0 = arith.constant 0 : i32
    %c0_i32_1 = arith.constant 0 : i32
    return %c0_i32, %c0_i32_0 : i32, i32
  }
  func.func @transform_5(%arg0: i32) -> (i32, i32) {
    %c0_i32 = arith.constant 0 : i32
    %c0_i32_0 = arith.constant 0 : i32
    return %arg0, %c0_i32 : i32, i32
  }
}

module attributes {stable_mosaic.version = 14 : i64} {
  func.func @_table_body(%arg0: i32, %arg1: memref<512x128xf32, #tpu.memory_space<vmem>>, %arg2: memref<512x3xf32, #tpu.memory_space<vmem>>, %arg3: memref<128x128xf32, #tpu.memory_space<vmem>>, %arg4: memref<1x128xf32, #tpu.memory_space<vmem>>, %arg5: memref<512x256xf32, #tpu.memory_space<vmem>>) attributes {dimension_semantics = [#tpu.dimension_semantics<arbitrary>], iteration_bounds = array<i64: 5>, scalar_prefetch = 0 : i64, scratch_operands = 0 : i64, tpu.core_type = #tpu.core_type<tc>, window_params = [{transform_indices = @transform_0, window_bounds = array<i64: 512, 128>}, {transform_indices = @transform_1, window_bounds = array<i64: 512, 3>}, {pipeline_mode = #tpu.pipeline_mode<synchronous>, transform_indices = @transform_2, window_bounds = array<i64: 128, 128>}, {pipeline_mode = #tpu.pipeline_mode<synchronous>, transform_indices = @transform_3, window_bounds = array<i64: 1, 128>}, {transform_indices = @transform_4, window_bounds = array<i64: 512, 256>}]} {
    %get3A = arith.constant 0 : index
    %get3A_0 = arith.constant 0 : index
    %get3A_1 = vector.load %arg1[%get3A, %get3A_0] : memref<512x128xf32, #tpu.memory_space<vmem>>, vector<512x128xf32>
    %get3A_2 = arith.constant 0 : index
    %get3A_3 = arith.constant 0 : index
    %get3A_4 = vector.load %arg3[%get3A_2, %get3A_3] : memref<128x128xf32, #tpu.memory_space<vmem>>, vector<128x128xf32>
    %dot_general3A = arith.constant dense<0.000000e+00> : vector<512x128xf32>
    %dot_general3A_5 = tpu.matmul %get3A_1, %get3A_4, %dot_general3A {dimension_numbers = #tpu.dot_dimension_numbers<[1], [0], [0], [1], [0, 0, 1, 1], [], []>, transpose_lhs_hint = false} : vector<512x128xf32>, vector<128x128xf32>, vector<512x128xf32> -> vector<512x128xf32>
    %get3A_6 = arith.constant 0 : index
    %get3A_7 = arith.constant 0 : index
    %get3A_8 = vector.load %arg4[%get3A_6, %get3A_7] : memref<1x128xf32, #tpu.memory_space<vmem>>, vector<1x128xf32>
    %add3A = vector.broadcast %get3A_8 : vector<1x128xf32> to vector<512x128xf32>
    %add3A_9 = arith.addf %dot_general3A_5, %add3A : vector<512x128xf32>
    %get3A_10 = arith.constant 0 : index
    %get3A_11 = arith.constant 0 : index
    %get3A_12 = vector.load %arg2[%get3A_10, %get3A_11] : memref<512x3xf32, #tpu.memory_space<vmem>>, vector<512x3xf32>
    %broadcast_in_dim3A = arith.constant 0.000000e+00 : f32
    %broadcast_in_dim3A_13 = vector.broadcast %broadcast_in_dim3A : f32 to vector<512x125xf32>
    %concatenate3A = tpu.concatenate %add3A_9, %get3A_12, %broadcast_in_dim3A_13 in 1 : vector<512x128xf32>, vector<512x3xf32>, vector<512x125xf32> -> vector<512x256xf32>
    %swap3A = arith.constant 0 : index
    %swap3A_14 = arith.constant 0 : index
    %swap3A_15 = vector.load %arg5[%swap3A, %swap3A_14] : memref<512x256xf32, #tpu.memory_space<vmem>>, vector<512x256xf32>
    tpu.vector_store %arg5[%swap3A, %swap3A_14], %concatenate3A {strides = array<i32>} : memref<512x256xf32, #tpu.memory_space<vmem>>, vector<512x256xf32>,
    return
  }
  func.func @transform_0(%arg0: i32) -> (i32, i32) {
    %c0_i32 = arith.constant 0 : i32
    %c0_i32_0 = arith.constant 0 : i32
    return %arg0, %c0_i32 : i32, i32
  }
  func.func @transform_1(%arg0: i32) -> (i32, i32) {
    %c0_i32 = arith.constant 0 : i32
    %c0_i32_0 = arith.constant 0 : i32
    return %arg0, %c0_i32 : i32, i32
  }
  func.func @transform_2(%arg0: i32) -> (i32, i32) {
    %c0_i32 = arith.constant 0 : i32
    %c0_i32_0 = arith.constant 0 : i32
    %c0_i32_1 = arith.constant 0 : i32
    return %c0_i32, %c0_i32_0 : i32, i32
  }
  func.func @transform_3(%arg0: i32) -> (i32, i32) {
    %c0_i32 = arith.constant 0 : i32
    %c0_i32_0 = arith.constant 0 : i32
    %c0_i32_1 = arith.constant 0 : i32
    return %c0_i32, %c0_i32_0 : i32, i32
  }
  func.func @transform_4(%arg0: i32) -> (i32, i32) {
    %c0_i32 = arith.constant 0 : i32
    %c0_i32_0 = arith.constant 0 : i32
    return %arg0, %c0_i32 : i32, i32
  }
}

module attributes {stable_mosaic.version = 14 : i64} {
  func.func @_conv_body(%arg0: i32, %arg1: memref<4096x256xf32, #tpu.memory_space<vmem>>, %arg2: memref<4096x3xf32, #tpu.memory_space<vmem>>, %arg3: memref<3x128xf32, #tpu.memory_space<vmem>>, %arg4: memref<128x256xf32, #tpu.memory_space<vmem>>, %arg5: memref<1x256xf32, #tpu.memory_space<vmem>>, %arg6: memref<128x256xf32, #tpu.memory_space<vmem>>) attributes {dimension_semantics = [#tpu.dimension_semantics<arbitrary>], iteration_bounds = array<i64: 6>, scalar_prefetch = 0 : i64, scratch_operands = 0 : i64, tpu.core_type = #tpu.core_type<tc>, window_params = [{transform_indices = @transform_0, window_bounds = array<i64: 4096, 256>}, {transform_indices = @transform_1, window_bounds = array<i64: 4096, 3>}, {pipeline_mode = #tpu.pipeline_mode<synchronous>, transform_indices = @transform_2, window_bounds = array<i64: 3, 128>}, {pipeline_mode = #tpu.pipeline_mode<synchronous>, transform_indices = @transform_3, window_bounds = array<i64: 128, 256>}, {pipeline_mode = #tpu.pipeline_mode<synchronous>, transform_indices = @transform_4, window_bounds = array<i64: 1, 256>}, {transform_indices = @transform_5, window_bounds = array<i64: 128, 256>}]} {
    %get3A = arith.constant 0 : index
    %get3A_0 = arith.constant 0 : index
    %get3A_1 = vector.load %arg1[%get3A, %get3A_0] : memref<4096x256xf32, #tpu.memory_space<vmem>>, vector<4096x256xf32>
    %slice3A = vector.extract_strided_slice %get3A_1 {offsets = [0, 0], sizes = [4096, 128], strides = [1, 1]} : vector<4096x256xf32> to vector<4096x128xf32>
    %slice3A_2 = vector.extract_strided_slice %get3A_1 {offsets = [0, 128], sizes = [4096, 3], strides = [1, 1]} : vector<4096x256xf32> to vector<4096x3xf32>
    %get3A_3 = arith.constant 0 : index
    %get3A_4 = arith.constant 0 : index
    %get3A_5 = vector.load %arg2[%get3A_3, %get3A_4] : memref<4096x3xf32, #tpu.memory_space<vmem>>, vector<4096x3xf32>
    %sub3A = arith.subf %slice3A_2, %get3A_5 : vector<4096x3xf32>
    %mul3A = arith.mulf %sub3A, %sub3A : vector<4096x3xf32>
    %reduce_sum3A = arith.constant dense<0.000000e+00> : vector<4096xf32>
    %reduce_sum3A_6 = vector.multi_reduction <add>, %mul3A, %reduce_sum3A [1] : vector<4096x3xf32> to vector<4096xf32>
    %broadcast_in_dim3A = vector.shape_cast %reduce_sum3A_6 : vector<4096xf32> to vector<4096x1xf32>
    %get3A_7 = arith.constant 0 : index
    %get3A_8 = arith.constant 0 : index
    %get3A_9 = vector.load %arg3[%get3A_7, %get3A_8] : memref<3x128xf32, #tpu.memory_space<vmem>>, vector<3x128xf32>
    %dot_general3A = arith.constant dense<0.000000e+00> : vector<4096x128xf32>
    %dot_general3A_10 = tpu.matmul %sub3A, %get3A_9, %dot_general3A {dimension_numbers = #tpu.dot_dimension_numbers<[1], [0], [0], [1], [0, 0, 1, 1], [], []>, transpose_lhs_hint = false} : vector<4096x3xf32>, vector<3x128xf32>, vector<4096x128xf32> -> vector<4096x128xf32>
    %add3A = arith.addf %slice3A, %dot_general3A_10 : vector<4096x128xf32>
    %logistic3A = arith.negf %add3A : vector<4096x128xf32>
    %logistic3A_11 = math.exp %logistic3A : vector<4096x128xf32>
    %logistic3A_12 = arith.constant 1.000000e+00 : f32
    %logistic3A_13 = vector.broadcast %logistic3A_12 : f32 to vector<4096x128xf32>
    %logistic3A_14 = arith.addf %logistic3A_13, %logistic3A_11 : vector<4096x128xf32>
    %logistic3A_15 = arith.divf %logistic3A_13, %logistic3A_14 : vector<4096x128xf32>
    %get3A_16 = arith.constant 0 : index
    %get3A_17 = arith.constant 0 : index
    %get3A_18 = vector.load %arg4[%get3A_16, %get3A_17] : memref<128x256xf32, #tpu.memory_space<vmem>>, vector<128x256xf32>
    %dot_general3A_19 = arith.constant dense<0.000000e+00> : vector<4096x256xf32>
    %dot_general3A_20 = tpu.matmul %logistic3A_15, %get3A_18, %dot_general3A_19 {dimension_numbers = #tpu.dot_dimension_numbers<[1], [0], [0], [1], [0, 0, 1, 1], [], []>, transpose_lhs_hint = false} : vector<4096x128xf32>, vector<128x256xf32>, vector<4096x256xf32> -> vector<4096x256xf32>
    %get3A_21 = arith.constant 0 : index
    %get3A_22 = arith.constant 0 : index
    %get3A_23 = vector.load %arg5[%get3A_21, %get3A_22] : memref<1x256xf32, #tpu.memory_space<vmem>>, vector<1x256xf32>
    %add3A_24 = vector.broadcast %get3A_23 : vector<1x256xf32> to vector<4096x256xf32>
    %add3A_25 = arith.addf %dot_general3A_20, %add3A_24 : vector<4096x256xf32>
    %le3A = arith.constant 1.600000e+01 : f32
    %le3A_26 = vector.broadcast %le3A : f32 to vector<4096x1xf32>
    %le3A_27 = arith.cmpf ole, %broadcast_in_dim3A, %le3A_26 : vector<4096x1xf32>
    %jit3A = arith.constant -1.000000e+30 : f32
    %broadcast_in_dim3A_28 = vector.shape_cast %le3A_27 : vector<4096x1xi1> to vector<4096x1xi1>
    %broadcast_in_dim3A_29 = vector.broadcast %broadcast_in_dim3A_28 : vector<4096x1xi1> to vector<4096x256xi1>
    %broadcast_in_dim3A_30 = vector.broadcast %jit3A : f32 to vector<4096x256xf32>
    %select_n3A = arith.select %broadcast_in_dim3A_29, %add3A_25, %broadcast_in_dim3A_30 : vector<4096x256xi1>, vector<4096x256xf32>
    %reshape3A = vector.shape_cast %select_n3A : vector<4096x256xf32> to vector<128x32x256xf32>
    %reduce_max3A = arith.constant dense<0xFF800000> : vector<128x256xf32>
    %reduce_max3A_31 = vector.multi_reduction <maximumf>, %reshape3A, %reduce_max3A [1] : vector<128x32x256xf32> to vector<128x256xf32>
    %reshape3A_32 = vector.shape_cast %broadcast_in_dim3A : vector<4096x1xf32> to vector<128x32x1xf32>
    %reduce_min3A = arith.constant dense<0x7F800000> : vector<128x1xf32>
    %reduce_min3A_33 = vector.multi_reduction <minimumf>, %reshape3A_32, %reduce_min3A [1] : vector<128x32x1xf32> to vector<128x1xf32>
    %le3A_34 = arith.constant 1.600000e+01 : f32
    %le3A_35 = vector.broadcast %le3A_34 : f32 to vector<128x1xf32>
    %le3A_36 = arith.cmpf ole, %reduce_min3A_33, %le3A_35 : vector<128x1xf32>
    %jit3A_37 = arith.constant 0.000000e+00 : f32
    %broadcast_in_dim3A_38 = vector.shape_cast %le3A_36 : vector<128x1xi1> to vector<128x1xi1>
    %broadcast_in_dim3A_39 = vector.broadcast %broadcast_in_dim3A_38 : vector<128x1xi1> to vector<128x256xi1>
    %broadcast_in_dim3A_40 = vector.broadcast %jit3A_37 : f32 to vector<128x256xf32>
    %select_n3A_41 = arith.select %broadcast_in_dim3A_39, %reduce_max3A_31, %broadcast_in_dim3A_40 : vector<128x256xi1>, vector<128x256xf32>
    %max3A = arith.constant 0.000000e+00 : f32
    %max3A_42 = vector.broadcast %max3A : f32 to vector<128x256xf32>
    %max3A_43 = arith.maximumf %select_n3A_41, %max3A_42 : vector<128x256xf32>
    %swap3A = arith.constant 0 : index
    %swap3A_44 = arith.constant 0 : index
    %swap3A_45 = vector.load %arg6[%swap3A, %swap3A_44] : memref<128x256xf32, #tpu.memory_space<vmem>>, vector<128x256xf32>
    tpu.vector_store %arg6[%swap3A, %swap3A_44], %max3A_43 {strides = array<i32>} : memref<128x256xf32, #tpu.memory_space<vmem>>, vector<128x256xf32>,
    return
  }
  func.func @transform_0(%arg0: i32) -> (i32, i32) {
    %c0_i32 = arith.constant 0 : i32
    %c0_i32_0 = arith.constant 0 : i32
    return %arg0, %c0_i32 : i32, i32
  }
  func.func @transform_1(%arg0: i32) -> (i32, i32) {
    %c0_i32 = arith.constant 0 : i32
    %c0_i32_0 = arith.constant 0 : i32
    return %arg0, %c0_i32 : i32, i32
  }
  func.func @transform_2(%arg0: i32) -> (i32, i32) {
    %c0_i32 = arith.constant 0 : i32
    %c0_i32_0 = arith.constant 0 : i32
    %c0_i32_1 = arith.constant 0 : i32
    return %c0_i32, %c0_i32_0 : i32, i32
  }
  func.func @transform_3(%arg0: i32) -> (i32, i32) {
    %c0_i32 = arith.constant 0 : i32
    %c0_i32_0 = arith.constant 0 : i32
    %c0_i32_1 = arith.constant 0 : i32
    return %c0_i32, %c0_i32_0 : i32, i32
  }
  func.func @transform_4(%arg0: i32) -> (i32, i32) {
    %c0_i32 = arith.constant 0 : i32
    %c0_i32_0 = arith.constant 0 : i32
    %c0_i32_1 = arith.constant 0 : i32
    return %c0_i32, %c0_i32_0 : i32, i32
  }
  func.func @transform_5(%arg0: i32) -> (i32, i32) {
    %c0_i32 = arith.constant 0 : i32
    %c0_i32_0 = arith.constant 0 : i32
    return %arg0, %c0_i32 : i32, i32
  }
}

module attributes {stable_mosaic.version = 14 : i64} {
  func.func @_tail_body(%arg0: memref<632x256xf32, #tpu.memory_space<vmem>>, %arg1: memref<632x3xf32, #tpu.memory_space<vmem>>, %arg2: memref<259x256xf32, #tpu.memory_space<vmem>>, %arg3: memref<1x256xf32, #tpu.memory_space<vmem>>, %arg4: memref<256x512xf32, #tpu.memory_space<vmem>>, %arg5: memref<1x512xf32, #tpu.memory_space<vmem>>, %arg6: memref<512x256xf32, #tpu.memory_space<vmem>>, %arg7: memref<1x256xf32, #tpu.memory_space<vmem>>, %arg8: memref<256x128xf32, #tpu.memory_space<vmem>>, %arg9: memref<1x128xf32, #tpu.memory_space<vmem>>, %arg10: memref<1x128xf32, #tpu.memory_space<vmem>>) attributes {dimension_semantics = [], scalar_prefetch = 0 : i64, scratch_operands = 0 : i64, tpu.core_type = #tpu.core_type<tc>} {
    %get3A = arith.constant 0 : index
    %get3A_0 = arith.constant 0 : index
    %get3A_1 = vector.load %arg0[%get3A, %get3A_0] : memref<632x256xf32, #tpu.memory_space<vmem>>, vector<632x256xf32>
    %get3A_2 = arith.constant 0 : index
    %get3A_3 = arith.constant 0 : index
    %get3A_4 = vector.load %arg1[%get3A_2, %get3A_3] : memref<632x3xf32, #tpu.memory_space<vmem>>, vector<632x3xf32>
    %concatenate3A = tpu.concatenate %get3A_1, %get3A_4 in 1 : vector<632x256xf32>, vector<632x3xf32> -> vector<632x259xf32>
    %get3A_5 = arith.constant 0 : index
    %get3A_6 = arith.constant 0 : index
    %get3A_7 = vector.load %arg2[%get3A_5, %get3A_6] : memref<259x256xf32, #tpu.memory_space<vmem>>, vector<259x256xf32>
    %dot_general3A = arith.constant dense<0.000000e+00> : vector<632x256xf32>
    %dot_general3A_8 = tpu.matmul %concatenate3A, %get3A_7, %dot_general3A {dimension_numbers = #tpu.dot_dimension_numbers<[1], [0], [0], [1], [0, 0, 1, 1], [], []>, transpose_lhs_hint = false} : vector<632x259xf32>, vector<259x256xf32>, vector<632x256xf32> -> vector<632x256xf32>
    %get3A_9 = arith.constant 0 : index
    %get3A_10 = arith.constant 0 : index
    %get3A_11 = vector.load %arg3[%get3A_9, %get3A_10] : memref<1x256xf32, #tpu.memory_space<vmem>>, vector<1x256xf32>
    %add3A = vector.broadcast %get3A_11 : vector<1x256xf32> to vector<632x256xf32>
    %add3A_12 = arith.addf %dot_general3A_8, %add3A : vector<632x256xf32>
    %logistic3A = arith.negf %add3A_12 : vector<632x256xf32>
    %logistic3A_13 = math.exp %logistic3A : vector<632x256xf32>
    %logistic3A_14 = arith.constant 1.000000e+00 : f32
    %logistic3A_15 = vector.broadcast %logistic3A_14 : f32 to vector<632x256xf32>
    %logistic3A_16 = arith.addf %logistic3A_15, %logistic3A_13 : vector<632x256xf32>
    %logistic3A_17 = arith.divf %logistic3A_15, %logistic3A_16 : vector<632x256xf32>
    %get3A_18 = arith.constant 0 : index
    %get3A_19 = arith.constant 0 : index
    %get3A_20 = vector.load %arg4[%get3A_18, %get3A_19] : memref<256x512xf32, #tpu.memory_space<vmem>>, vector<256x512xf32>
    %dot_general3A_21 = arith.constant dense<0.000000e+00> : vector<632x512xf32>
    %dot_general3A_22 = tpu.matmul %logistic3A_17, %get3A_20, %dot_general3A_21 {dimension_numbers = #tpu.dot_dimension_numbers<[1], [0], [0], [1], [0, 0, 1, 1], [], []>, transpose_lhs_hint = false} : vector<632x256xf32>, vector<256x512xf32>, vector<632x512xf32> -> vector<632x512xf32>
    %get3A_23 = arith.constant 0 : index
    %get3A_24 = arith.constant 0 : index
    %get3A_25 = vector.load %arg5[%get3A_23, %get3A_24] : memref<1x512xf32, #tpu.memory_space<vmem>>, vector<1x512xf32>
    %add3A_26 = vector.broadcast %get3A_25 : vector<1x512xf32> to vector<632x512xf32>
    %add3A_27 = arith.addf %dot_general3A_22, %add3A_26 : vector<632x512xf32>
    %max3A = arith.constant 0.000000e+00 : f32
    %max3A_28 = vector.broadcast %max3A : f32 to vector<632x512xf32>
    %max3A_29 = arith.maximumf %add3A_27, %max3A_28 : vector<632x512xf32>
    %iota3A = tpu.iota {dimensions = array<i32: 0>} : vector<632x512xi32>
    %lt3A = arith.constant 625 : i32
    %lt3A_30 = vector.broadcast %lt3A : i32 to vector<632x512xi32>
    %lt3A_31 = arith.cmpi slt, %iota3A, %lt3A_30 : vector<632x512xi32>
    %jit3A = arith.constant 0xFF800000 : f32
    %broadcast_in_dim3A = vector.broadcast %jit3A : f32 to vector<632x512xf32>
    %select_n3A = arith.select %lt3A_31, %max3A_29, %broadcast_in_dim3A : vector<632x512xi1>, vector<632x512xf32>
    %reduce_max3A = arith.constant dense<0xFF800000> : vector<512xf32>
    %reduce_max3A_32 = vector.multi_reduction <maximumf>, %select_n3A, %reduce_max3A [0] : vector<632x512xf32> to vector<512xf32>
    %broadcast_in_dim3A_33 = vector.shape_cast %reduce_max3A_32 : vector<512xf32> to vector<1x512xf32>
    %get3A_34 = arith.constant 0 : index
    %get3A_35 = arith.constant 0 : index
    %get3A_36 = vector.load %arg6[%get3A_34, %get3A_35] : memref<512x256xf32, #tpu.memory_space<vmem>>, vector<512x256xf32>
    %dot_general3A_37 = arith.constant dense<0.000000e+00> : vector<1x256xf32>
    %dot_general3A_38 = tpu.matmul %broadcast_in_dim3A_33, %get3A_36, %dot_general3A_37 {dimension_numbers = #tpu.dot_dimension_numbers<[1], [0], [0], [1], [0, 0, 1, 1], [], []>, transpose_lhs_hint = false} : vector<1x512xf32>, vector<512x256xf32>, vector<1x256xf32> -> vector<1x256xf32>
    %get3A_39 = arith.constant 0 : index
    %get3A_40 = arith.constant 0 : index
    %get3A_41 = vector.load %arg7[%get3A_39, %get3A_40] : memref<1x256xf32, #tpu.memory_space<vmem>>, vector<1x256xf32>
    %add3A_42 = arith.addf %dot_general3A_38, %get3A_41 : vector<1x256xf32>
    %logistic3A_43 = arith.negf %add3A_42 : vector<1x256xf32>
    %logistic3A_44 = math.exp %logistic3A_43 : vector<1x256xf32>
    %logistic3A_45 = arith.constant 1.000000e+00 : f32
    %logistic3A_46 = vector.broadcast %logistic3A_45 : f32 to vector<1x256xf32>
    %logistic3A_47 = arith.addf %logistic3A_46, %logistic3A_44 : vector<1x256xf32>
    %logistic3A_48 = arith.divf %logistic3A_46, %logistic3A_47 : vector<1x256xf32>
    %get3A_49 = arith.constant 0 : index
    %get3A_50 = arith.constant 0 : index
    %get3A_51 = vector.load %arg8[%get3A_49, %get3A_50] : memref<256x128xf32, #tpu.memory_space<vmem>>, vector<256x128xf32>
    %dot_general3A_52 = arith.constant dense<0.000000e+00> : vector<1x128xf32>
    %dot_general3A_53 = tpu.matmul %logistic3A_48, %get3A_51, %dot_general3A_52 {dimension_numbers = #tpu.dot_dimension_numbers<[1], [0], [0], [1], [0, 0, 1, 1], [], []>, transpose_lhs_hint = false} : vector<1x256xf32>, vector<256x128xf32>, vector<1x128xf32> -> vector<1x128xf32>
    %get3A_54 = arith.constant 0 : index
    %get3A_55 = arith.constant 0 : index
    %get3A_56 = vector.load %arg9[%get3A_54, %get3A_55] : memref<1x128xf32, #tpu.memory_space<vmem>>, vector<1x128xf32>
    %add3A_57 = arith.addf %dot_general3A_53, %get3A_56 : vector<1x128xf32>
    %max3A_58 = arith.constant 0.000000e+00 : f32
    %max3A_59 = vector.broadcast %max3A_58 : f32 to vector<1x128xf32>
    %max3A_60 = arith.maximumf %add3A_57, %max3A_59 : vector<1x128xf32>
    %swap3A = arith.constant 0 : index
    %swap3A_61 = arith.constant 0 : index
    %swap3A_62 = vector.load %arg10[%swap3A, %swap3A_61] : memref<1x128xf32, #tpu.memory_space<vmem>>, vector<1x128xf32>
    tpu.vector_store %arg10[%swap3A, %swap3A_61], %max3A_60 {strides = array<i32>} : memref<1x128xf32, #tpu.memory_space<vmem>>, vector<1x128xf32>,
    return
  }
}

</mosaic_0001>

<sc_bundles>
// kernel: kernel.13.cloned.1.call-start
scs
__scs_entry_jumppad:
0x0: {  	(pc) =	sbr.rel $0x88, $3  }
0x1: {  	(tag) =	ssettag $0x0;
	lr =	simm.s32 $0x1  }
0x2: {  	[smem:$0x3F8F] =	sst lr;
	_ =	strace $0xD0000000  }
0x3: {  	_ = 	snop  }
0x4: {  	_ = 	snop  }
0x5: {  	_ = 	snop  }
0x6: {  	_ = 	snop  }
0x7: {  	_ = 	snop  }
__scs_overlays_trampoline_lowered:
0x8: {  	[smem:$0x3F9E] =	sst s0  }
0x9: {  	[smem:$0x3F9F] =	sst s1  }
0xa: {  	[smem:$0x3FA0] =	sst s2  }
0xb: {  	[smem:$0x3FA1] =	sst s3  }
0xc: {  	[smem:$0x3FA2] =	sst s4  }
0xd: {  	[smem:$0x3FA3] =	sst s5  }
0xe: {  	[smem:$0x3FA4] =	sst s6  }
0xf: {  	[smem:$0x3FA5] =	sst s7  }
0x10: {  	[smem:$0x3FA6] =	sst s8  }
0x11: {  	[smem:$0x3FA7] =	sst s9;
	s0 =	simm.s32 @!p0 $0x0  }
0x12: {  	s1 =	sld [smem:$0x3F8D];
	s0 =	simm.s32 @p0 $0x1  }
0x13: {  	[smem:$0x3FA8] =	sst s0;
	s0 =	simm.s32 @!p1 $0x0  }
0x14: {  	s2 =	sld [smem:$0x3F8C];
	s0 =	simm.s32 @p1 $0x1  }
0x15: {  	[smem:$0x3FA9] =	sst s0;
	s0 =	simm.s32 @!p2 $0x0  }
0x16: {  	s3 =	sld [smem:$0x3FDB];
	s0 =	simm.s32 @p2 $0x1  }
0x17: {  	s4 =	simm.s32 $0x1BF5;
	[smem:$0x3FAB] =	sst s0  }
0x18: {  	s0 =	sld [smem:$0x3F8E];
	_ =	swait.ge [sflag:s4], $0x0  }
0x19: {  	s7 =	sld [smem:$0x3F8F]  }
0x1a: {  	s8 =	sadd.s32 $0xFFFFE003, lr  }
0x1b: {  	s9 =	sadd.s32 $0xFFFFFEF7, lr;
	s5 =	simm.s32 $0xFFFFFFFF;
	p2 =	slt.u32 s8, $0xFFFFF086  }
0x1c: {  	p1 =	slt.u32 s9, $0xF7A;
	s5 =	simm.s32 @!p2 $0x0  }
0x1d: {  	s5 =	simm.s32 @p1 $0x1;
	p0 =	seq.s32 s7, s2  }
0x1e: {  	s7 =	smul.u32 @!p0 $0xF7A, s2;
	p2 =	seq.s32 @!p0 s5, $0x0  }
0x1f: {  	s9 =	smul.u32 $0xF7A, s1;
	s8 =	simm.s32 @!p0 $0x1BF5;
	p2 =	por !p2, p0  }
0x20: {  	[sflag:s8] =	ssyncset.s32 @!p0 $0xFFFFF086;
	s6 =	sadd.s32 @!p0 s3, s7;
	s7 =	simm.s32 @!p0 $0x108  }
0x21: {  	s3 =	sadd.s32 s3, s9;
	s6 =	sadd.s32 @!p0 $0x88, s6;
	s7 =	simm.s32 @p2 $0x1082  }
0x22: {  	[simem:s7], [sflag:s8] =	dma.local @!p0 [hbm:s6], $0xF7A  }
0x23: {  	s9 =	sor.u32 $0xD0000000, s2;
	s6 =	simm.s32 $0x108;
	_ =	swait.ge @!p0 [sflag:s8], $0x0  }
0x24: {  	s3 =	sadd.s32 $0x88, s3;
	s6 =	simm.s32 @!p1 $0x1082;
	[sflag:s4] =	ssyncset.s32 $0xFFFFF086  }
0x25: {  	[simem:s6], [sflag:s4] =	dma.local [hbm:s3], $0xF7A  }
0x26: {  	[smem:$0x3F8F] =	sst s1;
	(tag) =	ssettag s2;
	_ =	strace s9  }
0x27: {  	s1 =	sld [smem:$0x3F9F]  }
0x28: {  	s2 =	sld [smem:$0x3FA0]  }
0x29: {  	s4 =	sld [smem:$0x3FA2]  }
0x2a: {  	p0 =	seq.s32 s5, $0x0;
	s5 =	sld [smem:$0x3FA3]  }
0x2b: {  	s6 =	sld [smem:$0x3FA4]  }
0x2c: {  	s7 =	sld [smem:$0x3FA5]  }
0x2d: {  	s3 =	simm.s32 $0x108;
	s8 =	sld [smem:$0x3FA6]  }
0x2e: {  	s3 =	simm.s32 @!p0 $0x1082;
	s9 =	sld [smem:$0x3FA7]  }
0x2f: {  	lr =	sadd.s32 s0, s3;
	s0 =	sld [smem:$0x3F9E]  }
0x30: {  	s3 =	sld [smem:$0x3FA1]  }
0x31: {  	[smem:$0x3FAA] =	sst s10  }
0x32: {  	s10 =	sld [smem:$0x3FA8];
	_ =	sdelay $0x3  }
0x33: {  	p0 =	seq.s32 s10, $0x1;
	s10 =	sld [smem:$0x3FAA];
	_ =	sdelay $0x3  }
0x34: {  	[smem:$0x3FAA] =	sst s10  }
0x35: {  	s10 =	sld [smem:$0x3FA9];
	_ =	sdelay $0x3  }
0x36: {  	p1 =	seq.s32 s10, $0x1;
	s10 =	sld [smem:$0x3FAA];
	_ =	sdelay $0x3  }
0x37: {  	[smem:$0x3FAA] =	sst s10  }
0x38: {  	s10 =	sld [smem:$0x3FAB]  }
0x39: {  	_ = 	snop;
	(pc) =	sbr.ind lr, $3  }
0x3a: {  	_ = 	snop  }
0x3b: {  	_ = 	snop  }
0x3c: {  	p2 =	seq.s32 s10, $0x1;
	s10 =	sld [smem:$0x3FAA]  }
0x3d: {  	_ =	shalt  }
0x3e: {  	_ =	shalt  }
0x3f: {  	_ =	shalt  }
0x40: {  	_ =	shalt  }
0x41: {  	_ =	shalt  }
0x42: {  	_ =	shalt  }
0x43: {  	_ =	shalt  }
0x44: {  	_ =	shalt  }
0x45: {  	_ =	shalt  }
0x46: {  	_ =	shalt  }
0x47: {  	_ =	shalt  }
0x48: {  	_ =	shalt  }
0x49: {  	_ =	shalt  }
0x4a: {  	_ =	shalt  }
0x4b: {  	_ =	shalt  }
0x4c: {  	_ =	shalt  }
0x4d: {  	_ =	shalt  }
0x4e: {  	_ =	shalt  }
0x4f: {  	_ =	shalt  }
0x50: {  	_ =	shalt  }
0x51: {  	_ =	shalt  }
0x52: {  	_ =	shalt  }
0x53: {  	_ =	shalt  }
0x54: {  	_ =	shalt  }
0x55: {  	_ =	shalt  }
0x56: {  	_ =	shalt  }
0x57: {  	_ =	shalt  }
0x58: {  	_ =	shalt  }
0x59: {  	_ =	shalt  }
0x5a: {  	_ =	shalt  }
0x5b: {  	_ =	shalt  }
0x5c: {  	_ =	shalt  }
0x5d: {  	_ =	shalt  }
0x5e: {  	_ =	shalt  }
0x5f: {  	_ =	shalt  }
0x60: {  	_ =	shalt  }
0x61: {  	_ =	shalt  }
0x62: {  	_ =	shalt  }
0x63: {  	_ =	shalt  }
0x64: {  	_ =	shalt  }
0x65: {  	_ =	shalt  }
0x66: {  	_ =	shalt  }
0x67: {  	_ =	shalt  }
0x68: {  	_ =	shalt  }
0x69: {  	_ =	shalt  }
0x6a: {  	_ =	shalt  }
0x6b: {  	_ =	shalt  }
0x6c: {  	_ =	shalt  }
0x6d: {  	_ =	shalt  }
0x6e: {  	_ =	shalt  }
0x6f: {  	_ =	shalt  }
0x70: {  	_ =	shalt  }
0x71: {  	_ =	shalt  }
0x72: {  	_ =	shalt  }
0x73: {  	_ =	shalt  }
0x74: {  	_ =	shalt  }
0x75: {  	_ =	shalt  }
0x76: {  	_ =	shalt  }
0x77: {  	_ =	shalt  }
0x78: {  	_ =	shalt  }
0x79: {  	_ =	shalt  }
0x7a: {  	_ =	shalt  }
0x7b: {  	_ =	shalt  }
0x7c: {  	_ =	shalt  }
0x7d: {  	_ =	shalt  }
0x7e: {  	_ =	shalt  }
0x7f: {  	_ =	shalt  }
0x80: {  	_ =	shalt  }
0x81: {  	_ =	shalt  }
0x82: {  	_ =	shalt  }
0x83: {  	_ =	shalt  }
0x84: {  	_ =	shalt  }
0x85: {  	_ =	shalt  }
0x86: {  	_ =	shalt  }
0x87: {  	_ =	shalt  }
.Lfunc_end0:
.L_simem_size_0:
called_computation_lowered:
.L_overlay_start_0:
0x88: {  	s2 =	sld [smem:$0x3FD9]  }
0x89: {  	s3 =	sld [smem:$0x3FFE];
	_ =	sdelay $0x1  }
0x8a: {  	s1 =	srdreg.scid  }
0x8b: {  	s0 =	sand.u32 $0x1, s1  }
0x8c: {  	s17 =	sshll.u32 s0, $0xA;
	s2 =	sadd.s32 s3, s2  }
0x8d: {  	s2 =	sadd.s32 s2, s17  }
0x8e: {  	[smem:$0x3FB6] =	sst s2  }
0x8f: {  	_ = 	snop  }
0x90: {  	s2 =	sld [smem:$0x3FD0];
	(tm) =	ssettm $0x1  }
0x91: {  	s18 =	sld [smem:$0x3FFB];
	_ =	sdelay $0x3  }
0x92: {  	_ =	strace s18  }
0x93: {  	s3 =	sld [smem:$0x3FFC];
	_ =	sdelay $0x3  }
0x94: {  	_ =	strace s3  }
0x95: {  	s3 =	sld [smem:$0x3FFD];
	_ =	sdelay $0x3  }
0x96: {  	_ =	strace s3  }
0x97: {  	_ =	strace $0x8FFFFFFF  }
0x98: {  	s19 =	sld [smem:$0x3FDB];
	_ =	sdelay $0x1  }
0x99: {  	s4 =	simm.s32 $_scs_section_size  }
0x9a: {  	s5 =	simm.s32 $_size__tile_overlayer_lowered;
	s6 =	simm.s32 $_tile_overlayer_lowered  }
0x9b: {  	s22 =	simm.s32 $0x1BFF;
	s21 =	sshll.u32 s6, $0x1;
	s3 =	sadd.s32 s4, s19  }
0x9c: {  	s7 =	simm.s32 $0x0;
	s20 =	sshll.u32 s5, $0x1;
	s5 =	sadd.s32 s21, s3  }
0x9d: {  	[timem:s7], [sflag:s22] =	dma.local [hbm:s5], s20  }
0x9e: {  	_ =	swait.ge [sflag:s22], s20  }
0x9f: {  	s4 =	ssub.s32 $0x0, s20;
	[sflag:s22] =	ssyncset.done $0x0  }
0xa0: {  	[sflag:s22] =	ssyncadd.s32 s4;
	_ =	sdelay $0x1  }
0xa1: {  	s23 =	simm.s32 $0x1B8B  }
0xa2: {  	_ =	swait.ge [sflag:s23], $0x1  }
0xa3: {  	[sflag:s23] =	ssyncset.done $0x0  }
0xa4: {  	s25 =	simm.s32 $0x1B8E;
	s24 =	sld [smem:$0x3FFE];
	[sflag:s23] =	ssyncadd.s32 $0xFFFFFFFF  }
0xa5: {  	s26 =	simm.s32 $execute0_lowered;
	[smem:$0x3FD2] =	sst s25  }
0xa6: {  	s5 =	sshll.u32 s26, $0x1;
	_ =	strace $0x80000046;
	[dreg:$0x1] =	wrdreg $0xFFFFFFFF  }
0xa7: {  	s28 =	simm.s32 $_size_execute0_lowered;
	s3 =	sadd.s32 s3, s5;
	[dreg:$0x0] =	wrdreg $0x0  }
0xa8: {  	s5 =	sshll.u32 s28, $0x1;
	[dreg:$0x2] =	wrdreg s3  }
0xa9: {  	[dreg:$0x3] =	wrdreg s5  }
0xaa: {  	[dreg:$0x4] =	wrdreg $0xC0  }
0xab: {  	_ =	task [dreg:s7], $0x5FFFF  }
0xac: {  	[dreg:$0x1] =	wrdreg $0xFFFFFFFF  }
0xad: {  	[dreg:$0x0] =	wrdreg $0x60  }
0xae: {  	[dreg:$0x2] =	wrdreg s24  }
0xaf: {  	[dreg:$0x3] =	wrdreg s2  }
0xb0: {  	[dreg:$0x4] =	wrdreg $0x9  }
0xb1: {  	_ =	task.clear_ibuf [dreg:s7], $0x5FFFF;
	_ =	strace $0x90000046  }
0xb2: {  	s29 =	simm.s32 $0x9;
	_ =	strace $0x80000048  }
0xb3: {  	_ =	swait.ge [sflag:s29], $0x1  }
0xb4: {  	[sflag:s29] =	ssyncadd.s32 $0xFFFFFFFF  }
0xb5: {  	_ =	strace $0x90000048  }
0xb6: {  	_ =	sfence  }
0xb7: {  	s30 =	sld [smem:$0x0];
	_ =	sdelay $0x2  }
0xb8: {  	s31 =	sshll.u32 s1, $0xD;
	s1 =	sshrl.u32 s1, $0x2  }
0xb9: {  	s3 =	sand.u32 $0x4000, s31;
	s1 =	sadd.s32 s1, s30  }
0xba: {  	s0 =	sor.u32 s3, s0;
	s1 =	sshll.u32 s1, $0x11  }
0xbb: {  	s0 =	sor.u32 s1, s0  }
0xbc: {  	s0 =	sadd.s32 $0x8F2B, s0  }
0xbd: {  	[sflag:s0] =	ssyncadd.remote.s32 $0x1  }
0xbe: {  	_ =	sfence.sel $0xFFFF  }
0xbf: {  	[dreg:$0x0] =	wrdreg $0xFFFFFFFF;
	(pc) =	sbr.abs _section_cstart, $3  }
0xc0: {  	[dreg:$0x1] =	wrdreg $0xFFFFFFFF  }
0xc1: {  	_ =	task.clear_ibuf [dreg:s7], $0x2FFFF;
	_ =	strace $0x9FFFFFFF  }
0xc2: {  	(tm) =	ssettm $0x7FFFFFFF  }
0xc3: {  	_ =	shalt  }
tec
execute0_lowered:
.L_overlay_start_1:
0x0: {  	(tag) =	ssettag $0x1  }
0x1: {  	v0 =	vimm.s32 $0xFEDCBA98  }
0x2: {  	s0 =	rddreg [dreg:$0x0];
	s3 =	simm.s32 $0x0;
	v1 =	vimm.s32 $0x76543210;
	v2 =	vimm.s32 $0xBA98FEDC;
	v3 =	vimm.s32 $0x32107654  }
0x3: {  	s1 =	srdreg.scid;
	s2 =	stileid.u32;
	v4 =	vimm.s32 $0xDCFE98BA;
	v5 =	vimm.s32 $0x54761032;
	v6 =	vimm.s32 $0xEFCDAB89;
	s13 =	simm.s32 $0x1  }
0x4: {  	v7 =	vimm.s32 $0x67452301;
	s17 =	simm.s32 $0x7880;
	s18 =	simm.s32 $0x7900;
	s19 =	simm.s32 $0xA180;
	v0 =	vunpack.c.l.s4.s8 v0;
	v1 =	vunpack.c.l.s4.s8 v1  }
0x5: {  	s20 =	simm.s32 $0xCA00;
	s1 =	sand.u32 $0x1, s1;
	s2 =	sshll.u32 s2, $0x1;
	v2 =	vunpack.c.l.s4.s8 v2;
	v3 =	vunpack.c.l.s4.s8 v3;
	v4 =	vunpack.c.l.s4.s8 v4  }
0x6: {  	s21 =	simm.s32 $0xF280;
	s22 =	simm.s32 $0x0;
	v5 =	vunpack.c.l.s4.s8 v5;
	v6 =	vunpack.c.l.s4.s8 v6;
	v7 =	vunpack.c.l.s4.s8 v7;
	s2 =	sor.u32 s1, s2  }
0x7: {  	[smem:$0x7FF] =	sst s3;
	s4 =	sadd.s32 $0x2A00, s0;
	v0 =	vunpack.c.0.s8.s32 v0;
	s7 =	smul.u32 $0xA, s2;
	v1 =	vunpack.c.0.s8.s32 v1;
	v2 =	vunpack.c.0.s8.s32 v2  }
.Ltmp0:
0x8: {  	s5 =	sadd.s32 $0x2400, s0;
	s1 =	ssub.s32 $0x2, s1;
	v3 =	vunpack.c.0.s8.s32 v3;
	v4 =	vunpack.c.0.s8.s32 v4;
	v5 =	vunpack.c.0.s8.s32 v5;
	(pc) =	sbr.rel .LBB2_1-.Ltmp0, $4  }
0x9: {  	s6 =	sadd.s32 $0x1E00, s0;
	s2 =	smul.u32 $0x140, s2;
	s31 =	sshrl.u32 s1, $0x1;
	v6 =	vunpack.c.0.s8.s32 v6;
	v7 =	vunpack.c.0.s8.s32 v7;
	v0 =	vand.u32 $0xF, v0  }
0xa: {  	_ =	strace $0x80000047;
	s1 =	ssub.s32 s1, s31;
	s9 =	sadd.s32 s7, s0;
	v0 =	vcombine.low v0, v1;
	v1 =	vcombine.low v3, v2  }
0xb: {  	s0 =	sadd.s32 s2, s0;
	s11 =	smax.u32 s1, $0x1;
	s7 =	sadd.s32 $0x3400, s9;
	v2 =	vcombine.low v5, v4;
	v3 =	vcombine.low v7, v6  }
0xc: {  	s8 =	sadd.s32 $0x3200, s9;
	s9 =	sadd.s32 $0x3000, s9;
	s10 =	sadd.s32 $0x3600, s0;
	v4 =	vimm.s32 $0x0;
	v5 =	vlaneseq.u32;
	v6 =	vimm.f32 $+Inf  }
.LBB2_18:
0xd: {  	s22 =	sadd.s32 $0x1, s22  }
0xe: {  	p0 =	sne.s32 s22, s11  }
.Ltmp1:
0xf: {  	_ = 	snop;
	(pc) =	sbr.rel @!p0 .LBB2_19-.Ltmp1, $4  }
0x10: {  	[hbm4b:s10+s3] =	stream.linear.scatter [tilespmem:s21], [sflag:$0x1], $0xA00, $0x38;
	[tilespmem:$0xFD00] =	vst v63  }
0x11: {  	_ =	swait.ge [sflag:s13], $0xA00  }
0x12: {  	[sflag:s13] =	ssyncset.done $0x0  }
0x13: {  	[sflag:s13] =	ssyncadd.s32 $0xFFFFF600  }
.LBB2_1:
0x14: {  	s0 =	rddreg [dreg:$0x1];
	s1 =	simm.s32 $0xFC80  }
0x15: {  	[tilespmem:s1], [sflag:$0x1] =	stream.linear.gather [hbm4b:s0+s3], $0x1, $0x38;
	[tilespmem:$0xFD00] =	vst v63  }
0x16: {  	_ =	swait.ge [sflag:s13], $0x1  }
0x17: {  	[sflag:s13] =	ssyncset.done $0x0  }
0x18: {  	[sflag:s13] =	ssyncadd.s32 $0xFFFFFFFF  }
0x19: {  	v7 =	vld [tilespmem:$0xFC80];
	_ =	sdelay $0x4  }
0x1a: {  	(v2sf) =	vpush v7, $0x0;
	_ =	sdelay $0xd  }
0x1b: {  	[tilespmem:s3], [sflag:$0x1] =	stream.linear.gather [hbm4b:s4+s3], $0x2800, $0x38;
	[tilespmem:$0xFD00] =	vst v63  }
0x1c: {  	s23 =	spop (v2sf)  }
0x1d: {  	_ =	swait.ge [sflag:s13], $0x2800  }
0x1e: {  	[sflag:s13] =	ssyncset.done $0x0  }
0x1f: {  	s29 =	simm.s32 $0x2800;
	[sflag:s13] =	ssyncadd.s32 $0xFFFFD800  }
0x20: {  	[tilespmem:s29], [sflag:$0x1] =	stream.linear.gather [hbm4b:s5+s3], $0x2800, $0x38;
	[tilespmem:$0xFD00] =	vst v63  }
0x21: {  	_ =	swait.ge [sflag:s13], $0x2800  }
0x22: {  	[sflag:s13] =	ssyncset.done $0x0  }
0x23: {  	s30 =	simm.s32 $0x5000;
	[sflag:s13] =	ssyncadd.s32 $0xFFFFD800  }
0x24: {  	[tilespmem:s30], [sflag:$0x1] =	stream.linear.gather [hbm4b:s6+s3], $0x2800, $0x38;
	[tilespmem:$0xFD00] =	vst v63  }
0x25: {  	_ =	swait.ge [sflag:s13], $0x2800  }
0x26: {  	[sflag:s13] =	ssyncset.done $0x0  }
0x27: {  	s31 =	simm.s32 $0x7800;
	[sflag:s13] =	ssyncadd.s32 $0xFFFFD800  }
0x28: {  	[tilespmem:s31], [sflag:$0x1] =	stream.linear.gather [hbm4b:s7+s3], $0x50, $0x38;
	[tilespmem:$0xFD00] =	vst v63  }
0x29: {  	_ =	swait.ge [sflag:s13], $0x50  }
0x2a: {  	[sflag:s13] =	ssyncset.done $0x0  }
0x2b: {  	[sflag:s13] =	ssyncadd.s32 $0xFFFFFFB0  }
0x2c: {  	[tilespmem:s17], [sflag:$0x1] =	stream.linear.gather [hbm4b:s8+s3], $0x50, $0x38;
	[tilespmem:$0xFD00] =	vst v63  }
0x2d: {  	_ =	swait.ge [sflag:s13], $0x50  }
0x2e: {  	[sflag:s13] =	ssyncset.done $0x0  }
.Ltmp2:
0x2f: {  	[sflag:s13] =	ssyncadd.s32 $0xFFFFFFB0;
	(pc) =	sbr.rel .LBB2_2-.Ltmp2, $4  }
0x30: {  	[tilespmem:s18], [sflag:$0x1] =	stream.linear.gather [hbm4b:s9+s3], $0x50, $0x38;
	[tilespmem:$0xFD00] =	vst v63  }
0x31: {  	_ =	swait.ge [sflag:s13], $0x50  }
0x32: {  	[sflag:s13] =	ssyncset.done $0x0  }
0x33: {  	s24 =	simm.s32 $0x0;
	[sflag:s13] =	ssyncadd.s32 $0xFFFFFFB0  }
.LBB2_17:
0x34: {  	s24 =	sadd.s32 $0x1, s24  }
0x35: {  	p0 =	sne.s32 s24, $0x50  }
.Ltmp3:
0x36: {  	_ = 	snop;
	(pc) =	sbr.rel @!p0 .LBB2_18-.Ltmp3, $1  }
0x37: {  	_ =	sdelay $0x3  }
.LBB2_2:
0x38: {  	v7 =	vld.msk [tilespmem:s24+$0x7800 ss:$0x0], $0xffff  }
0x39: {  	v8 =	vld.msk [tilespmem:s24+$0x7880 ss:$0x0], $0xffff;
	s30 =	simm.s32 $0x28A0  }
0x3a: {  	s31 =	simm.s32 $0xA0;
	v10 =	vld [tilespmem:s30+$0xFFFFFF60]  }
0x3b: {  	v11 =	vld [tilespmem:s31+$0xFFFFFF60]  }
0x3c: {  	v9 =	vld.msk [tilespmem:s24+$0x7900 ss:$0x0], $0xffff;
	s0 =	simm.s32 $0x50A0  }
0x3d: {  	v12 =	vld [tilespmem:s0+$0xFFFFFF60];
	_ =	sdelay $0x2  }
0x3e: {  	v10 =	vsub.f32 v10, v8;
	v11 =	vsub.f32 v11, v7;
	_ =	sdelay $0x1  }
0x3f: {  	v12 =	vsub.f32 v12, v9;
	v10 =	vmul.f32 v10, v10;
	v11 =	vmul.f32 v11, v11;
	_ =	sdelay $0x1  }
0x40: {  	v10 =	vadd.f32 v10, v11;
	v11 =	vmul.f32 v12, v12;
	_ =	sdelay $0x1  }
0x41: {  	v14 =	vadd.f32 v11, v10  }
0x42: {  	s2 =	simm.s32 $0x7A20  }
0x43: {  	[tilespmem:s2+$0xFFFFFF60] =	vst v14  }
0x44: {  	v10 =	vld [tilespmem:s31+$0xFFFFFF70]  }
0x45: {  	v11 =	vld [tilespmem:s30+$0xFFFFFF70];
	_ =	sdelay $0x1  }
0x46: {  	v12 =	vld [tilespmem:s0+$0xFFFFFF70];
	_ =	sdelay $0x2  }
0x47: {  	v10 =	vsub.f32 v10, v7;
	v11 =	vsub.f32 v11, v8;
	_ =	sdelay $0x1  }
0x48: {  	v12 =	vsub.f32 v12, v9;
	v10 =	vmul.f32 v10, v10;
	v11 =	vmul.f32 v11, v11;
	_ =	sdelay $0x1  }
0x49: {  	v10 =	vadd.f32 v11, v10;
	v11 =	vmul.f32 v12, v12;
	_ =	sdelay $0x1  }
0x4a: {  	v23 =	vadd.f32 v11, v10;
	_ =	sdelay $0x1  }
0x4b: {  	[tilespmem:s2+$0xFFFFFF70] =	vst v23  }
0x4c: {  	v10 =	vld [tilespmem:s31+$0xFFFFFF80]  }
0x4d: {  	v11 =	vld [tilespmem:s30+$0xFFFFFF80];
	_ =	sdelay $0x1  }
0x4e: {  	v12 =	vld [tilespmem:s0+$0xFFFFFF80];
	_ =	sdelay $0x2  }
0x4f: {  	v10 =	vsub.f32 v10, v7;
	v11 =	vsub.f32 v11, v8;
	_ =	sdelay $0x1  }
0x50: {  	v12 =	vsub.f32 v12, v9;
	v10 =	vmul.f32 v10, v10;
	v11 =	vmul.f32 v11, v11;
	_ =	sdelay $0x1  }
0x51: {  	v10 =	vadd.f32 v11, v10;
	v11 =	vmul.f32 v12, v12;
	_ =	sdelay $0x1  }
0x52: {  	v24 =	vadd.f32 v11, v10;
	_ =	sdelay $0x1  }
0x53: {  	[tilespmem:s2+$0xFFFFFF80] =	vst v24  }
0x54: {  	v10 =	vld [tilespmem:s31+$0xFFFFFF90]  }
0x55: {  	v11 =	vld [tilespmem:s30+$0xFFFFFF90];
	_ =	sdelay $0x1  }
0x56: {  	v12 =	vld [tilespmem:s0+$0xFFFFFF90];
	_ =	sdelay $0x2  }
0x57: {  	v10 =	vsub.f32 v10, v7;
	v11 =	vsub.f32 v11, v8;
	_ =	sdelay $0x1  }
0x58: {  	v12 =	vsub.f32 v12, v9;
	v10 =	vmul.f32 v10, v10;
	v11 =	vmul.f32 v11, v11;
	_ =	sdelay $0x1  }
0x59: {  	v10 =	vadd.f32 v11, v10;
	v11 =	vmul.f32 v12, v12;
	_ =	sdelay $0x1  }
0x5a: {  	v25 =	vadd.f32 v11, v10;
	_ =	sdelay $0x1  }
0x5b: {  	[tilespmem:s2+$0xFFFFFF90] =	vst v25  }
0x5c: {  	v10 =	vld [tilespmem:s30+$0xFFFFFFA0]  }
0x5d: {  	v11 =	vld [tilespmem:s31+$0xFFFFFFA0];
	_ =	sdelay $0x1  }
0x5e: {  	v12 =	vld [tilespmem:s0+$0xFFFFFFA0];
	_ =	sdelay $0x2  }
0x5f: {  	v10 =	vsub.f32 v10, v8;
	v11 =	vsub.f32 v11, v7;
	_ =	sdelay $0x1  }
0x60: {  	v12 =	vsub.f32 v12, v9;
	v10 =	vmul.f32 v10, v10;
	v11 =	vmul.f32 v11, v11;
	_ =	sdelay $0x1  }
0x61: {  	v10 =	vadd.f32 v10, v11;
	v11 =	vmul.f32 v12, v12;
	_ =	sdelay $0x1  }
0x62: {  	v26 =	vadd.f32 v11, v10;
	_ =	sdelay $0x1  }
0x63: {  	[tilespmem:s2+$0xFFFFFFA0] =	vst v26  }
0x64: {  	v10 =	vld [tilespmem:s31+$0xFFFFFFB0]  }
0x65: {  	v11 =	vld [tilespmem:s30+$0xFFFFFFB0];
	_ =	sdelay $0x1  }
0x66: {  	v12 =	vld [tilespmem:s0+$0xFFFFFFB0];
	_ =	sdelay $0x2  }
0x67: {  	v10 =	vsub.f32 v10, v7;
	v11 =	vsub.f32 v11, v8;
	_ =	sdelay $0x1  }
0x68: {  	v12 =	vsub.f32 v12, v9;
	v10 =	vmul.f32 v10, v10;
	v11 =	vmul.f32 v11, v11;
	_ =	sdelay $0x1  }
0x69: {  	v10 =	vadd.f32 v11, v10;
	v11 =	vmul.f32 v12, v12;
	_ =	sdelay $0x1  }
0x6a: {  	v27 =	vadd.f32 v11, v10;
	_ =	sdelay $0x1  }
0x6b: {  	[tilespmem:s2+$0xFFFFFFB0] =	vst v27  }
0x6c: {  	v10 =	vld [tilespmem:s31+$0xFFFFFFC0]  }
0x6d: {  	v11 =	vld [tilespmem:s30+$0xFFFFFFC0];
	_ =	sdelay $0x1  }
0x6e: {  	v12 =	vld [tilespmem:s0+$0xFFFFFFC0];
	_ =	sdelay $0x2  }
0x6f: {  	v10 =	vsub.f32 v10, v7;
	v11 =	vsub.f32 v11, v8;
	_ =	sdelay $0x1  }
0x70: {  	v12 =	vsub.f32 v12, v9;
	v10 =	vmul.f32 v10, v10;
	v11 =	vmul.f32 v11, v11;
	_ =	sdelay $0x1  }
0x71: {  	v10 =	vadd.f32 v11, v10;
	v11 =	vmul.f32 v12, v12;
	_ =	sdelay $0x1  }
0x72: {  	v10 =	vadd.f32 v11, v10;
	_ =	sdelay $0x1  }
0x73: {  	[tilespmem:s2+$0xFFFFFFC0] =	vst v10  }
0x74: {  	v11 =	vld [tilespmem:s31+$0xFFFFFFD0]  }
0x75: {  	v12 =	vld [tilespmem:s30+$0xFFFFFFD0];
	_ =	sdelay $0x1  }
0x76: {  	v13 =	vld [tilespmem:s0+$0xFFFFFFD0];
	_ =	sdelay $0x2  }
0x77: {  	v11 =	vsub.f32 v11, v7;
	v12 =	vsub.f32 v12, v8;
	_ =	sdelay $0x1  }
0x78: {  	v13 =	vsub.f32 v13, v9;
	v11 =	vmul.f32 v11, v11;
	v12 =	vmul.f32 v12, v12;
	_ =	sdelay $0x1  }
0x79: {  	v11 =	vadd.f32 v12, v11;
	v12 =	vmul.f32 v13, v13;
	_ =	sdelay $0x1  }
0x7a: {  	v11 =	vadd.f32 v12, v11  }
0x7b: {  	s1 =	simm.s32 $0x0  }
0x7c: {  	s1 =	sand.u32 $0x3FC0, s1;
	[tilespmem:s2+$0xFFFFFFD0] =	vst v11  }
0x7d: {  	v12 =	vld [tilespmem:s1+$0x2880]  }
0x7e: {  	v13 =	vld [tilespmem:s1+$0x80];
	_ =	sdelay $0x1  }
0x7f: {  	v15 =	vld [tilespmem:s1+$0x5080];
	_ =	sdelay $0x2  }
0x80: {  	v12 =	vsub.f32 v12, v8;
	v13 =	vsub.f32 v13, v7;
	_ =	sdelay $0x1  }
0x81: {  	v15 =	vsub.f32 v15, v9;
	v13 =	vmul.f32 v13, v13;
	v12 =	vmul.f32 v12, v12;
	_ =	sdelay $0x1  }
0x82: {  	v12 =	vadd.f32 v12, v13;
	v13 =	vmul.f32 v15, v15;
	_ =	sdelay $0x1  }
0x83: {  	v12 =	vadd.f32 v13, v12;
	_ =	sdelay $0x1  }
0x84: {  	[tilespmem:s1+$0x7A00] =	vst v12  }
0x85: {  	v13 =	vld [tilespmem:s31+$0xFFFFFFF0]  }
0x86: {  	v15 =	vld [tilespmem:s30+$0xFFFFFFF0];
	_ =	sdelay $0x1  }
0x87: {  	v16 =	vld [tilespmem:s0+$0xFFFFFFF0];
	_ =	sdelay $0x2  }
0x88: {  	v13 =	vsub.f32 v13, v7;
	v15 =	vsub.f32 v15, v8;
	_ =	sdelay $0x1  }
0x89: {  	v16 =	vsub.f32 v16, v9;
	v13 =	vmul.f32 v13, v13;
	v15 =	vmul.f32 v15, v15;
	_ =	sdelay $0x1  }
0x8a: {  	v13 =	vadd.f32 v15, v13;
	v15 =	vmul.f32 v16, v16;
	_ =	sdelay $0x1  }
0x8b: {  	v13 =	vadd.f32 v15, v13;
	_ =	sdelay $0x1  }
0x8c: {  	[tilespmem:s2+$0xFFFFFFF0] =	vst v13  }
0x8d: {  	v15 =	vld [tilespmem:s31+$0x0]  }
0x8e: {  	v16 =	vld [tilespmem:s30+$0x0];
	_ =	sdelay $0x1  }
0x8f: {  	v17 =	vld [tilespmem:s0+$0x0];
	_ =	sdelay $0x2  }
0x90: {  	v15 =	vsub.f32 v15, v7;
	v16 =	vsub.f32 v16, v8;
	_ =	sdelay $0x1  }
0x91: {  	v17 =	vsub.f32 v17, v9;
	v15 =	vmul.f32 v15, v15;
	v16 =	vmul.f32 v16, v16;
	_ =	sdelay $0x1  }
0x92: {  	v15 =	vadd.f32 v16, v15;
	v16 =	vmul.f32 v17, v17;
	_ =	sdelay $0x1  }
0x93: {  	v15 =	vadd.f32 v16, v15;
	_ =	sdelay $0x1  }
0x94: {  	[tilespmem:s2+$0x0] =	vst v15  }
0x95: {  	v16 =	vld [tilespmem:s31+$0x10]  }
0x96: {  	v17 =	vld [tilespmem:s30+$0x10];
	_ =	sdelay $0x1  }
0x97: {  	v18 =	vld [tilespmem:s0+$0x10];
	_ =	sdelay $0x2  }
0x98: {  	v16 =	vsub.f32 v16, v7;
	v17 =	vsub.f32 v17, v8;
	_ =	sdelay $0x1  }
0x99: {  	v18 =	vsub.f32 v18, v9;
	v16 =	vmul.f32 v16, v16;
	v17 =	vmul.f32 v17, v17;
	_ =	sdelay $0x1  }
0x9a: {  	v16 =	vadd.f32 v17, v16;
	v17 =	vmul.f32 v18, v18;
	_ =	sdelay $0x1  }
0x9b: {  	v16 =	vadd.f32 v17, v16;
	_ =	sdelay $0x1  }
0x9c: {  	[tilespmem:s2+$0x10] =	vst v16  }
0x9d: {  	v17 =	vld [tilespmem:s30+$0x20]  }
0x9e: {  	v18 =	vld [tilespmem:s31+$0x20];
	_ =	sdelay $0x1  }
0x9f: {  	v19 =	vld [tilespmem:s0+$0x20];
	_ =	sdelay $0x2  }
0xa0: {  	v17 =	vsub.f32 v17, v8;
	v18 =	vsub.f32 v18, v7;
	_ =	sdelay $0x1  }
0xa1: {  	v19 =	vsub.f32 v19, v9;
	v18 =	vmul.f32 v18, v18;
	v17 =	vmul.f32 v17, v17;
	_ =	sdelay $0x1  }
0xa2: {  	v17 =	vadd.f32 v17, v18;
	v18 =	vmul.f32 v19, v19;
	_ =	sdelay $0x1  }
0xa3: {  	v17 =	vadd.f32 v18, v17;
	_ =	sdelay $0x1  }
0xa4: {  	[tilespmem:s2+$0x20] =	vst v17  }
0xa5: {  	v18 =	vld [tilespmem:s31+$0x30]  }
0xa6: {  	v19 =	vld [tilespmem:s30+$0x30];
	_ =	sdelay $0x1  }
0xa7: {  	v20 =	vld [tilespmem:s0+$0x30];
	_ =	sdelay $0x2  }
0xa8: {  	v18 =	vsub.f32 v18, v7;
	v19 =	vsub.f32 v19, v8;
	_ =	sdelay $0x1  }
0xa9: {  	v20 =	vsub.f32 v20, v9;
	v18 =	vmul.f32 v18, v18;
	v19 =	vmul.f32 v19, v19;
	_ =	sdelay $0x1  }
0xaa: {  	v18 =	vadd.f32 v19, v18;
	v19 =	vmul.f32 v20, v20;
	_ =	sdelay $0x1  }
0xab: {  	v18 =	vadd.f32 v19, v18;
	_ =	sdelay $0x1  }
0xac: {  	[tilespmem:s2+$0x30] =	vst v18  }
0xad: {  	v19 =	vld [tilespmem:s31+$0x40]  }
0xae: {  	v20 =	vld [tilespmem:s30+$0x40];
	_ =	sdelay $0x1  }
0xaf: {  	v21 =	vld [tilespmem:s0+$0x40];
	_ =	sdelay $0x2  }
0xb0: {  	v19 =	vsub.f32 v19, v7;
	v20 =	vsub.f32 v20, v8;
	_ =	sdelay $0x1  }
0xb1: {  	v21 =	vsub.f32 v21, v9;
	v19 =	vmul.f32 v19, v19;
	v20 =	vmul.f32 v20, v20;
	_ =	sdelay $0x1  }
0xb2: {  	v19 =	vadd.f32 v20, v19;
	v20 =	vmul.f32 v21, v21;
	_ =	sdelay $0x1  }
0xb3: {  	v19 =	vadd.f32 v20, v19;
	_ =	sdelay $0x1  }
0xb4: {  	[tilespmem:s2+$0x40] =	vst v19  }
0xb5: {  	v20 =	vld [tilespmem:s31+$0x50]  }
0xb6: {  	v21 =	vld [tilespmem:s30+$0x50];
	_ =	sdelay $0x1  }
0xb7: {  	v22 =	vld [tilespmem:s0+$0x50];
	_ =	sdelay $0x2  }
0xb8: {  	v20 =	vsub.f32 v20, v7;
	v21 =	vsub.f32 v21, v8;
	_ =	sdelay $0x1  }
0xb9: {  	v22 =	vsub.f32 v22, v9;
	v20 =	vmul.f32 v20, v20;
	v21 =	vmul.f32 v21, v21;
	_ =	sdelay $0x1  }
0xba: {  	v20 =	vadd.f32 v21, v20;
	v21 =	vmul.f32 v22, v22;
	_ =	sdelay $0x1  }
0xbb: {  	v20 =	vadd.f32 v21, v20;
	_ =	sdelay $0x1  }
0xbc: {  	[tilespmem:s2+$0x50] =	vst v20  }
0xbd: {  	v21 =	vld [tilespmem:s1+$0x100]  }
0xbe: {  	v22 =	vld [tilespmem:s1+$0x2900];
	_ =	sdelay $0x1  }
0xbf: {  	v28 =	vld [tilespmem:s1+$0x5100];
	_ =	sdelay $0x2  }
0xc0: {  	v21 =	vsub.f32 v21, v7;
	v22 =	vsub.f32 v22, v8;
	_ =	sdelay $0x1  }
0xc1: {  	v28 =	vsub.f32 v28, v9;
	v21 =	vmul.f32 v21, v21;
	v22 =	vmul.f32 v22, v22;
	_ =	sdelay $0x1  }
0xc2: {  	v21 =	vadd.f32 v22, v21;
	v22 =	vmul.f32 v28, v28;
	_ =	sdelay $0x1  }
0xc3: {  	v21 =	vadd.f32 v22, v21;
	_ =	sdelay $0x1  }
0xc4: {  	[tilespmem:s1+$0x7A80] =	vst v21  }
0xc5: {  	v22 =	vld [tilespmem:s31+$0x70]  }
0xc6: {  	v59 =	vld [tilespmem:s30+$0x70];
	_ =	sdelay $0x1  }
0xc7: {  	v29 =	vld [tilespmem:s0+$0x70];
	_ =	sdelay $0x2  }
0xc8: {  	v22 =	vsub.f32 v22, v7;
	v28 =	vsub.f32 v59, v8;
	_ =	sdelay $0x1  }
0xc9: {  	v29 =	vsub.f32 v29, v9;
	v22 =	vmul.f32 v22, v22;
	v28 =	vmul.f32 v28, v28;
	_ =	sdelay $0x1  }
0xca: {  	v60 =	vmul.f32 v29, v29;
	v22 =	vadd.f32 v28, v22;
	_ =	sdelay $0x1  }
0xcb: {  	v22 =	vadd.f32 v60, v22;
	_ =	sdelay $0x1  }
0xcc: {  	[tilespmem:s2+$0x70] =	vst v22  }
0xcd: {  	v61 =	vld [tilespmem:s31+$0x80]  }
0xce: {  	v62 =	vld [tilespmem:s30+$0x80];
	_ =	sdelay $0x1  }
0xcf: {  	v30 =	vld [tilespmem:s0+$0x80];
	_ =	sdelay $0x2  }
0xd0: {  	v28 =	vsub.f32 v61, v7;
	v29 =	vsub.f32 v62, v8  }
0xd1: {  	v14 =	vmin.f32 v14, v23  }
0xd2: {  	v23 =	vsub.f32 v30, v9;
	v28 =	vmul.f32 v28, v28;
	v29 =	vmul.f32 v29, v29  }
0xd3: {  	v14 =	vmin.f32 v14, v24  }
0xd4: {  	s25 =	simm.f32 $-Inf;
	v14 =	vmin.f32 v14, v25;
	v23 =	vmul.f32 v23, v23;
	v63 =	vadd.f32 v29, v28  }
0xd5: {  	s14 =	simm.s32 $0x280;
	s28 =	simm.s32 $0x1E0;
	s29 =	simm.s32 $0x29E0;
	v14 =	vmin.f32 v14, v26  }
0xd6: {  	s26 =	simm.s32 $0x51E0;
	s12 =	simm.s32 $0x7A20;
	v14 =	vmin.f32 v14, v27;
	s1 =	simm.s32 $0x140;
	v23 =	vadd.f32 v23, v63  }
.LBB2_3:
0xd7: {  	p0 =	sne.s32 s14, $0x26C0  }
0xd8: {  	s12 =	sadd.s32 $0x140, s12;
	s15 =	smov.u32 s14;
	s14 =	sadd.s32 $0x140, s14;
	[tilespmem:s2+$0x80] =	vst v23  }
0xd9: {  	v10 =	vmin.f32 v14, v10;
	v14 =	vld [tilespmem:s30+$0x90];
	s30 =	smov.u32 s29  }
0xda: {  	v10 =	vmin.f32 v10, v11;
	v11 =	vld [tilespmem:s31+$0x90];
	s31 =	smov.u32 s28  }
0xdb: {  	v10 =	vmin.f32 v10, v12;
	v12 =	vld [tilespmem:s0+$0x90];
	s0 =	smov.u32 s26  }
0xdc: {  	v10 =	vmin.f32 v10, v13  }
0xdd: {  	v10 =	vmin.f32 v10, v15  }
0xde: {  	v10 =	vmin.f32 v10, v16;
	v13 =	vsub.f32 v14, v8  }
0xdf: {  	v10 =	vmin.f32 v10, v17;
	v11 =	vsub.f32 v11, v7  }
0xe0: {  	v10 =	vmin.f32 v10, v18;
	v12 =	vsub.f32 v12, v9;
	v13 =	vmul.f32 v13, v13  }
0xe1: {  	v10 =	vmin.f32 v10, v19;
	v11 =	vmul.f32 v11, v11  }
0xe2: {  	v10 =	vmin.f32 v10, v20;
	v12 =	vmul.f32 v12, v12  }
0xe3: {  	v10 =	vmin.f32 v10, v21;
	v11 =	vadd.f32 v13, v11  }
0xe4: {  	v10 =	vmin.f32 v10, v22  }
0xe5: {  	v10 =	vmin.f32 v10, v23;
	v11 =	vadd.f32 v12, v11;
	_ =	sdelay $0x1  }
0xe6: {  	[tilespmem:s2+$0x90] =	vst v11;
	v10 =	vmin.f32 v10, v11;
	s2 =	smov.u32 s12  }
0xe7: {  	v11 =	vld [tilespmem:s29+$0xFFFFFF60];
	v12 =	vperm.xlane v10, v0  }
0xe8: {  	v13 =	vld [tilespmem:s28+$0xFFFFFF60]  }
0xe9: {  	v10 =	vmin.f32 v10, v12  }
0xea: {  	v12 =	vld [tilespmem:s26+$0xFFFFFF60];
	v14 =	vperm.xlane v10, v1;
	_ =	sdelay $0x1  }
0xeb: {  	v11 =	vsub.f32 v11, v8;
	v10 =	vmin.f32 v10, v14  }
0xec: {  	v13 =	vsub.f32 v13, v7;
	v14 =	vperm.xlane v10, v2  }
0xed: {  	v11 =	vmul.f32 v11, v11  }
0xee: {  	v12 =	vsub.f32 v12, v9;
	v13 =	vmul.f32 v13, v13;
	v10 =	vmin.f32 v10, v14  }
0xef: {  	v14 =	vperm.xlane v10, v3  }
0xf0: {  	v11 =	vadd.f32 v11, v13;
	v12 =	vmul.f32 v12, v12  }
0xf1: {  	v10 =	vmin.f32 v10, v14  }
0xf2: {  	v11 =	vadd.f32 v12, v11;
	(v2sf) =	vpush v10, $0x0;
	_ =	sdelay $0x1  }
0xf3: {  	[tilespmem:s12+$0xFFFFFF60] =	vst v11  }
0xf4: {  	v10 =	vld [tilespmem:s28+$0xFFFFFF70]  }
0xf5: {  	v12 =	vld [tilespmem:s29+$0xFFFFFF70];
	_ =	sdelay $0x1  }
0xf6: {  	v13 =	vld [tilespmem:s26+$0xFFFFFF70];
	_ =	sdelay $0x1  }
0xf7: {  	v10 =	vsub.f32 v10, v7  }
0xf8: {  	v12 =	vsub.f32 v12, v8;
	_ =	sdelay $0x1  }
0xf9: {  	v10 =	vmul.f32 v10, v10;
	v13 =	vsub.f32 v13, v9;
	v12 =	vmul.f32 v12, v12;
	_ =	sdelay $0x1  }
0xfa: {  	v10 =	vadd.f32 v12, v10;
	v12 =	vmul.f32 v13, v13;
	_ =	sdelay $0x1  }
0xfb: {  	v10 =	vadd.f32 v12, v10;
	s16 =	spop (v2sf)  }
0xfc: {  	s25 =	smax.f32 s25, s16  }
0xfd: {  	[tilespmem:s12+$0xFFFFFF70] =	vst v10;
	v10 =	vmin.f32 v11, v10  }
0xfe: {  	v11 =	vld [tilespmem:s28+$0xFFFFFF80]  }
0xff: {  	v12 =	vld [tilespmem:s29+$0xFFFFFF80];
	_ =	sdelay $0x1  }
0x100: {  	v13 =	vld [tilespmem:s26+$0xFFFFFF80];
	_ =	sdelay $0x1  }
0x101: {  	v11 =	vsub.f32 v11, v7  }
0x102: {  	v12 =	vsub.f32 v12, v8  }
0x103: {  	v11 =	vmul.f32 v11, v11  }
0x104: {  	v13 =	vsub.f32 v13, v9;
	v12 =	vmul.f32 v12, v12;
	_ =	sdelay $0x1  }
0x105: {  	v11 =	vadd.f32 v12, v11;
	v12 =	vmul.f32 v13, v13;
	_ =	sdelay $0x1  }
0x106: {  	v11 =	vadd.f32 v12, v11;
	_ =	sdelay $0x1  }
0x107: {  	[tilespmem:s12+$0xFFFFFF80] =	vst v11  }
0x108: {  	v12 =	vld [tilespmem:s28+$0xFFFFFF90]  }
0x109: {  	v13 =	vld [tilespmem:s29+$0xFFFFFF90]  }
0x10a: {  	v14 =	vld [tilespmem:s26+$0xFFFFFF90];
	_ =	sdelay $0x2  }
0x10b: {  	v12 =	vsub.f32 v12, v7  }
0x10c: {  	v13 =	vsub.f32 v13, v8  }
0x10d: {  	v14 =	vsub.f32 v14, v9  }
0x10e: {  	v12 =	vmul.f32 v12, v12;
	v13 =	vmul.f32 v13, v13;
	_ =	sdelay $0x1  }
0x10f: {  	v12 =	vadd.f32 v13, v12;
	v13 =	vmul.f32 v14, v14;
	_ =	sdelay $0x1  }
0x110: {  	v12 =	vadd.f32 v13, v12;
	_ =	sdelay $0x1  }
0x111: {  	[tilespmem:s12+$0xFFFFFF90] =	vst v12  }
0x112: {  	v13 =	vld [tilespmem:s29+$0xFFFFFFA0]  }
0x113: {  	v14 =	vld [tilespmem:s28+$0xFFFFFFA0];
	_ =	sdelay $0x1  }
0x114: {  	v15 =	vld [tilespmem:s26+$0xFFFFFFA0];
	_ =	sdelay $0x1  }
0x115: {  	v13 =	vsub.f32 v13, v8  }
0x116: {  	v14 =	vsub.f32 v14, v7  }
0x117: {  	v13 =	vmul.f32 v13, v13  }
0x118: {  	v15 =	vsub.f32 v15, v9;
	v14 =	vmul.f32 v14, v14;
	_ =	sdelay $0x1  }
0x119: {  	v13 =	vadd.f32 v13, v14;
	v14 =	vmul.f32 v15, v15;
	_ =	sdelay $0x1  }
0x11a: {  	v13 =	vadd.f32 v14, v13;
	_ =	sdelay $0x1  }
0x11b: {  	[tilespmem:s12+$0xFFFFFFA0] =	vst v13  }
0x11c: {  	v14 =	vld [tilespmem:s28+$0xFFFFFFB0]  }
0x11d: {  	v15 =	vld [tilespmem:s29+$0xFFFFFFB0]  }
0x11e: {  	v16 =	vld [tilespmem:s26+$0xFFFFFFB0];
	_ =	sdelay $0x2  }
0x11f: {  	v14 =	vsub.f32 v14, v7  }
0x120: {  	v15 =	vsub.f32 v15, v8  }
0x121: {  	v16 =	vsub.f32 v16, v9;
	v14 =	vmul.f32 v14, v14  }
0x122: {  	v15 =	vmul.f32 v15, v15;
	_ =	sdelay $0x1  }
0x123: {  	v14 =	vadd.f32 v15, v14;
	v15 =	vmul.f32 v16, v16  }
0x124: {  	v10 =	vmin.f32 v10, v11  }
0x125: {  	v10 =	vmin.f32 v10, v12;
	v11 =	vadd.f32 v15, v14  }
0x126: {  	v10 =	vmin.f32 v10, v13  }
0x127: {  	[tilespmem:s12+$0xFFFFFFB0] =	vst v11;
	v14 =	vmin.f32 v10, v11  }
0x128: {  	v10 =	vld [tilespmem:s28+$0xFFFFFFC0]  }
0x129: {  	v11 =	vld [tilespmem:s29+$0xFFFFFFC0]  }
0x12a: {  	v12 =	vld [tilespmem:s26+$0xFFFFFFC0];
	_ =	sdelay $0x2  }
0x12b: {  	v10 =	vsub.f32 v10, v7  }
0x12c: {  	v11 =	vsub.f32 v11, v8  }
0x12d: {  	v12 =	vsub.f32 v12, v9;
	v10 =	vmul.f32 v10, v10  }
0x12e: {  	v11 =	vmul.f32 v11, v11;
	_ =	sdelay $0x1  }
0x12f: {  	v10 =	vadd.f32 v11, v10;
	v11 =	vmul.f32 v12, v12;
	_ =	sdelay $0x1  }
0x130: {  	v10 =	vadd.f32 v11, v10;
	_ =	sdelay $0x1  }
0x131: {  	[tilespmem:s12+$0xFFFFFFC0] =	vst v10  }
0x132: {  	v11 =	vld [tilespmem:s28+$0xFFFFFFD0]  }
0x133: {  	v12 =	vld [tilespmem:s29+$0xFFFFFFD0]  }
0x134: {  	v13 =	vld [tilespmem:s26+$0xFFFFFFD0];
	_ =	sdelay $0x2  }
0x135: {  	v11 =	vsub.f32 v11, v7  }
0x136: {  	v12 =	vsub.f32 v12, v8  }
0x137: {  	v13 =	vsub.f32 v13, v9  }
0x138: {  	v11 =	vmul.f32 v11, v11;
	v12 =	vmul.f32 v12, v12;
	_ =	sdelay $0x1  }
0x139: {  	v11 =	vadd.f32 v12, v11;
	v12 =	vmul.f32 v13, v13;
	_ =	sdelay $0x1  }
0x13a: {  	v11 =	vadd.f32 v12, v11;
	_ =	sdelay $0x1  }
0x13b: {  	s16 =	sand.u32 $0x3FC0, s1;
	s1 =	smov.u32 s15;
	[tilespmem:s12+$0xFFFFFFD0] =	vst v11  }
0x13c: {  	v12 =	vld [tilespmem:s16+$0x2880]  }
0x13d: {  	v13 =	vld [tilespmem:s16+$0x80]  }
0x13e: {  	v15 =	vld [tilespmem:s16+$0x5080];
	_ =	sdelay $0x2  }
0x13f: {  	v12 =	vsub.f32 v12, v8  }
0x140: {  	v13 =	vsub.f32 v13, v7  }
0x141: {  	v15 =	vsub.f32 v15, v9  }
0x142: {  	v12 =	vmul.f32 v12, v12;
	v13 =	vmul.f32 v13, v13;
	_ =	sdelay $0x1  }
0x143: {  	v12 =	vadd.f32 v12, v13;
	v13 =	vmul.f32 v15, v15;
	_ =	sdelay $0x1  }
0x144: {  	v12 =	vadd.f32 v13, v12;
	_ =	sdelay $0x1  }
0x145: {  	[tilespmem:s16+$0x7A00] =	vst v12  }
0x146: {  	v13 =	vld [tilespmem:s28+$0xFFFFFFF0]  }
0x147: {  	v15 =	vld [tilespmem:s29+$0xFFFFFFF0]  }
0x148: {  	v16 =	vld [tilespmem:s26+$0xFFFFFFF0];
	_ =	sdelay $0x2  }
0x149: {  	v13 =	vsub.f32 v13, v7  }
0x14a: {  	v15 =	vsub.f32 v15, v8  }
0x14b: {  	v16 =	vsub.f32 v16, v9;
	v13 =	vmul.f32 v13, v13  }
0x14c: {  	v15 =	vmul.f32 v15, v15;
	_ =	sdelay $0x1  }
0x14d: {  	v13 =	vadd.f32 v15, v13;
	v15 =	vmul.f32 v16, v16;
	_ =	sdelay $0x1  }
0x14e: {  	v13 =	vadd.f32 v15, v13;
	_ =	sdelay $0x1  }
0x14f: {  	[tilespmem:s12+$0xFFFFFFF0] =	vst v13  }
0x150: {  	v15 =	vld [tilespmem:s28+$0x0]  }
0x151: {  	v16 =	vld [tilespmem:s29+$0x0]  }
0x152: {  	v17 =	vld [tilespmem:s26+$0x0];
	_ =	sdelay $0x2  }
0x153: {  	v15 =	vsub.f32 v15, v7  }
0x154: {  	v16 =	vsub.f32 v16, v8  }
0x155: {  	v17 =	vsub.f32 v17, v9  }
0x156: {  	v15 =	vmul.f32 v15, v15;
	v16 =	vmul.f32 v16, v16;
	_ =	sdelay $0x1  }
0x157: {  	v15 =	vadd.f32 v16, v15;
	v16 =	vmul.f32 v17, v17;
	_ =	sdelay $0x1  }
0x158: {  	v15 =	vadd.f32 v16, v15;
	_ =	sdelay $0x1  }
0x159: {  	[tilespmem:s12+$0x0] =	vst v15  }
0x15a: {  	v16 =	vld [tilespmem:s28+$0x10]  }
0x15b: {  	v17 =	vld [tilespmem:s29+$0x10]  }
0x15c: {  	v18 =	vld [tilespmem:s26+$0x10];
	_ =	sdelay $0x2  }
0x15d: {  	v16 =	vsub.f32 v16, v7  }
0x15e: {  	v17 =	vsub.f32 v17, v8  }
0x15f: {  	v18 =	vsub.f32 v18, v9;
	v16 =	vmul.f32 v16, v16  }
0x160: {  	v17 =	vmul.f32 v17, v17;
	_ =	sdelay $0x1  }
0x161: {  	v16 =	vadd.f32 v17, v16;
	v17 =	vmul.f32 v18, v18;
	_ =	sdelay $0x1  }
0x162: {  	v16 =	vadd.f32 v17, v16;
	_ =	sdelay $0x1  }
0x163: {  	[tilespmem:s12+$0x10] =	vst v16  }
0x164: {  	v17 =	vld [tilespmem:s29+$0x20]  }
0x165: {  	v18 =	vld [tilespmem:s28+$0x20]  }
0x166: {  	v19 =	vld [tilespmem:s26+$0x20];
	_ =	sdelay $0x2  }
0x167: {  	v17 =	vsub.f32 v17, v8  }
0x168: {  	v18 =	vsub.f32 v18, v7  }
0x169: {  	v19 =	vsub.f32 v19, v9  }
0x16a: {  	v17 =	vmul.f32 v17, v17;
	v18 =	vmul.f32 v18, v18;
	_ =	sdelay $0x1  }
0x16b: {  	v17 =	vadd.f32 v17, v18;
	v18 =	vmul.f32 v19, v19;
	_ =	sdelay $0x1  }
0x16c: {  	v17 =	vadd.f32 v18, v17;
	_ =	sdelay $0x1  }
0x16d: {  	[tilespmem:s12+$0x20] =	vst v17  }
0x16e: {  	v18 =	vld [tilespmem:s28+$0x30]  }
0x16f: {  	v19 =	vld [tilespmem:s29+$0x30]  }
0x170: {  	v20 =	vld [tilespmem:s26+$0x30];
	_ =	sdelay $0x2  }
0x171: {  	v18 =	vsub.f32 v18, v7  }
0x172: {  	v19 =	vsub.f32 v19, v8  }
0x173: {  	v20 =	vsub.f32 v20, v9;
	v18 =	vmul.f32 v18, v18  }
0x174: {  	v19 =	vmul.f32 v19, v19;
	_ =	sdelay $0x1  }
0x175: {  	v18 =	vadd.f32 v19, v18;
	v19 =	vmul.f32 v20, v20;
	_ =	sdelay $0x1  }
0x176: {  	v18 =	vadd.f32 v19, v18;
	_ =	sdelay $0x1  }
0x177: {  	[tilespmem:s12+$0x30] =	vst v18  }
0x178: {  	v19 =	vld [tilespmem:s28+$0x40]  }
0x179: {  	v20 =	vld [tilespmem:s29+$0x40]  }
0x17a: {  	v21 =	vld [tilespmem:s26+$0x40];
	_ =	sdelay $0x2  }
0x17b: {  	v19 =	vsub.f32 v19, v7  }
0x17c: {  	v20 =	vsub.f32 v20, v8  }
0x17d: {  	v19 =	vmul.f32 v19, v19  }
0x17e: {  	v21 =	vsub.f32 v21, v9;
	v20 =	vmul.f32 v20, v20;
	_ =	sdelay $0x1  }
0x17f: {  	v19 =	vadd.f32 v20, v19;
	v20 =	vmul.f32 v21, v21;
	_ =	sdelay $0x1  }
0x180: {  	v19 =	vadd.f32 v20, v19;
	_ =	sdelay $0x1  }
0x181: {  	[tilespmem:s12+$0x40] =	vst v19  }
0x182: {  	v20 =	vld [tilespmem:s28+$0x50]  }
0x183: {  	v21 =	vld [tilespmem:s29+$0x50]  }
0x184: {  	v22 =	vld [tilespmem:s26+$0x50];
	_ =	sdelay $0x2  }
0x185: {  	v20 =	vsub.f32 v20, v7  }
0x186: {  	v21 =	vsub.f32 v21, v8  }
0x187: {  	v20 =	vmul.f32 v20, v20  }
0x188: {  	v22 =	vsub.f32 v22, v9;
	v21 =	vmul.f32 v21, v21;
	_ =	sdelay $0x1  }
0x189: {  	v20 =	vadd.f32 v21, v20;
	v21 =	vmul.f32 v22, v22;
	_ =	sdelay $0x1  }
0x18a: {  	v20 =	vadd.f32 v21, v20;
	_ =	sdelay $0x1  }
0x18b: {  	[tilespmem:s12+$0x50] =	vst v20  }
0x18c: {  	v21 =	vld [tilespmem:s16+$0x100]  }
0x18d: {  	v22 =	vld [tilespmem:s16+$0x2900]  }
0x18e: {  	v23 =	vld [tilespmem:s16+$0x5100];
	_ =	sdelay $0x2  }
0x18f: {  	v21 =	vsub.f32 v21, v7  }
0x190: {  	v22 =	vsub.f32 v22, v8  }
0x191: {  	v23 =	vsub.f32 v23, v9  }
0x192: {  	v21 =	vmul.f32 v21, v21;
	v22 =	vmul.f32 v22, v22;
	_ =	sdelay $0x1  }
0x193: {  	v21 =	vadd.f32 v22, v21;
	v22 =	vmul.f32 v23, v23;
	_ =	sdelay $0x1  }
0x194: {  	v21 =	vadd.f32 v22, v21;
	_ =	sdelay $0x1  }
0x195: {  	[tilespmem:s16+$0x7A80] =	vst v21  }
0x196: {  	s28 =	sadd.s32 $0x140, s28;
	v22 =	vld [tilespmem:s31+$0x70]  }
0x197: {  	v23 =	vld [tilespmem:s29+$0x70]  }
0x198: {  	v24 =	vld [tilespmem:s26+$0x70];
	_ =	sdelay $0x2  }
0x199: {  	v22 =	vsub.f32 v22, v7  }
0x19a: {  	v23 =	vsub.f32 v23, v8  }
0x19b: {  	v24 =	vsub.f32 v24, v9  }
0x19c: {  	v22 =	vmul.f32 v22, v22;
	v23 =	vmul.f32 v23, v23;
	_ =	sdelay $0x1  }
0x19d: {  	v22 =	vadd.f32 v23, v22;
	v23 =	vmul.f32 v24, v24;
	_ =	sdelay $0x1  }
0x19e: {  	v22 =	vadd.f32 v23, v22;
	_ =	sdelay $0x1  }
0x19f: {  	[tilespmem:s12+$0x70] =	vst v22  }
0x1a0: {  	v23 =	vld [tilespmem:s31+$0x80]  }
0x1a1: {  	v24 =	vld [tilespmem:s29+$0x80]  }
0x1a2: {  	v25 =	vld [tilespmem:s26+$0x80];
	_ =	sdelay $0x2  }
0x1a3: {  	s29 =	sadd.s32 $0x140, s29;
	v23 =	vsub.f32 v23, v7  }
0x1a4: {  	s26 =	sadd.s32 $0x140, s26;
	v24 =	vsub.f32 v24, v8  }
0x1a5: {  	v25 =	vsub.f32 v25, v9  }
.Ltmp4:
0x1a6: {  	v23 =	vmul.f32 v23, v23;
	v24 =	vmul.f32 v24, v24;
	(pc) =	sbr.rel @p0 .LBB2_3-.Ltmp4, $3  }
0x1a7: {  	_ = 	snop  }
0x1a8: {  	v23 =	vadd.f32 v24, v23;
	v24 =	vmul.f32 v25, v25;
	_ =	sdelay $0x1  }
0x1a9: {  	v23 =	vadd.f32 v24, v23  }
0x1aa: {  	_ = 	snop  }
0x1ab: {  	[tilespmem:s2+$0x80] =	vst v23  }
0x1ac: {  	v24 =	vld [tilespmem:s30+$0x90]  }
0x1ad: {  	v25 =	vld [tilespmem:s31+$0x90];
	_ =	sdelay $0x1  }
0x1ae: {  	v26 =	vld [tilespmem:s0+$0x90];
	_ =	sdelay $0x2  }
0x1af: {  	v24 =	vsub.f32 v24, v8;
	v25 =	vsub.f32 v25, v7;
	_ =	sdelay $0x1  }
0x1b0: {  	v26 =	vsub.f32 v26, v9;
	v24 =	vmul.f32 v24, v24;
	v25 =	vmul.f32 v25, v25;
	_ =	sdelay $0x1  }
0x1b1: {  	v26 =	vmul.f32 v26, v26;
	v24 =	vadd.f32 v24, v25;
	_ =	sdelay $0x1  }
0x1b2: {  	v24 =	vadd.f32 v26, v24;
	_ =	sdelay $0x1  }
0x1b3: {  	[tilespmem:s2+$0x90] =	vst v24  }
0x1b4: {  	v35 =	vld [tilespmem:s29+$0xFFFFFF60]  }
0x1b5: {  	v36 =	vld [tilespmem:s28+$0xFFFFFF60];
	_ =	sdelay $0x1  }
0x1b6: {  	v27 =	vld [tilespmem:s26+$0xFFFFFF60];
	_ =	sdelay $0x2  }
0x1b7: {  	v25 =	vsub.f32 v35, v8;
	v26 =	vsub.f32 v36, v7;
	_ =	sdelay $0x1  }
0x1b8: {  	v27 =	vsub.f32 v27, v9;
	v25 =	vmul.f32 v25, v25;
	v26 =	vmul.f32 v26, v26;
	_ =	sdelay $0x1  }
0x1b9: {  	v37 =	vmul.f32 v27, v27;
	v25 =	vadd.f32 v25, v26;
	_ =	sdelay $0x1  }
0x1ba: {  	v25 =	vadd.f32 v37, v25  }
0x1bb: {  	s16 =	sadd.s32 $0x140, s12  }
0x1bc: {  	[tilespmem:s16+$0xFFFFFF60] =	vst v25  }
0x1bd: {  	v38 =	vld [tilespmem:s28+$0xFFFFFF70]  }
0x1be: {  	v39 =	vld [tilespmem:s29+$0xFFFFFF70];
	_ =	sdelay $0x1  }
0x1bf: {  	v28 =	vld [tilespmem:s26+$0xFFFFFF70];
	_ =	sdelay $0x2  }
0x1c0: {  	v26 =	vsub.f32 v38, v7;
	v27 =	vsub.f32 v39, v8;
	_ =	sdelay $0x1  }
0x1c1: {  	v28 =	vsub.f32 v28, v9;
	v26 =	vmul.f32 v26, v26;
	v27 =	vmul.f32 v27, v27;
	_ =	sdelay $0x1  }
0x1c2: {  	v40 =	vmul.f32 v28, v28;
	v26 =	vadd.f32 v27, v26;
	_ =	sdelay $0x1  }
0x1c3: {  	v26 =	vadd.f32 v40, v26;
	_ =	sdelay $0x1  }
0x1c4: {  	[tilespmem:s16+$0xFFFFFF70] =	vst v26  }
0x1c5: {  	v41 =	vld [tilespmem:s28+$0xFFFFFF80]  }
0x1c6: {  	v42 =	vld [tilespmem:s29+$0xFFFFFF80];
	_ =	sdelay $0x1  }
0x1c7: {  	v29 =	vld [tilespmem:s26+$0xFFFFFF80];
	_ =	sdelay $0x2  }
0x1c8: {  	v27 =	vsub.f32 v41, v7;
	v28 =	vsub.f32 v42, v8;
	_ =	sdelay $0x1  }
0x1c9: {  	v29 =	vsub.f32 v29, v9;
	v27 =	vmul.f32 v27, v27;
	v28 =	vmul.f32 v28, v28;
	_ =	sdelay $0x1  }
0x1ca: {  	v43 =	vmul.f32 v29, v29;
	v27 =	vadd.f32 v28, v27;
	_ =	sdelay $0x1  }
0x1cb: {  	v27 =	vadd.f32 v43, v27;
	_ =	sdelay $0x1  }
0x1cc: {  	[tilespmem:s16+$0xFFFFFF80] =	vst v27  }
0x1cd: {  	v44 =	vld [tilespmem:s28+$0xFFFFFF90]  }
0x1ce: {  	v45 =	vld [tilespmem:s29+$0xFFFFFF90];
	_ =	sdelay $0x1  }
0x1cf: {  	v30 =	vld [tilespmem:s26+$0xFFFFFF90];
	_ =	sdelay $0x2  }
0x1d0: {  	v28 =	vsub.f32 v44, v7;
	v29 =	vsub.f32 v45, v8;
	_ =	sdelay $0x1  }
0x1d1: {  	v30 =	vsub.f32 v30, v9;
	v28 =	vmul.f32 v28, v28;
	v29 =	vmul.f32 v29, v29;
	_ =	sdelay $0x1  }
0x1d2: {  	v46 =	vmul.f32 v30, v30;
	v28 =	vadd.f32 v29, v28;
	_ =	sdelay $0x1  }
0x1d3: {  	v28 =	vadd.f32 v46, v28;
	_ =	sdelay $0x1  }
0x1d4: {  	[tilespmem:s16+$0xFFFFFF90] =	vst v28  }
0x1d5: {  	v47 =	vld [tilespmem:s29+$0xFFFFFFA0]  }
0x1d6: {  	v48 =	vld [tilespmem:s28+$0xFFFFFFA0];
	_ =	sdelay $0x1  }
0x1d7: {  	v31 =	vld [tilespmem:s26+$0xFFFFFFA0];
	_ =	sdelay $0x2  }
0x1d8: {  	v29 =	vsub.f32 v47, v8;
	v30 =	vsub.f32 v48, v7;
	_ =	sdelay $0x1  }
0x1d9: {  	v31 =	vsub.f32 v31, v9;
	v29 =	vmul.f32 v29, v29;
	v30 =	vmul.f32 v30, v30;
	_ =	sdelay $0x1  }
0x1da: {  	v49 =	vmul.f32 v31, v31;
	v29 =	vadd.f32 v29, v30;
	_ =	sdelay $0x1  }
0x1db: {  	v29 =	vadd.f32 v49, v29;
	_ =	sdelay $0x1  }
0x1dc: {  	[tilespmem:s16+$0xFFFFFFA0] =	vst v29  }
0x1dd: {  	v50 =	vld [tilespmem:s28+$0xFFFFFFB0]  }
0x1de: {  	v51 =	vld [tilespmem:s29+$0xFFFFFFB0];
	_ =	sdelay $0x1  }
0x1df: {  	v32 =	vld [tilespmem:s26+$0xFFFFFFB0];
	_ =	sdelay $0x2  }
0x1e0: {  	v30 =	vsub.f32 v50, v7;
	v31 =	vsub.f32 v51, v8;
	_ =	sdelay $0x1  }
0x1e1: {  	v32 =	vsub.f32 v32, v9;
	v30 =	vmul.f32 v30, v30;
	v31 =	vmul.f32 v31, v31;
	_ =	sdelay $0x1  }
0x1e2: {  	v52 =	vmul.f32 v32, v32;
	v30 =	vadd.f32 v31, v30;
	_ =	sdelay $0x1  }
0x1e3: {  	v30 =	vadd.f32 v52, v30;
	_ =	sdelay $0x1  }
0x1e4: {  	[tilespmem:s16+$0xFFFFFFB0] =	vst v30  }
0x1e5: {  	v53 =	vld [tilespmem:s28+$0xFFFFFFC0]  }
0x1e6: {  	v54 =	vld [tilespmem:s29+$0xFFFFFFC0];
	_ =	sdelay $0x1  }
0x1e7: {  	v33 =	vld [tilespmem:s26+$0xFFFFFFC0];
	_ =	sdelay $0x2  }
0x1e8: {  	v31 =	vsub.f32 v53, v7;
	v32 =	vsub.f32 v54, v8;
	_ =	sdelay $0x1  }
0x1e9: {  	v33 =	vsub.f32 v33, v9;
	v31 =	vmul.f32 v31, v31;
	v32 =	vmul.f32 v32, v32;
	_ =	sdelay $0x1  }
0x1ea: {  	v55 =	vmul.f32 v33, v33;
	v31 =	vadd.f32 v32, v31;
	_ =	sdelay $0x1  }
0x1eb: {  	v31 =	vadd.f32 v55, v31;
	_ =	sdelay $0x1  }
0x1ec: {  	[tilespmem:s16+$0xFFFFFFC0] =	vst v31  }
0x1ed: {  	v56 =	vld [tilespmem:s28+$0xFFFFFFD0]  }
0x1ee: {  	v57 =	vld [tilespmem:s29+$0xFFFFFFD0];
	_ =	sdelay $0x1  }
0x1ef: {  	v34 =	vld [tilespmem:s26+$0xFFFFFFD0];
	_ =	sdelay $0x2  }
0x1f0: {  	v32 =	vsub.f32 v56, v7;
	v33 =	vsub.f32 v57, v8;
	_ =	sdelay $0x1  }
0x1f1: {  	v34 =	vsub.f32 v34, v9;
	v32 =	vmul.f32 v32, v32;
	v33 =	vmul.f32 v33, v33;
	_ =	sdelay $0x1  }
0x1f2: {  	v58 =	vmul.f32 v34, v34;
	v32 =	vadd.f32 v33, v32;
	_ =	sdelay $0x1  }
0x1f3: {  	v32 =	vadd.f32 v58, v32;
	_ =	sdelay $0x1  }
0x1f4: {  	s1 =	sand.u32 $0x3FC0, s1;
	[tilespmem:s16+$0xFFFFFFD0] =	vst v32  }
0x1f5: {  	v59 =	vld [tilespmem:s1+$0x2880]  }
0x1f6: {  	v60 =	vld [tilespmem:s1+$0x80];
	_ =	sdelay $0x1  }
0x1f7: {  	v35 =	vld [tilespmem:s1+$0x5080];
	_ =	sdelay $0x2  }
0x1f8: {  	v33 =	vsub.f32 v59, v8;
	v34 =	vsub.f32 v60, v7;
	_ =	sdelay $0x1  }
0x1f9: {  	v35 =	vsub.f32 v35, v9;
	v34 =	vmul.f32 v34, v34;
	v33 =	vmul.f32 v33, v33;
	_ =	sdelay $0x1  }
0x1fa: {  	v61 =	vmul.f32 v35, v35;
	v33 =	vadd.f32 v33, v34;
	_ =	sdelay $0x1  }
0x1fb: {  	v33 =	vadd.f32 v61, v33;
	_ =	sdelay $0x1  }
0x1fc: {  	[tilespmem:s1+$0x7A00] =	vst v33  }
0x1fd: {  	v62 =	vld [tilespmem:s28+$0xFFFFFFF0]  }
0x1fe: {  	v63 =	vld [tilespmem:s29+$0xFFFFFFF0];
	_ =	sdelay $0x1  }
0x1ff: {  	v36 =	vld [tilespmem:s26+$0xFFFFFFF0];
	_ =	sdelay $0x2  }
0x200: {  	v34 =	vsub.f32 v62, v7;
	v35 =	vsub.f32 v63, v8;
	_ =	sdelay $0x1  }
0x201: {  	v36 =	vsub.f32 v36, v9;
	v34 =	vmul.f32 v34, v34;
	v35 =	vmul.f32 v35, v35;
	_ =	sdelay $0x1  }
0x202: {  	v40 =	vmul.f32 v36, v36;
	v34 =	vadd.f32 v35, v34;
	_ =	sdelay $0x1  }
0x203: {  	v34 =	vadd.f32 v40, v34;
	_ =	sdelay $0x1  }
0x204: {  	[tilespmem:s16+$0xFFFFFFF0] =	vst v34  }
0x205: {  	v41 =	vld [tilespmem:s28+$0x0]  }
0x206: {  	v42 =	vld [tilespmem:s29+$0x0];
	_ =	sdelay $0x1  }
0x207: {  	v37 =	vld [tilespmem:s26+$0x0];
	_ =	sdelay $0x2  }
0x208: {  	v35 =	vsub.f32 v41, v7;
	v36 =	vsub.f32 v42, v8;
	_ =	sdelay $0x1  }
0x209: {  	v37 =	vsub.f32 v37, v9;
	v35 =	vmul.f32 v35, v35;
	v36 =	vmul.f32 v36, v36;
	_ =	sdelay $0x1  }
0x20a: {  	v43 =	vmul.f32 v37, v37;
	v35 =	vadd.f32 v36, v35;
	_ =	sdelay $0x1  }
0x20b: {  	v35 =	vadd.f32 v43, v35;
	_ =	sdelay $0x1  }
0x20c: {  	[tilespmem:s16+$0x0] =	vst v35  }
0x20d: {  	v44 =	vld [tilespmem:s28+$0x10]  }
0x20e: {  	v45 =	vld [tilespmem:s29+$0x10];
	_ =	sdelay $0x1  }
0x20f: {  	v38 =	vld [tilespmem:s26+$0x10];
	_ =	sdelay $0x2  }
0x210: {  	v36 =	vsub.f32 v44, v7;
	v37 =	vsub.f32 v45, v8;
	_ =	sdelay $0x1  }
0x211: {  	v38 =	vsub.f32 v38, v9;
	v36 =	vmul.f32 v36, v36;
	v37 =	vmul.f32 v37, v37;
	_ =	sdelay $0x1  }
0x212: {  	v46 =	vmul.f32 v38, v38;
	v36 =	vadd.f32 v37, v36;
	_ =	sdelay $0x1  }
0x213: {  	v36 =	vadd.f32 v46, v36;
	_ =	sdelay $0x1  }
0x214: {  	[tilespmem:s16+$0x10] =	vst v36  }
0x215: {  	v47 =	vld [tilespmem:s29+$0x20]  }
0x216: {  	v48 =	vld [tilespmem:s28+$0x20];
	_ =	sdelay $0x1  }
0x217: {  	v39 =	vld [tilespmem:s26+$0x20];
	_ =	sdelay $0x2  }
0x218: {  	v37 =	vsub.f32 v47, v8;
	v38 =	vsub.f32 v48, v7;
	_ =	sdelay $0x1  }
0x219: {  	v39 =	vsub.f32 v39, v9;
	v38 =	vmul.f32 v38, v38;
	v37 =	vmul.f32 v37, v37;
	_ =	sdelay $0x1  }
0x21a: {  	v49 =	vmul.f32 v39, v39;
	v37 =	vadd.f32 v37, v38;
	_ =	sdelay $0x1  }
0x21b: {  	v37 =	vadd.f32 v49, v37;
	_ =	sdelay $0x1  }
0x21c: {  	[tilespmem:s16+$0x20] =	vst v37  }
0x21d: {  	v50 =	vld [tilespmem:s28+$0x30]  }
0x21e: {  	v51 =	vld [tilespmem:s29+$0x30];
	_ =	sdelay $0x1  }
0x21f: {  	v40 =	vld [tilespmem:s26+$0x30];
	_ =	sdelay $0x2  }
0x220: {  	v38 =	vsub.f32 v50, v7;
	v39 =	vsub.f32 v51, v8;
	_ =	sdelay $0x1  }
0x221: {  	v40 =	vsub.f32 v40, v9;
	v38 =	vmul.f32 v38, v38;
	v39 =	vmul.f32 v39, v39;
	_ =	sdelay $0x1  }
0x222: {  	v52 =	vmul.f32 v40, v40;
	v38 =	vadd.f32 v39, v38;
	_ =	sdelay $0x1  }
0x223: {  	v38 =	vadd.f32 v52, v38;
	_ =	sdelay $0x1  }
0x224: {  	[tilespmem:s16+$0x30] =	vst v38  }
0x225: {  	v53 =	vld [tilespmem:s28+$0x40]  }
0x226: {  	v54 =	vld [tilespmem:s29+$0x40];
	_ =	sdelay $0x1  }
0x227: {  	v41 =	vld [tilespmem:s26+$0x40];
	_ =	sdelay $0x2  }
0x228: {  	v39 =	vsub.f32 v53, v7;
	v40 =	vsub.f32 v54, v8;
	_ =	sdelay $0x1  }
0x229: {  	v41 =	vsub.f32 v41, v9;
	v39 =	vmul.f32 v39, v39;
	v40 =	vmul.f32 v40, v40;
	_ =	sdelay $0x1  }
0x22a: {  	v55 =	vmul.f32 v41, v41;
	v39 =	vadd.f32 v40, v39;
	_ =	sdelay $0x1  }
0x22b: {  	v39 =	vadd.f32 v55, v39;
	_ =	sdelay $0x1  }
0x22c: {  	[tilespmem:s16+$0x40] =	vst v39  }
0x22d: {  	v56 =	vld [tilespmem:s28+$0x50]  }
0x22e: {  	v57 =	vld [tilespmem:s29+$0x50];
	_ =	sdelay $0x1  }
0x22f: {  	v42 =	vld [tilespmem:s26+$0x50];
	_ =	sdelay $0x2  }
0x230: {  	v40 =	vsub.f32 v56, v7;
	v41 =	vsub.f32 v57, v8;
	_ =	sdelay $0x1  }
0x231: {  	v42 =	vsub.f32 v42, v9;
	v40 =	vmul.f32 v40, v40;
	v41 =	vmul.f32 v41, v41;
	_ =	sdelay $0x1  }
0x232: {  	v58 =	vmul.f32 v42, v42;
	v40 =	vadd.f32 v41, v40;
	_ =	sdelay $0x1  }
0x233: {  	v40 =	vadd.f32 v58, v40;
	_ =	sdelay $0x1  }
0x234: {  	[tilespmem:s16+$0x50] =	vst v40  }
0x235: {  	v59 =	vld [tilespmem:s1+$0x100]  }
0x236: {  	v60 =	vld [tilespmem:s1+$0x2900];
	_ =	sdelay $0x1  }
0x237: {  	v43 =	vld [tilespmem:s1+$0x5100];
	_ =	sdelay $0x2  }
0x238: {  	v41 =	vsub.f32 v59, v7;
	v42 =	vsub.f32 v60, v8;
	_ =	sdelay $0x1  }
0x239: {  	v43 =	vsub.f32 v43, v9;
	v41 =	vmul.f32 v41, v41;
	v42 =	vmul.f32 v42, v42;
	_ =	sdelay $0x1  }
0x23a: {  	v61 =	vmul.f32 v43, v43;
	v41 =	vadd.f32 v42, v41;
	_ =	sdelay $0x1  }
0x23b: {  	v41 =	vadd.f32 v61, v41;
	_ =	sdelay $0x1  }
0x23c: {  	[tilespmem:s1+$0x7A80] =	vst v41  }
0x23d: {  	v62 =	vld [tilespmem:s28+$0x70]  }
0x23e: {  	v63 =	vld [tilespmem:s29+$0x70];
	_ =	sdelay $0x1  }
0x23f: {  	v44 =	vld [tilespmem:s26+$0x70];
	_ =	sdelay $0x2  }
0x240: {  	v42 =	vsub.f32 v62, v7;
	v43 =	vsub.f32 v63, v8;
	_ =	sdelay $0x1  }
0x241: {  	v44 =	vsub.f32 v44, v9;
	v42 =	vmul.f32 v42, v42;
	v43 =	vmul.f32 v43, v43;
	_ =	sdelay $0x1  }
0x242: {  	v48 =	vmul.f32 v44, v44;
	v42 =	vadd.f32 v43, v42;
	_ =	sdelay $0x1  }
0x243: {  	v42 =	vadd.f32 v48, v42;
	_ =	sdelay $0x1  }
0x244: {  	[tilespmem:s16+$0x70] =	vst v42  }
0x245: {  	v49 =	vld [tilespmem:s28+$0x80]  }
0x246: {  	v50 =	vld [tilespmem:s29+$0x80];
	_ =	sdelay $0x1  }
0x247: {  	v45 =	vld [tilespmem:s26+$0x80];
	_ =	sdelay $0x2  }
0x248: {  	v43 =	vsub.f32 v49, v7;
	v44 =	vsub.f32 v50, v8;
	_ =	sdelay $0x1  }
0x249: {  	v45 =	vsub.f32 v45, v9;
	v43 =	vmul.f32 v43, v43;
	v44 =	vmul.f32 v44, v44;
	_ =	sdelay $0x1  }
0x24a: {  	v25 =	vmin.f32 v25, v26;
	v52 =	vmul.f32 v45, v45;
	v51 =	vadd.f32 v44, v43  }
0x24b: {  	v25 =	vmin.f32 v25, v27  }
0x24c: {  	v10 =	vmin.f32 v14, v10;
	v53 =	vmin.f32 v25, v28;
	v54 =	vadd.f32 v52, v51  }
0x24d: {  	v10 =	vmin.f32 v10, v11;
	v55 =	vmin.f32 v53, v29  }
0x24e: {  	v10 =	vmin.f32 v10, v12;
	v11 =	vmin.f32 v55, v30;
	[tilespmem:s16+$0x80] =	vst v54  }
0x24f: {  	v10 =	vmin.f32 v10, v13;
	v11 =	vmin.f32 v11, v31;
	v56 =	vld [tilespmem:s29+$0x90]  }
0x250: {  	v10 =	vmin.f32 v10, v15;
	v11 =	vmin.f32 v11, v32;
	v57 =	vld [tilespmem:s28+$0x90]  }
0x251: {  	v10 =	vmin.f32 v10, v16;
	v11 =	vmin.f32 v11, v33  }
0x252: {  	v10 =	vmin.f32 v10, v17;
	v11 =	vmin.f32 v11, v34;
	v58 =	vld [tilespmem:s26+$0x90]  }
0x253: {  	v10 =	vmin.f32 v10, v18;
	v11 =	vmin.f32 v11, v35  }
0x254: {  	v10 =	vmin.f32 v10, v19;
	v11 =	vmin.f32 v11, v36  }
0x255: {  	v11 =	vmin.f32 v11, v37;
	v8 =	vsub.f32 v56, v8;
	v7 =	vsub.f32 v57, v7  }
0x256: {  	v10 =	vmin.f32 v10, v20;
	v11 =	vmin.f32 v11, v38  }
0x257: {  	v59 =	vsub.f32 v58, v9;
	v8 =	vmul.f32 v8, v8;
	v7 =	vmul.f32 v7, v7  }
0x258: {  	v10 =	vmin.f32 v10, v21;
	v11 =	vmin.f32 v11, v39  }
0x259: {  	v11 =	vmin.f32 v11, v40;
	v9 =	vmul.f32 v59, v59;
	v7 =	vadd.f32 v8, v7  }
0x25a: {  	v60 =	vmin.f32 v11, v41;
	v8 =	vmin.f32 v10, v22  }
0x25b: {  	v10 =	vmin.f32 v60, v42;
	v8 =	vmin.f32 v8, v23;
	v7 =	vadd.f32 v9, v7  }
0x25c: {  	v61 =	vmin.f32 v10, v54;
	v8 =	vmin.f32 v8, v24  }
0x25d: {  	v62 =	vperm.xlane v8, v0;
	v9 =	vmin.f32 v61, v7  }
0x25e: {  	v63 =	vperm.xlane v9, v0  }
0x25f: {  	v8 =	vmin.f32 v8, v62  }
0x260: {  	v10 =	vperm.xlane v8, v1;
	v9 =	vmin.f32 v9, v63  }
0x261: {  	v11 =	vperm.xlane v9, v1  }
0x262: {  	v8 =	vmin.f32 v8, v10  }
0x263: {  	v10 =	vperm.xlane v8, v2;
	v9 =	vmin.f32 v9, v11  }
0x264: {  	v11 =	vperm.xlane v9, v2  }
0x265: {  	v8 =	vmin.f32 v8, v10  }
0x266: {  	v10 =	vperm.xlane v8, v3;
	v9 =	vmin.f32 v9, v11  }
0x267: {  	v11 =	vperm.xlane v9, v3  }
0x268: {  	v8 =	vmin.f32 v8, v10  }
0x269: {  	(v2sf) =	vpush v8, $0x0;
	v8 =	vmin.f32 v9, v11  }
0x26a: {  	(v2sf) =	vpush v8, $0x0;
	_ =	sdelay $0xd  }
0x26b: {  	s30 =	spop (v2sf)  }
0x26c: {  	s1 =	smax.f32 s25, s30;
	s31 =	spop (v2sf)  }
0x26d: {  	s1 =	smax.f32 s1, s31  }
0x26e: {  	s12 =	simm.s32 $0x0;
	s2 =	smin.f32 s1, s23  }
0x26f: {  	s0 =	simm.s32 $0x0;
	[tilespmem:s16+$0x90] =	vst v7;
	s1 =	simm.s32 $0xFFFFFFFC;
	v7 =	vmov s2;
	s2 =	simm.s32 $0x79A0  }
.LBB2_5:
0x270: {  	v8 =	vld [tilespmem:s2+$0xFFFFFFE0];
	_ =	sdelay $0x4  }
0x271: {  	vm0 =	vle.f32 v8, v7  }
0x272: {  	v9 =	vsel vm0, $0x1, v4  }
0x273: {  	(xrf0) =	vadd.scan.msk.s32 $0xffff, v9;
	_ =	sdelay $0x2  }
0x274: {  	v51 =	vmov s12  }
0x275: {  	v9 =	vadd.s32 $0xFFFFFFFF, v51  }
0x276: {  	v10 =	vmpcnt.ones.xlane vm0;
	v9 =	vbroadcast v9, $0x0  }
0x277: {  	v11, _, _ =	vpop (xrf0)  }
0x278: {  	(v2sf) =	vpush v10, $0x0;
	v9 =	vadd.s32 v11, v9;
	_ =	sdelay $0x4  }
0x279: {  	[tilespmem:v9+s19+$0x0] =	vst.idx.msk vm0, v8;
	v8 =	vor.u32 s0, v5  }
0x27a: {  	[tilespmem:v9+s20+$0x0] =	vst.idx.msk vm0, v8  }
0x27b: {  	v8 =	vld [tilespmem:s2+$0xFFFFFFF0];
	_ =	sdelay $0x4  }
0x27c: {  	vm13 =	vle.f32 v8, v7  }
0x27d: {  	v52 =	vsel vm13, $0x1, v4  }
0x27e: {  	(xrf0) =	vadd.scan.msk.s32 $0xffff, v52  }
0x27f: {  	s14 =	spop (v2sf)  }
0x280: {  	s16 =	sadd.s32 s12, s14  }
0x281: {  	v53 =	vmov s16  }
0x282: {  	v9 =	vadd.s32 $0xFFFFFFFF, v53  }
0x283: {  	v9 =	vbroadcast v9, $0x0;
	v54 =	vmpcnt.ones.xlane vm13  }
0x284: {  	v55, _, _ =	vpop (xrf0)  }
0x285: {  	(v2sf) =	vpush v54, $0x0;
	v9 =	vadd.s32 v55, v9;
	_ =	sdelay $0x3  }
0x286: {  	s25 =	sadd.s32 $0x10, s0  }
0x287: {  	[tilespmem:v9+s19+$0x0] =	vst.idx.msk vm13, v8;
	v8 =	vor.u32 s25, v5  }
0x288: {  	[tilespmem:v9+s20+$0x0] =	vst.idx.msk vm13, v8  }
0x289: {  	v8 =	vld [tilespmem:s2+$0x0];
	_ =	sdelay $0x4  }
0x28a: {  	vm14 =	vle.f32 v8, v7  }
0x28b: {  	v56 =	vsel vm14, $0x1, v4  }
0x28c: {  	(xrf0) =	vadd.scan.msk.s32 $0xffff, v56  }
0x28d: {  	s26 =	spop (v2sf)  }
0x28e: {  	s12 =	sadd.s32 s16, s26  }
0x28f: {  	v57 =	vmov s12  }
0x290: {  	v9 =	vadd.s32 $0xFFFFFFFF, v57  }
0x291: {  	v9 =	vbroadcast v9, $0x0  }
0x292: {  	v58, _, _ =	vpop (xrf0)  }
0x293: {  	v9 =	vadd.s32 v58, v9;
	_ =	sdelay $0x1  }
0x294: {  	v59 =	vmpcnt.ones.xlane vm14;
	_ =	sdelay $0x1  }
0x295: {  	s28 =	sadd.s32 $0x20, s0;
	(v2sf) =	vpush v59, $0x0  }
0x296: {  	[tilespmem:v9+s19+$0x0] =	vst.idx.msk vm14, v8;
	v8 =	vor.u32 s28, v5  }
0x297: {  	[tilespmem:v9+s20+$0x0] =	vst.idx.msk vm14, v8  }
0x298: {  	v8 =	vld [tilespmem:s2+$0x10];
	_ =	sdelay $0x4  }
0x299: {  	vm15 =	vle.f32 v8, v7  }
0x29a: {  	v60 =	vmpcnt.ones.xlane vm15;
	_ =	sdelay $0x1  }
0x29b: {  	(v2sf) =	vpush v60, $0x0;
	_ =	sdelay $0x1  }
0x29c: {  	v61 =	vsel vm15, $0x1, v4  }
0x29d: {  	(xrf0) =	vadd.scan.msk.s32 $0xffff, v61  }
0x29e: {  	s29 =	spop (v2sf)  }
0x29f: {  	s12 =	sadd.s32 s12, s29  }
0x2a0: {  	v62 =	vmov s12  }
0x2a1: {  	v9 =	vadd.s32 $0xFFFFFFFF, v62  }
0x2a2: {  	v9 =	vbroadcast v9, $0x0  }
0x2a3: {  	v63, _, _ =	vpop (xrf0)  }
0x2a4: {  	s1 =	sadd.s32 $0x4, s1;
	v9 =	vadd.s32 v63, v9  }
0x2a5: {  	p0 =	slt.u32 s1, $0x27C  }
.Ltmp5:
0x2a6: {  	_ = 	snop;
	(pc) =	sbr.rel @p0 .LBB2_5-.Ltmp5, $4  }
0x2a7: {  	_ = 	snop  }
0x2a8: {  	s30 =	sadd.s32 $0x30, s0  }
0x2a9: {  	[tilespmem:v9+s19+$0x0] =	vst.idx.msk vm15, v8;
	v8 =	vor.u32 s30, v5;
	s31 =	spop (v2sf)  }
0x2aa: {  	s0 =	sadd.s32 $0x40, s0;
	s2 =	sadd.s32 $0x40, s2;
	[tilespmem:v9+s20+$0x0] =	vst.idx.msk vm15, v8;
	s12 =	sadd.s32 s12, s31  }
0x2ab: {  	s0 =	sand.u32 $0xF, s12  }
0x2ac: {  	s1 =	sshra.s32 s12, $0x1F;
	p0 =	slt.s32 s12, $0x1;
	p1 =	sne.s32 s0, $0x0  }
.Ltmp6:
0x2ad: {  	s31 =	sshrl.u32 s1, $0x1C;
	p0 =	por !p0, !p1;
	(pc) =	sbr.rel .LBB2_7-.Ltmp6, $4  }
0x2ae: {  	s1 =	simm.s32 $0x1;
	s0 =	sadd.s32 s31, s12;
	p0 =	por !p0, !p0  }
0x2af: {  	[tilespmem:s12+$0xA180] =	vst v6;
	s0 =	sshra.s32 s0, $0x4;
	s1 =	simm.s32 @!p0 $0x0  }
0x2b0: {  	[tilespmem:s12+$0xCA00] =	vst v4;
	s2 =	simm.s32 $0x0;
	s12 =	simm.s32 $0x0;
	s14 =	ssub.s32 s0, s1  }
0x2b1: {  	s0 =	sshll.u32 s24, $0x5;
	s1 =	sadd.s32 $0x1, s14;
	p0 =	slt.s32 s14, $0x0  }
.LBB2_8:
0x2b2: {  	v9 =	vimm.s32 $0x7FFFFFFF  }
.LBB2_16:
0x2b3: {  	v10 =	vperm.xlane v7, v0;
	_ =	sdelay $0x1  }
0x2b4: {  	v11 =	vand.u32 $0xF, v1;
	v10 =	vmin.f32 v7, v10  }
0x2b5: {  	v12 =	vperm.xlane v10, v11;
	_ =	sdelay $0x1  }
0x2b6: {  	v60 =	vand.u32 $0xF, v2;
	v10 =	vmin.f32 v10, v12  }
0x2b7: {  	v13 =	vperm.xlane v10, v60;
	_ =	sdelay $0x1  }
0x2b8: {  	v61 =	vand.u32 $0xF, v3;
	v10 =	vmin.f32 v10, v13  }
0x2b9: {  	v14 =	vperm.xlane v10, v61;
	_ =	sdelay $0x1  }
0x2ba: {  	v10 =	vmin.f32 v10, v14  }
0x2bb: {  	v10 =	vbroadcast v10, $0x0;
	_ =	sdelay $0x1  }
0x2bc: {  	vm0 =	veq.f32 v7, v10  }
0x2bd: {  	v7 =	vnsel vm0, $0x7FFFFFFF, v8  }
0x2be: {  	v62 =	vperm.xlane v7, v0;
	_ =	sdelay $0x1  }
0x2bf: {  	vm1 =	vlt.s32 v7, v62  }
0x2c0: {  	v7 =	vsel vm1, v7, v62  }
0x2c1: {  	v10 =	vperm.xlane v7, v11;
	_ =	sdelay $0x1  }
0x2c2: {  	vm1 =	vlt.s32 v7, v10  }
0x2c3: {  	v7 =	vsel vm1, v7, v10  }
0x2c4: {  	v10 =	vperm.xlane v7, v60;
	_ =	sdelay $0x1  }
0x2c5: {  	vm1 =	vlt.s32 v7, v10  }
0x2c6: {  	v7 =	vsel vm1, v7, v10  }
0x2c7: {  	v10 =	vperm.xlane v7, v61;
	_ =	sdelay $0x1  }
0x2c8: {  	vm1 =	vlt.s32 v7, v10  }
0x2c9: {  	v7 =	vsel vm1, v7, v10  }
0x2ca: {  	v7 =	vbroadcast v7, $0x0;
	_ =	sdelay $0x1  }
0x2cb: {  	vm15 =	veq.s32 v8, v7  }
0x2cc: {  	vm0 =	vmand vm0, vm15  }
0x2cd: {  	v8 =	vnsel vm0, $0x7FFFFFFF, v9  }
0x2ce: {  	v9 =	vperm.xlane v8, v0;
	_ =	sdelay $0x1  }
0x2cf: {  	vm0 =	vlt.s32 v8, v9  }
0x2d0: {  	v8 =	vsel vm0, v8, v9  }
0x2d1: {  	v9 =	vperm.xlane v8, v11;
	_ =	sdelay $0x1  }
0x2d2: {  	vm0 =	vlt.s32 v8, v9  }
0x2d3: {  	v8 =	vsel vm0, v8, v9  }
0x2d4: {  	v9 =	vperm.xlane v8, v60;
	_ =	sdelay $0x1  }
0x2d5: {  	vm0 =	vlt.s32 v8, v9  }
0x2d6: {  	v8 =	vsel vm0, v8, v9  }
0x2d7: {  	v9 =	vperm.xlane v8, v61;
	_ =	sdelay $0x1  }
0x2d8: {  	vm0 =	vlt.s32 v8, v9  }
0x2d9: {  	s14 =	sadd.s32 s0, s12;
	v8 =	vsel vm0, v8, v9  }
0x2da: {  	s12 =	sadd.s32 $0x1, s12;
	v63 =	vmov s14;
	v8 =	vbroadcast v8, $0x0  }
0x2db: {  	p1 =	sne.s32 s12, $0x20  }
.Ltmp7:
0x2dc: {  	_ = 	snop;
	(pc) =	sbr.rel @!p1 .LBB2_17-.Ltmp7, $3  }
0x2dd: {  	_ =	sdelay $0x1  }
0x2de: {  	[tilespmem:v63+s21+$0x0] =	vst.idx.msk $0x1, v7  }
0x2df: {  	[tilespmem:v8+s19+$0x0] =	vst.idx.msk $0x1, v6  }
.LBB2_7:
.Ltmp8:
0x2e0: {  	(pc) =	sbr.rel @p0 .LBB2_8-.Ltmp8, $2  }
0x2e1: {  	_ =	sdelay $0x2  }
0x2e2: {  	v8 =	vimm.s32 $0x7FFFFFFF;
	v7 =	vimm.f32 $+Inf  }
0x2e3: {  	p2 =	sne.s32 s1, $0x1  }
.Ltmp9:
0x2e4: {  	_ = 	snop;
	(pc) =	sbr.rel @!p2 .LBB2_10-.Ltmp9, $4  }
0x2e5: {  	_ = 	snop  }
0x2e6: {  	s14 =	simm.s32 $0xA180  }
0x2e7: {  	s15 =	simm.s32 $0xCA00;
	v10 =	vld [tilespmem:s14+$0x0]  }
0x2e8: {  	p1 =	por $0x0, $0x0;
	v11 =	vld [tilespmem:s15+$0x0];
	s14 =	sadd.s32 $0xFFFFFFFF, s1;
	s15 =	simm.s32 $0xA190  }
0x2e9: {  	_ =	sdelay $0x1  }
0x2ea: {  	v13 =	vld [tilespmem:s15+$0x0];
	s15 =	simm.s32 $0xCA10;
	p2 =	sne.s32 s14, $0x1  }
.Ltmp10:
0x2eb: {  	v14 =	vld [tilespmem:s15+$0x0];
	(pc) =	sbr.rel @!p2 .LBB2_12-.Ltmp10, $4  }
0x2ec: {  	vm0 =	veq.f32 v10, v7;
	vm1 =	vlt.s32 v11, v8  }
0x2ed: {  	vm2 =	vlt.f32 v10, v7;
	vm0 =	vmand vm0, vm1  }
0x2ee: {  	s16 =	sadd.s32 $0xFFFFFFFF, s14;
	v9 =	vor.u32 s2, v5;
	vm0 =	vmor vm2, vm0  }
0x2ef: {  	s25 =	simm.s32 $0xA1A0;
	p1 =	por $0x1, $0x1;
	s14 =	simm.s32 $0x0;
	v7 =	vsel vm0, v10, v7;
	v12 =	vsel vm0, v11, v8;
	v9 =	vsel vm0, v9, v8  }
.LBB2_13:
0x2f0: {  	v8 =	vld [tilespmem:s25+$0x0];
	vm0 =	veq.f32 v13, v7;
	vm1 =	vlt.s32 v14, v12;
	s15 =	sadd.s32 $0x10, s15;
	v10 =	vmov v14;
	p2 =	sne.s32 s16, $0x1  }
.Ltmp11:
0x2f1: {  	s16 =	sadd.s32 $0xFFFFFFFF, s16;
	vm2 =	vlt.f32 v13, v7;
	s14 =	sadd.s32 $0x10, s14;
	v14 =	vld [tilespmem:s15+$0x0];
	vm0 =	vmand vm0, vm1;
	(pc) =	sbr.rel @p2 .LBB2_13-.Ltmp11, $3  }
0x2f2: {  	v11 =	vor.u32 s14, v5;
	vm0 =	vmor vm2, vm0  }
0x2f3: {  	v7 =	vsel vm0, v13, v7;
	v12 =	vsel vm0, v10, v12;
	v9 =	vsel vm0, v11, v9;
	_ =	sdelay $0x1  }
0x2f4: {  	s25 =	sadd.s32 $0x10, s25;
	v13 =	vmov v8  }
0x2f5: {  	v10 =	vmov v13;
	v11 =	vmov v14;
	v8 =	vmov v12  }
.LBB2_15:
.Ltmp12:
0x2f6: {  	(pc) =	sbr.rel .LBB2_16-.Ltmp12, $4  }
0x2f7: {  	vm0 =	veq.f32 v10, v7;
	vm1 =	vlt.s32 v11, v8;
	s14 =	sadd.s32 @p1 $0x10, s14;
	s15 =	simm.s32 $0x0  }
0x2f8: {  	vm2 =	vlt.f32 v10, v7;
	vm0 =	vmand vm0, vm1;
	s15 =	smov.u32 @p1 s14  }
0x2f9: {  	v12 =	vor.u32 s15, v5;
	vm0 =	vmor vm2, vm0  }
0x2fa: {  	v7 =	vsel vm0, v10, v7;
	v8 =	vsel vm0, v11, v8;
	v9 =	vsel vm0, v12, v9  }
.LBB2_10:
.Ltmp13:
0x2fb: {  	(pc) =	sbr.rel .LBB2_15-.Ltmp13, $2  }
0x2fc: {  	_ =	sdelay $0x2  }
0x2fd: {  	s14 =	simm.s32 $0x0;
	v9 =	vimm.s32 $0x7FFFFFFF  }
.LBB2_12:
.Ltmp14:
0x2fe: {  	(pc) =	sbr.rel .LBB2_15-.Ltmp14, $2  }
0x2ff: {  	_ =	sdelay $0x2  }
0x300: {  	v10 =	vmov v13;
	v11 =	vmov v14;
	v8 =	vmov v12;
	s14 =	simm.s32 $0x0  }
.LBB2_19:
0x301: {  	_ =	sfence.sel $0x180000  }
0x302: {  	[bflag:$0x0] =	sbarrier.arrive $0xFFFF  }
0x303: {  	_ =	strace $0x90000047  }
0x304: {  	s0 =	stileid.u32;
	[bflag:$0x2] =	sbarrier.arrive $0xFFFF  }
0x305: {  	p0 =	sne.s32 s0, $0x0;
	s0 =	rddreg [dreg:$0x2]  }
0x306: {  	s0 =	sadd.s32 @!p0 $0x100000, s0  }
0x307: {  	[sflag:s0] =	ssyncadd.tile.s32 @!p0 $0x1;
	_ =	shalt  }
.Lfunc_end2:
_tile_overlayer_lowered:
.L_overlay_start_2:
0x308: {  	(tag) =	ssettag $0x2  }
0x309: {  	s0 =	rddreg [dreg:$0x0];
	s2 =	stileid.u32  }
0x30a: {  	s1 =	rddreg [dreg:$0x1];
	p0 =	sne.s32 s2, $0x0  }
0x30b: {  	s3 =	rddreg [dreg:$0x2];
	[bflag:$0x3] =	sbarrier.arrive $0xFFFF;
	s2 =	simm.s32 @!p0 $0x1C01  }
0x30c: {  	[timem:s3], [sflag:s2] =	dma.local @!p0 [hbm:s0], s1  }
0x30d: {  	s0 =	simm.s32 @!p0 $0x1  }
0x30e: {  	_ =	swait.ge @!p0 [sflag:s0], s1  }
0x30f: {  	s1 =	ssub.s32 @!p0 $0x0, s1;
	[sflag:s0] =	ssyncset.done @!p0 $0x0  }
0x310: {  	[sflag:s0] =	ssyncadd.s32 @!p0 s1  }
0x311: {  	[bflag:$0x3] =	sbarrier.arrive $0xFFFF  }
0x312: {  	_ =	shalt  }

// kernel: kernel.16.cloned.1.call-start
scs
__scs_entry_jumppad:
0x0: {  	(pc) =	sbr.rel $0x88, $3  }
0x1: {  	(tag) =	ssettag $0x0;
	lr =	simm.s32 $0x1  }
0x2: {  	[smem:$0x3F8F] =	sst lr;
	_ =	strace $0xD0000000  }
0x3: {  	_ = 	snop  }
0x4: {  	_ = 	snop  }
0x5: {  	_ = 	snop  }
0x6: {  	_ = 	snop  }
0x7: {  	_ = 	snop  }
__scs_overlays_trampoline_lowered:
0x8: {  	[smem:$0x3F9E] =	sst s0  }
0x9: {  	[smem:$0x3F9F] =	sst s1  }
0xa: {  	[smem:$0x3FA0] =	sst s2  }
0xb: {  	[smem:$0x3FA1] =	sst s3  }
0xc: {  	[smem:$0x3FA2] =	sst s4  }
0xd: {  	[smem:$0x3FA3] =	sst s5  }
0xe: {  	[smem:$0x3FA4] =	sst s6  }
0xf: {  	[smem:$0x3FA5] =	sst s7  }
0x10: {  	[smem:$0x3FA6] =	sst s8  }
0x11: {  	[smem:$0x3FA7] =	sst s9;
	s0 =	simm.s32 @!p0 $0x0  }
0x12: {  	s1 =	sld [smem:$0x3F8D];
	s0 =	simm.s32 @p0 $0x1  }
0x13: {  	[smem:$0x3FA8] =	sst s0;
	s0 =	simm.s32 @!p1 $0x0  }
0x14: {  	s2 =	sld [smem:$0x3F8C];
	s0 =	simm.s32 @p1 $0x1  }
0x15: {  	[smem:$0x3FA9] =	sst s0;
	s0 =	simm.s32 @!p2 $0x0  }
0x16: {  	s3 =	sld [smem:$0x3FDB];
	s0 =	simm.s32 @p2 $0x1  }
0x17: {  	s4 =	simm.s32 $0x1BF5;
	[smem:$0x3FAB] =	sst s0  }
0x18: {  	s0 =	sld [smem:$0x3F8E];
	_ =	swait.ge [sflag:s4], $0x0  }
0x19: {  	s7 =	sld [smem:$0x3F8F]  }
0x1a: {  	s8 =	sadd.s32 $0xFFFFE003, lr  }
0x1b: {  	s9 =	sadd.s32 $0xFFFFFEF7, lr;
	s5 =	simm.s32 $0xFFFFFFFF;
	p2 =	slt.u32 s8, $0xFFFFF086  }
0x1c: {  	p1 =	slt.u32 s9, $0xF7A;
	s5 =	simm.s32 @!p2 $0x0  }
0x1d: {  	s5 =	simm.s32 @p1 $0x1;
	p0 =	seq.s32 s7, s2  }
0x1e: {  	s7 =	smul.u32 @!p0 $0xF7A, s2;
	p2 =	seq.s32 @!p0 s5, $0x0  }
0x1f: {  	s9 =	smul.u32 $0xF7A, s1;
	s8 =	simm.s32 @!p0 $0x1BF5;
	p2 =	por !p2, p0  }
0x20: {  	[sflag:s8] =	ssyncset.s32 @!p0 $0xFFFFF086;
	s6 =	sadd.s32 @!p0 s3, s7;
	s7 =	simm.s32 @!p0 $0x108  }
0x21: {  	s3 =	sadd.s32 s3, s9;
	s6 =	sadd.s32 @!p0 $0x88, s6;
	s7 =	simm.s32 @p2 $0x1082  }
0x22: {  	[simem:s7], [sflag:s8] =	dma.local @!p0 [hbm:s6], $0xF7A  }
0x23: {  	s9 =	sor.u32 $0xD0000000, s2;
	s6 =	simm.s32 $0x108;
	_ =	swait.ge @!p0 [sflag:s8], $0x0  }
0x24: {  	s3 =	sadd.s32 $0x88, s3;
	s6 =	simm.s32 @!p1 $0x1082;
	[sflag:s4] =	ssyncset.s32 $0xFFFFF086  }
0x25: {  	[simem:s6], [sflag:s4] =	dma.local [hbm:s3], $0xF7A  }
0x26: {  	[smem:$0x3F8F] =	sst s1;
	(tag) =	ssettag s2;
	_ =	strace s9  }
0x27: {  	s1 =	sld [smem:$0x3F9F]  }
0x28: {  	s2 =	sld [smem:$0x3FA0]  }
0x29: {  	s4 =	sld [smem:$0x3FA2]  }
0x2a: {  	p0 =	seq.s32 s5, $0x0;
	s5 =	sld [smem:$0x3FA3]  }
0x2b: {  	s6 =	sld [smem:$0x3FA4]  }
0x2c: {  	s7 =	sld [smem:$0x3FA5]  }
0x2d: {  	s3 =	simm.s32 $0x108;
	s8 =	sld [smem:$0x3FA6]  }
0x2e: {  	s3 =	simm.s32 @!p0 $0x1082;
	s9 =	sld [smem:$0x3FA7]  }
0x2f: {  	lr =	sadd.s32 s0, s3;
	s0 =	sld [smem:$0x3F9E]  }
0x30: {  	s3 =	sld [smem:$0x3FA1]  }
0x31: {  	[smem:$0x3FAA] =	sst s10  }
0x32: {  	s10 =	sld [smem:$0x3FA8];
	_ =	sdelay $0x3  }
0x33: {  	p0 =	seq.s32 s10, $0x1;
	s10 =	sld [smem:$0x3FAA];
	_ =	sdelay $0x3  }
0x34: {  	[smem:$0x3FAA] =	sst s10  }
0x35: {  	s10 =	sld [smem:$0x3FA9];
	_ =	sdelay $0x3  }
0x36: {  	p1 =	seq.s32 s10, $0x1;
	s10 =	sld [smem:$0x3FAA];
	_ =	sdelay $0x3  }
0x37: {  	[smem:$0x3FAA] =	sst s10  }
0x38: {  	s10 =	sld [smem:$0x3FAB]  }
0x39: {  	_ = 	snop;
	(pc) =	sbr.ind lr, $3  }
0x3a: {  	_ = 	snop  }
0x3b: {  	_ = 	snop  }
0x3c: {  	p2 =	seq.s32 s10, $0x1;
	s10 =	sld [smem:$0x3FAA]  }
0x3d: {  	_ =	shalt  }
0x3e: {  	_ =	shalt  }
0x3f: {  	_ =	shalt  }
0x40: {  	_ =	shalt  }
0x41: {  	_ =	shalt  }
0x42: {  	_ =	shalt  }
0x43: {  	_ =	shalt  }
0x44: {  	_ =	shalt  }
0x45: {  	_ =	shalt  }
0x46: {  	_ =	shalt  }
0x47: {  	_ =	shalt  }
0x48: {  	_ =	shalt  }
0x49: {  	_ =	shalt  }
0x4a: {  	_ =	shalt  }
0x4b: {  	_ =	shalt  }
0x4c: {  	_ =	shalt  }
0x4d: {  	_ =	shalt  }
0x4e: {  	_ =	shalt  }
0x4f: {  	_ =	shalt  }
0x50: {  	_ =	shalt  }
0x51: {  	_ =	shalt  }
0x52: {  	_ =	shalt  }
0x53: {  	_ =	shalt  }
0x54: {  	_ =	shalt  }
0x55: {  	_ =	shalt  }
0x56: {  	_ =	shalt  }
0x57: {  	_ =	shalt  }
0x58: {  	_ =	shalt  }
0x59: {  	_ =	shalt  }
0x5a: {  	_ =	shalt  }
0x5b: {  	_ =	shalt  }
0x5c: {  	_ =	shalt  }
0x5d: {  	_ =	shalt  }
0x5e: {  	_ =	shalt  }
0x5f: {  	_ =	shalt  }
0x60: {  	_ =	shalt  }
0x61: {  	_ =	shalt  }
0x62: {  	_ =	shalt  }
0x63: {  	_ =	shalt  }
0x64: {  	_ =	shalt  }
0x65: {  	_ =	shalt  }
0x66: {  	_ =	shalt  }
0x67: {  	_ =	shalt  }
0x68: {  	_ =	shalt  }
0x69: {  	_ =	shalt  }
0x6a: {  	_ =	shalt  }
0x6b: {  	_ =	shalt  }
0x6c: {  	_ =	shalt  }
0x6d: {  	_ =	shalt  }
0x6e: {  	_ =	shalt  }
0x6f: {  	_ =	shalt  }
0x70: {  	_ =	shalt  }
0x71: {  	_ =	shalt  }
0x72: {  	_ =	shalt  }
0x73: {  	_ =	shalt  }
0x74: {  	_ =	shalt  }
0x75: {  	_ =	shalt  }
0x76: {  	_ =	shalt  }
0x77: {  	_ =	shalt  }
0x78: {  	_ =	shalt  }
0x79: {  	_ =	shalt  }
0x7a: {  	_ =	shalt  }
0x7b: {  	_ =	shalt  }
0x7c: {  	_ =	shalt  }
0x7d: {  	_ =	shalt  }
0x7e: {  	_ =	shalt  }
0x7f: {  	_ =	shalt  }
0x80: {  	_ =	shalt  }
0x81: {  	_ =	shalt  }
0x82: {  	_ =	shalt  }
0x83: {  	_ =	shalt  }
0x84: {  	_ =	shalt  }
0x85: {  	_ =	shalt  }
0x86: {  	_ =	shalt  }
0x87: {  	_ =	shalt  }
.Lfunc_end0:
.L_simem_size_0:
called_computation.1_lowered:
.L_overlay_start_0:
0x88: {  	s2 =	sld [smem:$0x3FD9]  }
0x89: {  	s3 =	sld [smem:$0x3FFE];
	_ =	sdelay $0x1  }
0x8a: {  	s1 =	srdreg.scid  }
0x8b: {  	s0 =	sand.u32 $0x1, s1  }
0x8c: {  	s17 =	sshll.u32 s0, $0xA;
	s2 =	sadd.s32 s3, s2  }
0x8d: {  	s2 =	sadd.s32 s2, s17  }
0x8e: {  	[smem:$0x3FB6] =	sst s2  }
0x8f: {  	_ = 	snop  }
0x90: {  	s18 =	sld [smem:$0x3FD0];
	(tm) =	ssettm $0x1  }
0x91: {  	s19 =	sld [smem:$0x3FFB];
	_ =	sdelay $0x3  }
0x92: {  	_ =	strace s19  }
0x93: {  	s2 =	sld [smem:$0x3FFC];
	_ =	sdelay $0x3  }
0x94: {  	_ =	strace s2  }
0x95: {  	s2 =	sld [smem:$0x3FFD];
	_ =	sdelay $0x3  }
0x96: {  	_ =	strace s2  }
0x97: {  	_ =	strace $0x8FFFFFFF  }
0x98: {  	s20 =	sld [smem:$0x3FDB];
	_ =	sdelay $0x1  }
0x99: {  	s4 =	simm.s32 $_scs_section_size  }
0x9a: {  	s5 =	simm.s32 $_size__tile_overlayer_lowered;
	s6 =	simm.s32 $_tile_overlayer_lowered  }
0x9b: {  	s7 =	simm.s32 $0x1BFF;
	s21 =	sshll.u32 s6, $0x1;
	s4 =	sadd.s32 s4, s20  }
0x9c: {  	s22 =	simm.s32 $0x0;
	s5 =	sshll.u32 s5, $0x1;
	s6 =	sadd.s32 s21, s4  }
0x9d: {  	[timem:s22], [sflag:s7] =	dma.local [hbm:s6], s5  }
0x9e: {  	_ =	swait.ge [sflag:s7], s5  }
0x9f: {  	s5 =	ssub.s32 $0x0, s5;
	[sflag:s7] =	ssyncset.done $0x0  }
0xa0: {  	[sflag:s7] =	ssyncadd.s32 s5;
	_ =	sdelay $0x1  }
0xa1: {  	s23 =	simm.s32 $0x1B8B  }
0xa2: {  	_ =	swait.ge [sflag:s23], $0x1  }
0xa3: {  	[sflag:s23] =	ssyncset.done $0x0  }
0xa4: {  	[sflag:s23] =	ssyncadd.s32 $0xFFFFFFFF  }
0xa5: {  	s5 =	sld [smem:$0x0]  }
0xa6: {  	s6 =	sand.u32 $0xFFFFFFFE, s1  }
0xa7: {  	p0 =	sne.s32 s1, s6  }
0xa8: {  	s6 =	sshll.u32 @p0 s6, $0xE  }
0xa9: {  	s6 =	sadd.s32 @p0 $0x11B8D, s6;
	s7 =	sshll.u32 @p0 s5, $0x11  }
0xaa: {  	s6 =	sor.u32 @p0 s7, s6  }
0xab: {  	[sflag:s6] =	ssyncadd.remote.s32 @p0 $0x1;
	_ =	sdelay $0x1  }
0xac: {  	s6 =	simm.s32 @p0 $0x1B8D  }
0xad: {  	_ =	swait.eq @p0 [sflag:s6], $0x1  }
0xae: {  	[sflag:s6] =	ssyncadd.s32 @p0 $0xFFFFFFFF  }
0xaf: {  	s7 =	sshll.u32 @!p0 s1, $0xE  }
0xb0: {  	s7 =	sor.u32 @!p0 $0x4000, s7;
	s6 =	simm.s32 @!p0 $0x1B8D  }
0xb1: {  	s5 =	sshll.u32 @!p0 s5, $0x11;
	s7 =	sadd.s32 @!p0 $0x11B8D, s7;
	_ =	swait.eq @!p0 [sflag:s6], $0x1  }
0xb2: {  	s5 =	sor.u32 @!p0 s5, s7;
	[sflag:s6] =	ssyncadd.s32 @!p0 $0xFFFFFFFF  }
0xb3: {  	s25 =	simm.s32 $0x1B8E;
	s24 =	sld [smem:$0x3FFE];
	[sflag:s5] =	ssyncadd.remote.s32 @!p0 $0x1  }
0xb4: {  	s26 =	simm.s32 $execute0_lowered;
	[smem:$0x3FD2] =	sst s25  }
0xb5: {  	s6 =	sshll.u32 s26, $0x1;
	_ =	strace $0x8000004C;
	[dreg:$0x1] =	wrdreg $0xFFFFFFFF  }
0xb6: {  	s28 =	simm.s32 $_size_execute0_lowered;
	s4 =	sadd.s32 s4, s6;
	[dreg:$0x0] =	wrdreg $0x0  }
0xb7: {  	s6 =	sshll.u32 s28, $0x1;
	[dreg:$0x2] =	wrdreg s4  }
0xb8: {  	[dreg:$0x3] =	wrdreg s6  }
0xb9: {  	[dreg:$0x4] =	wrdreg $0xC0  }
0xba: {  	_ =	task [dreg:s22], $0x5FFFF  }
0xbb: {  	[dreg:$0x1] =	wrdreg $0xFFFFFFFF  }
0xbc: {  	[dreg:$0x0] =	wrdreg $0x60  }
0xbd: {  	[dreg:$0x2] =	wrdreg s24  }
0xbe: {  	[dreg:$0x3] =	wrdreg s18  }
0xbf: {  	[dreg:$0x4] =	wrdreg $0x9  }
0xc0: {  	_ =	task.clear_ibuf [dreg:s22], $0x5FFFF;
	_ =	strace $0x9000004C  }
0xc1: {  	s29 =	simm.s32 $0x9;
	_ =	strace $0x8000004E  }
0xc2: {  	_ =	swait.ge [sflag:s29], $0x1  }
0xc3: {  	[sflag:s29] =	ssyncadd.s32 $0xFFFFFFFF  }
0xc4: {  	_ =	strace $0x9000004E  }
0xc5: {  	_ =	sfence  }
0xc6: {  	s30 =	sld [smem:$0x0];
	_ =	sdelay $0x2  }
0xc7: {  	s31 =	sshll.u32 s1, $0xD;
	s1 =	sshrl.u32 s1, $0x2  }
0xc8: {  	s4 =	sand.u32 $0x4000, s31;
	s1 =	sadd.s32 s1, s30  }
0xc9: {  	s0 =	sor.u32 s4, s0;
	s1 =	sshll.u32 s1, $0x11  }
0xca: {  	s0 =	sor.u32 s1, s0  }
0xcb: {  	s0 =	sadd.s32 $0x8F2B, s0  }
0xcc: {  	[sflag:s0] =	ssyncadd.remote.s32 $0x1  }
0xcd: {  	_ =	sfence.sel $0xFFFF  }
0xce: {  	[dreg:$0x0] =	wrdreg $0xFFFFFFFF;
	(pc) =	sbr.abs _section_cstart, $3  }
0xcf: {  	[dreg:$0x1] =	wrdreg $0xFFFFFFFF  }
0xd0: {  	_ =	task.clear_ibuf [dreg:s22], $0x2FFFF;
	_ =	strace $0x9FFFFFFF  }
0xd1: {  	(tm) =	ssettm $0x7FFFFFFF  }
tec
execute0_lowered:
.L_overlay_start_1:
0x0: {  	(tag) =	ssettag $0x1  }
0x1: {  	s0 =	rddreg [dreg:$0x0];
	v0 =	vimm.s32 $0xFEDCBA98;
	v1 =	vimm.s32 $0x76543210  }
0x2: {  	s1 =	rddreg [dreg:$0x1];
	s2 =	simm.s32 $0x0;
	s3 =	srdreg.scid;
	v2 =	vimm.s32 $0xBA98FEDC;
	v3 =	vimm.s32 $0x32107654;
	v4 =	vimm.s32 $0xDCFE98BA  }
0x3: {  	s4 =	stileid.u32;
	v5 =	vimm.s32 $0x54761032;
	v6 =	vimm.s32 $0xEFCDAB89;
	s12 =	simm.s32 $0x4180;
	s13 =	simm.s32 $0x1  }
0x4: {  	v7 =	vimm.s32 $0x67452301;
	s14 =	simm.s32 $0xA00;
	s15 =	simm.s32 $0x1400;
	s16 =	simm.s32 $0x1E00;
	v0 =	vunpack.c.l.s4.s8 v0;
	v1 =	vunpack.c.l.s4.s8 v1  }
0x5: {  	s17 =	simm.s32 $0x1E80;
	s18 =	simm.s32 $0x1F00;
	s19 =	simm.s32 $0x2980;
	v2 =	vunpack.c.l.s4.s8 v2;
	v3 =	vunpack.c.l.s4.s8 v3;
	v4 =	vunpack.c.l.s4.s8 v4  }
0x6: {  	s20 =	simm.s32 $0x3400;
	s3 =	sand.u32 $0x1, s3;
	s4 =	sshll.u32 s4, $0x1;
	v5 =	vunpack.c.l.s4.s8 v5;
	v6 =	vunpack.c.l.s4.s8 v6;
	v7 =	vunpack.c.l.s4.s8 v7  }
0x7: {  	s21 =	simm.s32 $0x3E80;
	s22 =	simm.s32 $0x0;
	s6 =	sor.u32 s3, s4;
	v0 =	vunpack.c.0.s8.s32 v0;
	v1 =	vunpack.c.0.s8.s32 v1;
	v2 =	vunpack.c.0.s8.s32 v2  }
0x8: {  	[smem:$0x7FF] =	sst s2;
	s5 =	sadd.s32 $0x3200, s0;
	s7 =	smul.u32 $0x3, s6;
	v3 =	vunpack.c.0.s8.s32 v3;
	v4 =	vunpack.c.0.s8.s32 v4;
	v5 =	vunpack.c.0.s8.s32 v5  }
.Ltmp0:
0x9: {  	_ =	strace $0x8000004D;
	s3 =	ssub.s32 $0x2, s3;
	v6 =	vunpack.c.0.s8.s32 v6;
	v7 =	vunpack.c.0.s8.s32 v7;
	v0 =	vand.u32 $0xF, v0;
	(pc) =	sbr.rel .LBB2_1-.Ltmp0, $4  }
0xa: {  	s4 =	sadd.s32 $0x3400, s0;
	s8 =	smul.u32 $0x60, s6;
	s31 =	sshrl.u32 s3, $0x1;
	v0 =	vcombine.low v0, v1;
	v1 =	vcombine.low v3, v2  }
0xb: {  	s6 =	sadd.s32 $0x3000, s0;
	s3 =	ssub.s32 s3, s31;
	s9 =	sadd.s32 s7, s0;
	v2 =	vcombine.low v5, v4;
	v3 =	vcombine.low v7, v6  }
0xc: {  	s0 =	sadd.s32 s8, s0;
	s11 =	smax.u32 s3, $0x1;
	s7 =	sadd.s32 $0x2200, s9;
	v4 =	vimm.s32 $0x0;
	v5 =	vlaneseq.u32;
	v6 =	vimm.f32 $+Inf  }
0xd: {  	s8 =	sadd.s32 $0x2000, s9;
	s9 =	sadd.s32 $0x1E00, s9;
	s10 =	sadd.s32 $0x16DE00, s0;
	v7 =	vand.u32 $0xF, v1;
	v8 =	vand.u32 $0xF, v2;
	v9 =	vand.u32 $0xF, v3  }
.LBB2_18:
0xe: {  	s22 =	sadd.s32 $0x1, s22  }
0xf: {  	p0 =	sne.s32 s22, s11  }
.Ltmp1:
0x10: {  	_ = 	snop;
	(pc) =	sbr.rel @!p0 .LBB2_19-.Ltmp1, $4  }
0x11: {  	[hbm4b:s10+s2] =	stream.linear.scatter [tilespmem:s21], [sflag:$0x1], $0x300, $0x38;
	[tilespmem:$0x4200] =	vst v63  }
0x12: {  	_ =	swait.ge [sflag:s13], $0x300  }
0x13: {  	[sflag:s13] =	ssyncset.done $0x0  }
0x14: {  	[sflag:s13] =	ssyncadd.s32 $0xFFFFFD00  }
.LBB2_1:
0x15: {  	[tilespmem:s12], [sflag:$0x1] =	stream.linear.gather [hbm4b:s1+s2], $0x1, $0x38;
	[tilespmem:$0x4200] =	vst v63  }
0x16: {  	_ =	swait.ge [sflag:s13], $0x1  }
0x17: {  	[sflag:s13] =	ssyncset.done $0x0  }
0x18: {  	[sflag:s13] =	ssyncadd.s32 $0xFFFFFFFF  }
0x19: {  	v10 =	vld [tilespmem:$0x4180];
	_ =	sdelay $0x4  }
0x1a: {  	(v2sf) =	vpush v10, $0x0;
	_ =	sdelay $0xd  }
0x1b: {  	[tilespmem:s2], [sflag:$0x1] =	stream.linear.gather [hbm4b:s4+s2], $0xA00, $0x38;
	[tilespmem:$0x4200] =	vst v63  }
0x1c: {  	s23 =	spop (v2sf)  }
0x1d: {  	_ =	swait.ge [sflag:s13], $0xA00  }
0x1e: {  	[sflag:s13] =	ssyncset.done $0x0  }
0x1f: {  	[sflag:s13] =	ssyncadd.s32 $0xFFFFF600  }
0x20: {  	[tilespmem:s14], [sflag:$0x1] =	stream.linear.gather [hbm4b:s5+s2], $0xA00, $0x38;
	[tilespmem:$0x4200] =	vst v63  }
0x21: {  	_ =	swait.ge [sflag:s13], $0xA00  }
0x22: {  	[sflag:s13] =	ssyncset.done $0x0  }
0x23: {  	[sflag:s13] =	ssyncadd.s32 $0xFFFFF600  }
0x24: {  	[tilespmem:s15], [sflag:$0x1] =	stream.linear.gather [hbm4b:s6+s2], $0xA00, $0x38;
	[tilespmem:$0x4200] =	vst v63  }
0x25: {  	_ =	swait.ge [sflag:s13], $0xA00  }
0x26: {  	[sflag:s13] =	ssyncset.done $0x0  }
0x27: {  	[sflag:s13] =	ssyncadd.s32 $0xFFFFF600  }
0x28: {  	[tilespmem:s16], [sflag:$0x1] =	stream.linear.gather [hbm4b:s7+s2], $0x18, $0x38;
	[tilespmem:$0x4200] =	vst v63  }
0x29: {  	_ =	swait.ge [sflag:s13], $0x18  }
0x2a: {  	[sflag:s13] =	ssyncset.done $0x0  }
0x2b: {  	[sflag:s13] =	ssyncadd.s32 $0xFFFFFFE8  }
0x2c: {  	[tilespmem:s17], [sflag:$0x1] =	stream.linear.gather [hbm4b:s8+s2], $0x18, $0x38;
	[tilespmem:$0x4200] =	vst v63  }
0x2d: {  	_ =	swait.ge [sflag:s13], $0x18  }
0x2e: {  	[sflag:s13] =	ssyncset.done $0x0  }
.Ltmp2:
0x2f: {  	[sflag:s13] =	ssyncadd.s32 $0xFFFFFFE8;
	(pc) =	sbr.rel .LBB2_2-.Ltmp2, $4  }
0x30: {  	[tilespmem:s18], [sflag:$0x1] =	stream.linear.gather [hbm4b:s9+s2], $0x18, $0x38;
	[tilespmem:$0x4200] =	vst v63  }
0x31: {  	_ =	swait.ge [sflag:s13], $0x18  }
0x32: {  	[sflag:s13] =	ssyncset.done $0x0  }
0x33: {  	s24 =	simm.s32 $0x0;
	[sflag:s13] =	ssyncadd.s32 $0xFFFFFFE8  }
.LBB2_17:
0x34: {  	s24 =	sadd.s32 $0x1, s24  }
0x35: {  	p0 =	sne.s32 s24, $0x18  }
.Ltmp3:
0x36: {  	_ = 	snop;
	(pc) =	sbr.rel @!p0 .LBB2_18-.Ltmp3, $1  }
0x37: {  	_ =	sdelay $0x3  }
.LBB2_2:
0x38: {  	v11 =	vld.msk [tilespmem:s24+$0x1E00 ss:$0x0], $0xffff  }
0x39: {  	v10 =	vld.msk [tilespmem:s24+$0x1E80 ss:$0x0], $0xffff  }
0x3a: {  	v12 =	vld.msk [tilespmem:s24+$0x1F00 ss:$0x0], $0xffff;
	s25 =	simm.s32 $0x0  }
0x3b: {  	v14 =	vld [tilespmem:s25+$0x1430]  }
0x3c: {  	v15 =	vld [tilespmem:s25+$0x1420]  }
0x3d: {  	v16 =	vld [tilespmem:s25+$0x40]  }
0x3e: {  	v18 =	vld [tilespmem:s25+$0x1400]  }
0x3f: {  	v19 =	vld [tilespmem:s25+$0x1410]  }
0x40: {  	v20 =	vld [tilespmem:s25+$0x30]  }
0x41: {  	v22 =	vld [tilespmem:s25+$0x20]  }
0x42: {  	v23 =	vld [tilespmem:s25+$0x0]  }
0x43: {  	v24 =	vld [tilespmem:s25+$0xA00]  }
0x44: {  	v25 =	vld [tilespmem:s25+$0x10]  }
0x45: {  	v26 =	vld [tilespmem:s25+$0xA10];
	v14 =	vsub.f32 v14, v12  }
0x46: {  	v27 =	vld [tilespmem:s25+$0xA20];
	v15 =	vsub.f32 v15, v12;
	v16 =	vsub.f32 v16, v11  }
0x47: {  	v21 =	vld [tilespmem:s25+$0xA30];
	v18 =	vsub.f32 v18, v12;
	v19 =	vsub.f32 v19, v12  }
0x48: {  	v17 =	vld [tilespmem:s25+$0xA40];
	v23 =	vsub.f32 v23, v11;
	v24 =	vsub.f32 v24, v10  }
0x49: {  	v13 =	vld [tilespmem:s25+$0x1440];
	v20 =	vsub.f32 v20, v11;
	v25 =	vsub.f32 v25, v11  }
0x4a: {  	s28 =	simm.s32 $0x50;
	v26 =	vsub.f32 v26, v10;
	v22 =	vsub.f32 v22, v11;
	v23 =	vmul.f32 v23, v23  }
0x4b: {  	v28 =	vld [tilespmem:s28+$0x1440];
	v27 =	vsub.f32 v27, v10;
	v24 =	vmul.f32 v24, v24;
	v18 =	vmul.f32 v18, v18  }
0x4c: {  	v29 =	vld [tilespmem:s28+$0x1430];
	v21 =	vsub.f32 v21, v10;
	v25 =	vmul.f32 v25, v25;
	v26 =	vmul.f32 v26, v26  }
0x4d: {  	v30 =	vld [tilespmem:s28+$0x1420];
	v17 =	vsub.f32 v17, v10;
	v22 =	vmul.f32 v22, v22;
	v27 =	vmul.f32 v27, v27  }
0x4e: {  	v32 =	vld [tilespmem:s28+$0xA40];
	v13 =	vsub.f32 v13, v12;
	v19 =	vmul.f32 v19, v19;
	v20 =	vmul.f32 v20, v20  }
0x4f: {  	v31 =	vld [tilespmem:s28+$0x40];
	v21 =	vmul.f32 v21, v21;
	v16 =	vmul.f32 v16, v16;
	v23 =	vadd.f32 v24, v23  }
0x50: {  	v33 =	vld [tilespmem:s28+$0x1410];
	v17 =	vmul.f32 v17, v17;
	v25 =	vadd.f32 v26, v25;
	v22 =	vadd.f32 v27, v22  }
0x51: {  	v15 =	vmul.f32 v15, v15;
	v24 =	vld [tilespmem:s28+$0x1400];
	v20 =	vadd.f32 v21, v20;
	v18 =	vadd.f32 v18, v23  }
0x52: {  	v14 =	vmul.f32 v14, v14;
	v26 =	vld [tilespmem:s28+$0xA30];
	v16 =	vadd.f32 v17, v16;
	v19 =	vadd.f32 v19, v25  }
0x53: {  	v13 =	vmul.f32 v13, v13;
	v27 =	vsub.f32 v32, v10;
	v23 =	vld [tilespmem:s28+$0x30];
	v15 =	vadd.f32 v15, v22;
	[tilespmem:s25+$0x1F80] =	vst v18  }
0x54: {  	v14 =	vadd.f32 v14, v20;
	v20 =	vsub.f32 v31, v11;
	v18 =	vmin.f32 v18, v19;
	v25 =	vld [tilespmem:s28+$0x20];
	[tilespmem:s25+$0x1F90] =	vst v19  }
0x55: {  	v13 =	vadd.f32 v13, v16;
	v27 =	vmul.f32 v27, v27;
	v21 =	vld [tilespmem:s28+$0x0];
	[tilespmem:s25+$0x1FA0] =	vst v15;
	v15 =	vmin.f32 v18, v15  }
0x56: {  	v20 =	vmul.f32 v20, v20;
	v19 =	vsub.f32 v29, v12;
	v17 =	vld [tilespmem:s28+$0xA00];
	[tilespmem:s25+$0x1FB0] =	vst v14;
	v14 =	vmin.f32 v15, v14  }
0x57: {  	v22 =	vsub.f32 v24, v12;
	v26 =	vsub.f32 v26, v10;
	v16 =	vld [tilespmem:s28+$0x10];
	[tilespmem:s25+$0x1FC0] =	vst v13;
	v13 =	vmin.f32 v14, v13  }
0x58: {  	v18 =	vsub.f32 v28, v12;
	v15 =	vsub.f32 v30, v12;
	v14 =	vld [tilespmem:s28+$0xA10];
	v24 =	vperm.xlane v13, v0  }
0x59: {  	v28 =	vsub.f32 v33, v12;
	v23 =	vsub.f32 v23, v11;
	v22 =	vmul.f32 v22, v22;
	v29 =	vld [tilespmem:s28+$0xA20]  }
0x5a: {  	v26 =	vmul.f32 v26, v26;
	v30 =	vmul.f32 v15, v15;
	v13 =	vmin.f32 v13, v24  }
0x5b: {  	v25 =	vsub.f32 v25, v11;
	v15 =	vsub.f32 v17, v10;
	v17 =	vperm.xlane v13, v1  }
0x5c: {  	v19 =	vmul.f32 v19, v19;
	s25 =	simm.s32 $0xA0;
	v23 =	vmul.f32 v23, v23;
	v21 =	vsub.f32 v21, v11  }
0x5d: {  	v61 =	vld [tilespmem:s25+$0x1430];
	v25 =	vmul.f32 v25, v25;
	v16 =	vsub.f32 v16, v11;
	v13 =	vmin.f32 v13, v17  }
0x5e: {  	v62 =	vld [tilespmem:s25+$0x1420];
	v14 =	vsub.f32 v14, v10;
	v17 =	vsub.f32 v29, v10;
	v29 =	vperm.xlane v13, v2  }
0x5f: {  	v63 =	vld [tilespmem:s25+$0x40];
	v23 =	vadd.f32 v26, v23;
	v21 =	vmul.f32 v21, v21;
	v15 =	vmul.f32 v15, v15  }
0x60: {  	v34 =	vld [tilespmem:s25+$0xA40];
	v16 =	vmul.f32 v16, v16;
	v14 =	vmul.f32 v14, v14;
	v13 =	vmin.f32 v13, v29  }
0x61: {  	v35 =	vld [tilespmem:s25+$0x30];
	v15 =	vadd.f32 v15, v21;
	v17 =	vmul.f32 v17, v17;
	v29 =	vperm.xlane v13, v3  }
0x62: {  	v28 =	vmul.f32 v28, v28;
	v24 =	vld [tilespmem:s25+$0x1440];
	v26 =	vadd.f32 v27, v20;
	v14 =	vadd.f32 v14, v16  }
0x63: {  	v21 =	vld [tilespmem:s25+$0x1400];
	v22 =	vadd.f32 v22, v15;
	v25 =	vadd.f32 v17, v25;
	v13 =	vmin.f32 v13, v29  }
0x64: {  	v18 =	vmul.f32 v18, v18;
	v16 =	vld [tilespmem:s25+$0x1410];
	v14 =	vadd.f32 v28, v14;
	(v2sf) =	vpush v13, $0x0  }
0x65: {  	v15 =	vld [tilespmem:s25+$0xA30];
	[tilespmem:s28+$0x1F80] =	vst v22;
	v25 =	vadd.f32 v30, v25  }
0x66: {  	v19 =	vadd.f32 v19, v23;
	v27 =	vadd.f32 v18, v26;
	v17 =	vld [tilespmem:s25+$0x20];
	[tilespmem:s28+$0x1F90] =	vst v14;
	v22 =	vmin.f32 v22, v14  }
0x67: {  	v26 =	vsub.f32 v62, v12;
	v13 =	vsub.f32 v24, v12;
	v20 =	vld [tilespmem:s25+$0x0];
	[tilespmem:s28+$0x1FA0] =	vst v25;
	v24 =	vmin.f32 v22, v25  }
0x68: {  	v23 =	vsub.f32 v63, v11;
	v14 =	vsub.f32 v61, v12;
	v22 =	vld [tilespmem:s25+$0xA00];
	[tilespmem:s28+$0x1FB0] =	vst v19;
	v18 =	vmin.f32 v24, v19  }
0x69: {  	v16 =	vsub.f32 v16, v12;
	v24 =	vsub.f32 v21, v12;
	v25 =	vld [tilespmem:s25+$0x10];
	v18 =	vmin.f32 v18, v27  }
0x6a: {  	s26 =	simm.f32 $-Inf;
	v19 =	vsub.f32 v34, v10;
	[tilespmem:s28+$0x1FC0] =	vst v27;
	v27 =	vsub.f32 v35, v11;
	s28 =	simm.s32 $0x3C0;
	v21 =	vperm.xlane v18, v0  }
.LBB2_3:
0x6b: {  	p0 =	sne.s32 s28, $0x26C0;
	v28 =	vld [tilespmem:s25+$0xA10];
	v17 =	vsub.f32 v17, v11;
	v15 =	vsub.f32 v15, v10  }
0x6c: {  	v26 =	vmul.f32 v26, v26;
	v20 =	vsub.f32 v20, v11;
	v29 =	vld [tilespmem:s25+$0xA20];
	v18 =	vmin.f32 v18, v21  }
0x6d: {  	v21 =	vsub.f32 v22, v10;
	v22 =	vmul.f32 v23, v23;
	v23 =	vperm.xlane v18, v1  }
0x6e: {  	s29 =	sshra.s32 s28, $0x2;
	v24 =	vmul.f32 v24, v24;
	v19 =	vmul.f32 v19, v19;
	v25 =	vsub.f32 v25, v11  }
0x6f: {  	v27 =	vmul.f32 v27, v27;
	v15 =	vmul.f32 v15, v15;
	v30 =	vld [tilespmem:s29+$0x1440];
	v18 =	vmin.f32 v18, v23  }
0x70: {  	v17 =	vmul.f32 v17, v17;
	v23 =	vld [tilespmem:s29+$0x1430];
	v28 =	vsub.f32 v28, v10;
	v31 =	vperm.xlane v18, v2  }
0x71: {  	v20 =	vmul.f32 v20, v20;
	v21 =	vmul.f32 v21, v21;
	v32 =	vld [tilespmem:s29+$0x1420];
	v29 =	vsub.f32 v29, v10  }
0x72: {  	v25 =	vmul.f32 v25, v25;
	v33 =	vld [tilespmem:s29+$0x40];
	v28 =	vmul.f32 v28, v28;
	v18 =	vmin.f32 v18, v31  }
0x73: {  	v20 =	vadd.f32 v21, v20;
	v31 =	vld [tilespmem:s29+$0xA40];
	v21 =	vmul.f32 v29, v29;
	v29 =	vperm.xlane v18, v3;
	s0 =	spop (v2sf)  }
0x74: {  	v16 =	vmul.f32 v16, v16;
	v27 =	vadd.f32 v15, v27;
	v34 =	vld [tilespmem:s29+$0x1400];
	v25 =	vadd.f32 v28, v25;
	s26 =	smax.f32 s26, s0  }
0x75: {  	v20 =	vadd.f32 v24, v20;
	v28 =	vld [tilespmem:s29+$0x1410];
	v17 =	vadd.f32 v21, v17;
	v15 =	vmin.f32 v18, v29  }
0x76: {  	v14 =	vmul.f32 v14, v14;
	v21 =	vld [tilespmem:s29+$0x30];
	v16 =	vadd.f32 v16, v25;
	(v2sf) =	vpush v15, $0x0  }
0x77: {  	v19 =	vadd.f32 v19, v22;
	v22 =	vmul.f32 v13, v13;
	v15 =	vld [tilespmem:s29+$0xA30];
	[tilespmem:s25+$0x1F80] =	vst v20;
	v18 =	vadd.f32 v26, v17  }
.Ltmp4:
0x78: {  	v24 =	vadd.f32 v14, v27;
	v13 =	vsub.f32 v30, v12;
	v17 =	vld [tilespmem:s29+$0x20];
	[tilespmem:s25+$0x1F90] =	vst v16;
	v16 =	vmin.f32 v20, v16;
	(pc) =	sbr.rel @p0 .LBB2_3-.Ltmp4, $4  }
0x79: {  	v14 =	vsub.f32 v23, v12;
	v20 =	vld [tilespmem:s29+$0x0];
	[tilespmem:s25+$0x1FA0] =	vst v18;
	v16 =	vmin.f32 v16, v18;
	v18 =	vadd.f32 v22, v19  }
0x7a: {  	v26 =	vsub.f32 v32, v12;
	v23 =	vsub.f32 v33, v11;
	v22 =	vld [tilespmem:s29+$0xA00];
	[tilespmem:s25+$0x1FB0] =	vst v24;
	v16 =	vmin.f32 v16, v24  }
0x7b: {  	v19 =	vsub.f32 v31, v10;
	v24 =	vsub.f32 v34, v12;
	v25 =	vld [tilespmem:s29+$0x10];
	[tilespmem:s25+$0x1FC0] =	vst v18;
	v18 =	vmin.f32 v16, v18;
	s25 =	smov.u32 s29  }
0x7c: {  	s28 =	sadd.s32 $0x140, s28;
	v16 =	vsub.f32 v28, v12;
	v27 =	vsub.f32 v21, v11;
	v21 =	vperm.xlane v18, v0  }
0x7d: {  	v12 =	vld [tilespmem:s25+$0xA10]  }
0x7e: {  	v28 =	vld [tilespmem:s25+$0xA20]  }
0x7f: {  	v17 =	vsub.f32 v17, v11;
	v26 =	vmul.f32 v26, v26  }
0x80: {  	v15 =	vsub.f32 v15, v10;
	v23 =	vmul.f32 v23, v23;
	v24 =	vmul.f32 v24, v24  }
0x81: {  	v20 =	vsub.f32 v20, v11;
	v53 =	vmul.f32 v27, v27;
	v22 =	vsub.f32 v22, v10  }
0x82: {  	v15 =	vmul.f32 v15, v15;
	v11 =	vsub.f32 v25, v11;
	v12 =	vsub.f32 v12, v10  }
0x83: {  	v20 =	vmul.f32 v20, v20;
	v22 =	vmul.f32 v22, v22;
	v10 =	vsub.f32 v28, v10  }
0x84: {  	v11 =	vmul.f32 v11, v11;
	v12 =	vmul.f32 v12, v12  }
0x85: {  	v17 =	vmul.f32 v17, v17;
	v10 =	vmul.f32 v10, v10  }
0x86: {  	v54 =	vmul.f32 v16, v16;
	v20 =	vadd.f32 v22, v20;
	v11 =	vadd.f32 v12, v11  }
0x87: {  	v55 =	vmul.f32 v19, v19;
	v15 =	vadd.f32 v15, v53;
	v10 =	vadd.f32 v10, v17  }
0x88: {  	v57 =	vmul.f32 v14, v14;
	v56 =	vadd.f32 v24, v20;
	v11 =	vadd.f32 v54, v11  }
0x89: {  	v13 =	vmul.f32 v13, v13;
	v58 =	vadd.f32 v55, v23;
	v10 =	vadd.f32 v26, v10  }
0x8a: {  	v12 =	vadd.f32 v57, v15;
	v59 =	vmin.f32 v56, v11  }
0x8b: {  	v13 =	vadd.f32 v13, v58;
	v60 =	vmin.f32 v59, v10  }
0x8c: {  	v61 =	vmin.f32 v60, v12  }
0x8d: {  	v14 =	vmin.f32 v61, v13  }
0x8e: {  	v62 =	vperm.xlane v14, v0  }
0x8f: {  	v63 =	vmin.f32 v18, v21  }
0x90: {  	v18 =	vperm.xlane v63, v1;
	v14 =	vmin.f32 v14, v62  }
0x91: {  	v15 =	vperm.xlane v14, v1  }
0x92: {  	v16 =	vmin.f32 v63, v18  }
0x93: {  	v18 =	vperm.xlane v16, v2;
	v14 =	vmin.f32 v14, v15  }
0x94: {  	v15 =	vperm.xlane v14, v2  }
0x95: {  	v16 =	vmin.f32 v16, v18  }
0x96: {  	v18 =	vperm.xlane v16, v3;
	v14 =	vmin.f32 v14, v15  }
0x97: {  	v15 =	vperm.xlane v14, v3  }
0x98: {  	v16 =	vmin.f32 v16, v18  }
0x99: {  	(v2sf) =	vpush v16, $0x0;
	v14 =	vmin.f32 v14, v15  }
0x9a: {  	(v2sf) =	vpush v14, $0x0;
	_ =	sdelay $0xc  }
0x9b: {  	s0 =	spop (v2sf)  }
0x9c: {  	[tilespmem:s25+$0x1FC0] =	vst v13;
	s0 =	smax.f32 s26, s0;
	s3 =	spop (v2sf)  }
0x9d: {  	[tilespmem:s25+$0x1F80] =	vst v56;
	s0 =	smax.f32 s0, s3;
	s31 =	spop (v2sf)  }
0x9e: {  	[tilespmem:s25+$0x1FB0] =	vst v12;
	s0 =	smax.f32 s0, s31  }
0x9f: {  	s28 =	simm.s32 $0x1FA0;
	[tilespmem:s25+$0x1F90] =	vst v11;
	s0 =	smin.f32 s0, s23  }
0xa0: {  	s29 =	simm.s32 $0x0;
	s26 =	simm.s32 $0xFFFFFFFC;
	[tilespmem:s25+$0x1FA0] =	vst v10;
	s25 =	simm.s32 $0x0;
	v10 =	vmov s0  }
.LBB2_5:
0xa1: {  	v11 =	vld [tilespmem:s28+$0xFFFFFFE0];
	_ =	sdelay $0x4  }
0xa2: {  	vm0 =	vle.f32 v11, v10  }
0xa3: {  	v12 =	vsel vm0, $0x1, v4  }
0xa4: {  	(xrf0) =	vadd.scan.msk.s32 $0xffff, v12;
	_ =	sdelay $0x2  }
0xa5: {  	v51 =	vmov s29  }
0xa6: {  	v12 =	vadd.s32 $0xFFFFFFFF, v51  }
0xa7: {  	v13 =	vmpcnt.ones.xlane vm0;
	v12 =	vbroadcast v12, $0x0  }
0xa8: {  	v14, _, _ =	vpop (xrf0)  }
0xa9: {  	(v2sf) =	vpush v13, $0x0;
	v12 =	vadd.s32 v14, v12;
	_ =	sdelay $0x4  }
0xaa: {  	[tilespmem:v12+s19+$0x0] =	vst.idx.msk vm0, v11;
	v11 =	vor.u32 s25, v5  }
0xab: {  	[tilespmem:v12+s20+$0x0] =	vst.idx.msk vm0, v11  }
0xac: {  	v11 =	vld [tilespmem:s28+$0xFFFFFFF0];
	_ =	sdelay $0x4  }
0xad: {  	vm13 =	vle.f32 v11, v10  }
0xae: {  	v52 =	vsel vm13, $0x1, v4  }
0xaf: {  	(xrf0) =	vadd.scan.msk.s32 $0xffff, v52  }
0xb0: {  	s0 =	spop (v2sf)  }
0xb1: {  	s0 =	sadd.s32 s29, s0  }
0xb2: {  	v53 =	vmov s0  }
0xb3: {  	v12 =	vadd.s32 $0xFFFFFFFF, v53  }
0xb4: {  	v12 =	vbroadcast v12, $0x0;
	v54 =	vmpcnt.ones.xlane vm13  }
0xb5: {  	v55, _, _ =	vpop (xrf0)  }
0xb6: {  	(v2sf) =	vpush v54, $0x0;
	v12 =	vadd.s32 v55, v12;
	_ =	sdelay $0x3  }
0xb7: {  	s3 =	sadd.s32 $0x10, s25  }
0xb8: {  	[tilespmem:v12+s19+$0x0] =	vst.idx.msk vm13, v11;
	v11 =	vor.u32 s3, v5  }
0xb9: {  	[tilespmem:v12+s20+$0x0] =	vst.idx.msk vm13, v11  }
0xba: {  	v11 =	vld [tilespmem:s28+$0x0];
	_ =	sdelay $0x4  }
0xbb: {  	vm14 =	vle.f32 v11, v10  }
0xbc: {  	v56 =	vsel vm14, $0x1, v4  }
0xbd: {  	(xrf0) =	vadd.scan.msk.s32 $0xffff, v56  }
0xbe: {  	s31 =	spop (v2sf)  }
0xbf: {  	s0 =	sadd.s32 s0, s31  }
0xc0: {  	v57 =	vmov s0  }
0xc1: {  	v12 =	vadd.s32 $0xFFFFFFFF, v57  }
0xc2: {  	v12 =	vbroadcast v12, $0x0  }
0xc3: {  	v58, _, _ =	vpop (xrf0)  }
0xc4: {  	v12 =	vadd.s32 v58, v12;
	_ =	sdelay $0x1  }
0xc5: {  	v59 =	vmpcnt.ones.xlane vm14;
	_ =	sdelay $0x1  }
0xc6: {  	s30 =	sadd.s32 $0x20, s25;
	(v2sf) =	vpush v59, $0x0  }
0xc7: {  	[tilespmem:v12+s19+$0x0] =	vst.idx.msk vm14, v11;
	v11 =	vor.u32 s30, v5  }
0xc8: {  	[tilespmem:v12+s20+$0x0] =	vst.idx.msk vm14, v11  }
0xc9: {  	v11 =	vld [tilespmem:s28+$0x10];
	_ =	sdelay $0x4  }
0xca: {  	vm15 =	vle.f32 v11, v10  }
0xcb: {  	v60 =	vmpcnt.ones.xlane vm15;
	_ =	sdelay $0x1  }
0xcc: {  	(v2sf) =	vpush v60, $0x0;
	_ =	sdelay $0x1  }
0xcd: {  	v61 =	vsel vm15, $0x1, v4  }
0xce: {  	(xrf0) =	vadd.scan.msk.s32 $0xffff, v61  }
0xcf: {  	s31 =	spop (v2sf)  }
0xd0: {  	s0 =	sadd.s32 s0, s31  }
0xd1: {  	v62 =	vmov s0  }
0xd2: {  	v12 =	vadd.s32 $0xFFFFFFFF, v62  }
0xd3: {  	v12 =	vbroadcast v12, $0x0  }
0xd4: {  	v63, _, _ =	vpop (xrf0)  }
0xd5: {  	s26 =	sadd.s32 $0x4, s26;
	v12 =	vadd.s32 v63, v12  }
0xd6: {  	p0 =	slt.u32 s26, $0x9C  }
.Ltmp5:
0xd7: {  	_ = 	snop;
	(pc) =	sbr.rel @p0 .LBB2_5-.Ltmp5, $4  }
0xd8: {  	_ = 	snop  }
0xd9: {  	s30 =	sadd.s32 $0x30, s25  }
0xda: {  	[tilespmem:v12+s19+$0x0] =	vst.idx.msk vm15, v11;
	v11 =	vor.u32 s30, v5;
	s31 =	spop (v2sf)  }
0xdb: {  	s25 =	sadd.s32 $0x40, s25;
	s28 =	sadd.s32 $0x40, s28;
	[tilespmem:v12+s20+$0x0] =	vst.idx.msk vm15, v11;
	s29 =	sadd.s32 s0, s31  }
0xdc: {  	s0 =	sand.u32 $0xF, s29  }
0xdd: {  	s3 =	sshra.s32 s29, $0x1F;
	p0 =	slt.s32 s29, $0x1;
	p1 =	sne.s32 s0, $0x0  }
.Ltmp6:
0xde: {  	s31 =	sshrl.u32 s3, $0x1C;
	p0 =	por !p0, !p1;
	(pc) =	sbr.rel .LBB2_7-.Ltmp6, $4  }
0xdf: {  	s3 =	simm.s32 $0x1;
	s0 =	sadd.s32 s31, s29;
	p0 =	por !p0, !p0  }
0xe0: {  	s0 =	sshra.s32 s0, $0x4;
	s3 =	simm.s32 @!p0 $0x0  }
0xe1: {  	[tilespmem:s29+$0x2980] =	vst v6;
	s25 =	sshll.u32 s24, $0x5;
	s28 =	simm.s32 $0x0;
	s0 =	ssub.s32 s0, s3  }
0xe2: {  	[tilespmem:s29+$0x3400] =	vst v4;
	s29 =	simm.s32 $0x0;
	s26 =	sadd.s32 $0x1, s0;
	p0 =	slt.s32 s0, $0x0  }
.LBB2_8:
0xe3: {  	v12 =	vimm.s32 $0x7FFFFFFF  }
.LBB2_16:
0xe4: {  	v13 =	vperm.xlane v10, v0;
	_ =	sdelay $0x1  }
0xe5: {  	v13 =	vmin.f32 v10, v13  }
0xe6: {  	v14 =	vperm.xlane v13, v7;
	_ =	sdelay $0x1  }
0xe7: {  	v13 =	vmin.f32 v13, v14  }
0xe8: {  	v14 =	vperm.xlane v13, v8;
	_ =	sdelay $0x1  }
0xe9: {  	v13 =	vmin.f32 v13, v14  }
0xea: {  	v14 =	vperm.xlane v13, v9;
	_ =	sdelay $0x1  }
0xeb: {  	v13 =	vmin.f32 v13, v14  }
0xec: {  	v13 =	vbroadcast v13, $0x0;
	_ =	sdelay $0x1  }
0xed: {  	vm0 =	veq.f32 v10, v13  }
0xee: {  	v10 =	vnsel vm0, $0x7FFFFFFF, v11  }
0xef: {  	v62 =	vperm.xlane v10, v0;
	_ =	sdelay $0x1  }
0xf0: {  	vm1 =	vlt.s32 v10, v62  }
0xf1: {  	v10 =	vsel vm1, v10, v62  }
0xf2: {  	v13 =	vperm.xlane v10, v7;
	_ =	sdelay $0x1  }
0xf3: {  	vm1 =	vlt.s32 v10, v13  }
0xf4: {  	v10 =	vsel vm1, v10, v13  }
0xf5: {  	v13 =	vperm.xlane v10, v8;
	_ =	sdelay $0x1  }
0xf6: {  	vm1 =	vlt.s32 v10, v13  }
0xf7: {  	v10 =	vsel vm1, v10, v13  }
0xf8: {  	v13 =	vperm.xlane v10, v9;
	_ =	sdelay $0x1  }
0xf9: {  	vm1 =	vlt.s32 v10, v13  }
0xfa: {  	v10 =	vsel vm1, v10, v13  }
0xfb: {  	v10 =	vbroadcast v10, $0x0;
	_ =	sdelay $0x1  }
0xfc: {  	vm15 =	veq.s32 v11, v10  }
0xfd: {  	vm0 =	vmand vm0, vm15  }
0xfe: {  	v11 =	vnsel vm0, $0x7FFFFFFF, v12  }
0xff: {  	v12 =	vperm.xlane v11, v0;
	_ =	sdelay $0x1  }
0x100: {  	vm0 =	vlt.s32 v11, v12  }
0x101: {  	v11 =	vsel vm0, v11, v12  }
0x102: {  	v12 =	vperm.xlane v11, v7;
	_ =	sdelay $0x1  }
0x103: {  	vm0 =	vlt.s32 v11, v12  }
0x104: {  	v11 =	vsel vm0, v11, v12  }
0x105: {  	v12 =	vperm.xlane v11, v8;
	_ =	sdelay $0x1  }
0x106: {  	vm0 =	vlt.s32 v11, v12  }
0x107: {  	v11 =	vsel vm0, v11, v12  }
0x108: {  	v12 =	vperm.xlane v11, v9;
	_ =	sdelay $0x1  }
0x109: {  	vm0 =	vlt.s32 v11, v12  }
0x10a: {  	s0 =	sadd.s32 s25, s29;
	v11 =	vsel vm0, v11, v12  }
0x10b: {  	s29 =	sadd.s32 $0x1, s29;
	v63 =	vmov s0;
	v11 =	vbroadcast v11, $0x0  }
0x10c: {  	p1 =	sne.s32 s29, $0x20  }
.Ltmp7:
0x10d: {  	_ = 	snop;
	(pc) =	sbr.rel @!p1 .LBB2_17-.Ltmp7, $3  }
0x10e: {  	_ =	sdelay $0x1  }
0x10f: {  	[tilespmem:v63+s21+$0x0] =	vst.idx.msk $0x1, v10  }
0x110: {  	[tilespmem:v11+s19+$0x0] =	vst.idx.msk $0x1, v6  }
.LBB2_7:
.Ltmp8:
0x111: {  	(pc) =	sbr.rel @p0 .LBB2_8-.Ltmp8, $2  }
0x112: {  	_ =	sdelay $0x2  }
0x113: {  	v11 =	vimm.s32 $0x7FFFFFFF;
	v10 =	vimm.f32 $+Inf  }
0x114: {  	p2 =	sne.s32 s26, $0x1  }
.Ltmp9:
0x115: {  	_ = 	snop;
	(pc) =	sbr.rel @!p2 .LBB2_10-.Ltmp9, $4  }
0x116: {  	_ = 	snop  }
0x117: {  	s0 =	simm.s32 $0x2980  }
0x118: {  	s3 =	simm.s32 $0x3400;
	v13 =	vld [tilespmem:s0+$0x0]  }
0x119: {  	p1 =	por $0x0, $0x0;
	v14 =	vld [tilespmem:s3+$0x0];
	s0 =	sadd.s32 $0xFFFFFFFF, s26;
	s3 =	simm.s32 $0x2990  }
0x11a: {  	_ =	sdelay $0x1  }
0x11b: {  	v16 =	vld [tilespmem:s3+$0x0];
	s31 =	simm.s32 $0x3410;
	p2 =	sne.s32 s0, $0x1  }
.Ltmp10:
0x11c: {  	v17 =	vld [tilespmem:s31+$0x0];
	(pc) =	sbr.rel @!p2 .LBB2_12-.Ltmp10, $4  }
0x11d: {  	vm0 =	veq.f32 v13, v10;
	vm1 =	vlt.s32 v14, v11  }
0x11e: {  	vm2 =	vlt.f32 v13, v10;
	vm0 =	vmand vm0, vm1  }
0x11f: {  	s0 =	sadd.s32 $0xFFFFFFFF, s0;
	v12 =	vor.u32 s28, v5;
	vm0 =	vmor vm2, vm0  }
0x120: {  	s3 =	simm.s32 $0x29A0;
	p1 =	por $0x1, $0x1;
	s30 =	simm.s32 $0x0;
	v10 =	vsel vm0, v13, v10;
	v15 =	vsel vm0, v14, v11;
	v12 =	vsel vm0, v12, v11  }
.LBB2_13:
0x121: {  	v11 =	vld [tilespmem:s3+$0x0];
	vm0 =	veq.f32 v16, v10;
	vm1 =	vlt.s32 v17, v15;
	s31 =	sadd.s32 $0x10, s31;
	v13 =	vmov v17;
	p2 =	sne.s32 s0, $0x1  }
.Ltmp11:
0x122: {  	s0 =	sadd.s32 $0xFFFFFFFF, s0;
	vm2 =	vlt.f32 v16, v10;
	s30 =	sadd.s32 $0x10, s30;
	v17 =	vld [tilespmem:s31+$0x0];
	vm0 =	vmand vm0, vm1;
	(pc) =	sbr.rel @p2 .LBB2_13-.Ltmp11, $3  }
0x123: {  	v14 =	vor.u32 s30, v5;
	vm0 =	vmor vm2, vm0  }
0x124: {  	v10 =	vsel vm0, v16, v10;
	v15 =	vsel vm0, v13, v15;
	v12 =	vsel vm0, v14, v12;
	_ =	sdelay $0x1  }
0x125: {  	s3 =	sadd.s32 $0x10, s3;
	v16 =	vmov v11  }
0x126: {  	v13 =	vmov v16;
	v14 =	vmov v17;
	v11 =	vmov v15  }
.LBB2_15:
.Ltmp12:
0x127: {  	(pc) =	sbr.rel .LBB2_16-.Ltmp12, $4  }
0x128: {  	vm0 =	veq.f32 v13, v10;
	vm1 =	vlt.s32 v14, v11;
	s0 =	sadd.s32 @p1 $0x10, s30;
	s3 =	simm.s32 $0x0  }
0x129: {  	vm2 =	vlt.f32 v13, v10;
	vm0 =	vmand vm0, vm1;
	s3 =	smov.u32 @p1 s0  }
0x12a: {  	v15 =	vor.u32 s3, v5;
	vm0 =	vmor vm2, vm0  }
0x12b: {  	v10 =	vsel vm0, v13, v10;
	v11 =	vsel vm0, v14, v11;
	v12 =	vsel vm0, v15, v12  }
.LBB2_10:
.Ltmp13:
0x12c: {  	(pc) =	sbr.rel .LBB2_15-.Ltmp13, $2  }
0x12d: {  	_ =	sdelay $0x2  }
0x12e: {  	s30 =	simm.s32 $0x0;
	v12 =	vimm.s32 $0x7FFFFFFF  }
.LBB2_12:
.Ltmp14:
0x12f: {  	(pc) =	sbr.rel .LBB2_15-.Ltmp14, $2  }
0x130: {  	_ =	sdelay $0x2  }
0x131: {  	v13 =	vmov v16;
	v14 =	vmov v17;
	v11 =	vmov v15;
	s30 =	simm.s32 $0x0  }
.LBB2_19:
0x132: {  	_ =	sfence.sel $0x180000  }
0x133: {  	[bflag:$0x0] =	sbarrier.arrive $0xFFFF  }
0x134: {  	_ =	strace $0x9000004D  }
0x135: {  	s0 =	stileid.u32;
	[bflag:$0x2] =	sbarrier.arrive $0xFFFF  }
0x136: {  	p0 =	sne.s32 s0, $0x0;
	s0 =	rddreg [dreg:$0x2]  }
0x137: {  	s0 =	sadd.s32 @!p0 $0x100000, s0  }
0x138: {  	[sflag:s0] =	ssyncadd.tile.s32 @!p0 $0x1;
	_ =	shalt  }
.Lfunc_end2:
_tile_overlayer_lowered:
.L_overlay_start_2:
0x139: {  	(tag) =	ssettag $0x2  }
0x13a: {  	s0 =	rddreg [dreg:$0x0];
	s2 =	stileid.u32  }
0x13b: {  	s1 =	rddreg [dreg:$0x1];
	p0 =	sne.s32 s2, $0x0  }
0x13c: {  	s3 =	rddreg [dreg:$0x2];
	[bflag:$0x3] =	sbarrier.arrive $0xFFFF;
	s2 =	simm.s32 @!p0 $0x1C01  }
0x13d: {  	[timem:s3], [sflag:s2] =	dma.local @!p0 [hbm:s0], s1  }
0x13e: {  	s0 =	simm.s32 @!p0 $0x1  }
0x13f: {  	_ =	swait.ge @!p0 [sflag:s0], s1  }
0x140: {  	s1 =	ssub.s32 @!p0 $0x0, s1;
	[sflag:s0] =	ssyncset.done @!p0 $0x0  }
0x141: {  	[sflag:s0] =	ssyncadd.s32 @!p0 s1  }
0x142: {  	[bflag:$0x3] =	sbarrier.arrive $0xFFFF  }
0x143: {  	_ =	shalt  }

// kernel: kernel.19.cloned.1.call-start
scs
__scs_entry_jumppad:
0x0: {  	(pc) =	sbr.rel $0x88, $3  }
0x1: {  	(tag) =	ssettag $0x0;
	lr =	simm.s32 $0x1  }
0x2: {  	[smem:$0x3F8F] =	sst lr;
	_ =	strace $0xD0000000  }
0x3: {  	_ = 	snop  }
0x4: {  	_ = 	snop  }
0x5: {  	_ = 	snop  }
0x6: {  	_ = 	snop  }
0x7: {  	_ = 	snop  }
__scs_overlays_trampoline_lowered:
0x8: {  	[smem:$0x3F9E] =	sst s0  }
0x9: {  	[smem:$0x3F9F] =	sst s1  }
0xa: {  	[smem:$0x3FA0] =	sst s2  }
0xb: {  	[smem:$0x3FA1] =	sst s3  }
0xc: {  	[smem:$0x3FA2] =	sst s4  }
0xd: {  	[smem:$0x3FA3] =	sst s5  }
0xe: {  	[smem:$0x3FA4] =	sst s6  }
0xf: {  	[smem:$0x3FA5] =	sst s7  }
0x10: {  	[smem:$0x3FA6] =	sst s8  }
0x11: {  	[smem:$0x3FA7] =	sst s9;
	s0 =	simm.s32 @!p0 $0x0  }
0x12: {  	s1 =	sld [smem:$0x3F8D];
	s0 =	simm.s32 @p0 $0x1  }
0x13: {  	[smem:$0x3FA8] =	sst s0;
	s0 =	simm.s32 @!p1 $0x0  }
0x14: {  	s2 =	sld [smem:$0x3F8C];
	s0 =	simm.s32 @p1 $0x1  }
0x15: {  	[smem:$0x3FA9] =	sst s0;
	s0 =	simm.s32 @!p2 $0x0  }
0x16: {  	s3 =	sld [smem:$0x3FDB];
	s0 =	simm.s32 @p2 $0x1  }
0x17: {  	s4 =	simm.s32 $0x1BF5;
	[smem:$0x3FAB] =	sst s0  }
0x18: {  	s0 =	sld [smem:$0x3F8E];
	_ =	swait.ge [sflag:s4], $0x0  }
0x19: {  	s7 =	sld [smem:$0x3F8F]  }
0x1a: {  	s8 =	sadd.s32 $0xFFFFE003, lr  }
0x1b: {  	s9 =	sadd.s32 $0xFFFFFEF7, lr;
	s5 =	simm.s32 $0xFFFFFFFF;
	p2 =	slt.u32 s8, $0xFFFFF086  }
0x1c: {  	p1 =	slt.u32 s9, $0xF7A;
	s5 =	simm.s32 @!p2 $0x0  }
0x1d: {  	s5 =	simm.s32 @p1 $0x1;
	p0 =	seq.s32 s7, s2  }
0x1e: {  	s7 =	smul.u32 @!p0 $0xF7A, s2;
	p2 =	seq.s32 @!p0 s5, $0x0  }
0x1f: {  	s9 =	smul.u32 $0xF7A, s1;
	s8 =	simm.s32 @!p0 $0x1BF5;
	p2 =	por !p2, p0  }
0x20: {  	[sflag:s8] =	ssyncset.s32 @!p0 $0xFFFFF086;
	s6 =	sadd.s32 @!p0 s3, s7;
	s7 =	simm.s32 @!p0 $0x108  }
0x21: {  	s3 =	sadd.s32 s3, s9;
	s6 =	sadd.s32 @!p0 $0x88, s6;
	s7 =	simm.s32 @p2 $0x1082  }
0x22: {  	[simem:s7], [sflag:s8] =	dma.local @!p0 [hbm:s6], $0xF7A  }
0x23: {  	s9 =	sor.u32 $0xD0000000, s2;
	s6 =	simm.s32 $0x108;
	_ =	swait.ge @!p0 [sflag:s8], $0x0  }
0x24: {  	s3 =	sadd.s32 $0x88, s3;
	s6 =	simm.s32 @!p1 $0x1082;
	[sflag:s4] =	ssyncset.s32 $0xFFFFF086  }
0x25: {  	[simem:s6], [sflag:s4] =	dma.local [hbm:s3], $0xF7A  }
0x26: {  	[smem:$0x3F8F] =	sst s1;
	(tag) =	ssettag s2;
	_ =	strace s9  }
0x27: {  	s1 =	sld [smem:$0x3F9F]  }
0x28: {  	s2 =	sld [smem:$0x3FA0]  }
0x29: {  	s4 =	sld [smem:$0x3FA2]  }
0x2a: {  	p0 =	seq.s32 s5, $0x0;
	s5 =	sld [smem:$0x3FA3]  }
0x2b: {  	s6 =	sld [smem:$0x3FA4]  }
0x2c: {  	s7 =	sld [smem:$0x3FA5]  }
0x2d: {  	s3 =	simm.s32 $0x108;
	s8 =	sld [smem:$0x3FA6]  }
0x2e: {  	s3 =	simm.s32 @!p0 $0x1082;
	s9 =	sld [smem:$0x3FA7]  }
0x2f: {  	lr =	sadd.s32 s0, s3;
	s0 =	sld [smem:$0x3F9E]  }
0x30: {  	s3 =	sld [smem:$0x3FA1]  }
0x31: {  	[smem:$0x3FAA] =	sst s10  }
0x32: {  	s10 =	sld [smem:$0x3FA8];
	_ =	sdelay $0x3  }
0x33: {  	p0 =	seq.s32 s10, $0x1;
	s10 =	sld [smem:$0x3FAA];
	_ =	sdelay $0x3  }
0x34: {  	[smem:$0x3FAA] =	sst s10  }
0x35: {  	s10 =	sld [smem:$0x3FA9];
	_ =	sdelay $0x3  }
0x36: {  	p1 =	seq.s32 s10, $0x1;
	s10 =	sld [smem:$0x3FAA];
	_ =	sdelay $0x3  }
0x37: {  	[smem:$0x3FAA] =	sst s10  }
0x38: {  	s10 =	sld [smem:$0x3FAB]  }
0x39: {  	_ = 	snop;
	(pc) =	sbr.ind lr, $3  }
0x3a: {  	_ = 	snop  }
0x3b: {  	_ = 	snop  }
0x3c: {  	p2 =	seq.s32 s10, $0x1;
	s10 =	sld [smem:$0x3FAA]  }
0x3d: {  	_ =	shalt  }
0x3e: {  	_ =	shalt  }
0x3f: {  	_ =	shalt  }
0x40: {  	_ =	shalt  }
0x41: {  	_ =	shalt  }
0x42: {  	_ =	shalt  }
0x43: {  	_ =	shalt  }
0x44: {  	_ =	shalt  }
0x45: {  	_ =	shalt  }
0x46: {  	_ =	shalt  }
0x47: {  	_ =	shalt  }
0x48: {  	_ =	shalt  }
0x49: {  	_ =	shalt  }
0x4a: {  	_ =	shalt  }
0x4b: {  	_ =	shalt  }
0x4c: {  	_ =	shalt  }
0x4d: {  	_ =	shalt  }
0x4e: {  	_ =	shalt  }
0x4f: {  	_ =	shalt  }
0x50: {  	_ =	shalt  }
0x51: {  	_ =	shalt  }
0x52: {  	_ =	shalt  }
0x53: {  	_ =	shalt  }
0x54: {  	_ =	shalt  }
0x55: {  	_ =	shalt  }
0x56: {  	_ =	shalt  }
0x57: {  	_ =	shalt  }
0x58: {  	_ =	shalt  }
0x59: {  	_ =	shalt  }
0x5a: {  	_ =	shalt  }
0x5b: {  	_ =	shalt  }
0x5c: {  	_ =	shalt  }
0x5d: {  	_ =	shalt  }
0x5e: {  	_ =	shalt  }
0x5f: {  	_ =	shalt  }
0x60: {  	_ =	shalt  }
0x61: {  	_ =	shalt  }
0x62: {  	_ =	shalt  }
0x63: {  	_ =	shalt  }
0x64: {  	_ =	shalt  }
0x65: {  	_ =	shalt  }
0x66: {  	_ =	shalt  }
0x67: {  	_ =	shalt  }
0x68: {  	_ =	shalt  }
0x69: {  	_ =	shalt  }
0x6a: {  	_ =	shalt  }
0x6b: {  	_ =	shalt  }
0x6c: {  	_ =	shalt  }
0x6d: {  	_ =	shalt  }
0x6e: {  	_ =	shalt  }
0x6f: {  	_ =	shalt  }
0x70: {  	_ =	shalt  }
0x71: {  	_ =	shalt  }
0x72: {  	_ =	shalt  }
0x73: {  	_ =	shalt  }
0x74: {  	_ =	shalt  }
0x75: {  	_ =	shalt  }
0x76: {  	_ =	shalt  }
0x77: {  	_ =	shalt  }
0x78: {  	_ =	shalt  }
0x79: {  	_ =	shalt  }
0x7a: {  	_ =	shalt  }
0x7b: {  	_ =	shalt  }
0x7c: {  	_ =	shalt  }
0x7d: {  	_ =	shalt  }
0x7e: {  	_ =	shalt  }
0x7f: {  	_ =	shalt  }
0x80: {  	_ =	shalt  }
0x81: {  	_ =	shalt  }
0x82: {  	_ =	shalt  }
0x83: {  	_ =	shalt  }
0x84: {  	_ =	shalt  }
0x85: {  	_ =	shalt  }
0x86: {  	_ =	shalt  }
0x87: {  	_ =	shalt  }
.Lfunc_end0:
.L_simem_size_0:
called_computation.2_lowered:
.L_overlay_start_0:
0x88: {  	s2 =	sld [smem:$0x3FD9]  }
0x89: {  	s3 =	sld [smem:$0x3FFE];
	_ =	sdelay $0x1  }
0x8a: {  	s1 =	srdreg.scid  }
0x8b: {  	s0 =	sand.u32 $0x1, s1  }
0x8c: {  	s16 =	sshll.u32 s0, $0xA;
	s2 =	sadd.s32 s3, s2  }
0x8d: {  	s2 =	sadd.s32 s2, s16  }
0x8e: {  	[smem:$0x3FB6] =	sst s2  }
0x8f: {  	_ = 	snop  }
0x90: {  	(tm) =	ssettm $0x1  }
0x91: {  	s17 =	sld [smem:$0x3FFB];
	_ =	sdelay $0x3  }
0x92: {  	_ =	strace s17  }
0x93: {  	s2 =	sld [smem:$0x3FFC];
	_ =	sdelay $0x3  }
0x94: {  	_ =	strace s2  }
0x95: {  	s2 =	sld [smem:$0x3FFD];
	_ =	sdelay $0x3  }
0x96: {  	_ =	strace s2  }
0x97: {  	_ =	strace $0x8FFFFFFF  }
0x98: {  	s18 =	sld [smem:$0x3FDB];
	_ =	sdelay $0x1  }
0x99: {  	s19 =	simm.s32 $_scs_section_size  }
0x9a: {  	s4 =	simm.s32 $_size__tile_overlayer_lowered;
	s5 =	simm.s32 $_tile_overlayer_lowered  }
0x9b: {  	s22 =	simm.s32 $0x1BFF;
	s21 =	sshll.u32 s5, $0x1;
	s2 =	sadd.s32 s19, s18  }
0x9c: {  	s6 =	simm.s32 $0x0;
	s20 =	sshll.u32 s4, $0x1;
	s4 =	sadd.s32 s21, s2  }
0x9d: {  	[timem:s6], [sflag:s22] =	dma.local [hbm:s4], s20  }
0x9e: {  	_ =	swait.ge [sflag:s22], s20  }
0x9f: {  	s3 =	ssub.s32 $0x0, s20;
	[sflag:s22] =	ssyncset.done $0x0  }
0xa0: {  	[sflag:s22] =	ssyncadd.s32 s3;
	_ =	sdelay $0x1  }
0xa1: {  	s23 =	simm.s32 $0x1B8B  }
0xa2: {  	_ =	swait.ge [sflag:s23], $0x1  }
0xa3: {  	[sflag:s23] =	ssyncset.done $0x0  }
0xa4: {  	s25 =	simm.s32 $0x1B8E;
	s24 =	sld [smem:$0x3FFE];
	[sflag:s23] =	ssyncadd.s32 $0xFFFFFFFF  }
0xa5: {  	s26 =	simm.s32 $execute0_lowered;
	[smem:$0x3FD2] =	sst s25  }
0xa6: {  	s4 =	sshll.u32 s26, $0x1;
	_ =	strace $0x80000049;
	[dreg:$0x1] =	wrdreg $0xFFFFFFFF  }
0xa7: {  	s28 =	simm.s32 $_size_execute0_lowered;
	s2 =	sadd.s32 s2, s4;
	[dreg:$0x0] =	wrdreg $0x0  }
0xa8: {  	s4 =	sshll.u32 s28, $0x1;
	[dreg:$0x2] =	wrdreg s2  }
0xa9: {  	[dreg:$0x3] =	wrdreg s4  }
0xaa: {  	[dreg:$0x4] =	wrdreg $0xC0  }
0xab: {  	_ =	task [dreg:s6], $0x5FFFF  }
0xac: {  	[dreg:$0x1] =	wrdreg $0xFFFFFFFF  }
0xad: {  	[dreg:$0x0] =	wrdreg $0x60  }
0xae: {  	[dreg:$0x2] =	wrdreg s24  }
0xaf: {  	[dreg:$0x3] =	wrdreg $0xA  }
0xb0: {  	_ =	task.clear_ibuf [dreg:s6], $0x4FFFF;
	_ =	strace $0x90000049  }
0xb1: {  	s29 =	simm.s32 $0xA;
	_ =	strace $0x8000004B  }
0xb2: {  	_ =	swait.ge [sflag:s29], $0x1  }
0xb3: {  	[sflag:s29] =	ssyncadd.s32 $0xFFFFFFFF  }
0xb4: {  	_ =	strace $0x9000004B  }
0xb5: {  	_ =	sfence  }
0xb6: {  	s30 =	sld [smem:$0x0];
	_ =	sdelay $0x2  }
0xb7: {  	s31 =	sshll.u32 s1, $0xD;
	s1 =	sshrl.u32 s1, $0x2  }
0xb8: {  	s3 =	sand.u32 $0x4000, s31;
	s1 =	sadd.s32 s1, s30  }
0xb9: {  	s0 =	sor.u32 s3, s0;
	s1 =	sshll.u32 s1, $0x11  }
0xba: {  	s0 =	sor.u32 s1, s0  }
0xbb: {  	s0 =	sadd.s32 $0x8F2B, s0  }
0xbc: {  	[sflag:s0] =	ssyncadd.remote.s32 $0x1  }
0xbd: {  	_ =	sfence.sel $0xFFFF  }
0xbe: {  	[dreg:$0x0] =	wrdreg $0xFFFFFFFF;
	(pc) =	sbr.abs _section_cstart, $3  }
0xbf: {  	[dreg:$0x1] =	wrdreg $0xFFFFFFFF  }
0xc0: {  	_ =	task.clear_ibuf [dreg:s6], $0x2FFFF;
	_ =	strace $0x9FFFFFFF  }
0xc1: {  	(tm) =	ssettm $0x7FFFFFFF  }
tec
execute0_lowered:
.L_overlay_start_1:
0x0: {  	(tag) =	ssettag $0x1  }
0x1: {  	s4 =	rddreg [dreg:$0x0]  }
0x2: {  	s0 =	rddreg [dreg:$0x1];
	s2 =	simm.s32 $0x0;
	s1 =	stileid.u32  }
0x3: {  	s3 =	srdreg.scid;
	s10 =	simm.s32 $0x0;
	s6 =	smul.u32 $0x1400, s1  }
0x4: {  	[smem:$0x7FF] =	sst s2;
	s5 =	sand.u32 $0x1, s3;
	s8 =	smul.u32 $0x14000, s1  }
0x5: {  	s3 =	sadd.s32 $0x5E00, s4;
	s7 =	smul.u32 $0xA00, s5;
	s9 =	ssub.s32 $0x2, s5  }
0x6: {  	_ =	strace $0x8000004A;
	s5 =	smul.u32 $0xA000, s5;
	s31 =	sshrl.u32 s9, $0x1  }
0x7: {  	s8 =	sadd.s32 s8, s4;
	s6 =	sadd.s32 s7, s6;
	s7 =	ssub.s32 s9, s31  }
0x8: {  	s5 =	sadd.s32 s5, s8;
	s8 =	simm.s32 $0x80;
	s6 =	sshrl.u32 s6, $0x3  }
0x9: {  	s9 =	simm.s32 $0x1;
	s5 =	sadd.s32 $0x2DE00, s5;
	s6 =	sadd.s32 s6, s4  }
0xa: {  	s4 =	smax.u32 s7, $0x1;
	s7 =	simm.s32 $0x2;
	s6 =	sadd.s32 $0x3600, s6  }
.LBB2_1:
0xb: {  	s11 =	sadd.s32 $0x0, s6  }
0xc: {  	[tilespmem:s2], [sflag:$0x2] =	stream.linear.gather [hbm4b:s11+s2], $0x80, $0x38;
	[tilespmem:$0x4080] =	vst v63  }
0xd: {  	_ =	swait.ge [sflag:s7], $0x80  }
0xe: {  	[sflag:s7] =	ssyncset.done $0x0  }
0xf: {  	[sflag:s7] =	ssyncadd.s32 $0xFFFFFF80  }
0x10: {  	[tilespmem:s8], [sflag:$0x1] =	stream.indirect.gather [hbm4b:s3+s8], $0x80, s2, s8, $0xb8;
	[tilespmem:$0x4080] =	vst v63  }
0x11: {  	_ =	swait.ge [sflag:s9], $0x4000  }
0x12: {  	[sflag:s9] =	ssyncset.done $0x0  }
0x13: {  	[sflag:s9] =	ssyncadd.s32 $0xFFFFC000  }
0x14: {  	[hbm4b:s5+s2] =	stream.linear.scatter [tilespmem:s8], [sflag:$0x2], $0x4000, $0x38;
	[tilespmem:$0x4080] =	vst v63  }
0x15: {  	s12 =	simm.s32 $0x10;
	_ =	swait.ge [sflag:s7], $0x4000  }
0x16: {  	s13 =	simm.s32 $0x20;
	s11 =	sadd.s32 $0x800, s5;
	[sflag:s7] =	ssyncset.done $0x0  }
.LBB2_2:
0x17: {  	s14 =	sadd.s32 s12, s6  }
0x18: {  	[sflag:s7] =	ssyncadd.s32 $0xFFFFC000;
	s12 =	smov.u32 s13;
	s15 =	sadd.s32 $0x10, s13  }
0x19: {  	[tilespmem:s2], [sflag:$0x2] =	stream.linear.gather [hbm4b:s14+s2], $0x80, $0x38;
	[tilespmem:$0x4080] =	vst v63  }
0x1a: {  	p0 =	sne.s32 s13, $0x130;
	_ =	swait.ge [sflag:s7], $0x80  }
0x1b: {  	[sflag:s7] =	ssyncset.done $0x0  }
0x1c: {  	[sflag:s7] =	ssyncadd.s32 $0xFFFFFF80  }
0x1d: {  	[tilespmem:s8], [sflag:$0x1] =	stream.indirect.gather [hbm4b:s3+s8], $0x80, s2, s8, $0xb8;
	[tilespmem:$0x4080] =	vst v63  }
0x1e: {  	_ =	swait.ge [sflag:s9], $0x4000  }
.Ltmp0:
0x1f: {  	[sflag:s9] =	ssyncset.done $0x0;
	(pc) =	sbr.rel @p0 .LBB2_2-.Ltmp0, $4  }
0x20: {  	[sflag:s9] =	ssyncadd.s32 $0xFFFFC000  }
0x21: {  	[hbm4b:s11+s2] =	stream.linear.scatter [tilespmem:s8], [sflag:$0x2], $0x4000, $0x38;
	[tilespmem:$0x4080] =	vst v63  }
0x22: {  	_ =	swait.ge [sflag:s7], $0x4000  }
0x23: {  	s13 =	smov.u32 s15;
	s11 =	sadd.s32 $0x800, s11;
	[sflag:s7] =	ssyncset.done $0x0  }
0x24: {  	s12 =	sadd.s32 s12, s6;
	[sflag:s7] =	ssyncadd.s32 $0xFFFFC000  }
0x25: {  	[tilespmem:s2], [sflag:$0x2] =	stream.linear.gather [hbm4b:s12+s2], $0x80, $0x38;
	[tilespmem:$0x4080] =	vst v63  }
0x26: {  	_ =	swait.ge [sflag:s7], $0x80  }
0x27: {  	[sflag:s7] =	ssyncset.done $0x0  }
0x28: {  	[sflag:s7] =	ssyncadd.s32 $0xFFFFFF80  }
0x29: {  	[tilespmem:s8], [sflag:$0x1] =	stream.indirect.gather [hbm4b:s3+s8], $0x80, s2, s8, $0xb8;
	[tilespmem:$0x4080] =	vst v63  }
0x2a: {  	s10 =	sadd.s32 $0x1, s10;
	_ =	swait.ge [sflag:s9], $0x4000  }
0x2b: {  	p0 =	sne.s32 s10, s4;
	[sflag:s9] =	ssyncset.done $0x0  }
.Ltmp1:
0x2c: {  	[sflag:s9] =	ssyncadd.s32 $0xFFFFC000;
	(pc) =	sbr.rel @p0 .LBB2_1-.Ltmp1, $4  }
0x2d: {  	[hbm4b:s11+s2] =	stream.linear.scatter [tilespmem:s8], [sflag:$0x2], $0x4000, $0x38;
	[tilespmem:$0x4080] =	vst v63  }
0x2e: {  	_ =	swait.ge [sflag:s7], $0x4000  }
0x2f: {  	[sflag:s7] =	ssyncset.done $0x0  }
0x30: {  	[sflag:s7] =	ssyncadd.s32 $0xFFFFC000  }
0x31: {  	_ =	sfence.sel $0x180000  }
0x32: {  	[bflag:$0x0] =	sbarrier.arrive $0xFFFF  }
0x33: {  	p0 =	sne.s32 s1, $0x0;
	_ =	strace $0x9000004A  }
0x34: {  	s0 =	sadd.s32 @!p0 $0x100000, s0;
	[bflag:$0x2] =	sbarrier.arrive $0xFFFF  }
0x35: {  	[sflag:s0] =	ssyncadd.tile.s32 @!p0 $0x1;
	_ =	shalt  }
.Lfunc_end2:
_tile_overlayer_lowered:
.L_overlay_start_2:
0x36: {  	(tag) =	ssettag $0x2  }
0x37: {  	s0 =	rddreg [dreg:$0x0];
	s2 =	stileid.u32  }
0x38: {  	s1 =	rddreg [dreg:$0x1];
	p0 =	sne.s32 s2, $0x0  }
0x39: {  	s3 =	rddreg [dreg:$0x2];
	[bflag:$0x3] =	sbarrier.arrive $0xFFFF;
	s2 =	simm.s32 @!p0 $0x1C02  }
0x3a: {  	[timem:s3], [sflag:s2] =	dma.local @!p0 [hbm:s0], s1  }
0x3b: {  	s0 =	simm.s32 @!p0 $0x2  }
0x3c: {  	_ =	swait.ge @!p0 [sflag:s0], s1  }
0x3d: {  	s1 =	ssub.s32 @!p0 $0x0, s1;
	[sflag:s0] =	ssyncset.done @!p0 $0x0  }
0x3e: {  	[sflag:s0] =	ssyncadd.s32 @!p0 s1  }
0x3f: {  	[bflag:$0x3] =	sbarrier.arrive $0xFFFF  }
0x40: {  	_ =	shalt  }

// kernel: kernel.22.cloned.1.call-start
scs
__scs_entry_jumppad:
0x0: {  	(pc) =	sbr.rel $0x88, $3  }
0x1: {  	(tag) =	ssettag $0x0;
	lr =	simm.s32 $0x1  }
0x2: {  	[smem:$0x3F8F] =	sst lr;
	_ =	strace $0xD0000000  }
0x3: {  	_ = 	snop  }
0x4: {  	_ = 	snop  }
0x5: {  	_ = 	snop  }
0x6: {  	_ = 	snop  }
0x7: {  	_ = 	snop  }
__scs_overlays_trampoline_lowered:
0x8: {  	[smem:$0x3F9E] =	sst s0  }
0x9: {  	[smem:$0x3F9F] =	sst s1  }
0xa: {  	[smem:$0x3FA0] =	sst s2  }
0xb: {  	[smem:$0x3FA1] =	sst s3  }
0xc: {  	[smem:$0x3FA2] =	sst s4  }
0xd: {  	[smem:$0x3FA3] =	sst s5  }
0xe: {  	[smem:$0x3FA4] =	sst s6  }
0xf: {  	[smem:$0x3FA5] =	sst s7  }
0x10: {  	[smem:$0x3FA6] =	sst s8  }
0x11: {  	[smem:$0x3FA7] =	sst s9;
	s0 =	simm.s32 @!p0 $0x0  }
0x12: {  	s1 =	sld [smem:$0x3F8D];
	s0 =	simm.s32 @p0 $0x1  }
0x13: {  	[smem:$0x3FA8] =	sst s0;
	s0 =	simm.s32 @!p1 $0x0  }
0x14: {  	s2 =	sld [smem:$0x3F8C];
	s0 =	simm.s32 @p1 $0x1  }
0x15: {  	[smem:$0x3FA9] =	sst s0;
	s0 =	simm.s32 @!p2 $0x0  }
0x16: {  	s3 =	sld [smem:$0x3FDB];
	s0 =	simm.s32 @p2 $0x1  }
0x17: {  	s4 =	simm.s32 $0x1BF5;
	[smem:$0x3FAB] =	sst s0  }
0x18: {  	s0 =	sld [smem:$0x3F8E];
	_ =	swait.ge [sflag:s4], $0x0  }
0x19: {  	s7 =	sld [smem:$0x3F8F]  }
0x1a: {  	s8 =	sadd.s32 $0xFFFFE003, lr  }
0x1b: {  	s9 =	sadd.s32 $0xFFFFFEF7, lr;
	s5 =	simm.s32 $0xFFFFFFFF;
	p2 =	slt.u32 s8, $0xFFFFF086  }
0x1c: {  	p1 =	slt.u32 s9, $0xF7A;
	s5 =	simm.s32 @!p2 $0x0  }
0x1d: {  	s5 =	simm.s32 @p1 $0x1;
	p0 =	seq.s32 s7, s2  }
0x1e: {  	s7 =	smul.u32 @!p0 $0xF7A, s2;
	p2 =	seq.s32 @!p0 s5, $0x0  }
0x1f: {  	s9 =	smul.u32 $0xF7A, s1;
	s8 =	simm.s32 @!p0 $0x1BF5;
	p2 =	por !p2, p0  }
0x20: {  	[sflag:s8] =	ssyncset.s32 @!p0 $0xFFFFF086;
	s6 =	sadd.s32 @!p0 s3, s7;
	s7 =	simm.s32 @!p0 $0x108  }
0x21: {  	s3 =	sadd.s32 s3, s9;
	s6 =	sadd.s32 @!p0 $0x88, s6;
	s7 =	simm.s32 @p2 $0x1082  }
0x22: {  	[simem:s7], [sflag:s8] =	dma.local @!p0 [hbm:s6], $0xF7A  }
0x23: {  	s9 =	sor.u32 $0xD0000000, s2;
	s6 =	simm.s32 $0x108;
	_ =	swait.ge @!p0 [sflag:s8], $0x0  }
0x24: {  	s3 =	sadd.s32 $0x88, s3;
	s6 =	simm.s32 @!p1 $0x1082;
	[sflag:s4] =	ssyncset.s32 $0xFFFFF086  }
0x25: {  	[simem:s6], [sflag:s4] =	dma.local [hbm:s3], $0xF7A  }
0x26: {  	[smem:$0x3F8F] =	sst s1;
	(tag) =	ssettag s2;
	_ =	strace s9  }
0x27: {  	s1 =	sld [smem:$0x3F9F]  }
0x28: {  	s2 =	sld [smem:$0x3FA0]  }
0x29: {  	s4 =	sld [smem:$0x3FA2]  }
0x2a: {  	p0 =	seq.s32 s5, $0x0;
	s5 =	sld [smem:$0x3FA3]  }
0x2b: {  	s6 =	sld [smem:$0x3FA4]  }
0x2c: {  	s7 =	sld [smem:$0x3FA5]  }
0x2d: {  	s3 =	simm.s32 $0x108;
	s8 =	sld [smem:$0x3FA6]  }
0x2e: {  	s3 =	simm.s32 @!p0 $0x1082;
	s9 =	sld [smem:$0x3FA7]  }
0x2f: {  	lr =	sadd.s32 s0, s3;
	s0 =	sld [smem:$0x3F9E]  }
0x30: {  	s3 =	sld [smem:$0x3FA1]  }
0x31: {  	[smem:$0x3FAA] =	sst s10  }
0x32: {  	s10 =	sld [smem:$0x3FA8];
	_ =	sdelay $0x3  }
0x33: {  	p0 =	seq.s32 s10, $0x1;
	s10 =	sld [smem:$0x3FAA];
	_ =	sdelay $0x3  }
0x34: {  	[smem:$0x3FAA] =	sst s10  }
0x35: {  	s10 =	sld [smem:$0x3FA9];
	_ =	sdelay $0x3  }
0x36: {  	p1 =	seq.s32 s10, $0x1;
	s10 =	sld [smem:$0x3FAA];
	_ =	sdelay $0x3  }
0x37: {  	[smem:$0x3FAA] =	sst s10  }
0x38: {  	s10 =	sld [smem:$0x3FAB]  }
0x39: {  	_ = 	snop;
	(pc) =	sbr.ind lr, $3  }
0x3a: {  	_ = 	snop  }
0x3b: {  	_ = 	snop  }
0x3c: {  	p2 =	seq.s32 s10, $0x1;
	s10 =	sld [smem:$0x3FAA]  }
0x3d: {  	_ =	shalt  }
0x3e: {  	_ =	shalt  }
0x3f: {  	_ =	shalt  }
0x40: {  	_ =	shalt  }
0x41: {  	_ =	shalt  }
0x42: {  	_ =	shalt  }
0x43: {  	_ =	shalt  }
0x44: {  	_ =	shalt  }
0x45: {  	_ =	shalt  }
0x46: {  	_ =	shalt  }
0x47: {  	_ =	shalt  }
0x48: {  	_ =	shalt  }
0x49: {  	_ =	shalt  }
0x4a: {  	_ =	shalt  }
0x4b: {  	_ =	shalt  }
0x4c: {  	_ =	shalt  }
0x4d: {  	_ =	shalt  }
0x4e: {  	_ =	shalt  }
0x4f: {  	_ =	shalt  }
0x50: {  	_ =	shalt  }
0x51: {  	_ =	shalt  }
0x52: {  	_ =	shalt  }
0x53: {  	_ =	shalt  }
0x54: {  	_ =	shalt  }
0x55: {  	_ =	shalt  }
0x56: {  	_ =	shalt  }
0x57: {  	_ =	shalt  }
0x58: {  	_ =	shalt  }
0x59: {  	_ =	shalt  }
0x5a: {  	_ =	shalt  }
0x5b: {  	_ =	shalt  }
0x5c: {  	_ =	shalt  }
0x5d: {  	_ =	shalt  }
0x5e: {  	_ =	shalt  }
0x5f: {  	_ =	shalt  }
0x60: {  	_ =	shalt  }
0x61: {  	_ =	shalt  }
0x62: {  	_ =	shalt  }
0x63: {  	_ =	shalt  }
0x64: {  	_ =	shalt  }
0x65: {  	_ =	shalt  }
0x66: {  	_ =	shalt  }
0x67: {  	_ =	shalt  }
0x68: {  	_ =	shalt  }
0x69: {  	_ =	shalt  }
0x6a: {  	_ =	shalt  }
0x6b: {  	_ =	shalt  }
0x6c: {  	_ =	shalt  }
0x6d: {  	_ =	shalt  }
0x6e: {  	_ =	shalt  }
0x6f: {  	_ =	shalt  }
0x70: {  	_ =	shalt  }
0x71: {  	_ =	shalt  }
0x72: {  	_ =	shalt  }
0x73: {  	_ =	shalt  }
0x74: {  	_ =	shalt  }
0x75: {  	_ =	shalt  }
0x76: {  	_ =	shalt  }
0x77: {  	_ =	shalt  }
0x78: {  	_ =	shalt  }
0x79: {  	_ =	shalt  }
0x7a: {  	_ =	shalt  }
0x7b: {  	_ =	shalt  }
0x7c: {  	_ =	shalt  }
0x7d: {  	_ =	shalt  }
0x7e: {  	_ =	shalt  }
0x7f: {  	_ =	shalt  }
0x80: {  	_ =	shalt  }
0x81: {  	_ =	shalt  }
0x82: {  	_ =	shalt  }
0x83: {  	_ =	shalt  }
0x84: {  	_ =	shalt  }
0x85: {  	_ =	shalt  }
0x86: {  	_ =	shalt  }
0x87: {  	_ =	shalt  }
.Lfunc_end0:
.L_simem_size_0:
called_computation.3_lowered:
.L_overlay_start_0:
0x88: {  	s2 =	sld [smem:$0x3FD9]  }
0x89: {  	s3 =	sld [smem:$0x3FFE];
	_ =	sdelay $0x1  }
0x8a: {  	s1 =	srdreg.scid  }
0x8b: {  	s0 =	sand.u32 $0x1, s1  }
0x8c: {  	s16 =	sshll.u32 s0, $0xA;
	s2 =	sadd.s32 s3, s2  }
0x8d: {  	s2 =	sadd.s32 s2, s16  }
0x8e: {  	[smem:$0x3FB6] =	sst s2  }
0x8f: {  	_ = 	snop  }
0x90: {  	(tm) =	ssettm $0x1  }
0x91: {  	s17 =	sld [smem:$0x3FFB];
	_ =	sdelay $0x3  }
0x92: {  	_ =	strace s17  }
0x93: {  	s2 =	sld [smem:$0x3FFC];
	_ =	sdelay $0x3  }
0x94: {  	_ =	strace s2  }
0x95: {  	s2 =	sld [smem:$0x3FFD];
	_ =	sdelay $0x3  }
0x96: {  	_ =	strace s2  }
0x97: {  	_ =	strace $0x8FFFFFFF  }
0x98: {  	s18 =	sld [smem:$0x3FDB];
	_ =	sdelay $0x1  }
0x99: {  	s19 =	simm.s32 $_scs_section_size  }
0x9a: {  	s4 =	simm.s32 $_size__tile_overlayer_lowered;
	s5 =	simm.s32 $_tile_overlayer_lowered  }
0x9b: {  	s22 =	simm.s32 $0x1BFF;
	s21 =	sshll.u32 s5, $0x1;
	s2 =	sadd.s32 s19, s18  }
0x9c: {  	s6 =	simm.s32 $0x0;
	s20 =	sshll.u32 s4, $0x1;
	s4 =	sadd.s32 s21, s2  }
0x9d: {  	[timem:s6], [sflag:s22] =	dma.local [hbm:s4], s20  }
0x9e: {  	_ =	swait.ge [sflag:s22], s20  }
0x9f: {  	s3 =	ssub.s32 $0x0, s20;
	[sflag:s22] =	ssyncset.done $0x0  }
0xa0: {  	[sflag:s22] =	ssyncadd.s32 s3;
	_ =	sdelay $0x1  }
0xa1: {  	s23 =	simm.s32 $0x1B8B  }
0xa2: {  	_ =	swait.ge [sflag:s23], $0x1  }
0xa3: {  	[sflag:s23] =	ssyncset.done $0x0  }
0xa4: {  	s25 =	simm.s32 $0x1B8E;
	s24 =	sld [smem:$0x3FFE];
	[sflag:s23] =	ssyncadd.s32 $0xFFFFFFFF  }
0xa5: {  	s26 =	simm.s32 $execute0_lowered;
	[smem:$0x3FD2] =	sst s25  }
0xa6: {  	s4 =	sshll.u32 s26, $0x1;
	_ =	strace $0x8000004F;
	[dreg:$0x1] =	wrdreg $0xFFFFFFFF  }
0xa7: {  	s28 =	simm.s32 $_size_execute0_lowered;
	s2 =	sadd.s32 s2, s4;
	[dreg:$0x0] =	wrdreg $0x0  }
0xa8: {  	s4 =	sshll.u32 s28, $0x1;
	[dreg:$0x2] =	wrdreg s2  }
0xa9: {  	[dreg:$0x3] =	wrdreg s4  }
0xaa: {  	[dreg:$0x4] =	wrdreg $0xC0  }
0xab: {  	_ =	task [dreg:s6], $0x5FFFF  }
0xac: {  	[dreg:$0x1] =	wrdreg $0xFFFFFFFF  }
0xad: {  	[dreg:$0x0] =	wrdreg $0x60  }
0xae: {  	[dreg:$0x2] =	wrdreg s24  }
0xaf: {  	[dreg:$0x3] =	wrdreg $0x9  }
0xb0: {  	_ =	task.clear_ibuf [dreg:s6], $0x4FFFF;
	_ =	strace $0x9000004F  }
0xb1: {  	s29 =	simm.s32 $0x9;
	_ =	strace $0x80000051  }
0xb2: {  	_ =	swait.ge [sflag:s29], $0x1  }
0xb3: {  	[sflag:s29] =	ssyncadd.s32 $0xFFFFFFFF  }
0xb4: {  	_ =	strace $0x90000051  }
0xb5: {  	_ =	sfence  }
0xb6: {  	s30 =	sld [smem:$0x0];
	_ =	sdelay $0x2  }
0xb7: {  	s31 =	sshll.u32 s1, $0xD;
	s1 =	sshrl.u32 s1, $0x2  }
0xb8: {  	s3 =	sand.u32 $0x4000, s31;
	s1 =	sadd.s32 s1, s30  }
0xb9: {  	s0 =	sor.u32 s3, s0;
	s1 =	sshll.u32 s1, $0x11  }
0xba: {  	s0 =	sor.u32 s1, s0  }
0xbb: {  	s0 =	sadd.s32 $0x8F2B, s0  }
0xbc: {  	[sflag:s0] =	ssyncadd.remote.s32 $0x1  }
0xbd: {  	_ =	sfence.sel $0xFFFF  }
0xbe: {  	[dreg:$0x0] =	wrdreg $0xFFFFFFFF;
	(pc) =	sbr.abs _section_cstart, $3  }
0xbf: {  	[dreg:$0x1] =	wrdreg $0xFFFFFFFF  }
0xc0: {  	_ =	task.clear_ibuf [dreg:s6], $0x2FFFF;
	_ =	strace $0x9FFFFFFF  }
0xc1: {  	(tm) =	ssettm $0x7FFFFFFF  }
tec
execute0_lowered:
.L_overlay_start_1:
0x0: {  	(tag) =	ssettag $0x1  }
0x1: {  	s4 =	rddreg [dreg:$0x0]  }
0x2: {  	s0 =	rddreg [dreg:$0x1];
	s2 =	simm.s32 $0x0;
	s3 =	srdreg.scid  }
0x3: {  	s1 =	stileid.u32;
	s10 =	simm.s32 $0x1080;
	s11 =	simm.s32 $0x1880  }
0x4: {  	s12 =	simm.s32 $0x2080;
	s13 =	simm.s32 $0x2880;
	s14 =	simm.s32 $0x3080  }
0x5: {  	s15 =	simm.s32 $0x3880;
	s16 =	simm.s32 $0x4080;
	s17 =	simm.s32 $0x4880  }
0x6: {  	s18 =	simm.s32 $0x5080;
	s19 =	simm.s32 $0x5880;
	s20 =	simm.s32 $0x6080  }
0x7: {  	s21 =	simm.s32 $0x6880;
	s22 =	simm.s32 $0x7080;
	s23 =	simm.s32 $0x7880  }
0x8: {  	s24 =	simm.s32 $0x1;
	s25 =	simm.s32 $0x0;
	s6 =	smul.u32 $0x600, s1  }
0x9: {  	[smem:$0x7FF] =	sst s2;
	s5 =	sand.u32 $0x1, s3;
	s8 =	smul.u32 $0xC000, s1  }
0xa: {  	s3 =	sadd.s32 $0x3600, s4;
	s7 =	smul.u32 $0x300, s5;
	s9 =	ssub.s32 $0x2, s5  }
0xb: {  	_ =	strace $0x80000050;
	s5 =	smul.u32 $0x6000, s5;
	s31 =	sshrl.u32 s9, $0x1  }
0xc: {  	s8 =	sadd.s32 s8, s4;
	s6 =	sadd.s32 s7, s6;
	s7 =	ssub.s32 s9, s31  }
0xd: {  	v2 =	vlaneseq.u32;
	s5 =	sadd.s32 s5, s8;
	s8 =	simm.s32 $0x80;
	s6 =	sshrl.u32 s6, $0x3  }
0xe: {  	vm0 =	vmmov $0xffff;
	v1 =	vshrl.u32 v2, $0x3;
	s9 =	simm.s32 $0x880;
	s5 =	sadd.s32 $0x17600, s5;
	s6 =	sadd.s32 s6, s4  }
0xf: {  	v0 =	vand.u32 $0x7, v2;
	v2 =	vor.u32 $0x8, v2;
	v1 =	vmul.u32 $0x8, v1;
	s4 =	smax.u32 s7, $0x1;
	s7 =	simm.s32 $0x2;
	s6 =	sadd.s32 $0x16DE00, s6  }
.LBB2_1:
0x10: {  	s26 =	smov.u32 s5;
	s28 =	simm.s32 $0x0  }
.LBB2_2:
0x11: {  	s29 =	sadd.s32 s28, s6  }
0x12: {  	[tilespmem:s2], [sflag:$0x2] =	stream.linear.gather [hbm4b:s29+s2], $0x80, $0x38;
	[tilespmem:$0x8080] =	vst v63  }
0x13: {  	_ =	swait.ge [sflag:s7], $0x80  }
0x14: {  	[sflag:s7] =	ssyncset.done $0x0  }
0x15: {  	[sflag:s7] =	ssyncadd.s32 $0xFFFFFF80  }
0x16: {  	v3 =	vld [tilespmem:$0x0];
	_ =	sdelay $0x4  }
0x17: {  	v4 =	vshll.u32 v3, $0x1  }
0x18: {  	v3 =	vand.u32 $0x7, v3;
	v4 =	vand.u32 $0xFFFFFFF0, v4  }
0x19: {  	v3 =	vor.u32 v3, v4  }
0x1a: {  	v4 =	vperm.xlane v3, v0;
	_ =	sdelay $0x1  }
0x1b: {  	v3 =	vperm.xlane v3, v2;
	v4 =	vadd.s32 v1, v4;
	_ =	sdelay $0x1  }
0x1c: {  	v3 =	vadd.s32 v1, v3;
	_ =	sdelay $0x2  }
0x1d: {  	[tilespmem:s8], [sflag:$0x1] =	stream.indirect_vreg.gather [hbm4b:s3+s2], $0x80, v4, vm0, $0xb8;
	[tilespmem:$0x8080] =	vst v63  }
0x1e: {  	_ = 	snop  }
0x1f: {  	[tilespmem:s9], [sflag:$0x1] =	stream.indirect_vreg.gather [hbm4b:s3+s2], $0x80, v3, vm0, $0xb8;
	[tilespmem:$0x8080] =	vst v63  }
0x20: {  	v3 =	vld [tilespmem:$0x10];
	_ =	sdelay $0x4  }
0x21: {  	v57 =	vshll.u32 v3, $0x1  }
0x22: {  	v3 =	vand.u32 $0x7, v3;
	v4 =	vand.u32 $0xFFFFFFF0, v57  }
0x23: {  	v3 =	vor.u32 v3, v4  }
0x24: {  	v4 =	vperm.xlane v3, v0;
	_ =	sdelay $0x1  }
0x25: {  	v3 =	vperm.xlane v3, v2;
	v4 =	vadd.s32 v1, v4;
	_ =	sdelay $0x1  }
0x26: {  	v3 =	vadd.s32 v1, v3;
	_ =	sdelay $0x2  }
0x27: {  	[tilespmem:s10], [sflag:$0x1] =	stream.indirect_vreg.gather [hbm4b:s3+s2], $0x80, v4, vm0, $0xb8;
	[tilespmem:$0x8080] =	vst v63  }
0x28: {  	_ = 	snop  }
0x29: {  	[tilespmem:s11], [sflag:$0x1] =	stream.indirect_vreg.gather [hbm4b:s3+s2], $0x80, v3, vm0, $0xb8;
	[tilespmem:$0x8080] =	vst v63  }
0x2a: {  	v3 =	vld [tilespmem:$0x20];
	_ =	sdelay $0x4  }
0x2b: {  	v58 =	vshll.u32 v3, $0x1  }
0x2c: {  	v3 =	vand.u32 $0x7, v3;
	v4 =	vand.u32 $0xFFFFFFF0, v58  }
0x2d: {  	v3 =	vor.u32 v3, v4  }
0x2e: {  	v4 =	vperm.xlane v3, v0;
	_ =	sdelay $0x1  }
0x2f: {  	v3 =	vperm.xlane v3, v2;
	v4 =	vadd.s32 v1, v4;
	_ =	sdelay $0x1  }
0x30: {  	v3 =	vadd.s32 v1, v3;
	_ =	sdelay $0x2  }
0x31: {  	[tilespmem:s12], [sflag:$0x1] =	stream.indirect_vreg.gather [hbm4b:s3+s2], $0x80, v4, vm0, $0xb8;
	[tilespmem:$0x8080] =	vst v63  }
0x32: {  	_ = 	snop  }
0x33: {  	[tilespmem:s13], [sflag:$0x1] =	stream.indirect_vreg.gather [hbm4b:s3+s2], $0x80, v3, vm0, $0xb8;
	[tilespmem:$0x8080] =	vst v63  }
0x34: {  	v3 =	vld [tilespmem:$0x30];
	_ =	sdelay $0x4  }
0x35: {  	v59 =	vshll.u32 v3, $0x1  }
0x36: {  	v3 =	vand.u32 $0x7, v3;
	v4 =	vand.u32 $0xFFFFFFF0, v59  }
0x37: {  	v3 =	vor.u32 v3, v4  }
0x38: {  	v4 =	vperm.xlane v3, v0;
	_ =	sdelay $0x1  }
0x39: {  	v3 =	vperm.xlane v3, v2;
	v4 =	vadd.s32 v1, v4;
	_ =	sdelay $0x1  }
0x3a: {  	v3 =	vadd.s32 v1, v3;
	_ =	sdelay $0x2  }
0x3b: {  	[tilespmem:s14], [sflag:$0x1] =	stream.indirect_vreg.gather [hbm4b:s3+s2], $0x80, v4, vm0, $0xb8;
	[tilespmem:$0x8080] =	vst v63  }
0x3c: {  	_ = 	snop  }
0x3d: {  	[tilespmem:s15], [sflag:$0x1] =	stream.indirect_vreg.gather [hbm4b:s3+s2], $0x80, v3, vm0, $0xb8;
	[tilespmem:$0x8080] =	vst v63  }
0x3e: {  	v3 =	vld [tilespmem:$0x40];
	_ =	sdelay $0x4  }
0x3f: {  	v60 =	vshll.u32 v3, $0x1  }
0x40: {  	v3 =	vand.u32 $0x7, v3;
	v4 =	vand.u32 $0xFFFFFFF0, v60  }
0x41: {  	v3 =	vor.u32 v3, v4  }
0x42: {  	v4 =	vperm.xlane v3, v0;
	_ =	sdelay $0x1  }
0x43: {  	v3 =	vperm.xlane v3, v2;
	v4 =	vadd.s32 v1, v4;
	_ =	sdelay $0x1  }
0x44: {  	v3 =	vadd.s32 v1, v3;
	_ =	sdelay $0x2  }
0x45: {  	[tilespmem:s16], [sflag:$0x1] =	stream.indirect_vreg.gather [hbm4b:s3+s2], $0x80, v4, vm0, $0xb8;
	[tilespmem:$0x8080] =	vst v63  }
0x46: {  	_ = 	snop  }
0x47: {  	[tilespmem:s17], [sflag:$0x1] =	stream.indirect_vreg.gather [hbm4b:s3+s2], $0x80, v3, vm0, $0xb8;
	[tilespmem:$0x8080] =	vst v63  }
0x48: {  	v3 =	vld [tilespmem:$0x50];
	_ =	sdelay $0x4  }
0x49: {  	v61 =	vshll.u32 v3, $0x1  }
0x4a: {  	v3 =	vand.u32 $0x7, v3;
	v4 =	vand.u32 $0xFFFFFFF0, v61  }
0x4b: {  	v3 =	vor.u32 v3, v4  }
0x4c: {  	v4 =	vperm.xlane v3, v0;
	_ =	sdelay $0x1  }
0x4d: {  	v3 =	vperm.xlane v3, v2;
	v4 =	vadd.s32 v1, v4;
	_ =	sdelay $0x1  }
0x4e: {  	v3 =	vadd.s32 v1, v3;
	_ =	sdelay $0x2  }
0x4f: {  	[tilespmem:s18], [sflag:$0x1] =	stream.indirect_vreg.gather [hbm4b:s3+s2], $0x80, v4, vm0, $0xb8;
	[tilespmem:$0x8080] =	vst v63  }
0x50: {  	_ = 	snop  }
0x51: {  	[tilespmem:s19], [sflag:$0x1] =	stream.indirect_vreg.gather [hbm4b:s3+s2], $0x80, v3, vm0, $0xb8;
	[tilespmem:$0x8080] =	vst v63  }
0x52: {  	v3 =	vld [tilespmem:$0x60];
	_ =	sdelay $0x4  }
0x53: {  	v62 =	vshll.u32 v3, $0x1  }
0x54: {  	v3 =	vand.u32 $0x7, v3;
	v4 =	vand.u32 $0xFFFFFFF0, v62  }
0x55: {  	v3 =	vor.u32 v3, v4  }
0x56: {  	v4 =	vperm.xlane v3, v0;
	_ =	sdelay $0x1  }
0x57: {  	v3 =	vperm.xlane v3, v2;
	v4 =	vadd.s32 v1, v4;
	_ =	sdelay $0x1  }
0x58: {  	v3 =	vadd.s32 v1, v3;
	_ =	sdelay $0x2  }
0x59: {  	[tilespmem:s20], [sflag:$0x1] =	stream.indirect_vreg.gather [hbm4b:s3+s2], $0x80, v4, vm0, $0xb8;
	[tilespmem:$0x8080] =	vst v63  }
0x5a: {  	_ = 	snop  }
0x5b: {  	[tilespmem:s21], [sflag:$0x1] =	stream.indirect_vreg.gather [hbm4b:s3+s2], $0x80, v3, vm0, $0xb8;
	[tilespmem:$0x8080] =	vst v63  }
0x5c: {  	v3 =	vld [tilespmem:$0x70];
	_ =	sdelay $0x4  }
0x5d: {  	v63 =	vshll.u32 v3, $0x1  }
0x5e: {  	v3 =	vand.u32 $0x7, v3;
	v4 =	vand.u32 $0xFFFFFFF0, v63  }
0x5f: {  	v3 =	vor.u32 v3, v4  }
0x60: {  	v4 =	vperm.xlane v3, v0;
	_ =	sdelay $0x1  }
0x61: {  	v3 =	vperm.xlane v3, v2;
	v4 =	vadd.s32 v1, v4;
	_ =	sdelay $0x1  }
0x62: {  	v3 =	vadd.s32 v1, v3;
	_ =	sdelay $0x2  }
0x63: {  	[tilespmem:s22], [sflag:$0x1] =	stream.indirect_vreg.gather [hbm4b:s3+s2], $0x80, v4, vm0, $0xb8;
	[tilespmem:$0x8080] =	vst v63  }
0x64: {  	_ = 	snop  }
0x65: {  	[tilespmem:s23], [sflag:$0x1] =	stream.indirect_vreg.gather [hbm4b:s3+s2], $0x80, v3, vm0, $0xb8;
	[tilespmem:$0x8080] =	vst v63  }
0x66: {  	_ =	swait.ge [sflag:s24], $0x8000  }
0x67: {  	p0 =	sne.s32 s28, $0x50;
	[sflag:s24] =	ssyncset.done $0x0  }
.Ltmp0:
0x68: {  	[sflag:s24] =	ssyncadd.s32 $0xFFFF8000;
	(pc) =	sbr.rel @p0 .LBB2_2-.Ltmp0, $4  }
0x69: {  	[hbm4b:s26+s2] =	stream.linear.scatter [tilespmem:s8], [sflag:$0x2], $0x8000, $0x38;
	[tilespmem:$0x8080] =	vst v63  }
0x6a: {  	_ =	swait.ge [sflag:s7], $0x8000  }
0x6b: {  	[sflag:s7] =	ssyncset.done $0x0  }
0x6c: {  	s28 =	sadd.s32 $0x10, s28;
	s26 =	sadd.s32 $0x1000, s26;
	[sflag:s7] =	ssyncadd.s32 $0xFFFF8000  }
0x6d: {  	s25 =	sadd.s32 $0x1, s25  }
0x6e: {  	p0 =	sne.s32 s25, s4  }
.Ltmp1:
0x6f: {  	_ = 	snop;
	(pc) =	sbr.rel @p0 .LBB2_1-.Ltmp1, $1  }
0x70: {  	_ =	sdelay $0x3  }
0x71: {  	_ =	sfence.sel $0x180000  }
0x72: {  	[bflag:$0x0] =	sbarrier.arrive $0xFFFF  }
0x73: {  	p0 =	sne.s32 s1, $0x0;
	_ =	strace $0x90000050  }
0x74: {  	s0 =	sadd.s32 @!p0 $0x100000, s0;
	[bflag:$0x2] =	sbarrier.arrive $0xFFFF  }
0x75: {  	[sflag:s0] =	ssyncadd.tile.s32 @!p0 $0x1;
	_ =	shalt  }
.Lfunc_end2:
_tile_overlayer_lowered:
.L_overlay_start_2:
0x76: {  	(tag) =	ssettag $0x2  }
0x77: {  	s0 =	rddreg [dreg:$0x0];
	s2 =	stileid.u32  }
0x78: {  	s1 =	rddreg [dreg:$0x1];
	p0 =	sne.s32 s2, $0x0  }
0x79: {  	s3 =	rddreg [dreg:$0x2];
	[bflag:$0x3] =	sbarrier.arrive $0xFFFF;
	s2 =	simm.s32 @!p0 $0x1C02  }
0x7a: {  	[timem:s3], [sflag:s2] =	dma.local @!p0 [hbm:s0], s1  }
0x7b: {  	s0 =	simm.s32 @!p0 $0x2  }
0x7c: {  	_ =	swait.ge @!p0 [sflag:s0], s1  }
0x7d: {  	s1 =	ssub.s32 @!p0 $0x0, s1;
	[sflag:s0] =	ssyncset.done @!p0 $0x0  }
0x7e: {  	[sflag:s0] =	ssyncadd.s32 @!p0 s1  }
0x7f: {  	[bflag:$0x3] =	sbarrier.arrive $0xFFFF  }
0x80: {  	_ =	shalt  }

</sc_bundles>
